<compile_context>
chip_gen: v7x
topology: tpu7x:2x2x1
jax: 0.10.2.dev20260603
libtpu: 0.0.44.dev20260713+nightly
codegen_flags: <defaults>
</compile_context>

<pallas_src>
import jax
import jax.numpy as jnp
from jax import lax
from jax.experimental import pallas as pl
from jax.experimental.pallas import tpu as pltpu
from jax.experimental.pallas import tpu_sc as plsc

B, S, H = 4, 2048, 1024
N_SPANS = 2048
WIDTH_DIM = 128
NUM_LABELS = 16

NUM_ROWS = B * N_SPANS
NSPLIT = 2
ROWS_PER_SPLIT = NUM_ROWS // NSPLIT

NC, NS = 2, 16
NW = NC * NS
CHUNK = 16
NBUF = 3


def _make_sc_gather(nrows):
    per_w = nrows // NW
    n_chunks = per_w // CHUNK

    def body(hs_hbm, wt_hbm, is_hbm, ie_hbm, iw_hbm,
             os_hbm, oe_hbm, ow_hbm,
             is0, is1, is2, ie0, ie1, ie2, iw0, iw1, iw2,
             rs0, rs1, rs2, re0, re1, re2, rw0, rw1, rw2,
             *sems):
        wid = lax.axis_index("s") * NC + lax.axis_index("c")
        base = wid * per_w
        isb, ieb, iwb = (is0, is1, is2), (ie0, ie1, ie2), (iw0, iw1, iw2)
        rs, re_, rw = (rs0, rs1, rs2), (re0, re1, re2), (rw0, rw1, rw2)
        semi = [sems[3 * s:3 * s + 3] for s in range(NBUF)]
        semg = [sems[3 * NBUF + 3 * s:3 * NBUF + 3 * s + 3]
                for s in range(NBUF)]
        semo = [sems[6 * NBUF + 3 * s:6 * NBUF + 3 * s + 3]
                for s in range(NBUF)]
        idxs, gathers, outs = {}, {}, {}

        def issue_idx(ci):
            s = ci % NBUF
            off = pl.ds(base + ci * CHUNK, CHUNK)
            idxs[ci] = (
                pltpu.async_copy(is_hbm.at[off], isb[s], semi[s][0]),
                pltpu.async_copy(ie_hbm.at[off], ieb[s], semi[s][1]),
                pltpu.async_copy(iw_hbm.at[off], iwb[s], semi[s][2]),
            )

        def issue_gather(ci):
            s = ci % NBUF
            for c in idxs[ci]:
                c.wait()
            gathers[ci] = (
                pltpu.async_copy(hs_hbm.at[isb[s]], rs[s], semg[s][0]),
                pltpu.async_copy(hs_hbm.at[ieb[s]], re_[s], semg[s][1]),
                pltpu.async_copy(wt_hbm.at[iwb[s]], rw[s], semg[s][2]),
            )

        def issue_out(ci):
            s = ci % NBUF
            off = pl.ds(base + ci * CHUNK, CHUNK)
            for c in gathers[ci]:
                c.wait()
            outs[ci] = (
                pltpu.async_copy(rs[s], os_hbm.at[off], semo[s][0]),
                pltpu.async_copy(re_[s], oe_hbm.at[off], semo[s][1]),
                pltpu.async_copy(rw[s], ow_hbm.at[off], semo[s][2]),
            )

        issue_idx(0)
        for ci in range(n_chunks):
            if ci + 1 < n_chunks:
                issue_idx(ci + 1)
            if ci >= NBUF:
                for c in outs[ci - NBUF]:
                    c.wait()
            issue_gather(ci)
            if ci >= 1:
                issue_out(ci - 1)
        issue_out(n_chunks - 1)
        for ci in range(max(0, n_chunks - NBUF), n_chunks):
            for c in outs[ci]:
                c.wait()

    mesh = plsc.VectorSubcoreMesh(core_axis_name="c", subcore_axis_name="s")
    return pl.kernel(
        body,
        out_type=(
            jax.ShapeDtypeStruct((nrows, H), jnp.float32),
            jax.ShapeDtypeStruct((nrows, H), jnp.float32),
            jax.ShapeDtypeStruct((nrows, WIDTH_DIM), jnp.float32),
        ),
        mesh=mesh,
        scratch_types=(
            [pltpu.VMEM((CHUNK,), jnp.int32)] * (3 * NBUF)
            + [pltpu.VMEM((CHUNK, H), jnp.float32)] * (2 * NBUF)
            + [pltpu.VMEM((CHUNK, WIDTH_DIM), jnp.float32)] * NBUF
            + [pltpu.SemaphoreType.DMA] * (9 * NBUF)
        ),
    )


BM = 1024


def _mlp_block(xs_ref, xe_ref, xw_ref, wa_ref, wb_ref, ww_ref,
               b1_ref, w2_ref, b2_ref, out_ref):
    acc = jnp.dot(xs_ref[...].astype(jnp.bfloat16), wa_ref[...],
                  preferred_element_type=jnp.float32)
    acc += jnp.dot(xe_ref[...].astype(jnp.bfloat16), wb_ref[...],
                   preferred_element_type=jnp.float32)
    acc += jnp.dot(xw_ref[...].astype(jnp.bfloat16), ww_ref[...],
                   preferred_element_type=jnp.float32)
    acc += b1_ref[...]
    h = jnp.maximum(acc, 0.0).astype(jnp.bfloat16)
    out = jnp.dot(h, w2_ref[...], preferred_element_type=jnp.float32)
    out_ref[...] = out + b2_ref[...]


def _tc_mlp(xs, xe, xw, wa, wb, ww, b1, w2, b2):
    nrows = xs.shape[0]
    grid = (nrows // BM,)
    return pl.pallas_call(
        _mlp_block,
        grid=grid,
        in_specs=[
            pl.BlockSpec((BM, H), lambda i: (i, 0)),
            pl.BlockSpec((BM, H), lambda i: (i, 0)),
            pl.BlockSpec((BM, WIDTH_DIM), lambda i: (i, 0)),
            pl.BlockSpec((H, H), lambda i: (0, 0)),
            pl.BlockSpec((H, H), lambda i: (0, 0)),
            pl.BlockSpec((WIDTH_DIM, H), lambda i: (0, 0)),
            pl.BlockSpec((1, H), lambda i: (0, 0)),
            pl.BlockSpec((H, NUM_LABELS), lambda i: (0, 0)),
            pl.BlockSpec((1, NUM_LABELS), lambda i: (0, 0)),
        ],
        out_specs=pl.BlockSpec((BM, NUM_LABELS), lambda i: (i, 0)),
        out_shape=jax.ShapeDtypeStruct((nrows, NUM_LABELS), jnp.float32),
        compiler_params=pltpu.CompilerParams(
            dimension_semantics=("parallel",),
        ),
    )(xs, xe, xw, wa, wb, ww, b1, w2, b2)


def kernel(hidden_states, spans, width_table, W1, b1, W2, b2):
    hs_flat = hidden_states.reshape(B * S, H)

    offs = (jnp.arange(B, dtype=jnp.int32) * S)[:, None]
    idx_s = (spans[:, :, 0] + offs).reshape(NUM_ROWS)
    idx_e = (spans[:, :, 1] + offs).reshape(NUM_ROWS)
    idx_w = spans[:, :, 2].reshape(NUM_ROWS)

    wa = W1[:H].astype(jnp.bfloat16)
    wb = W1[H:2 * H].astype(jnp.bfloat16)
    ww = W1[2 * H:].astype(jnp.bfloat16)
    b1r = b1.reshape(1, H)
    w2 = W2.astype(jnp.bfloat16)
    b2r = b2.reshape(1, NUM_LABELS)

    sc_gather = _make_sc_gather(ROWS_PER_SPLIT)
    gathered = []
    for c in range(NSPLIT):
        sl = slice(c * ROWS_PER_SPLIT, (c + 1) * ROWS_PER_SPLIT)
        gathered.append(sc_gather(hs_flat, width_table,
                                  idx_s[sl], idx_e[sl], idx_w[sl]))
    parts = [_tc_mlp(gs, ge, gw, wa, wb, ww, b1r, w2, b2r)
             for gs, ge, gw in gathered]

    logits = jnp.concatenate(parts, axis=0)
    return logits.reshape(B, N_SPANS, NUM_LABELS)

# --- scband reference (transcript-rebuilt; emitter-appended) ---
"""Pipeline reference for scband-span-v2-48026324304015 (READ-ONLY COPY).

The authoritative reference and input builder live on the scoring server;
editing this copy changes nothing except your own understanding.
"""

import jax, jax.numpy as jnp
import numpy as np

B, S, H = 4, 2048, 1024
N_SPANS = 2048
MAX_SPAN_LEN = 2047
WIDTH_DIM = 128
NUM_LABELS = 16


def setup_inputs(seed: int = 0) -> dict:
    key = jax.random.key(seed)
    k1, k2, k3, k4, k5, k6, k7 = jax.random.split(key, 7)
    hidden_states = jax.random.normal(k1, (B, S, H), dtype=jnp.float32)
    spans = jax.random.randint(k2, (B, N_SPANS, 3), 0, S, dtype=jnp.int32)
    width_table = jax.random.normal(k3, (MAX_SPAN_LEN + 1, WIDTH_DIM), dtype=jnp.float32) * 0.02
    in_dim = H * 2 + WIDTH_DIM
    W1 = jax.random.normal(k4, (in_dim, H), dtype=jnp.float32) * (1.0 / np.sqrt(in_dim))
    b1 = jnp.zeros((H,), dtype=jnp.float32)
    W2 = jax.random.normal(k5, (H, NUM_LABELS), dtype=jnp.float32) * (1.0 / np.sqrt(H))
    b2 = jnp.zeros((NUM_LABELS,), dtype=jnp.float32)
    return {"hidden_states": hidden_states, "spans": spans, "width_table": width_table, "W1": W1, "b1": b1, "W2": W2, "b2": b2}


def reference(hidden_states, spans, width_table, W1, b1, W2, b2):
    # batched_index_select == gather along sequence axis
    spans_start = spans[:, :, 0]
    spans_end = spans[:, :, 1]
    spans_width = spans[:, :, 2]
    start_emb = jnp.take_along_axis(hidden_states, spans_start[:, :, None], axis=1)
    end_emb = jnp.take_along_axis(hidden_states, spans_end[:, :, None], axis=1)
    width_emb = jnp.take(width_table, spans_width, axis=0)
    spans_embedding = jnp.concatenate([start_emb, end_emb, width_emb], axis=-1)
    h = jax.nn.relu(spans_embedding @ W1 + b1)
    logits = h @ W2 + b2
    return logits

if __name__ == "__main__":
    import jax
    _d = setup_inputs()
    print(jax.jit(kernel)(*tuple(_d.values())))

</pallas_src>

<mosaic_0001>
#map = affine_map<(d0, d1) -> (0, 0)>
#map1 = affine_map<(d0, d1) -> (0)>
module attributes {stable_mosaic.version = 14 : i64} {
  func.func @body(%arg0: i32, %arg1: i32, %arg2: memref<8192x1024xf32, #tpu.memory_space<hbm>>, %arg3: memref<2048x128xf32, #tpu.memory_space<hbm>>, %arg4: memref<4096xi32, #tpu.memory_space<hbm>>, %arg5: memref<4096xi32, #tpu.memory_space<hbm>>, %arg6: memref<4096xi32, #tpu.memory_space<hbm>>, %arg7: memref<4096x1024xf32, #tpu.memory_space<hbm>>, %arg8: memref<4096x1024xf32, #tpu.memory_space<hbm>>, %arg9: memref<4096x128xf32, #tpu.memory_space<hbm>>, %arg10: memref<16xi32, #tpu.memory_space<vmem>>, %arg11: memref<16xi32, #tpu.memory_space<vmem>>, %arg12: memref<16xi32, #tpu.memory_space<vmem>>, %arg13: memref<16xi32, #tpu.memory_space<vmem>>, %arg14: memref<16xi32, #tpu.memory_space<vmem>>, %arg15: memref<16xi32, #tpu.memory_space<vmem>>, %arg16: memref<16xi32, #tpu.memory_space<vmem>>, %arg17: memref<16xi32, #tpu.memory_space<vmem>>, %arg18: memref<16xi32, #tpu.memory_space<vmem>>, %arg19: memref<16x1024xf32, #tpu.memory_space<vmem>>, %arg20: memref<16x1024xf32, #tpu.memory_space<vmem>>, %arg21: memref<16x1024xf32, #tpu.memory_space<vmem>>, %arg22: memref<16x1024xf32, #tpu.memory_space<vmem>>, %arg23: memref<16x1024xf32, #tpu.memory_space<vmem>>, %arg24: memref<16x1024xf32, #tpu.memory_space<vmem>>, %arg25: memref<16x128xf32, #tpu.memory_space<vmem>>, %arg26: memref<16x128xf32, #tpu.memory_space<vmem>>, %arg27: memref<16x128xf32, #tpu.memory_space<vmem>>, %arg28: memref<!tpu.dma_semaphore, #tpu.memory_space<semaphore_mem>>, %arg29: memref<!tpu.dma_semaphore, #tpu.memory_space<semaphore_mem>>, %arg30: memref<!tpu.dma_semaphore, #tpu.memory_space<semaphore_mem>>, %arg31: memref<!tpu.dma_semaphore, #tpu.memory_space<semaphore_mem>>, %arg32: memref<!tpu.dma_semaphore, #tpu.memory_space<semaphore_mem>>, %arg33: memref<!tpu.dma_semaphore, #tpu.memory_space<semaphore_mem>>, %arg34: memref<!tpu.dma_semaphore, #tpu.memory_space<semaphore_mem>>, %arg35: memref<!tpu.dma_semaphore, #tpu.memory_space<semaphore_mem>>, %arg36: memref<!tpu.dma_semaphore, #tpu.memory_space<semaphore_mem>>, %arg37: memref<!tpu.dma_semaphore, #tpu.memory_space<semaphore_mem>>, %arg38: memref<!tpu.dma_semaphore, #tpu.memory_space<semaphore_mem>>, %arg39: memref<!tpu.dma_semaphore, #tpu.memory_space<semaphore_mem>>, %arg40: memref<!tpu.dma_semaphore, #tpu.memory_space<semaphore_mem>>, %arg41: memref<!tpu.dma_semaphore, #tpu.memory_space<semaphore_mem>>, %arg42: memref<!tpu.dma_semaphore, #tpu.memory_space<semaphore_mem>>, %arg43: memref<!tpu.dma_semaphore, #tpu.memory_space<semaphore_mem>>, %arg44: memref<!tpu.dma_semaphore, #tpu.memory_space<semaphore_mem>>, %arg45: memref<!tpu.dma_semaphore, #tpu.memory_space<semaphore_mem>>, %arg46: memref<!tpu.dma_semaphore, #tpu.memory_space<semaphore_mem>>, %arg47: memref<!tpu.dma_semaphore, #tpu.memory_space<semaphore_mem>>, %arg48: memref<!tpu.dma_semaphore, #tpu.memory_space<semaphore_mem>>, %arg49: memref<!tpu.dma_semaphore, #tpu.memory_space<semaphore_mem>>, %arg50: memref<!tpu.dma_semaphore, #tpu.memory_space<semaphore_mem>>, %arg51: memref<!tpu.dma_semaphore, #tpu.memory_space<semaphore_mem>>, %arg52: memref<!tpu.dma_semaphore, #tpu.memory_space<semaphore_mem>>, %arg53: memref<!tpu.dma_semaphore, #tpu.memory_space<semaphore_mem>>, %arg54: memref<!tpu.dma_semaphore, #tpu.memory_space<semaphore_mem>>) attributes {dimension_semantics = [#tpu.dimension_semantics<core_parallel>, #tpu.dimension_semantics<subcore_parallel>], iteration_bounds = array<i64: 2, 16>, scalar_prefetch = 0 : i64, scratch_operands = 45 : i64, tpu.core_type = #tpu.core_type<sc_vector_subcore>, window_params = [{transform_indices = #map}, {transform_indices = #map}, {transform_indices = #map1}, {transform_indices = #map1}, {transform_indices = #map1}, {transform_indices = #map}, {transform_indices = #map}, {transform_indices = #map}]} {
    %mul3A = arith.constant 2 : i32
    %mul3A_0 = arith.muli %arg1, %mul3A : i32
    %add3A = arith.addi %mul3A_0, %arg0 : i32
    %mul3A_1 = arith.constant 128 : i32
    %mul3A_2 = arith.muli %add3A, %mul3A_1 : i32
    %add3A_3 = arith.constant 0 : i32
    %add3A_4 = arith.addi %mul3A_2, %add3A_3 : i32
    %dma_start3A = tpu.memref_slice %arg4[%add3A_4] : memref<4096xi32, #tpu.memory_space<hbm>> -> memref<16xi32, #tpu.memory_space<hbm>>
    %dma_start3A_5 = tpu.memref_slice %arg4[%add3A_4] : memref<4096xi32, #tpu.memory_space<hbm>> -> memref<16xi32, #tpu.memory_space<hbm>>
    tpu.enqueue_dma source(%dma_start3A_5 : memref<16xi32, #tpu.memory_space<hbm>>) target(%arg10 : memref<16xi32, #tpu.memory_space<vmem>>) target_semaphore(%arg28 : memref<!tpu.dma_semaphore, #tpu.memory_space<semaphore_mem>>)
    %dma_start3A_6 = tpu.memref_slice %arg5[%add3A_4] : memref<4096xi32, #tpu.memory_space<hbm>> -> memref<16xi32, #tpu.memory_space<hbm>>
    %dma_start3A_7 = tpu.memref_slice %arg5[%add3A_4] : memref<4096xi32, #tpu.memory_space<hbm>> -> memref<16xi32, #tpu.memory_space<hbm>>
    tpu.enqueue_dma source(%dma_start3A_7 : memref<16xi32, #tpu.memory_space<hbm>>) target(%arg13 : memref<16xi32, #tpu.memory_space<vmem>>) target_semaphore(%arg29 : memref<!tpu.dma_semaphore, #tpu.memory_space<semaphore_mem>>)
    %dma_start3A_8 = tpu.memref_slice %arg6[%add3A_4] : memref<4096xi32, #tpu.memory_space<hbm>> -> memref<16xi32, #tpu.memory_space<hbm>>
    %dma_start3A_9 = tpu.memref_slice %arg6[%add3A_4] : memref<4096xi32, #tpu.memory_space<hbm>> -> memref<16xi32, #tpu.memory_space<hbm>>
    tpu.enqueue_dma source(%dma_start3A_9 : memref<16xi32, #tpu.memory_space<hbm>>) target(%arg16 : memref<16xi32, #tpu.memory_space<vmem>>) target_semaphore(%arg30 : memref<!tpu.dma_semaphore, #tpu.memory_space<semaphore_mem>>)
    %add3A_10 = arith.constant 16 : i32
    %add3A_11 = arith.addi %mul3A_2, %add3A_10 : i32
    %dma_start3A_12 = tpu.memref_slice %arg4[%add3A_11] : memref<4096xi32, #tpu.memory_space<hbm>> -> memref<16xi32, #tpu.memory_space<hbm>>
    %dma_start3A_13 = tpu.memref_slice %arg4[%add3A_11] : memref<4096xi32, #tpu.memory_space<hbm>> -> memref<16xi32, #tpu.memory_space<hbm>>
    tpu.enqueue_dma source(%dma_start3A_13 : memref<16xi32, #tpu.memory_space<hbm>>) target(%arg11 : memref<16xi32, #tpu.memory_space<vmem>>) target_semaphore(%arg31 : memref<!tpu.dma_semaphore, #tpu.memory_space<semaphore_mem>>)
    %dma_start3A_14 = tpu.memref_slice %arg5[%add3A_11] : memref<4096xi32, #tpu.memory_space<hbm>> -> memref<16xi32, #tpu.memory_space<hbm>>
    %dma_start3A_15 = tpu.memref_slice %arg5[%add3A_11] : memref<4096xi32, #tpu.memory_space<hbm>> -> memref<16xi32, #tpu.memory_space<hbm>>
    tpu.enqueue_dma source(%dma_start3A_15 : memref<16xi32, #tpu.memory_space<hbm>>) target(%arg14 : memref<16xi32, #tpu.memory_space<vmem>>) target_semaphore(%arg32 : memref<!tpu.dma_semaphore, #tpu.memory_space<semaphore_mem>>)
    %dma_start3A_16 = tpu.memref_slice %arg6[%add3A_11] : memref<4096xi32, #tpu.memory_space<hbm>> -> memref<16xi32, #tpu.memory_space<hbm>>
    %dma_start3A_17 = tpu.memref_slice %arg6[%add3A_11] : memref<4096xi32, #tpu.memory_space<hbm>> -> memref<16xi32, #tpu.memory_space<hbm>>
    tpu.enqueue_dma source(%dma_start3A_17 : memref<16xi32, #tpu.memory_space<hbm>>) target(%arg17 : memref<16xi32, #tpu.memory_space<vmem>>) target_semaphore(%arg33 : memref<!tpu.dma_semaphore, #tpu.memory_space<semaphore_mem>>)
    %dma_wait3A = tpu.memref_slice %arg4[%add3A_4] : memref<4096xi32, #tpu.memory_space<hbm>> -> memref<16xi32, #tpu.memory_space<hbm>>
    %dma_wait3A_18 = tpu.memref_slice %arg4[%add3A_4] : memref<4096xi32, #tpu.memory_space<hbm>> -> memref<16xi32, #tpu.memory_space<hbm>>
    tpu.wait_dma2 semaphore(%arg28 : memref<!tpu.dma_semaphore, #tpu.memory_space<semaphore_mem>>) src(%dma_wait3A_18 : memref<16xi32, #tpu.memory_space<hbm>>) dst(%arg10 : memref<16xi32, #tpu.memory_space<vmem>>)
    %dma_wait3A_19 = tpu.memref_slice %arg5[%add3A_4] : memref<4096xi32, #tpu.memory_space<hbm>> -> memref<16xi32, #tpu.memory_space<hbm>>
    %dma_wait3A_20 = tpu.memref_slice %arg5[%add3A_4] : memref<4096xi32, #tpu.memory_space<hbm>> -> memref<16xi32, #tpu.memory_space<hbm>>
    tpu.wait_dma2 semaphore(%arg29 : memref<!tpu.dma_semaphore, #tpu.memory_space<semaphore_mem>>) src(%dma_wait3A_20 : memref<16xi32, #tpu.memory_space<hbm>>) dst(%arg13 : memref<16xi32, #tpu.memory_space<vmem>>)
    %dma_wait3A_21 = tpu.memref_slice %arg6[%add3A_4] : memref<4096xi32, #tpu.memory_space<hbm>> -> memref<16xi32, #tpu.memory_space<hbm>>
    %dma_wait3A_22 = tpu.memref_slice %arg6[%add3A_4] : memref<4096xi32, #tpu.memory_space<hbm>> -> memref<16xi32, #tpu.memory_space<hbm>>
    tpu.wait_dma2 semaphore(%arg30 : memref<!tpu.dma_semaphore, #tpu.memory_space<semaphore_mem>>) src(%dma_wait3A_22 : memref<16xi32, #tpu.memory_space<hbm>>) dst(%arg16 : memref<16xi32, #tpu.memory_space<vmem>>)
    %dma_start3A_23 = arith.constant 0 : i32
    %dma_start3A_24 = arith.constant 0 : i32
    %dma_start3A_25 = tpu.memref_slice %arg2[%dma_start3A_23, %dma_start3A_24] : memref<8192x1024xf32, #tpu.memory_space<hbm>> -> memref<8192x1024xf32, #tpu.memory_space<hbm>>
    tpu.enqueue_indirect_dma source(%dma_start3A_25 : memref<8192x1024xf32, #tpu.memory_space<hbm>>) target(%arg19 : memref<16x1024xf32, #tpu.memory_space<vmem>>) offsets(%arg10 : memref<16xi32, #tpu.memory_space<vmem>>) semaphore(%arg37 : memref<!tpu.dma_semaphore, #tpu.memory_space<semaphore_mem>>)
    %dma_start3A_26 = arith.constant 0 : i32
    %dma_start3A_27 = arith.constant 0 : i32
    %dma_start3A_28 = tpu.memref_slice %arg2[%dma_start3A_26, %dma_start3A_27] : memref<8192x1024xf32, #tpu.memory_space<hbm>> -> memref<8192x1024xf32, #tpu.memory_space<hbm>>
    tpu.enqueue_indirect_dma source(%dma_start3A_28 : memref<8192x1024xf32, #tpu.memory_space<hbm>>) target(%arg22 : memref<16x1024xf32, #tpu.memory_space<vmem>>) offsets(%arg13 : memref<16xi32, #tpu.memory_space<vmem>>) semaphore(%arg38 : memref<!tpu.dma_semaphore, #tpu.memory_space<semaphore_mem>>)
    %dma_start3A_29 = arith.constant 0 : i32
    %dma_start3A_30 = arith.constant 0 : i32
    %dma_start3A_31 = tpu.memref_slice %arg3[%dma_start3A_29, %dma_start3A_30] : memref<2048x128xf32, #tpu.memory_space<hbm>> -> memref<2048x128xf32, #tpu.memory_space<hbm>>
    tpu.enqueue_indirect_dma source(%dma_start3A_31 : memref<2048x128xf32, #tpu.memory_space<hbm>>) target(%arg25 : memref<16x128xf32, #tpu.memory_space<vmem>>) offsets(%arg16 : memref<16xi32, #tpu.memory_space<vmem>>) semaphore(%arg39 : memref<!tpu.dma_semaphore, #tpu.memory_space<semaphore_mem>>)
    %add3A_32 = arith.constant 32 : i32
    %add3A_33 = arith.addi %mul3A_2, %add3A_32 : i32
    %dma_start3A_34 = tpu.memref_slice %arg4[%add3A_33] : memref<4096xi32, #tpu.memory_space<hbm>> -> memref<16xi32, #tpu.memory_space<hbm>>
    %dma_start3A_35 = tpu.memref_slice %arg4[%add3A_33] : memref<4096xi32, #tpu.memory_space<hbm>> -> memref<16xi32, #tpu.memory_space<hbm>>
    tpu.enqueue_dma source(%dma_start3A_35 : memref<16xi32, #tpu.memory_space<hbm>>) target(%arg12 : memref<16xi32, #tpu.memory_space<vmem>>) target_semaphore(%arg34 : memref<!tpu.dma_semaphore, #tpu.memory_space<semaphore_mem>>)
    %dma_start3A_36 = tpu.memref_slice %arg5[%add3A_33] : memref<4096xi32, #tpu.memory_space<hbm>> -> memref<16xi32, #tpu.memory_space<hbm>>
    %dma_start3A_37 = tpu.memref_slice %arg5[%add3A_33] : memref<4096xi32, #tpu.memory_space<hbm>> -> memref<16xi32, #tpu.memory_space<hbm>>
    tpu.enqueue_dma source(%dma_start3A_37 : memref<16xi32, #tpu.memory_space<hbm>>) target(%arg15 : memref<16xi32, #tpu.memory_space<vmem>>) target_semaphore(%arg35 : memref<!tpu.dma_semaphore, #tpu.memory_space<semaphore_mem>>)
    %dma_start3A_38 = tpu.memref_slice %arg6[%add3A_33] : memref<4096xi32, #tpu.memory_space<hbm>> -> memref<16xi32, #tpu.memory_space<hbm>>
    %dma_start3A_39 = tpu.memref_slice %arg6[%add3A_33] : memref<4096xi32, #tpu.memory_space<hbm>> -> memref<16xi32, #tpu.memory_space<hbm>>
    tpu.enqueue_dma source(%dma_start3A_39 : memref<16xi32, #tpu.memory_space<hbm>>) target(%arg18 : memref<16xi32, #tpu.memory_space<vmem>>) target_semaphore(%arg36 : memref<!tpu.dma_semaphore, #tpu.memory_space<semaphore_mem>>)
    %dma_wait3A_40 = tpu.memref_slice %arg4[%add3A_11] : memref<4096xi32, #tpu.memory_space<hbm>> -> memref<16xi32, #tpu.memory_space<hbm>>
    %dma_wait3A_41 = tpu.memref_slice %arg4[%add3A_11] : memref<4096xi32, #tpu.memory_space<hbm>> -> memref<16xi32, #tpu.memory_space<hbm>>
    tpu.wait_dma2 semaphore(%arg31 : memref<!tpu.dma_semaphore, #tpu.memory_space<semaphore_mem>>) src(%dma_wait3A_41 : memref<16xi32, #tpu.memory_space<hbm>>) dst(%arg11 : memref<16xi32, #tpu.memory_space<vmem>>)
    %dma_wait3A_42 = tpu.memref_slice %arg5[%add3A_11] : memref<4096xi32, #tpu.memory_space<hbm>> -> memref<16xi32, #tpu.memory_space<hbm>>
    %dma_wait3A_43 = tpu.memref_slice %arg5[%add3A_11] : memref<4096xi32, #tpu.memory_space<hbm>> -> memref<16xi32, #tpu.memory_space<hbm>>
    tpu.wait_dma2 semaphore(%arg32 : memref<!tpu.dma_semaphore, #tpu.memory_space<semaphore_mem>>) src(%dma_wait3A_43 : memref<16xi32, #tpu.memory_space<hbm>>) dst(%arg14 : memref<16xi32, #tpu.memory_space<vmem>>)
    %dma_wait3A_44 = tpu.memref_slice %arg6[%add3A_11] : memref<4096xi32, #tpu.memory_space<hbm>> -> memref<16xi32, #tpu.memory_space<hbm>>
    %dma_wait3A_45 = tpu.memref_slice %arg6[%add3A_11] : memref<4096xi32, #tpu.memory_space<hbm>> -> memref<16xi32, #tpu.memory_space<hbm>>
    tpu.wait_dma2 semaphore(%arg33 : memref<!tpu.dma_semaphore, #tpu.memory_space<semaphore_mem>>) src(%dma_wait3A_45 : memref<16xi32, #tpu.memory_space<hbm>>) dst(%arg17 : memref<16xi32, #tpu.memory_space<vmem>>)
    %dma_start3A_46 = arith.constant 0 : i32
    %dma_start3A_47 = arith.constant 0 : i32
    %dma_start3A_48 = tpu.memref_slice %arg2[%dma_start3A_46, %dma_start3A_47] : memref<8192x1024xf32, #tpu.memory_space<hbm>> -> memref<8192x1024xf32, #tpu.memory_space<hbm>>
    tpu.enqueue_indirect_dma source(%dma_start3A_48 : memref<8192x1024xf32, #tpu.memory_space<hbm>>) target(%arg20 : memref<16x1024xf32, #tpu.memory_space<vmem>>) offsets(%arg11 : memref<16xi32, #tpu.memory_space<vmem>>) semaphore(%arg40 : memref<!tpu.dma_semaphore, #tpu.memory_space<semaphore_mem>>)
    %dma_start3A_49 = arith.constant 0 : i32
    %dma_start3A_50 = arith.constant 0 : i32
    %dma_start3A_51 = tpu.memref_slice %arg2[%dma_start3A_49, %dma_start3A_50] : memref<8192x1024xf32, #tpu.memory_space<hbm>> -> memref<8192x1024xf32, #tpu.memory_space<hbm>>
    tpu.enqueue_indirect_dma source(%dma_start3A_51 : memref<8192x1024xf32, #tpu.memory_space<hbm>>) target(%arg23 : memref<16x1024xf32, #tpu.memory_space<vmem>>) offsets(%arg14 : memref<16xi32, #tpu.memory_space<vmem>>) semaphore(%arg41 : memref<!tpu.dma_semaphore, #tpu.memory_space<semaphore_mem>>)
    %dma_start3A_52 = arith.constant 0 : i32
    %dma_start3A_53 = arith.constant 0 : i32
    %dma_start3A_54 = tpu.memref_slice %arg3[%dma_start3A_52, %dma_start3A_53] : memref<2048x128xf32, #tpu.memory_space<hbm>> -> memref<2048x128xf32, #tpu.memory_space<hbm>>
    tpu.enqueue_indirect_dma source(%dma_start3A_54 : memref<2048x128xf32, #tpu.memory_space<hbm>>) target(%arg26 : memref<16x128xf32, #tpu.memory_space<vmem>>) offsets(%arg17 : memref<16xi32, #tpu.memory_space<vmem>>) semaphore(%arg42 : memref<!tpu.dma_semaphore, #tpu.memory_space<semaphore_mem>>)
    %add3A_55 = arith.constant 0 : i32
    %add3A_56 = arith.addi %mul3A_2, %add3A_55 : i32
    %dma_wait3A_57 = arith.constant 0 : i32
    %dma_wait3A_58 = arith.constant 0 : i32
    %dma_wait3A_59 = tpu.memref_slice %arg2[%dma_wait3A_57, %dma_wait3A_58] : memref<8192x1024xf32, #tpu.memory_space<hbm>> -> memref<8192x1024xf32, #tpu.memory_space<hbm>>
    tpu.wait_indirect_dma semaphore(%arg37 : memref<!tpu.dma_semaphore, #tpu.memory_space<semaphore_mem>>) src(%dma_wait3A_59 : memref<8192x1024xf32, #tpu.memory_space<hbm>>) dst(%arg19 : memref<16x1024xf32, #tpu.memory_space<vmem>>)
    %dma_wait3A_60 = arith.constant 0 : i32
    %dma_wait3A_61 = arith.constant 0 : i32
    %dma_wait3A_62 = tpu.memref_slice %arg2[%dma_wait3A_60, %dma_wait3A_61] : memref<8192x1024xf32, #tpu.memory_space<hbm>> -> memref<8192x1024xf32, #tpu.memory_space<hbm>>
    tpu.wait_indirect_dma semaphore(%arg38 : memref<!tpu.dma_semaphore, #tpu.memory_space<semaphore_mem>>) src(%dma_wait3A_62 : memref<8192x1024xf32, #tpu.memory_space<hbm>>) dst(%arg22 : memref<16x1024xf32, #tpu.memory_space<vmem>>)
    %dma_wait3A_63 = arith.constant 0 : i32
    %dma_wait3A_64 = arith.constant 0 : i32
    %dma_wait3A_65 = tpu.memref_slice %arg3[%dma_wait3A_63, %dma_wait3A_64] : memref<2048x128xf32, #tpu.memory_space<hbm>> -> memref<2048x128xf32, #tpu.memory_space<hbm>>
    tpu.wait_indirect_dma semaphore(%arg39 : memref<!tpu.dma_semaphore, #tpu.memory_space<semaphore_mem>>) src(%dma_wait3A_65 : memref<2048x128xf32, #tpu.memory_space<hbm>>) dst(%arg25 : memref<16x128xf32, #tpu.memory_space<vmem>>)
    %dma_start3A_66 = arith.constant 0 : i32
    %dma_start3A_67 = tpu.memref_slice %arg7[%add3A_56, %dma_start3A_66] : memref<4096x1024xf32, #tpu.memory_space<hbm>> -> memref<16x1024xf32, #tpu.memory_space<hbm>>
    %dma_start3A_68 = arith.constant 0 : i32
    %dma_start3A_69 = tpu.memref_slice %arg7[%add3A_56, %dma_start3A_68] : memref<4096x1024xf32, #tpu.memory_space<hbm>> -> memref<16x1024xf32, #tpu.memory_space<hbm>>
    tpu.enqueue_dma source(%arg19 : memref<16x1024xf32, #tpu.memory_space<vmem>>) target(%dma_start3A_69 : memref<16x1024xf32, #tpu.memory_space<hbm>>) target_semaphore(%arg46 : memref<!tpu.dma_semaphore, #tpu.memory_space<semaphore_mem>>)
    %dma_start3A_70 = arith.constant 0 : i32
    %dma_start3A_71 = tpu.memref_slice %arg8[%add3A_56, %dma_start3A_70] : memref<4096x1024xf32, #tpu.memory_space<hbm>> -> memref<16x1024xf32, #tpu.memory_space<hbm>>
    %dma_start3A_72 = arith.constant 0 : i32
    %dma_start3A_73 = tpu.memref_slice %arg8[%add3A_56, %dma_start3A_72] : memref<4096x1024xf32, #tpu.memory_space<hbm>> -> memref<16x1024xf32, #tpu.memory_space<hbm>>
    tpu.enqueue_dma source(%arg22 : memref<16x1024xf32, #tpu.memory_space<vmem>>) target(%dma_start3A_73 : memref<16x1024xf32, #tpu.memory_space<hbm>>) target_semaphore(%arg47 : memref<!tpu.dma_semaphore, #tpu.memory_space<semaphore_mem>>)
    %dma_start3A_74 = arith.constant 0 : i32
    %dma_start3A_75 = tpu.memref_slice %arg9[%add3A_56, %dma_start3A_74] : memref<4096x128xf32, #tpu.memory_space<hbm>> -> memref<16x128xf32, #tpu.memory_space<hbm>>
    %dma_start3A_76 = arith.constant 0 : i32
    %dma_start3A_77 = tpu.memref_slice %arg9[%add3A_56, %dma_start3A_76] : memref<4096x128xf32, #tpu.memory_space<hbm>> -> memref<16x128xf32, #tpu.memory_space<hbm>>
    tpu.enqueue_dma source(%arg25 : memref<16x128xf32, #tpu.memory_space<vmem>>) target(%dma_start3A_77 : memref<16x128xf32, #tpu.memory_space<hbm>>) target_semaphore(%arg48 : memref<!tpu.dma_semaphore, #tpu.memory_space<semaphore_mem>>)
    %add3A_78 = arith.constant 48 : i32
    %add3A_79 = arith.addi %mul3A_2, %add3A_78 : i32
    %dma_start3A_80 = tpu.memref_slice %arg4[%add3A_79] : memref<4096xi32, #tpu.memory_space<hbm>> -> memref<16xi32, #tpu.memory_space<hbm>>
    %dma_start3A_81 = tpu.memref_slice %arg4[%add3A_79] : memref<4096xi32, #tpu.memory_space<hbm>> -> memref<16xi32, #tpu.memory_space<hbm>>
    tpu.enqueue_dma source(%dma_start3A_81 : memref<16xi32, #tpu.memory_space<hbm>>) target(%arg10 : memref<16xi32, #tpu.memory_space<vmem>>) target_semaphore(%arg28 : memref<!tpu.dma_semaphore, #tpu.memory_space<semaphore_mem>>)
    %dma_start3A_82 = tpu.memref_slice %arg5[%add3A_79] : memref<4096xi32, #tpu.memory_space<hbm>> -> memref<16xi32, #tpu.memory_space<hbm>>
    %dma_start3A_83 = tpu.memref_slice %arg5[%add3A_79] : memref<4096xi32, #tpu.memory_space<hbm>> -> memref<16xi32, #tpu.memory_space<hbm>>
    tpu.enqueue_dma source(%dma_start3A_83 : memref<16xi32, #tpu.memory_space<hbm>>) target(%arg13 : memref<16xi32, #tpu.memory_space<vmem>>) target_semaphore(%arg29 : memref<!tpu.dma_semaphore, #tpu.memory_space<semaphore_mem>>)
    %dma_start3A_84 = tpu.memref_slice %arg6[%add3A_79] : memref<4096xi32, #tpu.memory_space<hbm>> -> memref<16xi32, #tpu.memory_space<hbm>>
    %dma_start3A_85 = tpu.memref_slice %arg6[%add3A_79] : memref<4096xi32, #tpu.memory_space<hbm>> -> memref<16xi32, #tpu.memory_space<hbm>>
    tpu.enqueue_dma source(%dma_start3A_85 : memref<16xi32, #tpu.memory_space<hbm>>) target(%arg16 : memref<16xi32, #tpu.memory_space<vmem>>) target_semaphore(%arg30 : memref<!tpu.dma_semaphore, #tpu.memory_space<semaphore_mem>>)
    %dma_wait3A_86 = tpu.memref_slice %arg4[%add3A_33] : memref<4096xi32, #tpu.memory_space<hbm>> -> memref<16xi32, #tpu.memory_space<hbm>>
    %dma_wait3A_87 = tpu.memref_slice %arg4[%add3A_33] : memref<4096xi32, #tpu.memory_space<hbm>> -> memref<16xi32, #tpu.memory_space<hbm>>
    tpu.wait_dma2 semaphore(%arg34 : memref<!tpu.dma_semaphore, #tpu.memory_space<semaphore_mem>>) src(%dma_wait3A_87 : memref<16xi32, #tpu.memory_space<hbm>>) dst(%arg12 : memref<16xi32, #tpu.memory_space<vmem>>)
    %dma_wait3A_88 = tpu.memref_slice %arg5[%add3A_33] : memref<4096xi32, #tpu.memory_space<hbm>> -> memref<16xi32, #tpu.memory_space<hbm>>
    %dma_wait3A_89 = tpu.memref_slice %arg5[%add3A_33] : memref<4096xi32, #tpu.memory_space<hbm>> -> memref<16xi32, #tpu.memory_space<hbm>>
    tpu.wait_dma2 semaphore(%arg35 : memref<!tpu.dma_semaphore, #tpu.memory_space<semaphore_mem>>) src(%dma_wait3A_89 : memref<16xi32, #tpu.memory_space<hbm>>) dst(%arg15 : memref<16xi32, #tpu.memory_space<vmem>>)
    %dma_wait3A_90 = tpu.memref_slice %arg6[%add3A_33] : memref<4096xi32, #tpu.memory_space<hbm>> -> memref<16xi32, #tpu.memory_space<hbm>>
    %dma_wait3A_91 = tpu.memref_slice %arg6[%add3A_33] : memref<4096xi32, #tpu.memory_space<hbm>> -> memref<16xi32, #tpu.memory_space<hbm>>
    tpu.wait_dma2 semaphore(%arg36 : memref<!tpu.dma_semaphore, #tpu.memory_space<semaphore_mem>>) src(%dma_wait3A_91 : memref<16xi32, #tpu.memory_space<hbm>>) dst(%arg18 : memref<16xi32, #tpu.memory_space<vmem>>)
    %dma_start3A_92 = arith.constant 0 : i32
    %dma_start3A_93 = arith.constant 0 : i32
    %dma_start3A_94 = tpu.memref_slice %arg2[%dma_start3A_92, %dma_start3A_93] : memref<8192x1024xf32, #tpu.memory_space<hbm>> -> memref<8192x1024xf32, #tpu.memory_space<hbm>>
    tpu.enqueue_indirect_dma source(%dma_start3A_94 : memref<8192x1024xf32, #tpu.memory_space<hbm>>) target(%arg21 : memref<16x1024xf32, #tpu.memory_space<vmem>>) offsets(%arg12 : memref<16xi32, #tpu.memory_space<vmem>>) semaphore(%arg43 : memref<!tpu.dma_semaphore, #tpu.memory_space<semaphore_mem>>)
    %dma_start3A_95 = arith.constant 0 : i32
    %dma_start3A_96 = arith.constant 0 : i32
    %dma_start3A_97 = tpu.memref_slice %arg2[%dma_start3A_95, %dma_start3A_96] : memref<8192x1024xf32, #tpu.memory_space<hbm>> -> memref<8192x1024xf32, #tpu.memory_space<hbm>>
    tpu.enqueue_indirect_dma source(%dma_start3A_97 : memref<8192x1024xf32, #tpu.memory_space<hbm>>) target(%arg24 : memref<16x1024xf32, #tpu.memory_space<vmem>>) offsets(%arg15 : memref<16xi32, #tpu.memory_space<vmem>>) semaphore(%arg44 : memref<!tpu.dma_semaphore, #tpu.memory_space<semaphore_mem>>)
    %dma_start3A_98 = arith.constant 0 : i32
    %dma_start3A_99 = arith.constant 0 : i32
    %dma_start3A_100 = tpu.memref_slice %arg3[%dma_start3A_98, %dma_start3A_99] : memref<2048x128xf32, #tpu.memory_space<hbm>> -> memref<2048x128xf32, #tpu.memory_space<hbm>>
    tpu.enqueue_indirect_dma source(%dma_start3A_100 : memref<2048x128xf32, #tpu.memory_space<hbm>>) target(%arg27 : memref<16x128xf32, #tpu.memory_space<vmem>>) offsets(%arg18 : memref<16xi32, #tpu.memory_space<vmem>>) semaphore(%arg45 : memref<!tpu.dma_semaphore, #tpu.memory_space<semaphore_mem>>)
    %add3A_101 = arith.constant 16 : i32
    %add3A_102 = arith.addi %mul3A_2, %add3A_101 : i32
    %dma_wait3A_103 = arith.constant 0 : i32
    %dma_wait3A_104 = arith.constant 0 : i32
    %dma_wait3A_105 = tpu.memref_slice %arg2[%dma_wait3A_103, %dma_wait3A_104] : memref<8192x1024xf32, #tpu.memory_space<hbm>> -> memref<8192x1024xf32, #tpu.memory_space<hbm>>
    tpu.wait_indirect_dma semaphore(%arg40 : memref<!tpu.dma_semaphore, #tpu.memory_space<semaphore_mem>>) src(%dma_wait3A_105 : memref<8192x1024xf32, #tpu.memory_space<hbm>>) dst(%arg20 : memref<16x1024xf32, #tpu.memory_space<vmem>>)
    %dma_wait3A_106 = arith.constant 0 : i32
    %dma_wait3A_107 = arith.constant 0 : i32
    %dma_wait3A_108 = tpu.memref_slice %arg2[%dma_wait3A_106, %dma_wait3A_107] : memref<8192x1024xf32, #tpu.memory_space<hbm>> -> memref<8192x1024xf32, #tpu.memory_space<hbm>>
    tpu.wait_indirect_dma semaphore(%arg41 : memref<!tpu.dma_semaphore, #tpu.memory_space<semaphore_mem>>) src(%dma_wait3A_108 : memref<8192x1024xf32, #tpu.memory_space<hbm>>) dst(%arg23 : memref<16x1024xf32, #tpu.memory_space<vmem>>)
    %dma_wait3A_109 = arith.constant 0 : i32
    %dma_wait3A_110 = arith.constant 0 : i32
    %dma_wait3A_111 = tpu.memref_slice %arg3[%dma_wait3A_109, %dma_wait3A_110] : memref<2048x128xf32, #tpu.memory_space<hbm>> -> memref<2048x128xf32, #tpu.memory_space<hbm>>
    tpu.wait_indirect_dma semaphore(%arg42 : memref<!tpu.dma_semaphore, #tpu.memory_space<semaphore_mem>>) src(%dma_wait3A_111 : memref<2048x128xf32, #tpu.memory_space<hbm>>) dst(%arg26 : memref<16x128xf32, #tpu.memory_space<vmem>>)
    %dma_start3A_112 = arith.constant 0 : i32
    %dma_start3A_113 = tpu.memref_slice %arg7[%add3A_102, %dma_start3A_112] : memref<4096x1024xf32, #tpu.memory_space<hbm>> -> memref<16x1024xf32, #tpu.memory_space<hbm>>
    %dma_start3A_114 = arith.constant 0 : i32
    %dma_start3A_115 = tpu.memref_slice %arg7[%add3A_102, %dma_start3A_114] : memref<4096x1024xf32, #tpu.memory_space<hbm>> -> memref<16x1024xf32, #tpu.memory_space<hbm>>
    tpu.enqueue_dma source(%arg20 : memref<16x1024xf32, #tpu.memory_space<vmem>>) target(%dma_start3A_115 : memref<16x1024xf32, #tpu.memory_space<hbm>>) target_semaphore(%arg49 : memref<!tpu.dma_semaphore, #tpu.memory_space<semaphore_mem>>)
    %dma_start3A_116 = arith.constant 0 : i32
    %dma_start3A_117 = tpu.memref_slice %arg8[%add3A_102, %dma_start3A_116] : memref<4096x1024xf32, #tpu.memory_space<hbm>> -> memref<16x1024xf32, #tpu.memory_space<hbm>>
    %dma_start3A_118 = arith.constant 0 : i32
    %dma_start3A_119 = tpu.memref_slice %arg8[%add3A_102, %dma_start3A_118] : memref<4096x1024xf32, #tpu.memory_space<hbm>> -> memref<16x1024xf32, #tpu.memory_space<hbm>>
    tpu.enqueue_dma source(%arg23 : memref<16x1024xf32, #tpu.memory_space<vmem>>) target(%dma_start3A_119 : memref<16x1024xf32, #tpu.memory_space<hbm>>) target_semaphore(%arg50 : memref<!tpu.dma_semaphore, #tpu.memory_space<semaphore_mem>>)
    %dma_start3A_120 = arith.constant 0 : i32
    %dma_start3A_121 = tpu.memref_slice %arg9[%add3A_102, %dma_start3A_120] : memref<4096x128xf32, #tpu.memory_space<hbm>> -> memref<16x128xf32, #tpu.memory_space<hbm>>
    %dma_start3A_122 = arith.constant 0 : i32
    %dma_start3A_123 = tpu.memref_slice %arg9[%add3A_102, %dma_start3A_122] : memref<4096x128xf32, #tpu.memory_space<hbm>> -> memref<16x128xf32, #tpu.memory_space<hbm>>
    tpu.enqueue_dma source(%arg26 : memref<16x128xf32, #tpu.memory_space<vmem>>) target(%dma_start3A_123 : memref<16x128xf32, #tpu.memory_space<hbm>>) target_semaphore(%arg51 : memref<!tpu.dma_semaphore, #tpu.memory_space<semaphore_mem>>)
    %add3A_124 = arith.constant 64 : i32
    %add3A_125 = arith.addi %mul3A_2, %add3A_124 : i32
    %dma_start3A_126 = tpu.memref_slice %arg4[%add3A_125] : memref<4096xi32, #tpu.memory_space<hbm>> -> memref<16xi32, #tpu.memory_space<hbm>>
    %dma_start3A_127 = tpu.memref_slice %arg4[%add3A_125] : memref<4096xi32, #tpu.memory_space<hbm>> -> memref<16xi32, #tpu.memory_space<hbm>>
    tpu.enqueue_dma source(%dma_start3A_127 : memref<16xi32, #tpu.memory_space<hbm>>) target(%arg11 : memref<16xi32, #tpu.memory_space<vmem>>) target_semaphore(%arg31 : memref<!tpu.dma_semaphore, #tpu.memory_space<semaphore_mem>>)
    %dma_start3A_128 = tpu.memref_slice %arg5[%add3A_125] : memref<4096xi32, #tpu.memory_space<hbm>> -> memref<16xi32, #tpu.memory_space<hbm>>
    %dma_start3A_129 = tpu.memref_slice %arg5[%add3A_125] : memref<4096xi32, #tpu.memory_space<hbm>> -> memref<16xi32, #tpu.memory_space<hbm>>
    tpu.enqueue_dma source(%dma_start3A_129 : memref<16xi32, #tpu.memory_space<hbm>>) target(%arg14 : memref<16xi32, #tpu.memory_space<vmem>>) target_semaphore(%arg32 : memref<!tpu.dma_semaphore, #tpu.memory_space<semaphore_mem>>)
    %dma_start3A_130 = tpu.memref_slice %arg6[%add3A_125] : memref<4096xi32, #tpu.memory_space<hbm>> -> memref<16xi32, #tpu.memory_space<hbm>>
    %dma_start3A_131 = tpu.memref_slice %arg6[%add3A_125] : memref<4096xi32, #tpu.memory_space<hbm>> -> memref<16xi32, #tpu.memory_space<hbm>>
    tpu.enqueue_dma source(%dma_start3A_131 : memref<16xi32, #tpu.memory_space<hbm>>) target(%arg17 : memref<16xi32, #tpu.memory_space<vmem>>) target_semaphore(%arg33 : memref<!tpu.dma_semaphore, #tpu.memory_space<semaphore_mem>>)
    %dma_wait3A_132 = arith.constant 0 : i32
    %dma_wait3A_133 = tpu.memref_slice %arg7[%add3A_56, %dma_wait3A_132] : memref<4096x1024xf32, #tpu.memory_space<hbm>> -> memref<16x1024xf32, #tpu.memory_space<hbm>>
    %dma_wait3A_134 = arith.constant 0 : i32
    %dma_wait3A_135 = tpu.memref_slice %arg7[%add3A_56, %dma_wait3A_134] : memref<4096x1024xf32, #tpu.memory_space<hbm>> -> memref<16x1024xf32, #tpu.memory_space<hbm>>
    tpu.wait_dma2 semaphore(%arg46 : memref<!tpu.dma_semaphore, #tpu.memory_space<semaphore_mem>>) src(%arg19 : memref<16x1024xf32, #tpu.memory_space<vmem>>) dst(%dma_wait3A_135 : memref<16x1024xf32, #tpu.memory_space<hbm>>)
    %dma_wait3A_136 = arith.constant 0 : i32
    %dma_wait3A_137 = tpu.memref_slice %arg8[%add3A_56, %dma_wait3A_136] : memref<4096x1024xf32, #tpu.memory_space<hbm>> -> memref<16x1024xf32, #tpu.memory_space<hbm>>
    %dma_wait3A_138 = arith.constant 0 : i32
    %dma_wait3A_139 = tpu.memref_slice %arg8[%add3A_56, %dma_wait3A_138] : memref<4096x1024xf32, #tpu.memory_space<hbm>> -> memref<16x1024xf32, #tpu.memory_space<hbm>>
    tpu.wait_dma2 semaphore(%arg47 : memref<!tpu.dma_semaphore, #tpu.memory_space<semaphore_mem>>) src(%arg22 : memref<16x1024xf32, #tpu.memory_space<vmem>>) dst(%dma_wait3A_139 : memref<16x1024xf32, #tpu.memory_space<hbm>>)
    %dma_wait3A_140 = arith.constant 0 : i32
    %dma_wait3A_141 = tpu.memref_slice %arg9[%add3A_56, %dma_wait3A_140] : memref<4096x128xf32, #tpu.memory_space<hbm>> -> memref<16x128xf32, #tpu.memory_space<hbm>>
    %dma_wait3A_142 = arith.constant 0 : i32
    %dma_wait3A_143 = tpu.memref_slice %arg9[%add3A_56, %dma_wait3A_142] : memref<4096x128xf32, #tpu.memory_space<hbm>> -> memref<16x128xf32, #tpu.memory_space<hbm>>
    tpu.wait_dma2 semaphore(%arg48 : memref<!tpu.dma_semaphore, #tpu.memory_space<semaphore_mem>>) src(%arg25 : memref<16x128xf32, #tpu.memory_space<vmem>>) dst(%dma_wait3A_143 : memref<16x128xf32, #tpu.memory_space<hbm>>)
    %dma_wait3A_144 = tpu.memref_slice %arg4[%add3A_79] : memref<4096xi32, #tpu.memory_space<hbm>> -> memref<16xi32, #tpu.memory_space<hbm>>
    %dma_wait3A_145 = tpu.memref_slice %arg4[%add3A_79] : memref<4096xi32, #tpu.memory_space<hbm>> -> memref<16xi32, #tpu.memory_space<hbm>>
    tpu.wait_dma2 semaphore(%arg28 : memref<!tpu.dma_semaphore, #tpu.memory_space<semaphore_mem>>) src(%dma_wait3A_145 : memref<16xi32, #tpu.memory_space<hbm>>) dst(%arg10 : memref<16xi32, #tpu.memory_space<vmem>>)
    %dma_wait3A_146 = tpu.memref_slice %arg5[%add3A_79] : memref<4096xi32, #tpu.memory_space<hbm>> -> memref<16xi32, #tpu.memory_space<hbm>>
    %dma_wait3A_147 = tpu.memref_slice %arg5[%add3A_79] : memref<4096xi32, #tpu.memory_space<hbm>> -> memref<16xi32, #tpu.memory_space<hbm>>
    tpu.wait_dma2 semaphore(%arg29 : memref<!tpu.dma_semaphore, #tpu.memory_space<semaphore_mem>>) src(%dma_wait3A_147 : memref<16xi32, #tpu.memory_space<hbm>>) dst(%arg13 : memref<16xi32, #tpu.memory_space<vmem>>)
    %dma_wait3A_148 = tpu.memref_slice %arg6[%add3A_79] : memref<4096xi32, #tpu.memory_space<hbm>> -> memref<16xi32, #tpu.memory_space<hbm>>
    %dma_wait3A_149 = tpu.memref_slice %arg6[%add3A_79] : memref<4096xi32, #tpu.memory_space<hbm>> -> memref<16xi32, #tpu.memory_space<hbm>>
    tpu.wait_dma2 semaphore(%arg30 : memref<!tpu.dma_semaphore, #tpu.memory_space<semaphore_mem>>) src(%dma_wait3A_149 : memref<16xi32, #tpu.memory_space<hbm>>) dst(%arg16 : memref<16xi32, #tpu.memory_space<vmem>>)
    %dma_start3A_150 = arith.constant 0 : i32
    %dma_start3A_151 = arith.constant 0 : i32
    %dma_start3A_152 = tpu.memref_slice %arg2[%dma_start3A_150, %dma_start3A_151] : memref<8192x1024xf32, #tpu.memory_space<hbm>> -> memref<8192x1024xf32, #tpu.memory_space<hbm>>
    tpu.enqueue_indirect_dma source(%dma_start3A_152 : memref<8192x1024xf32, #tpu.memory_space<hbm>>) target(%arg19 : memref<16x1024xf32, #tpu.memory_space<vmem>>) offsets(%arg10 : memref<16xi32, #tpu.memory_space<vmem>>) semaphore(%arg37 : memref<!tpu.dma_semaphore, #tpu.memory_space<semaphore_mem>>)
    %dma_start3A_153 = arith.constant 0 : i32
    %dma_start3A_154 = arith.constant 0 : i32
    %dma_start3A_155 = tpu.memref_slice %arg2[%dma_start3A_153, %dma_start3A_154] : memref<8192x1024xf32, #tpu.memory_space<hbm>> -> memref<8192x1024xf32, #tpu.memory_space<hbm>>
    tpu.enqueue_indirect_dma source(%dma_start3A_155 : memref<8192x1024xf32, #tpu.memory_space<hbm>>) target(%arg22 : memref<16x1024xf32, #tpu.memory_space<vmem>>) offsets(%arg13 : memref<16xi32, #tpu.memory_space<vmem>>) semaphore(%arg38 : memref<!tpu.dma_semaphore, #tpu.memory_space<semaphore_mem>>)
    %dma_start3A_156 = arith.constant 0 : i32
    %dma_start3A_157 = arith.constant 0 : i32
    %dma_start3A_158 = tpu.memref_slice %arg3[%dma_start3A_156, %dma_start3A_157] : memref<2048x128xf32, #tpu.memory_space<hbm>> -> memref<2048x128xf32, #tpu.memory_space<hbm>>
    tpu.enqueue_indirect_dma source(%dma_start3A_158 : memref<2048x128xf32, #tpu.memory_space<hbm>>) target(%arg25 : memref<16x128xf32, #tpu.memory_space<vmem>>) offsets(%arg16 : memref<16xi32, #tpu.memory_space<vmem>>) semaphore(%arg39 : memref<!tpu.dma_semaphore, #tpu.memory_space<semaphore_mem>>)
    %add3A_159 = arith.constant 32 : i32
    %add3A_160 = arith.addi %mul3A_2, %add3A_159 : i32
    %dma_wait3A_161 = arith.constant 0 : i32
    %dma_wait3A_162 = arith.constant 0 : i32
    %dma_wait3A_163 = tpu.memref_slice %arg2[%dma_wait3A_161, %dma_wait3A_162] : memref<8192x1024xf32, #tpu.memory_space<hbm>> -> memref<8192x1024xf32, #tpu.memory_space<hbm>>
    tpu.wait_indirect_dma semaphore(%arg43 : memref<!tpu.dma_semaphore, #tpu.memory_space<semaphore_mem>>) src(%dma_wait3A_163 : memref<8192x1024xf32, #tpu.memory_space<hbm>>) dst(%arg21 : memref<16x1024xf32, #tpu.memory_space<vmem>>)
    %dma_wait3A_164 = arith.constant 0 : i32
    %dma_wait3A_165 = arith.constant 0 : i32
    %dma_wait3A_166 = tpu.memref_slice %arg2[%dma_wait3A_164, %dma_wait3A_165] : memref<8192x1024xf32, #tpu.memory_space<hbm>> -> memref<8192x1024xf32, #tpu.memory_space<hbm>>
    tpu.wait_indirect_dma semaphore(%arg44 : memref<!tpu.dma_semaphore, #tpu.memory_space<semaphore_mem>>) src(%dma_wait3A_166 : memref<8192x1024xf32, #tpu.memory_space<hbm>>) dst(%arg24 : memref<16x1024xf32, #tpu.memory_space<vmem>>)
    %dma_wait3A_167 = arith.constant 0 : i32
    %dma_wait3A_168 = arith.constant 0 : i32
    %dma_wait3A_169 = tpu.memref_slice %arg3[%dma_wait3A_167, %dma_wait3A_168] : memref<2048x128xf32, #tpu.memory_space<hbm>> -> memref<2048x128xf32, #tpu.memory_space<hbm>>
    tpu.wait_indirect_dma semaphore(%arg45 : memref<!tpu.dma_semaphore, #tpu.memory_space<semaphore_mem>>) src(%dma_wait3A_169 : memref<2048x128xf32, #tpu.memory_space<hbm>>) dst(%arg27 : memref<16x128xf32, #tpu.memory_space<vmem>>)
    %dma_start3A_170 = arith.constant 0 : i32
    %dma_start3A_171 = tpu.memref_slice %arg7[%add3A_160, %dma_start3A_170] : memref<4096x1024xf32, #tpu.memory_space<hbm>> -> memref<16x1024xf32, #tpu.memory_space<hbm>>
    %dma_start3A_172 = arith.constant 0 : i32
    %dma_start3A_173 = tpu.memref_slice %arg7[%add3A_160, %dma_start3A_172] : memref<4096x1024xf32, #tpu.memory_space<hbm>> -> memref<16x1024xf32, #tpu.memory_space<hbm>>
    tpu.enqueue_dma source(%arg21 : memref<16x1024xf32, #tpu.memory_space<vmem>>) target(%dma_start3A_173 : memref<16x1024xf32, #tpu.memory_space<hbm>>) target_semaphore(%arg52 : memref<!tpu.dma_semaphore, #tpu.memory_space<semaphore_mem>>)
    %dma_start3A_174 = arith.constant 0 : i32
    %dma_start3A_175 = tpu.memref_slice %arg8[%add3A_160, %dma_start3A_174] : memref<4096x1024xf32, #tpu.memory_space<hbm>> -> memref<16x1024xf32, #tpu.memory_space<hbm>>
    %dma_start3A_176 = arith.constant 0 : i32
    %dma_start3A_177 = tpu.memref_slice %arg8[%add3A_160, %dma_start3A_176] : memref<4096x1024xf32, #tpu.memory_space<hbm>> -> memref<16x1024xf32, #tpu.memory_space<hbm>>
    tpu.enqueue_dma source(%arg24 : memref<16x1024xf32, #tpu.memory_space<vmem>>) target(%dma_start3A_177 : memref<16x1024xf32, #tpu.memory_space<hbm>>) target_semaphore(%arg53 : memref<!tpu.dma_semaphore, #tpu.memory_space<semaphore_mem>>)
    %dma_start3A_178 = arith.constant 0 : i32
    %dma_start3A_179 = tpu.memref_slice %arg9[%add3A_160, %dma_start3A_178] : memref<4096x128xf32, #tpu.memory_space<hbm>> -> memref<16x128xf32, #tpu.memory_space<hbm>>
    %dma_start3A_180 = arith.constant 0 : i32
    %dma_start3A_181 = tpu.memref_slice %arg9[%add3A_160, %dma_start3A_180] : memref<4096x128xf32, #tpu.memory_space<hbm>> -> memref<16x128xf32, #tpu.memory_space<hbm>>
    tpu.enqueue_dma source(%arg27 : memref<16x128xf32, #tpu.memory_space<vmem>>) target(%dma_start3A_181 : memref<16x128xf32, #tpu.memory_space<hbm>>) target_semaphore(%arg54 : memref<!tpu.dma_semaphore, #tpu.memory_space<semaphore_mem>>)
    %add3A_182 = arith.constant 80 : i32
    %add3A_183 = arith.addi %mul3A_2, %add3A_182 : i32
    %dma_start3A_184 = tpu.memref_slice %arg4[%add3A_183] : memref<4096xi32, #tpu.memory_space<hbm>> -> memref<16xi32, #tpu.memory_space<hbm>>
    %dma_start3A_185 = tpu.memref_slice %arg4[%add3A_183] : memref<4096xi32, #tpu.memory_space<hbm>> -> memref<16xi32, #tpu.memory_space<hbm>>
    tpu.enqueue_dma source(%dma_start3A_185 : memref<16xi32, #tpu.memory_space<hbm>>) target(%arg12 : memref<16xi32, #tpu.memory_space<vmem>>) target_semaphore(%arg34 : memref<!tpu.dma_semaphore, #tpu.memory_space<semaphore_mem>>)
    %dma_start3A_186 = tpu.memref_slice %arg5[%add3A_183] : memref<4096xi32, #tpu.memory_space<hbm>> -> memref<16xi32, #tpu.memory_space<hbm>>
    %dma_start3A_187 = tpu.memref_slice %arg5[%add3A_183] : memref<4096xi32, #tpu.memory_space<hbm>> -> memref<16xi32, #tpu.memory_space<hbm>>
    tpu.enqueue_dma source(%dma_start3A_187 : memref<16xi32, #tpu.memory_space<hbm>>) target(%arg15 : memref<16xi32, #tpu.memory_space<vmem>>) target_semaphore(%arg35 : memref<!tpu.dma_semaphore, #tpu.memory_space<semaphore_mem>>)
    %dma_start3A_188 = tpu.memref_slice %arg6[%add3A_183] : memref<4096xi32, #tpu.memory_space<hbm>> -> memref<16xi32, #tpu.memory_space<hbm>>
    %dma_start3A_189 = tpu.memref_slice %arg6[%add3A_183] : memref<4096xi32, #tpu.memory_space<hbm>> -> memref<16xi32, #tpu.memory_space<hbm>>
    tpu.enqueue_dma source(%dma_start3A_189 : memref<16xi32, #tpu.memory_space<hbm>>) target(%arg18 : memref<16xi32, #tpu.memory_space<vmem>>) target_semaphore(%arg36 : memref<!tpu.dma_semaphore, #tpu.memory_space<semaphore_mem>>)
    %dma_wait3A_190 = arith.constant 0 : i32
    %dma_wait3A_191 = tpu.memref_slice %arg7[%add3A_102, %dma_wait3A_190] : memref<4096x1024xf32, #tpu.memory_space<hbm>> -> memref<16x1024xf32, #tpu.memory_space<hbm>>
    %dma_wait3A_192 = arith.constant 0 : i32
    %dma_wait3A_193 = tpu.memref_slice %arg7[%add3A_102, %dma_wait3A_192] : memref<4096x1024xf32, #tpu.memory_space<hbm>> -> memref<16x1024xf32, #tpu.memory_space<hbm>>
    tpu.wait_dma2 semaphore(%arg49 : memref<!tpu.dma_semaphore, #tpu.memory_space<semaphore_mem>>) src(%arg20 : memref<16x1024xf32, #tpu.memory_space<vmem>>) dst(%dma_wait3A_193 : memref<16x1024xf32, #tpu.memory_space<hbm>>)
    %dma_wait3A_194 = arith.constant 0 : i32
    %dma_wait3A_195 = tpu.memref_slice %arg8[%add3A_102, %dma_wait3A_194] : memref<4096x1024xf32, #tpu.memory_space<hbm>> -> memref<16x1024xf32, #tpu.memory_space<hbm>>
    %dma_wait3A_196 = arith.constant 0 : i32
    %dma_wait3A_197 = tpu.memref_slice %arg8[%add3A_102, %dma_wait3A_196] : memref<4096x1024xf32, #tpu.memory_space<hbm>> -> memref<16x1024xf32, #tpu.memory_space<hbm>>
    tpu.wait_dma2 semaphore(%arg50 : memref<!tpu.dma_semaphore, #tpu.memory_space<semaphore_mem>>) src(%arg23 : memref<16x1024xf32, #tpu.memory_space<vmem>>) dst(%dma_wait3A_197 : memref<16x1024xf32, #tpu.memory_space<hbm>>)
    %dma_wait3A_198 = arith.constant 0 : i32
    %dma_wait3A_199 = tpu.memref_slice %arg9[%add3A_102, %dma_wait3A_198] : memref<4096x128xf32, #tpu.memory_space<hbm>> -> memref<16x128xf32, #tpu.memory_space<hbm>>
    %dma_wait3A_200 = arith.constant 0 : i32
    %dma_wait3A_201 = tpu.memref_slice %arg9[%add3A_102, %dma_wait3A_200] : memref<4096x128xf32, #tpu.memory_space<hbm>> -> memref<16x128xf32, #tpu.memory_space<hbm>>
    tpu.wait_dma2 semaphore(%arg51 : memref<!tpu.dma_semaphore, #tpu.memory_space<semaphore_mem>>) src(%arg26 : memref<16x128xf32, #tpu.memory_space<vmem>>) dst(%dma_wait3A_201 : memref<16x128xf32, #tpu.memory_space<hbm>>)
    %dma_wait3A_202 = tpu.memref_slice %arg4[%add3A_125] : memref<4096xi32, #tpu.memory_space<hbm>> -> memref<16xi32, #tpu.memory_space<hbm>>
    %dma_wait3A_203 = tpu.memref_slice %arg4[%add3A_125] : memref<4096xi32, #tpu.memory_space<hbm>> -> memref<16xi32, #tpu.memory_space<hbm>>
    tpu.wait_dma2 semaphore(%arg31 : memref<!tpu.dma_semaphore, #tpu.memory_space<semaphore_mem>>) src(%dma_wait3A_203 : memref<16xi32, #tpu.memory_space<hbm>>) dst(%arg11 : memref<16xi32, #tpu.memory_space<vmem>>)
    %dma_wait3A_204 = tpu.memref_slice %arg5[%add3A_125] : memref<4096xi32, #tpu.memory_space<hbm>> -> memref<16xi32, #tpu.memory_space<hbm>>
    %dma_wait3A_205 = tpu.memref_slice %arg5[%add3A_125] : memref<4096xi32, #tpu.memory_space<hbm>> -> memref<16xi32, #tpu.memory_space<hbm>>
    tpu.wait_dma2 semaphore(%arg32 : memref<!tpu.dma_semaphore, #tpu.memory_space<semaphore_mem>>) src(%dma_wait3A_205 : memref<16xi32, #tpu.memory_space<hbm>>) dst(%arg14 : memref<16xi32, #tpu.memory_space<vmem>>)
    %dma_wait3A_206 = tpu.memref_slice %arg6[%add3A_125] : memref<4096xi32, #tpu.memory_space<hbm>> -> memref<16xi32, #tpu.memory_space<hbm>>
    %dma_wait3A_207 = tpu.memref_slice %arg6[%add3A_125] : memref<4096xi32, #tpu.memory_space<hbm>> -> memref<16xi32, #tpu.memory_space<hbm>>
    tpu.wait_dma2 semaphore(%arg33 : memref<!tpu.dma_semaphore, #tpu.memory_space<semaphore_mem>>) src(%dma_wait3A_207 : memref<16xi32, #tpu.memory_space<hbm>>) dst(%arg17 : memref<16xi32, #tpu.memory_space<vmem>>)
    %dma_start3A_208 = arith.constant 0 : i32
    %dma_start3A_209 = arith.constant 0 : i32
    %dma_start3A_210 = tpu.memref_slice %arg2[%dma_start3A_208, %dma_start3A_209] : memref<8192x1024xf32, #tpu.memory_space<hbm>> -> memref<8192x1024xf32, #tpu.memory_space<hbm>>
    tpu.enqueue_indirect_dma source(%dma_start3A_210 : memref<8192x1024xf32, #tpu.memory_space<hbm>>) target(%arg20 : memref<16x1024xf32, #tpu.memory_space<vmem>>) offsets(%arg11 : memref<16xi32, #tpu.memory_space<vmem>>) semaphore(%arg40 : memref<!tpu.dma_semaphore, #tpu.memory_space<semaphore_mem>>)
    %dma_start3A_211 = arith.constant 0 : i32
    %dma_start3A_212 = arith.constant 0 : i32
    %dma_start3A_213 = tpu.memref_slice %arg2[%dma_start3A_211, %dma_start3A_212] : memref<8192x1024xf32, #tpu.memory_space<hbm>> -> memref<8192x1024xf32, #tpu.memory_space<hbm>>
    tpu.enqueue_indirect_dma source(%dma_start3A_213 : memref<8192x1024xf32, #tpu.memory_space<hbm>>) target(%arg23 : memref<16x1024xf32, #tpu.memory_space<vmem>>) offsets(%arg14 : memref<16xi32, #tpu.memory_space<vmem>>) semaphore(%arg41 : memref<!tpu.dma_semaphore, #tpu.memory_space<semaphore_mem>>)
    %dma_start3A_214 = arith.constant 0 : i32
    %dma_start3A_215 = arith.constant 0 : i32
    %dma_start3A_216 = tpu.memref_slice %arg3[%dma_start3A_214, %dma_start3A_215] : memref<2048x128xf32, #tpu.memory_space<hbm>> -> memref<2048x128xf32, #tpu.memory_space<hbm>>
    tpu.enqueue_indirect_dma source(%dma_start3A_216 : memref<2048x128xf32, #tpu.memory_space<hbm>>) target(%arg26 : memref<16x128xf32, #tpu.memory_space<vmem>>) offsets(%arg17 : memref<16xi32, #tpu.memory_space<vmem>>) semaphore(%arg42 : memref<!tpu.dma_semaphore, #tpu.memory_space<semaphore_mem>>)
    %add3A_217 = arith.constant 48 : i32
    %add3A_218 = arith.addi %mul3A_2, %add3A_217 : i32
    %dma_wait3A_219 = arith.constant 0 : i32
    %dma_wait3A_220 = arith.constant 0 : i32
    %dma_wait3A_221 = tpu.memref_slice %arg2[%dma_wait3A_219, %dma_wait3A_220] : memref<8192x1024xf32, #tpu.memory_space<hbm>> -> memref<8192x1024xf32, #tpu.memory_space<hbm>>
    tpu.wait_indirect_dma semaphore(%arg37 : memref<!tpu.dma_semaphore, #tpu.memory_space<semaphore_mem>>) src(%dma_wait3A_221 : memref<8192x1024xf32, #tpu.memory_space<hbm>>) dst(%arg19 : memref<16x1024xf32, #tpu.memory_space<vmem>>)
    %dma_wait3A_222 = arith.constant 0 : i32
    %dma_wait3A_223 = arith.constant 0 : i32
    %dma_wait3A_224 = tpu.memref_slice %arg2[%dma_wait3A_222, %dma_wait3A_223] : memref<8192x1024xf32, #tpu.memory_space<hbm>> -> memref<8192x1024xf32, #tpu.memory_space<hbm>>
    tpu.wait_indirect_dma semaphore(%arg38 : memref<!tpu.dma_semaphore, #tpu.memory_space<semaphore_mem>>) src(%dma_wait3A_224 : memref<8192x1024xf32, #tpu.memory_space<hbm>>) dst(%arg22 : memref<16x1024xf32, #tpu.memory_space<vmem>>)
    %dma_wait3A_225 = arith.constant 0 : i32
    %dma_wait3A_226 = arith.constant 0 : i32
    %dma_wait3A_227 = tpu.memref_slice %arg3[%dma_wait3A_225, %dma_wait3A_226] : memref<2048x128xf32, #tpu.memory_space<hbm>> -> memref<2048x128xf32, #tpu.memory_space<hbm>>
    tpu.wait_indirect_dma semaphore(%arg39 : memref<!tpu.dma_semaphore, #tpu.memory_space<semaphore_mem>>) src(%dma_wait3A_227 : memref<2048x128xf32, #tpu.memory_space<hbm>>) dst(%arg25 : memref<16x128xf32, #tpu.memory_space<vmem>>)
    %dma_start3A_228 = arith.constant 0 : i32
    %dma_start3A_229 = tpu.memref_slice %arg7[%add3A_218, %dma_start3A_228] : memref<4096x1024xf32, #tpu.memory_space<hbm>> -> memref<16x1024xf32, #tpu.memory_space<hbm>>
    %dma_start3A_230 = arith.constant 0 : i32
    %dma_start3A_231 = tpu.memref_slice %arg7[%add3A_218, %dma_start3A_230] : memref<4096x1024xf32, #tpu.memory_space<hbm>> -> memref<16x1024xf32, #tpu.memory_space<hbm>>
    tpu.enqueue_dma source(%arg19 : memref<16x1024xf32, #tpu.memory_space<vmem>>) target(%dma_start3A_231 : memref<16x1024xf32, #tpu.memory_space<hbm>>) target_semaphore(%arg46 : memref<!tpu.dma_semaphore, #tpu.memory_space<semaphore_mem>>)
    %dma_start3A_232 = arith.constant 0 : i32
    %dma_start3A_233 = tpu.memref_slice %arg8[%add3A_218, %dma_start3A_232] : memref<4096x1024xf32, #tpu.memory_space<hbm>> -> memref<16x1024xf32, #tpu.memory_space<hbm>>
    %dma_start3A_234 = arith.constant 0 : i32
    %dma_start3A_235 = tpu.memref_slice %arg8[%add3A_218, %dma_start3A_234] : memref<4096x1024xf32, #tpu.memory_space<hbm>> -> memref<16x1024xf32, #tpu.memory_space<hbm>>
    tpu.enqueue_dma source(%arg22 : memref<16x1024xf32, #tpu.memory_space<vmem>>) target(%dma_start3A_235 : memref<16x1024xf32, #tpu.memory_space<hbm>>) target_semaphore(%arg47 : memref<!tpu.dma_semaphore, #tpu.memory_space<semaphore_mem>>)
    %dma_start3A_236 = arith.constant 0 : i32
    %dma_start3A_237 = tpu.memref_slice %arg9[%add3A_218, %dma_start3A_236] : memref<4096x128xf32, #tpu.memory_space<hbm>> -> memref<16x128xf32, #tpu.memory_space<hbm>>
    %dma_start3A_238 = arith.constant 0 : i32
    %dma_start3A_239 = tpu.memref_slice %arg9[%add3A_218, %dma_start3A_238] : memref<4096x128xf32, #tpu.memory_space<hbm>> -> memref<16x128xf32, #tpu.memory_space<hbm>>
    tpu.enqueue_dma source(%arg25 : memref<16x128xf32, #tpu.memory_space<vmem>>) target(%dma_start3A_239 : memref<16x128xf32, #tpu.memory_space<hbm>>) target_semaphore(%arg48 : memref<!tpu.dma_semaphore, #tpu.memory_space<semaphore_mem>>)
    %add3A_240 = arith.constant 96 : i32
    %add3A_241 = arith.addi %mul3A_2, %add3A_240 : i32
    %dma_start3A_242 = tpu.memref_slice %arg4[%add3A_241] : memref<4096xi32, #tpu.memory_space<hbm>> -> memref<16xi32, #tpu.memory_space<hbm>>
    %dma_start3A_243 = tpu.memref_slice %arg4[%add3A_241] : memref<4096xi32, #tpu.memory_space<hbm>> -> memref<16xi32, #tpu.memory_space<hbm>>
    tpu.enqueue_dma source(%dma_start3A_243 : memref<16xi32, #tpu.memory_space<hbm>>) target(%arg10 : memref<16xi32, #tpu.memory_space<vmem>>) target_semaphore(%arg28 : memref<!tpu.dma_semaphore, #tpu.memory_space<semaphore_mem>>)
    %dma_start3A_244 = tpu.memref_slice %arg5[%add3A_241] : memref<4096xi32, #tpu.memory_space<hbm>> -> memref<16xi32, #tpu.memory_space<hbm>>
    %dma_start3A_245 = tpu.memref_slice %arg5[%add3A_241] : memref<4096xi32, #tpu.memory_space<hbm>> -> memref<16xi32, #tpu.memory_space<hbm>>
    tpu.enqueue_dma source(%dma_start3A_245 : memref<16xi32, #tpu.memory_space<hbm>>) target(%arg13 : memref<16xi32, #tpu.memory_space<vmem>>) target_semaphore(%arg29 : memref<!tpu.dma_semaphore, #tpu.memory_space<semaphore_mem>>)
    %dma_start3A_246 = tpu.memref_slice %arg6[%add3A_241] : memref<4096xi32, #tpu.memory_space<hbm>> -> memref<16xi32, #tpu.memory_space<hbm>>
    %dma_start3A_247 = tpu.memref_slice %arg6[%add3A_241] : memref<4096xi32, #tpu.memory_space<hbm>> -> memref<16xi32, #tpu.memory_space<hbm>>
    tpu.enqueue_dma source(%dma_start3A_247 : memref<16xi32, #tpu.memory_space<hbm>>) target(%arg16 : memref<16xi32, #tpu.memory_space<vmem>>) target_semaphore(%arg30 : memref<!tpu.dma_semaphore, #tpu.memory_space<semaphore_mem>>)
    %dma_wait3A_248 = arith.constant 0 : i32
    %dma_wait3A_249 = tpu.memref_slice %arg7[%add3A_160, %dma_wait3A_248] : memref<4096x1024xf32, #tpu.memory_space<hbm>> -> memref<16x1024xf32, #tpu.memory_space<hbm>>
    %dma_wait3A_250 = arith.constant 0 : i32
    %dma_wait3A_251 = tpu.memref_slice %arg7[%add3A_160, %dma_wait3A_250] : memref<4096x1024xf32, #tpu.memory_space<hbm>> -> memref<16x1024xf32, #tpu.memory_space<hbm>>
    tpu.wait_dma2 semaphore(%arg52 : memref<!tpu.dma_semaphore, #tpu.memory_space<semaphore_mem>>) src(%arg21 : memref<16x1024xf32, #tpu.memory_space<vmem>>) dst(%dma_wait3A_251 : memref<16x1024xf32, #tpu.memory_space<hbm>>)
    %dma_wait3A_252 = arith.constant 0 : i32
    %dma_wait3A_253 = tpu.memref_slice %arg8[%add3A_160, %dma_wait3A_252] : memref<4096x1024xf32, #tpu.memory_space<hbm>> -> memref<16x1024xf32, #tpu.memory_space<hbm>>
    %dma_wait3A_254 = arith.constant 0 : i32
    %dma_wait3A_255 = tpu.memref_slice %arg8[%add3A_160, %dma_wait3A_254] : memref<4096x1024xf32, #tpu.memory_space<hbm>> -> memref<16x1024xf32, #tpu.memory_space<hbm>>
    tpu.wait_dma2 semaphore(%arg53 : memref<!tpu.dma_semaphore, #tpu.memory_space<semaphore_mem>>) src(%arg24 : memref<16x1024xf32, #tpu.memory_space<vmem>>) dst(%dma_wait3A_255 : memref<16x1024xf32, #tpu.memory_space<hbm>>)
    %dma_wait3A_256 = arith.constant 0 : i32
    %dma_wait3A_257 = tpu.memref_slice %arg9[%add3A_160, %dma_wait3A_256] : memref<4096x128xf32, #tpu.memory_space<hbm>> -> memref<16x128xf32, #tpu.memory_space<hbm>>
    %dma_wait3A_258 = arith.constant 0 : i32
    %dma_wait3A_259 = tpu.memref_slice %arg9[%add3A_160, %dma_wait3A_258] : memref<4096x128xf32, #tpu.memory_space<hbm>> -> memref<16x128xf32, #tpu.memory_space<hbm>>
    tpu.wait_dma2 semaphore(%arg54 : memref<!tpu.dma_semaphore, #tpu.memory_space<semaphore_mem>>) src(%arg27 : memref<16x128xf32, #tpu.memory_space<vmem>>) dst(%dma_wait3A_259 : memref<16x128xf32, #tpu.memory_space<hbm>>)
    %dma_wait3A_260 = tpu.memref_slice %arg4[%add3A_183] : memref<4096xi32, #tpu.memory_space<hbm>> -> memref<16xi32, #tpu.memory_space<hbm>>
    %dma_wait3A_261 = tpu.memref_slice %arg4[%add3A_183] : memref<4096xi32, #tpu.memory_space<hbm>> -> memref<16xi32, #tpu.memory_space<hbm>>
    tpu.wait_dma2 semaphore(%arg34 : memref<!tpu.dma_semaphore, #tpu.memory_space<semaphore_mem>>) src(%dma_wait3A_261 : memref<16xi32, #tpu.memory_space<hbm>>) dst(%arg12 : memref<16xi32, #tpu.memory_space<vmem>>)
    %dma_wait3A_262 = tpu.memref_slice %arg5[%add3A_183] : memref<4096xi32, #tpu.memory_space<hbm>> -> memref<16xi32, #tpu.memory_space<hbm>>
    %dma_wait3A_263 = tpu.memref_slice %arg5[%add3A_183] : memref<4096xi32, #tpu.memory_space<hbm>> -> memref<16xi32, #tpu.memory_space<hbm>>
    tpu.wait_dma2 semaphore(%arg35 : memref<!tpu.dma_semaphore, #tpu.memory_space<semaphore_mem>>) src(%dma_wait3A_263 : memref<16xi32, #tpu.memory_space<hbm>>) dst(%arg15 : memref<16xi32, #tpu.memory_space<vmem>>)
    %dma_wait3A_264 = tpu.memref_slice %arg6[%add3A_183] : memref<4096xi32, #tpu.memory_space<hbm>> -> memref<16xi32, #tpu.memory_space<hbm>>
    %dma_wait3A_265 = tpu.memref_slice %arg6[%add3A_183] : memref<4096xi32, #tpu.memory_space<hbm>> -> memref<16xi32, #tpu.memory_space<hbm>>
    tpu.wait_dma2 semaphore(%arg36 : memref<!tpu.dma_semaphore, #tpu.memory_space<semaphore_mem>>) src(%dma_wait3A_265 : memref<16xi32, #tpu.memory_space<hbm>>) dst(%arg18 : memref<16xi32, #tpu.memory_space<vmem>>)
    %dma_start3A_266 = arith.constant 0 : i32
    %dma_start3A_267 = arith.constant 0 : i32
    %dma_start3A_268 = tpu.memref_slice %arg2[%dma_start3A_266, %dma_start3A_267] : memref<8192x1024xf32, #tpu.memory_space<hbm>> -> memref<8192x1024xf32, #tpu.memory_space<hbm>>
    tpu.enqueue_indirect_dma source(%dma_start3A_268 : memref<8192x1024xf32, #tpu.memory_space<hbm>>) target(%arg21 : memref<16x1024xf32, #tpu.memory_space<vmem>>) offsets(%arg12 : memref<16xi32, #tpu.memory_space<vmem>>) semaphore(%arg43 : memref<!tpu.dma_semaphore, #tpu.memory_space<semaphore_mem>>)
    %dma_start3A_269 = arith.constant 0 : i32
    %dma_start3A_270 = arith.constant 0 : i32
    %dma_start3A_271 = tpu.memref_slice %arg2[%dma_start3A_269, %dma_start3A_270] : memref<8192x1024xf32, #tpu.memory_space<hbm>> -> memref<8192x1024xf32, #tpu.memory_space<hbm>>
    tpu.enqueue_indirect_dma source(%dma_start3A_271 : memref<8192x1024xf32, #tpu.memory_space<hbm>>) target(%arg24 : memref<16x1024xf32, #tpu.memory_space<vmem>>) offsets(%arg15 : memref<16xi32, #tpu.memory_space<vmem>>) semaphore(%arg44 : memref<!tpu.dma_semaphore, #tpu.memory_space<semaphore_mem>>)
    %dma_start3A_272 = arith.constant 0 : i32
    %dma_start3A_273 = arith.constant 0 : i32
    %dma_start3A_274 = tpu.memref_slice %arg3[%dma_start3A_272, %dma_start3A_273] : memref<2048x128xf32, #tpu.memory_space<hbm>> -> memref<2048x128xf32, #tpu.memory_space<hbm>>
    tpu.enqueue_indirect_dma source(%dma_start3A_274 : memref<2048x128xf32, #tpu.memory_space<hbm>>) target(%arg27 : memref<16x128xf32, #tpu.memory_space<vmem>>) offsets(%arg18 : memref<16xi32, #tpu.memory_space<vmem>>) semaphore(%arg45 : memref<!tpu.dma_semaphore, #tpu.memory_space<semaphore_mem>>)
    %add3A_275 = arith.constant 64 : i32
    %add3A_276 = arith.addi %mul3A_2, %add3A_275 : i32
    %dma_wait3A_277 = arith.constant 0 : i32
    %dma_wait3A_278 = arith.constant 0 : i32
    %dma_wait3A_279 = tpu.memref_slice %arg2[%dma_wait3A_277, %dma_wait3A_278] : memref<8192x1024xf32, #tpu.memory_space<hbm>> -> memref<8192x1024xf32, #tpu.memory_space<hbm>>
    tpu.wait_indirect_dma semaphore(%arg40 : memref<!tpu.dma_semaphore, #tpu.memory_space<semaphore_mem>>) src(%dma_wait3A_279 : memref<8192x1024xf32, #tpu.memory_space<hbm>>) dst(%arg20 : memref<16x1024xf32, #tpu.memory_space<vmem>>)
    %dma_wait3A_280 = arith.constant 0 : i32
    %dma_wait3A_281 = arith.constant 0 : i32
    %dma_wait3A_282 = tpu.memref_slice %arg2[%dma_wait3A_280, %dma_wait3A_281] : memref<8192x1024xf32, #tpu.memory_space<hbm>> -> memref<8192x1024xf32, #tpu.memory_space<hbm>>
    tpu.wait_indirect_dma semaphore(%arg41 : memref<!tpu.dma_semaphore, #tpu.memory_space<semaphore_mem>>) src(%dma_wait3A_282 : memref<8192x1024xf32, #tpu.memory_space<hbm>>) dst(%arg23 : memref<16x1024xf32, #tpu.memory_space<vmem>>)
    %dma_wait3A_283 = arith.constant 0 : i32
    %dma_wait3A_284 = arith.constant 0 : i32
    %dma_wait3A_285 = tpu.memref_slice %arg3[%dma_wait3A_283, %dma_wait3A_284] : memref<2048x128xf32, #tpu.memory_space<hbm>> -> memref<2048x128xf32, #tpu.memory_space<hbm>>
    tpu.wait_indirect_dma semaphore(%arg42 : memref<!tpu.dma_semaphore, #tpu.memory_space<semaphore_mem>>) src(%dma_wait3A_285 : memref<2048x128xf32, #tpu.memory_space<hbm>>) dst(%arg26 : memref<16x128xf32, #tpu.memory_space<vmem>>)
    %dma_start3A_286 = arith.constant 0 : i32
    %dma_start3A_287 = tpu.memref_slice %arg7[%add3A_276, %dma_start3A_286] : memref<4096x1024xf32, #tpu.memory_space<hbm>> -> memref<16x1024xf32, #tpu.memory_space<hbm>>
    %dma_start3A_288 = arith.constant 0 : i32
    %dma_start3A_289 = tpu.memref_slice %arg7[%add3A_276, %dma_start3A_288] : memref<4096x1024xf32, #tpu.memory_space<hbm>> -> memref<16x1024xf32, #tpu.memory_space<hbm>>
    tpu.enqueue_dma source(%arg20 : memref<16x1024xf32, #tpu.memory_space<vmem>>) target(%dma_start3A_289 : memref<16x1024xf32, #tpu.memory_space<hbm>>) target_semaphore(%arg49 : memref<!tpu.dma_semaphore, #tpu.memory_space<semaphore_mem>>)
    %dma_start3A_290 = arith.constant 0 : i32
    %dma_start3A_291 = tpu.memref_slice %arg8[%add3A_276, %dma_start3A_290] : memref<4096x1024xf32, #tpu.memory_space<hbm>> -> memref<16x1024xf32, #tpu.memory_space<hbm>>
    %dma_start3A_292 = arith.constant 0 : i32
    %dma_start3A_293 = tpu.memref_slice %arg8[%add3A_276, %dma_start3A_292] : memref<4096x1024xf32, #tpu.memory_space<hbm>> -> memref<16x1024xf32, #tpu.memory_space<hbm>>
    tpu.enqueue_dma source(%arg23 : memref<16x1024xf32, #tpu.memory_space<vmem>>) target(%dma_start3A_293 : memref<16x1024xf32, #tpu.memory_space<hbm>>) target_semaphore(%arg50 : memref<!tpu.dma_semaphore, #tpu.memory_space<semaphore_mem>>)
    %dma_start3A_294 = arith.constant 0 : i32
    %dma_start3A_295 = tpu.memref_slice %arg9[%add3A_276, %dma_start3A_294] : memref<4096x128xf32, #tpu.memory_space<hbm>> -> memref<16x128xf32, #tpu.memory_space<hbm>>
    %dma_start3A_296 = arith.constant 0 : i32
    %dma_start3A_297 = tpu.memref_slice %arg9[%add3A_276, %dma_start3A_296] : memref<4096x128xf32, #tpu.memory_space<hbm>> -> memref<16x128xf32, #tpu.memory_space<hbm>>
    tpu.enqueue_dma source(%arg26 : memref<16x128xf32, #tpu.memory_space<vmem>>) target(%dma_start3A_297 : memref<16x128xf32, #tpu.memory_space<hbm>>) target_semaphore(%arg51 : memref<!tpu.dma_semaphore, #tpu.memory_space<semaphore_mem>>)
    %add3A_298 = arith.constant 112 : i32
    %add3A_299 = arith.addi %mul3A_2, %add3A_298 : i32
    %dma_start3A_300 = tpu.memref_slice %arg4[%add3A_299] : memref<4096xi32, #tpu.memory_space<hbm>> -> memref<16xi32, #tpu.memory_space<hbm>>
    %dma_start3A_301 = tpu.memref_slice %arg4[%add3A_299] : memref<4096xi32, #tpu.memory_space<hbm>> -> memref<16xi32, #tpu.memory_space<hbm>>
    tpu.enqueue_dma source(%dma_start3A_301 : memref<16xi32, #tpu.memory_space<hbm>>) target(%arg11 : memref<16xi32, #tpu.memory_space<vmem>>) target_semaphore(%arg31 : memref<!tpu.dma_semaphore, #tpu.memory_space<semaphore_mem>>)
    %dma_start3A_302 = tpu.memref_slice %arg5[%add3A_299] : memref<4096xi32, #tpu.memory_space<hbm>> -> memref<16xi32, #tpu.memory_space<hbm>>
    %dma_start3A_303 = tpu.memref_slice %arg5[%add3A_299] : memref<4096xi32, #tpu.memory_space<hbm>> -> memref<16xi32, #tpu.memory_space<hbm>>
    tpu.enqueue_dma source(%dma_start3A_303 : memref<16xi32, #tpu.memory_space<hbm>>) target(%arg14 : memref<16xi32, #tpu.memory_space<vmem>>) target_semaphore(%arg32 : memref<!tpu.dma_semaphore, #tpu.memory_space<semaphore_mem>>)
    %dma_start3A_304 = tpu.memref_slice %arg6[%add3A_299] : memref<4096xi32, #tpu.memory_space<hbm>> -> memref<16xi32, #tpu.memory_space<hbm>>
    %dma_start3A_305 = tpu.memref_slice %arg6[%add3A_299] : memref<4096xi32, #tpu.memory_space<hbm>> -> memref<16xi32, #tpu.memory_space<hbm>>
    tpu.enqueue_dma source(%dma_start3A_305 : memref<16xi32, #tpu.memory_space<hbm>>) target(%arg17 : memref<16xi32, #tpu.memory_space<vmem>>) target_semaphore(%arg33 : memref<!tpu.dma_semaphore, #tpu.memory_space<semaphore_mem>>)
    %dma_wait3A_306 = arith.constant 0 : i32
    %dma_wait3A_307 = tpu.memref_slice %arg7[%add3A_218, %dma_wait3A_306] : memref<4096x1024xf32, #tpu.memory_space<hbm>> -> memref<16x1024xf32, #tpu.memory_space<hbm>>
    %dma_wait3A_308 = arith.constant 0 : i32
    %dma_wait3A_309 = tpu.memref_slice %arg7[%add3A_218, %dma_wait3A_308] : memref<4096x1024xf32, #tpu.memory_space<hbm>> -> memref<16x1024xf32, #tpu.memory_space<hbm>>
    tpu.wait_dma2 semaphore(%arg46 : memref<!tpu.dma_semaphore, #tpu.memory_space<semaphore_mem>>) src(%arg19 : memref<16x1024xf32, #tpu.memory_space<vmem>>) dst(%dma_wait3A_309 : memref<16x1024xf32, #tpu.memory_space<hbm>>)
    %dma_wait3A_310 = arith.constant 0 : i32
    %dma_wait3A_311 = tpu.memref_slice %arg8[%add3A_218, %dma_wait3A_310] : memref<4096x1024xf32, #tpu.memory_space<hbm>> -> memref<16x1024xf32, #tpu.memory_space<hbm>>
    %dma_wait3A_312 = arith.constant 0 : i32
    %dma_wait3A_313 = tpu.memref_slice %arg8[%add3A_218, %dma_wait3A_312] : memref<4096x1024xf32, #tpu.memory_space<hbm>> -> memref<16x1024xf32, #tpu.memory_space<hbm>>
    tpu.wait_dma2 semaphore(%arg47 : memref<!tpu.dma_semaphore, #tpu.memory_space<semaphore_mem>>) src(%arg22 : memref<16x1024xf32, #tpu.memory_space<vmem>>) dst(%dma_wait3A_313 : memref<16x1024xf32, #tpu.memory_space<hbm>>)
    %dma_wait3A_314 = arith.constant 0 : i32
    %dma_wait3A_315 = tpu.memref_slice %arg9[%add3A_218, %dma_wait3A_314] : memref<4096x128xf32, #tpu.memory_space<hbm>> -> memref<16x128xf32, #tpu.memory_space<hbm>>
    %dma_wait3A_316 = arith.constant 0 : i32
    %dma_wait3A_317 = tpu.memref_slice %arg9[%add3A_218, %dma_wait3A_316] : memref<4096x128xf32, #tpu.memory_space<hbm>> -> memref<16x128xf32, #tpu.memory_space<hbm>>
    tpu.wait_dma2 semaphore(%arg48 : memref<!tpu.dma_semaphore, #tpu.memory_space<semaphore_mem>>) src(%arg25 : memref<16x128xf32, #tpu.memory_space<vmem>>) dst(%dma_wait3A_317 : memref<16x128xf32, #tpu.memory_space<hbm>>)
    %dma_wait3A_318 = tpu.memref_slice %arg4[%add3A_241] : memref<4096xi32, #tpu.memory_space<hbm>> -> memref<16xi32, #tpu.memory_space<hbm>>
    %dma_wait3A_319 = tpu.memref_slice %arg4[%add3A_241] : memref<4096xi32, #tpu.memory_space<hbm>> -> memref<16xi32, #tpu.memory_space<hbm>>
    tpu.wait_dma2 semaphore(%arg28 : memref<!tpu.dma_semaphore, #tpu.memory_space<semaphore_mem>>) src(%dma_wait3A_319 : memref<16xi32, #tpu.memory_space<hbm>>) dst(%arg10 : memref<16xi32, #tpu.memory_space<vmem>>)
    %dma_wait3A_320 = tpu.memref_slice %arg5[%add3A_241] : memref<4096xi32, #tpu.memory_space<hbm>> -> memref<16xi32, #tpu.memory_space<hbm>>
    %dma_wait3A_321 = tpu.memref_slice %arg5[%add3A_241] : memref<4096xi32, #tpu.memory_space<hbm>> -> memref<16xi32, #tpu.memory_space<hbm>>
    tpu.wait_dma2 semaphore(%arg29 : memref<!tpu.dma_semaphore, #tpu.memory_space<semaphore_mem>>) src(%dma_wait3A_321 : memref<16xi32, #tpu.memory_space<hbm>>) dst(%arg13 : memref<16xi32, #tpu.memory_space<vmem>>)
    %dma_wait3A_322 = tpu.memref_slice %arg6[%add3A_241] : memref<4096xi32, #tpu.memory_space<hbm>> -> memref<16xi32, #tpu.memory_space<hbm>>
    %dma_wait3A_323 = tpu.memref_slice %arg6[%add3A_241] : memref<4096xi32, #tpu.memory_space<hbm>> -> memref<16xi32, #tpu.memory_space<hbm>>
    tpu.wait_dma2 semaphore(%arg30 : memref<!tpu.dma_semaphore, #tpu.memory_space<semaphore_mem>>) src(%dma_wait3A_323 : memref<16xi32, #tpu.memory_space<hbm>>) dst(%arg16 : memref<16xi32, #tpu.memory_space<vmem>>)
    %dma_start3A_324 = arith.constant 0 : i32
    %dma_start3A_325 = arith.constant 0 : i32
    %dma_start3A_326 = tpu.memref_slice %arg2[%dma_start3A_324, %dma_start3A_325] : memref<8192x1024xf32, #tpu.memory_space<hbm>> -> memref<8192x1024xf32, #tpu.memory_space<hbm>>
    tpu.enqueue_indirect_dma source(%dma_start3A_326 : memref<8192x1024xf32, #tpu.memory_space<hbm>>) target(%arg19 : memref<16x1024xf32, #tpu.memory_space<vmem>>) offsets(%arg10 : memref<16xi32, #tpu.memory_space<vmem>>) semaphore(%arg37 : memref<!tpu.dma_semaphore, #tpu.memory_space<semaphore_mem>>)
    %dma_start3A_327 = arith.constant 0 : i32
    %dma_start3A_328 = arith.constant 0 : i32
    %dma_start3A_329 = tpu.memref_slice %arg2[%dma_start3A_327, %dma_start3A_328] : memref<8192x1024xf32, #tpu.memory_space<hbm>> -> memref<8192x1024xf32, #tpu.memory_space<hbm>>
    tpu.enqueue_indirect_dma source(%dma_start3A_329 : memref<8192x1024xf32, #tpu.memory_space<hbm>>) target(%arg22 : memref<16x1024xf32, #tpu.memory_space<vmem>>) offsets(%arg13 : memref<16xi32, #tpu.memory_space<vmem>>) semaphore(%arg38 : memref<!tpu.dma_semaphore, #tpu.memory_space<semaphore_mem>>)
    %dma_start3A_330 = arith.constant 0 : i32
    %dma_start3A_331 = arith.constant 0 : i32
    %dma_start3A_332 = tpu.memref_slice %arg3[%dma_start3A_330, %dma_start3A_331] : memref<2048x128xf32, #tpu.memory_space<hbm>> -> memref<2048x128xf32, #tpu.memory_space<hbm>>
    tpu.enqueue_indirect_dma source(%dma_start3A_332 : memref<2048x128xf32, #tpu.memory_space<hbm>>) target(%arg25 : memref<16x128xf32, #tpu.memory_space<vmem>>) offsets(%arg16 : memref<16xi32, #tpu.memory_space<vmem>>) semaphore(%arg39 : memref<!tpu.dma_semaphore, #tpu.memory_space<semaphore_mem>>)
    %add3A_333 = arith.constant 80 : i32
    %add3A_334 = arith.addi %mul3A_2, %add3A_333 : i32
    %dma_wait3A_335 = arith.constant 0 : i32
    %dma_wait3A_336 = arith.constant 0 : i32
    %dma_wait3A_337 = tpu.memref_slice %arg2[%dma_wait3A_335, %dma_wait3A_336] : memref<8192x1024xf32, #tpu.memory_space<hbm>> -> memref<8192x1024xf32, #tpu.memory_space<hbm>>
    tpu.wait_indirect_dma semaphore(%arg43 : memref<!tpu.dma_semaphore, #tpu.memory_space<semaphore_mem>>) src(%dma_wait3A_337 : memref<8192x1024xf32, #tpu.memory_space<hbm>>) dst(%arg21 : memref<16x1024xf32, #tpu.memory_space<vmem>>)
    %dma_wait3A_338 = arith.constant 0 : i32
    %dma_wait3A_339 = arith.constant 0 : i32
    %dma_wait3A_340 = tpu.memref_slice %arg2[%dma_wait3A_338, %dma_wait3A_339] : memref<8192x1024xf32, #tpu.memory_space<hbm>> -> memref<8192x1024xf32, #tpu.memory_space<hbm>>
    tpu.wait_indirect_dma semaphore(%arg44 : memref<!tpu.dma_semaphore, #tpu.memory_space<semaphore_mem>>) src(%dma_wait3A_340 : memref<8192x1024xf32, #tpu.memory_space<hbm>>) dst(%arg24 : memref<16x1024xf32, #tpu.memory_space<vmem>>)
    %dma_wait3A_341 = arith.constant 0 : i32
    %dma_wait3A_342 = arith.constant 0 : i32
    %dma_wait3A_343 = tpu.memref_slice %arg3[%dma_wait3A_341, %dma_wait3A_342] : memref<2048x128xf32, #tpu.memory_space<hbm>> -> memref<2048x128xf32, #tpu.memory_space<hbm>>
    tpu.wait_indirect_dma semaphore(%arg45 : memref<!tpu.dma_semaphore, #tpu.memory_space<semaphore_mem>>) src(%dma_wait3A_343 : memref<2048x128xf32, #tpu.memory_space<hbm>>) dst(%arg27 : memref<16x128xf32, #tpu.memory_space<vmem>>)
    %dma_start3A_344 = arith.constant 0 : i32
    %dma_start3A_345 = tpu.memref_slice %arg7[%add3A_334, %dma_start3A_344] : memref<4096x1024xf32, #tpu.memory_space<hbm>> -> memref<16x1024xf32, #tpu.memory_space<hbm>>
    %dma_start3A_346 = arith.constant 0 : i32
    %dma_start3A_347 = tpu.memref_slice %arg7[%add3A_334, %dma_start3A_346] : memref<4096x1024xf32, #tpu.memory_space<hbm>> -> memref<16x1024xf32, #tpu.memory_space<hbm>>
    tpu.enqueue_dma source(%arg21 : memref<16x1024xf32, #tpu.memory_space<vmem>>) target(%dma_start3A_347 : memref<16x1024xf32, #tpu.memory_space<hbm>>) target_semaphore(%arg52 : memref<!tpu.dma_semaphore, #tpu.memory_space<semaphore_mem>>)
    %dma_start3A_348 = arith.constant 0 : i32
    %dma_start3A_349 = tpu.memref_slice %arg8[%add3A_334, %dma_start3A_348] : memref<4096x1024xf32, #tpu.memory_space<hbm>> -> memref<16x1024xf32, #tpu.memory_space<hbm>>
    %dma_start3A_350 = arith.constant 0 : i32
    %dma_start3A_351 = tpu.memref_slice %arg8[%add3A_334, %dma_start3A_350] : memref<4096x1024xf32, #tpu.memory_space<hbm>> -> memref<16x1024xf32, #tpu.memory_space<hbm>>
    tpu.enqueue_dma source(%arg24 : memref<16x1024xf32, #tpu.memory_space<vmem>>) target(%dma_start3A_351 : memref<16x1024xf32, #tpu.memory_space<hbm>>) target_semaphore(%arg53 : memref<!tpu.dma_semaphore, #tpu.memory_space<semaphore_mem>>)
    %dma_start3A_352 = arith.constant 0 : i32
    %dma_start3A_353 = tpu.memref_slice %arg9[%add3A_334, %dma_start3A_352] : memref<4096x128xf32, #tpu.memory_space<hbm>> -> memref<16x128xf32, #tpu.memory_space<hbm>>
    %dma_start3A_354 = arith.constant 0 : i32
    %dma_start3A_355 = tpu.memref_slice %arg9[%add3A_334, %dma_start3A_354] : memref<4096x128xf32, #tpu.memory_space<hbm>> -> memref<16x128xf32, #tpu.memory_space<hbm>>
    tpu.enqueue_dma source(%arg27 : memref<16x128xf32, #tpu.memory_space<vmem>>) target(%dma_start3A_355 : memref<16x128xf32, #tpu.memory_space<hbm>>) target_semaphore(%arg54 : memref<!tpu.dma_semaphore, #tpu.memory_space<semaphore_mem>>)
    %dma_wait3A_356 = arith.constant 0 : i32
    %dma_wait3A_357 = tpu.memref_slice %arg7[%add3A_276, %dma_wait3A_356] : memref<4096x1024xf32, #tpu.memory_space<hbm>> -> memref<16x1024xf32, #tpu.memory_space<hbm>>
    %dma_wait3A_358 = arith.constant 0 : i32
    %dma_wait3A_359 = tpu.memref_slice %arg7[%add3A_276, %dma_wait3A_358] : memref<4096x1024xf32, #tpu.memory_space<hbm>> -> memref<16x1024xf32, #tpu.memory_space<hbm>>
    tpu.wait_dma2 semaphore(%arg49 : memref<!tpu.dma_semaphore, #tpu.memory_space<semaphore_mem>>) src(%arg20 : memref<16x1024xf32, #tpu.memory_space<vmem>>) dst(%dma_wait3A_359 : memref<16x1024xf32, #tpu.memory_space<hbm>>)
    %dma_wait3A_360 = arith.constant 0 : i32
    %dma_wait3A_361 = tpu.memref_slice %arg8[%add3A_276, %dma_wait3A_360] : memref<4096x1024xf32, #tpu.memory_space<hbm>> -> memref<16x1024xf32, #tpu.memory_space<hbm>>
    %dma_wait3A_362 = arith.constant 0 : i32
    %dma_wait3A_363 = tpu.memref_slice %arg8[%add3A_276, %dma_wait3A_362] : memref<4096x1024xf32, #tpu.memory_space<hbm>> -> memref<16x1024xf32, #tpu.memory_space<hbm>>
    tpu.wait_dma2 semaphore(%arg50 : memref<!tpu.dma_semaphore, #tpu.memory_space<semaphore_mem>>) src(%arg23 : memref<16x1024xf32, #tpu.memory_space<vmem>>) dst(%dma_wait3A_363 : memref<16x1024xf32, #tpu.memory_space<hbm>>)
    %dma_wait3A_364 = arith.constant 0 : i32
    %dma_wait3A_365 = tpu.memref_slice %arg9[%add3A_276, %dma_wait3A_364] : memref<4096x128xf32, #tpu.memory_space<hbm>> -> memref<16x128xf32, #tpu.memory_space<hbm>>
    %dma_wait3A_366 = arith.constant 0 : i32
    %dma_wait3A_367 = tpu.memref_slice %arg9[%add3A_276, %dma_wait3A_366] : memref<4096x128xf32, #tpu.memory_space<hbm>> -> memref<16x128xf32, #tpu.memory_space<hbm>>
    tpu.wait_dma2 semaphore(%arg51 : memref<!tpu.dma_semaphore, #tpu.memory_space<semaphore_mem>>) src(%arg26 : memref<16x128xf32, #tpu.memory_space<vmem>>) dst(%dma_wait3A_367 : memref<16x128xf32, #tpu.memory_space<hbm>>)
    %dma_wait3A_368 = tpu.memref_slice %arg4[%add3A_299] : memref<4096xi32, #tpu.memory_space<hbm>> -> memref<16xi32, #tpu.memory_space<hbm>>
    %dma_wait3A_369 = tpu.memref_slice %arg4[%add3A_299] : memref<4096xi32, #tpu.memory_space<hbm>> -> memref<16xi32, #tpu.memory_space<hbm>>
    tpu.wait_dma2 semaphore(%arg31 : memref<!tpu.dma_semaphore, #tpu.memory_space<semaphore_mem>>) src(%dma_wait3A_369 : memref<16xi32, #tpu.memory_space<hbm>>) dst(%arg11 : memref<16xi32, #tpu.memory_space<vmem>>)
    %dma_wait3A_370 = tpu.memref_slice %arg5[%add3A_299] : memref<4096xi32, #tpu.memory_space<hbm>> -> memref<16xi32, #tpu.memory_space<hbm>>
    %dma_wait3A_371 = tpu.memref_slice %arg5[%add3A_299] : memref<4096xi32, #tpu.memory_space<hbm>> -> memref<16xi32, #tpu.memory_space<hbm>>
    tpu.wait_dma2 semaphore(%arg32 : memref<!tpu.dma_semaphore, #tpu.memory_space<semaphore_mem>>) src(%dma_wait3A_371 : memref<16xi32, #tpu.memory_space<hbm>>) dst(%arg14 : memref<16xi32, #tpu.memory_space<vmem>>)
    %dma_wait3A_372 = tpu.memref_slice %arg6[%add3A_299] : memref<4096xi32, #tpu.memory_space<hbm>> -> memref<16xi32, #tpu.memory_space<hbm>>
    %dma_wait3A_373 = tpu.memref_slice %arg6[%add3A_299] : memref<4096xi32, #tpu.memory_space<hbm>> -> memref<16xi32, #tpu.memory_space<hbm>>
    tpu.wait_dma2 semaphore(%arg33 : memref<!tpu.dma_semaphore, #tpu.memory_space<semaphore_mem>>) src(%dma_wait3A_373 : memref<16xi32, #tpu.memory_space<hbm>>) dst(%arg17 : memref<16xi32, #tpu.memory_space<vmem>>)
    %dma_start3A_374 = arith.constant 0 : i32
    %dma_start3A_375 = arith.constant 0 : i32
    %dma_start3A_376 = tpu.memref_slice %arg2[%dma_start3A_374, %dma_start3A_375] : memref<8192x1024xf32, #tpu.memory_space<hbm>> -> memref<8192x1024xf32, #tpu.memory_space<hbm>>
    tpu.enqueue_indirect_dma source(%dma_start3A_376 : memref<8192x1024xf32, #tpu.memory_space<hbm>>) target(%arg20 : memref<16x1024xf32, #tpu.memory_space<vmem>>) offsets(%arg11 : memref<16xi32, #tpu.memory_space<vmem>>) semaphore(%arg40 : memref<!tpu.dma_semaphore, #tpu.memory_space<semaphore_mem>>)
    %dma_start3A_377 = arith.constant 0 : i32
    %dma_start3A_378 = arith.constant 0 : i32
    %dma_start3A_379 = tpu.memref_slice %arg2[%dma_start3A_377, %dma_start3A_378] : memref<8192x1024xf32, #tpu.memory_space<hbm>> -> memref<8192x1024xf32, #tpu.memory_space<hbm>>
    tpu.enqueue_indirect_dma source(%dma_start3A_379 : memref<8192x1024xf32, #tpu.memory_space<hbm>>) target(%arg23 : memref<16x1024xf32, #tpu.memory_space<vmem>>) offsets(%arg14 : memref<16xi32, #tpu.memory_space<vmem>>) semaphore(%arg41 : memref<!tpu.dma_semaphore, #tpu.memory_space<semaphore_mem>>)
    %dma_start3A_380 = arith.constant 0 : i32
    %dma_start3A_381 = arith.constant 0 : i32
    %dma_start3A_382 = tpu.memref_slice %arg3[%dma_start3A_380, %dma_start3A_381] : memref<2048x128xf32, #tpu.memory_space<hbm>> -> memref<2048x128xf32, #tpu.memory_space<hbm>>
    tpu.enqueue_indirect_dma source(%dma_start3A_382 : memref<2048x128xf32, #tpu.memory_space<hbm>>) target(%arg26 : memref<16x128xf32, #tpu.memory_space<vmem>>) offsets(%arg17 : memref<16xi32, #tpu.memory_space<vmem>>) semaphore(%arg42 : memref<!tpu.dma_semaphore, #tpu.memory_space<semaphore_mem>>)
    %add3A_383 = arith.constant 96 : i32
    %add3A_384 = arith.addi %mul3A_2, %add3A_383 : i32
    %dma_wait3A_385 = arith.constant 0 : i32
    %dma_wait3A_386 = arith.constant 0 : i32
    %dma_wait3A_387 = tpu.memref_slice %arg2[%dma_wait3A_385, %dma_wait3A_386] : memref<8192x1024xf32, #tpu.memory_space<hbm>> -> memref<8192x1024xf32, #tpu.memory_space<hbm>>
    tpu.wait_indirect_dma semaphore(%arg37 : memref<!tpu.dma_semaphore, #tpu.memory_space<semaphore_mem>>) src(%dma_wait3A_387 : memref<8192x1024xf32, #tpu.memory_space<hbm>>) dst(%arg19 : memref<16x1024xf32, #tpu.memory_space<vmem>>)
    %dma_wait3A_388 = arith.constant 0 : i32
    %dma_wait3A_389 = arith.constant 0 : i32
    %dma_wait3A_390 = tpu.memref_slice %arg2[%dma_wait3A_388, %dma_wait3A_389] : memref<8192x1024xf32, #tpu.memory_space<hbm>> -> memref<8192x1024xf32, #tpu.memory_space<hbm>>
    tpu.wait_indirect_dma semaphore(%arg38 : memref<!tpu.dma_semaphore, #tpu.memory_space<semaphore_mem>>) src(%dma_wait3A_390 : memref<8192x1024xf32, #tpu.memory_space<hbm>>) dst(%arg22 : memref<16x1024xf32, #tpu.memory_space<vmem>>)
    %dma_wait3A_391 = arith.constant 0 : i32
    %dma_wait3A_392 = arith.constant 0 : i32
    %dma_wait3A_393 = tpu.memref_slice %arg3[%dma_wait3A_391, %dma_wait3A_392] : memref<2048x128xf32, #tpu.memory_space<hbm>> -> memref<2048x128xf32, #tpu.memory_space<hbm>>
    tpu.wait_indirect_dma semaphore(%arg39 : memref<!tpu.dma_semaphore, #tpu.memory_space<semaphore_mem>>) src(%dma_wait3A_393 : memref<2048x128xf32, #tpu.memory_space<hbm>>) dst(%arg25 : memref<16x128xf32, #tpu.memory_space<vmem>>)
    %dma_start3A_394 = arith.constant 0 : i32
    %dma_start3A_395 = tpu.memref_slice %arg7[%add3A_384, %dma_start3A_394] : memref<4096x1024xf32, #tpu.memory_space<hbm>> -> memref<16x1024xf32, #tpu.memory_space<hbm>>
    %dma_start3A_396 = arith.constant 0 : i32
    %dma_start3A_397 = tpu.memref_slice %arg7[%add3A_384, %dma_start3A_396] : memref<4096x1024xf32, #tpu.memory_space<hbm>> -> memref<16x1024xf32, #tpu.memory_space<hbm>>
    tpu.enqueue_dma source(%arg19 : memref<16x1024xf32, #tpu.memory_space<vmem>>) target(%dma_start3A_397 : memref<16x1024xf32, #tpu.memory_space<hbm>>) target_semaphore(%arg46 : memref<!tpu.dma_semaphore, #tpu.memory_space<semaphore_mem>>)
    %dma_start3A_398 = arith.constant 0 : i32
    %dma_start3A_399 = tpu.memref_slice %arg8[%add3A_384, %dma_start3A_398] : memref<4096x1024xf32, #tpu.memory_space<hbm>> -> memref<16x1024xf32, #tpu.memory_space<hbm>>
    %dma_start3A_400 = arith.constant 0 : i32
    %dma_start3A_401 = tpu.memref_slice %arg8[%add3A_384, %dma_start3A_400] : memref<4096x1024xf32, #tpu.memory_space<hbm>> -> memref<16x1024xf32, #tpu.memory_space<hbm>>
    tpu.enqueue_dma source(%arg22 : memref<16x1024xf32, #tpu.memory_space<vmem>>) target(%dma_start3A_401 : memref<16x1024xf32, #tpu.memory_space<hbm>>) target_semaphore(%arg47 : memref<!tpu.dma_semaphore, #tpu.memory_space<semaphore_mem>>)
    %dma_start3A_402 = arith.constant 0 : i32
    %dma_start3A_403 = tpu.memref_slice %arg9[%add3A_384, %dma_start3A_402] : memref<4096x128xf32, #tpu.memory_space<hbm>> -> memref<16x128xf32, #tpu.memory_space<hbm>>
    %dma_start3A_404 = arith.constant 0 : i32
    %dma_start3A_405 = tpu.memref_slice %arg9[%add3A_384, %dma_start3A_404] : memref<4096x128xf32, #tpu.memory_space<hbm>> -> memref<16x128xf32, #tpu.memory_space<hbm>>
    tpu.enqueue_dma source(%arg25 : memref<16x128xf32, #tpu.memory_space<vmem>>) target(%dma_start3A_405 : memref<16x128xf32, #tpu.memory_space<hbm>>) target_semaphore(%arg48 : memref<!tpu.dma_semaphore, #tpu.memory_space<semaphore_mem>>)
    %add3A_406 = arith.constant 112 : i32
    %add3A_407 = arith.addi %mul3A_2, %add3A_406 : i32
    %dma_wait3A_408 = arith.constant 0 : i32
    %dma_wait3A_409 = arith.constant 0 : i32
    %dma_wait3A_410 = tpu.memref_slice %arg2[%dma_wait3A_408, %dma_wait3A_409] : memref<8192x1024xf32, #tpu.memory_space<hbm>> -> memref<8192x1024xf32, #tpu.memory_space<hbm>>
    tpu.wait_indirect_dma semaphore(%arg40 : memref<!tpu.dma_semaphore, #tpu.memory_space<semaphore_mem>>) src(%dma_wait3A_410 : memref<8192x1024xf32, #tpu.memory_space<hbm>>) dst(%arg20 : memref<16x1024xf32, #tpu.memory_space<vmem>>)
    %dma_wait3A_411 = arith.constant 0 : i32
    %dma_wait3A_412 = arith.constant 0 : i32
    %dma_wait3A_413 = tpu.memref_slice %arg2[%dma_wait3A_411, %dma_wait3A_412] : memref<8192x1024xf32, #tpu.memory_space<hbm>> -> memref<8192x1024xf32, #tpu.memory_space<hbm>>
    tpu.wait_indirect_dma semaphore(%arg41 : memref<!tpu.dma_semaphore, #tpu.memory_space<semaphore_mem>>) src(%dma_wait3A_413 : memref<8192x1024xf32, #tpu.memory_space<hbm>>) dst(%arg23 : memref<16x1024xf32, #tpu.memory_space<vmem>>)
    %dma_wait3A_414 = arith.constant 0 : i32
    %dma_wait3A_415 = arith.constant 0 : i32
    %dma_wait3A_416 = tpu.memref_slice %arg3[%dma_wait3A_414, %dma_wait3A_415] : memref<2048x128xf32, #tpu.memory_space<hbm>> -> memref<2048x128xf32, #tpu.memory_space<hbm>>
    tpu.wait_indirect_dma semaphore(%arg42 : memref<!tpu.dma_semaphore, #tpu.memory_space<semaphore_mem>>) src(%dma_wait3A_416 : memref<2048x128xf32, #tpu.memory_space<hbm>>) dst(%arg26 : memref<16x128xf32, #tpu.memory_space<vmem>>)
    %dma_start3A_417 = arith.constant 0 : i32
    %dma_start3A_418 = tpu.memref_slice %arg7[%add3A_407, %dma_start3A_417] : memref<4096x1024xf32, #tpu.memory_space<hbm>> -> memref<16x1024xf32, #tpu.memory_space<hbm>>
    %dma_start3A_419 = arith.constant 0 : i32
    %dma_start3A_420 = tpu.memref_slice %arg7[%add3A_407, %dma_start3A_419] : memref<4096x1024xf32, #tpu.memory_space<hbm>> -> memref<16x1024xf32, #tpu.memory_space<hbm>>
    tpu.enqueue_dma source(%arg20 : memref<16x1024xf32, #tpu.memory_space<vmem>>) target(%dma_start3A_420 : memref<16x1024xf32, #tpu.memory_space<hbm>>) target_semaphore(%arg49 : memref<!tpu.dma_semaphore, #tpu.memory_space<semaphore_mem>>)
    %dma_start3A_421 = arith.constant 0 : i32
    %dma_start3A_422 = tpu.memref_slice %arg8[%add3A_407, %dma_start3A_421] : memref<4096x1024xf32, #tpu.memory_space<hbm>> -> memref<16x1024xf32, #tpu.memory_space<hbm>>
    %dma_start3A_423 = arith.constant 0 : i32
    %dma_start3A_424 = tpu.memref_slice %arg8[%add3A_407, %dma_start3A_423] : memref<4096x1024xf32, #tpu.memory_space<hbm>> -> memref<16x1024xf32, #tpu.memory_space<hbm>>
    tpu.enqueue_dma source(%arg23 : memref<16x1024xf32, #tpu.memory_space<vmem>>) target(%dma_start3A_424 : memref<16x1024xf32, #tpu.memory_space<hbm>>) target_semaphore(%arg50 : memref<!tpu.dma_semaphore, #tpu.memory_space<semaphore_mem>>)
    %dma_start3A_425 = arith.constant 0 : i32
    %dma_start3A_426 = tpu.memref_slice %arg9[%add3A_407, %dma_start3A_425] : memref<4096x128xf32, #tpu.memory_space<hbm>> -> memref<16x128xf32, #tpu.memory_space<hbm>>
    %dma_start3A_427 = arith.constant 0 : i32
    %dma_start3A_428 = tpu.memref_slice %arg9[%add3A_407, %dma_start3A_427] : memref<4096x128xf32, #tpu.memory_space<hbm>> -> memref<16x128xf32, #tpu.memory_space<hbm>>
    tpu.enqueue_dma source(%arg26 : memref<16x128xf32, #tpu.memory_space<vmem>>) target(%dma_start3A_428 : memref<16x128xf32, #tpu.memory_space<hbm>>) target_semaphore(%arg51 : memref<!tpu.dma_semaphore, #tpu.memory_space<semaphore_mem>>)
    %dma_wait3A_429 = arith.constant 0 : i32
    %dma_wait3A_430 = tpu.memref_slice %arg7[%add3A_334, %dma_wait3A_429] : memref<4096x1024xf32, #tpu.memory_space<hbm>> -> memref<16x1024xf32, #tpu.memory_space<hbm>>
    %dma_wait3A_431 = arith.constant 0 : i32
    %dma_wait3A_432 = tpu.memref_slice %arg7[%add3A_334, %dma_wait3A_431] : memref<4096x1024xf32, #tpu.memory_space<hbm>> -> memref<16x1024xf32, #tpu.memory_space<hbm>>
    tpu.wait_dma2 semaphore(%arg52 : memref<!tpu.dma_semaphore, #tpu.memory_space<semaphore_mem>>) src(%arg21 : memref<16x1024xf32, #tpu.memory_space<vmem>>) dst(%dma_wait3A_432 : memref<16x1024xf32, #tpu.memory_space<hbm>>)
    %dma_wait3A_433 = arith.constant 0 : i32
    %dma_wait3A_434 = tpu.memref_slice %arg8[%add3A_334, %dma_wait3A_433] : memref<4096x1024xf32, #tpu.memory_space<hbm>> -> memref<16x1024xf32, #tpu.memory_space<hbm>>
    %dma_wait3A_435 = arith.constant 0 : i32
    %dma_wait3A_436 = tpu.memref_slice %arg8[%add3A_334, %dma_wait3A_435] : memref<4096x1024xf32, #tpu.memory_space<hbm>> -> memref<16x1024xf32, #tpu.memory_space<hbm>>
    tpu.wait_dma2 semaphore(%arg53 : memref<!tpu.dma_semaphore, #tpu.memory_space<semaphore_mem>>) src(%arg24 : memref<16x1024xf32, #tpu.memory_space<vmem>>) dst(%dma_wait3A_436 : memref<16x1024xf32, #tpu.memory_space<hbm>>)
    %dma_wait3A_437 = arith.constant 0 : i32
    %dma_wait3A_438 = tpu.memref_slice %arg9[%add3A_334, %dma_wait3A_437] : memref<4096x128xf32, #tpu.memory_space<hbm>> -> memref<16x128xf32, #tpu.memory_space<hbm>>
    %dma_wait3A_439 = arith.constant 0 : i32
    %dma_wait3A_440 = tpu.memref_slice %arg9[%add3A_334, %dma_wait3A_439] : memref<4096x128xf32, #tpu.memory_space<hbm>> -> memref<16x128xf32, #tpu.memory_space<hbm>>
    tpu.wait_dma2 semaphore(%arg54 : memref<!tpu.dma_semaphore, #tpu.memory_space<semaphore_mem>>) src(%arg27 : memref<16x128xf32, #tpu.memory_space<vmem>>) dst(%dma_wait3A_440 : memref<16x128xf32, #tpu.memory_space<hbm>>)
    %dma_wait3A_441 = arith.constant 0 : i32
    %dma_wait3A_442 = tpu.memref_slice %arg7[%add3A_384, %dma_wait3A_441] : memref<4096x1024xf32, #tpu.memory_space<hbm>> -> memref<16x1024xf32, #tpu.memory_space<hbm>>
    %dma_wait3A_443 = arith.constant 0 : i32
    %dma_wait3A_444 = tpu.memref_slice %arg7[%add3A_384, %dma_wait3A_443] : memref<4096x1024xf32, #tpu.memory_space<hbm>> -> memref<16x1024xf32, #tpu.memory_space<hbm>>
    tpu.wait_dma2 semaphore(%arg46 : memref<!tpu.dma_semaphore, #tpu.memory_space<semaphore_mem>>) src(%arg19 : memref<16x1024xf32, #tpu.memory_space<vmem>>) dst(%dma_wait3A_444 : memref<16x1024xf32, #tpu.memory_space<hbm>>)
    %dma_wait3A_445 = arith.constant 0 : i32
    %dma_wait3A_446 = tpu.memref_slice %arg8[%add3A_384, %dma_wait3A_445] : memref<4096x1024xf32, #tpu.memory_space<hbm>> -> memref<16x1024xf32, #tpu.memory_space<hbm>>
    %dma_wait3A_447 = arith.constant 0 : i32
    %dma_wait3A_448 = tpu.memref_slice %arg8[%add3A_384, %dma_wait3A_447] : memref<4096x1024xf32, #tpu.memory_space<hbm>> -> memref<16x1024xf32, #tpu.memory_space<hbm>>
    tpu.wait_dma2 semaphore(%arg47 : memref<!tpu.dma_semaphore, #tpu.memory_space<semaphore_mem>>) src(%arg22 : memref<16x1024xf32, #tpu.memory_space<vmem>>) dst(%dma_wait3A_448 : memref<16x1024xf32, #tpu.memory_space<hbm>>)
    %dma_wait3A_449 = arith.constant 0 : i32
    %dma_wait3A_450 = tpu.memref_slice %arg9[%add3A_384, %dma_wait3A_449] : memref<4096x128xf32, #tpu.memory_space<hbm>> -> memref<16x128xf32, #tpu.memory_space<hbm>>
    %dma_wait3A_451 = arith.constant 0 : i32
    %dma_wait3A_452 = tpu.memref_slice %arg9[%add3A_384, %dma_wait3A_451] : memref<4096x128xf32, #tpu.memory_space<hbm>> -> memref<16x128xf32, #tpu.memory_space<hbm>>
    tpu.wait_dma2 semaphore(%arg48 : memref<!tpu.dma_semaphore, #tpu.memory_space<semaphore_mem>>) src(%arg25 : memref<16x128xf32, #tpu.memory_space<vmem>>) dst(%dma_wait3A_452 : memref<16x128xf32, #tpu.memory_space<hbm>>)
    %dma_wait3A_453 = arith.constant 0 : i32
    %dma_wait3A_454 = tpu.memref_slice %arg7[%add3A_407, %dma_wait3A_453] : memref<4096x1024xf32, #tpu.memory_space<hbm>> -> memref<16x1024xf32, #tpu.memory_space<hbm>>
    %dma_wait3A_455 = arith.constant 0 : i32
    %dma_wait3A_456 = tpu.memref_slice %arg7[%add3A_407, %dma_wait3A_455] : memref<4096x1024xf32, #tpu.memory_space<hbm>> -> memref<16x1024xf32, #tpu.memory_space<hbm>>
    tpu.wait_dma2 semaphore(%arg49 : memref<!tpu.dma_semaphore, #tpu.memory_space<semaphore_mem>>) src(%arg20 : memref<16x1024xf32, #tpu.memory_space<vmem>>) dst(%dma_wait3A_456 : memref<16x1024xf32, #tpu.memory_space<hbm>>)
    %dma_wait3A_457 = arith.constant 0 : i32
    %dma_wait3A_458 = tpu.memref_slice %arg8[%add3A_407, %dma_wait3A_457] : memref<4096x1024xf32, #tpu.memory_space<hbm>> -> memref<16x1024xf32, #tpu.memory_space<hbm>>
    %dma_wait3A_459 = arith.constant 0 : i32
    %dma_wait3A_460 = tpu.memref_slice %arg8[%add3A_407, %dma_wait3A_459] : memref<4096x1024xf32, #tpu.memory_space<hbm>> -> memref<16x1024xf32, #tpu.memory_space<hbm>>
    tpu.wait_dma2 semaphore(%arg50 : memref<!tpu.dma_semaphore, #tpu.memory_space<semaphore_mem>>) src(%arg23 : memref<16x1024xf32, #tpu.memory_space<vmem>>) dst(%dma_wait3A_460 : memref<16x1024xf32, #tpu.memory_space<hbm>>)
    %dma_wait3A_461 = arith.constant 0 : i32
    %dma_wait3A_462 = tpu.memref_slice %arg9[%add3A_407, %dma_wait3A_461] : memref<4096x128xf32, #tpu.memory_space<hbm>> -> memref<16x128xf32, #tpu.memory_space<hbm>>
    %dma_wait3A_463 = arith.constant 0 : i32
    %dma_wait3A_464 = tpu.memref_slice %arg9[%add3A_407, %dma_wait3A_463] : memref<4096x128xf32, #tpu.memory_space<hbm>> -> memref<16x128xf32, #tpu.memory_space<hbm>>
    tpu.wait_dma2 semaphore(%arg51 : memref<!tpu.dma_semaphore, #tpu.memory_space<semaphore_mem>>) src(%arg26 : memref<16x128xf32, #tpu.memory_space<vmem>>) dst(%dma_wait3A_464 : memref<16x128xf32, #tpu.memory_space<hbm>>)
    return
  }
}

#map = affine_map<(d0, d1) -> (0, 0)>
#map1 = affine_map<(d0, d1) -> (0)>
module attributes {stable_mosaic.version = 14 : i64} {
  func.func @body(%arg0: i32, %arg1: i32, %arg2: memref<8192x1024xf32, #tpu.memory_space<hbm>>, %arg3: memref<2048x128xf32, #tpu.memory_space<hbm>>, %arg4: memref<4096xi32, #tpu.memory_space<hbm>>, %arg5: memref<4096xi32, #tpu.memory_space<hbm>>, %arg6: memref<4096xi32, #tpu.memory_space<hbm>>, %arg7: memref<4096x1024xf32, #tpu.memory_space<hbm>>, %arg8: memref<4096x1024xf32, #tpu.memory_space<hbm>>, %arg9: memref<4096x128xf32, #tpu.memory_space<hbm>>, %arg10: memref<16xi32, #tpu.memory_space<vmem>>, %arg11: memref<16xi32, #tpu.memory_space<vmem>>, %arg12: memref<16xi32, #tpu.memory_space<vmem>>, %arg13: memref<16xi32, #tpu.memory_space<vmem>>, %arg14: memref<16xi32, #tpu.memory_space<vmem>>, %arg15: memref<16xi32, #tpu.memory_space<vmem>>, %arg16: memref<16xi32, #tpu.memory_space<vmem>>, %arg17: memref<16xi32, #tpu.memory_space<vmem>>, %arg18: memref<16xi32, #tpu.memory_space<vmem>>, %arg19: memref<16x1024xf32, #tpu.memory_space<vmem>>, %arg20: memref<16x1024xf32, #tpu.memory_space<vmem>>, %arg21: memref<16x1024xf32, #tpu.memory_space<vmem>>, %arg22: memref<16x1024xf32, #tpu.memory_space<vmem>>, %arg23: memref<16x1024xf32, #tpu.memory_space<vmem>>, %arg24: memref<16x1024xf32, #tpu.memory_space<vmem>>, %arg25: memref<16x128xf32, #tpu.memory_space<vmem>>, %arg26: memref<16x128xf32, #tpu.memory_space<vmem>>, %arg27: memref<16x128xf32, #tpu.memory_space<vmem>>, %arg28: memref<!tpu.dma_semaphore, #tpu.memory_space<semaphore_mem>>, %arg29: memref<!tpu.dma_semaphore, #tpu.memory_space<semaphore_mem>>, %arg30: memref<!tpu.dma_semaphore, #tpu.memory_space<semaphore_mem>>, %arg31: memref<!tpu.dma_semaphore, #tpu.memory_space<semaphore_mem>>, %arg32: memref<!tpu.dma_semaphore, #tpu.memory_space<semaphore_mem>>, %arg33: memref<!tpu.dma_semaphore, #tpu.memory_space<semaphore_mem>>, %arg34: memref<!tpu.dma_semaphore, #tpu.memory_space<semaphore_mem>>, %arg35: memref<!tpu.dma_semaphore, #tpu.memory_space<semaphore_mem>>, %arg36: memref<!tpu.dma_semaphore, #tpu.memory_space<semaphore_mem>>, %arg37: memref<!tpu.dma_semaphore, #tpu.memory_space<semaphore_mem>>, %arg38: memref<!tpu.dma_semaphore, #tpu.memory_space<semaphore_mem>>, %arg39: memref<!tpu.dma_semaphore, #tpu.memory_space<semaphore_mem>>, %arg40: memref<!tpu.dma_semaphore, #tpu.memory_space<semaphore_mem>>, %arg41: memref<!tpu.dma_semaphore, #tpu.memory_space<semaphore_mem>>, %arg42: memref<!tpu.dma_semaphore, #tpu.memory_space<semaphore_mem>>, %arg43: memref<!tpu.dma_semaphore, #tpu.memory_space<semaphore_mem>>, %arg44: memref<!tpu.dma_semaphore, #tpu.memory_space<semaphore_mem>>, %arg45: memref<!tpu.dma_semaphore, #tpu.memory_space<semaphore_mem>>, %arg46: memref<!tpu.dma_semaphore, #tpu.memory_space<semaphore_mem>>, %arg47: memref<!tpu.dma_semaphore, #tpu.memory_space<semaphore_mem>>, %arg48: memref<!tpu.dma_semaphore, #tpu.memory_space<semaphore_mem>>, %arg49: memref<!tpu.dma_semaphore, #tpu.memory_space<semaphore_mem>>, %arg50: memref<!tpu.dma_semaphore, #tpu.memory_space<semaphore_mem>>, %arg51: memref<!tpu.dma_semaphore, #tpu.memory_space<semaphore_mem>>, %arg52: memref<!tpu.dma_semaphore, #tpu.memory_space<semaphore_mem>>, %arg53: memref<!tpu.dma_semaphore, #tpu.memory_space<semaphore_mem>>, %arg54: memref<!tpu.dma_semaphore, #tpu.memory_space<semaphore_mem>>) attributes {dimension_semantics = [#tpu.dimension_semantics<core_parallel>, #tpu.dimension_semantics<subcore_parallel>], iteration_bounds = array<i64: 2, 16>, scalar_prefetch = 0 : i64, scratch_operands = 45 : i64, tpu.core_type = #tpu.core_type<sc_vector_subcore>, window_params = [{transform_indices = #map}, {transform_indices = #map}, {transform_indices = #map1}, {transform_indices = #map1}, {transform_indices = #map1}, {transform_indices = #map}, {transform_indices = #map}, {transform_indices = #map}]} {
    %mul3A = arith.constant 2 : i32
    %mul3A_0 = arith.muli %arg1, %mul3A : i32
    %add3A = arith.addi %mul3A_0, %arg0 : i32
    %mul3A_1 = arith.constant 128 : i32
    %mul3A_2 = arith.muli %add3A, %mul3A_1 : i32
    %add3A_3 = arith.constant 0 : i32
    %add3A_4 = arith.addi %mul3A_2, %add3A_3 : i32
    %dma_start3A = tpu.memref_slice %arg4[%add3A_4] : memref<4096xi32, #tpu.memory_space<hbm>> -> memref<16xi32, #tpu.memory_space<hbm>>
    %dma_start3A_5 = tpu.memref_slice %arg4[%add3A_4] : memref<4096xi32, #tpu.memory_space<hbm>> -> memref<16xi32, #tpu.memory_space<hbm>>
    tpu.enqueue_dma source(%dma_start3A_5 : memref<16xi32, #tpu.memory_space<hbm>>) target(%arg10 : memref<16xi32, #tpu.memory_space<vmem>>) target_semaphore(%arg28 : memref<!tpu.dma_semaphore, #tpu.memory_space<semaphore_mem>>)
    %dma_start3A_6 = tpu.memref_slice %arg5[%add3A_4] : memref<4096xi32, #tpu.memory_space<hbm>> -> memref<16xi32, #tpu.memory_space<hbm>>
    %dma_start3A_7 = tpu.memref_slice %arg5[%add3A_4] : memref<4096xi32, #tpu.memory_space<hbm>> -> memref<16xi32, #tpu.memory_space<hbm>>
    tpu.enqueue_dma source(%dma_start3A_7 : memref<16xi32, #tpu.memory_space<hbm>>) target(%arg13 : memref<16xi32, #tpu.memory_space<vmem>>) target_semaphore(%arg29 : memref<!tpu.dma_semaphore, #tpu.memory_space<semaphore_mem>>)
    %dma_start3A_8 = tpu.memref_slice %arg6[%add3A_4] : memref<4096xi32, #tpu.memory_space<hbm>> -> memref<16xi32, #tpu.memory_space<hbm>>
    %dma_start3A_9 = tpu.memref_slice %arg6[%add3A_4] : memref<4096xi32, #tpu.memory_space<hbm>> -> memref<16xi32, #tpu.memory_space<hbm>>
    tpu.enqueue_dma source(%dma_start3A_9 : memref<16xi32, #tpu.memory_space<hbm>>) target(%arg16 : memref<16xi32, #tpu.memory_space<vmem>>) target_semaphore(%arg30 : memref<!tpu.dma_semaphore, #tpu.memory_space<semaphore_mem>>)
    %add3A_10 = arith.constant 16 : i32
    %add3A_11 = arith.addi %mul3A_2, %add3A_10 : i32
    %dma_start3A_12 = tpu.memref_slice %arg4[%add3A_11] : memref<4096xi32, #tpu.memory_space<hbm>> -> memref<16xi32, #tpu.memory_space<hbm>>
    %dma_start3A_13 = tpu.memref_slice %arg4[%add3A_11] : memref<4096xi32, #tpu.memory_space<hbm>> -> memref<16xi32, #tpu.memory_space<hbm>>
    tpu.enqueue_dma source(%dma_start3A_13 : memref<16xi32, #tpu.memory_space<hbm>>) target(%arg11 : memref<16xi32, #tpu.memory_space<vmem>>) target_semaphore(%arg31 : memref<!tpu.dma_semaphore, #tpu.memory_space<semaphore_mem>>)
    %dma_start3A_14 = tpu.memref_slice %arg5[%add3A_11] : memref<4096xi32, #tpu.memory_space<hbm>> -> memref<16xi32, #tpu.memory_space<hbm>>
    %dma_start3A_15 = tpu.memref_slice %arg5[%add3A_11] : memref<4096xi32, #tpu.memory_space<hbm>> -> memref<16xi32, #tpu.memory_space<hbm>>
    tpu.enqueue_dma source(%dma_start3A_15 : memref<16xi32, #tpu.memory_space<hbm>>) target(%arg14 : memref<16xi32, #tpu.memory_space<vmem>>) target_semaphore(%arg32 : memref<!tpu.dma_semaphore, #tpu.memory_space<semaphore_mem>>)
    %dma_start3A_16 = tpu.memref_slice %arg6[%add3A_11] : memref<4096xi32, #tpu.memory_space<hbm>> -> memref<16xi32, #tpu.memory_space<hbm>>
    %dma_start3A_17 = tpu.memref_slice %arg6[%add3A_11] : memref<4096xi32, #tpu.memory_space<hbm>> -> memref<16xi32, #tpu.memory_space<hbm>>
    tpu.enqueue_dma source(%dma_start3A_17 : memref<16xi32, #tpu.memory_space<hbm>>) target(%arg17 : memref<16xi32, #tpu.memory_space<vmem>>) target_semaphore(%arg33 : memref<!tpu.dma_semaphore, #tpu.memory_space<semaphore_mem>>)
    %dma_wait3A = tpu.memref_slice %arg4[%add3A_4] : memref<4096xi32, #tpu.memory_space<hbm>> -> memref<16xi32, #tpu.memory_space<hbm>>
    %dma_wait3A_18 = tpu.memref_slice %arg4[%add3A_4] : memref<4096xi32, #tpu.memory_space<hbm>> -> memref<16xi32, #tpu.memory_space<hbm>>
    tpu.wait_dma2 semaphore(%arg28 : memref<!tpu.dma_semaphore, #tpu.memory_space<semaphore_mem>>) src(%dma_wait3A_18 : memref<16xi32, #tpu.memory_space<hbm>>) dst(%arg10 : memref<16xi32, #tpu.memory_space<vmem>>)
    %dma_wait3A_19 = tpu.memref_slice %arg5[%add3A_4] : memref<4096xi32, #tpu.memory_space<hbm>> -> memref<16xi32, #tpu.memory_space<hbm>>
    %dma_wait3A_20 = tpu.memref_slice %arg5[%add3A_4] : memref<4096xi32, #tpu.memory_space<hbm>> -> memref<16xi32, #tpu.memory_space<hbm>>
    tpu.wait_dma2 semaphore(%arg29 : memref<!tpu.dma_semaphore, #tpu.memory_space<semaphore_mem>>) src(%dma_wait3A_20 : memref<16xi32, #tpu.memory_space<hbm>>) dst(%arg13 : memref<16xi32, #tpu.memory_space<vmem>>)
    %dma_wait3A_21 = tpu.memref_slice %arg6[%add3A_4] : memref<4096xi32, #tpu.memory_space<hbm>> -> memref<16xi32, #tpu.memory_space<hbm>>
    %dma_wait3A_22 = tpu.memref_slice %arg6[%add3A_4] : memref<4096xi32, #tpu.memory_space<hbm>> -> memref<16xi32, #tpu.memory_space<hbm>>
    tpu.wait_dma2 semaphore(%arg30 : memref<!tpu.dma_semaphore, #tpu.memory_space<semaphore_mem>>) src(%dma_wait3A_22 : memref<16xi32, #tpu.memory_space<hbm>>) dst(%arg16 : memref<16xi32, #tpu.memory_space<vmem>>)
    %dma_start3A_23 = arith.constant 0 : i32
    %dma_start3A_24 = arith.constant 0 : i32
    %dma_start3A_25 = tpu.memref_slice %arg2[%dma_start3A_23, %dma_start3A_24] : memref<8192x1024xf32, #tpu.memory_space<hbm>> -> memref<8192x1024xf32, #tpu.memory_space<hbm>>
    tpu.enqueue_indirect_dma source(%dma_start3A_25 : memref<8192x1024xf32, #tpu.memory_space<hbm>>) target(%arg19 : memref<16x1024xf32, #tpu.memory_space<vmem>>) offsets(%arg10 : memref<16xi32, #tpu.memory_space<vmem>>) semaphore(%arg37 : memref<!tpu.dma_semaphore, #tpu.memory_space<semaphore_mem>>)
    %dma_start3A_26 = arith.constant 0 : i32
    %dma_start3A_27 = arith.constant 0 : i32
    %dma_start3A_28 = tpu.memref_slice %arg2[%dma_start3A_26, %dma_start3A_27] : memref<8192x1024xf32, #tpu.memory_space<hbm>> -> memref<8192x1024xf32, #tpu.memory_space<hbm>>
    tpu.enqueue_indirect_dma source(%dma_start3A_28 : memref<8192x1024xf32, #tpu.memory_space<hbm>>) target(%arg22 : memref<16x1024xf32, #tpu.memory_space<vmem>>) offsets(%arg13 : memref<16xi32, #tpu.memory_space<vmem>>) semaphore(%arg38 : memref<!tpu.dma_semaphore, #tpu.memory_space<semaphore_mem>>)
    %dma_start3A_29 = arith.constant 0 : i32
    %dma_start3A_30 = arith.constant 0 : i32
    %dma_start3A_31 = tpu.memref_slice %arg3[%dma_start3A_29, %dma_start3A_30] : memref<2048x128xf32, #tpu.memory_space<hbm>> -> memref<2048x128xf32, #tpu.memory_space<hbm>>
    tpu.enqueue_indirect_dma source(%dma_start3A_31 : memref<2048x128xf32, #tpu.memory_space<hbm>>) target(%arg25 : memref<16x128xf32, #tpu.memory_space<vmem>>) offsets(%arg16 : memref<16xi32, #tpu.memory_space<vmem>>) semaphore(%arg39 : memref<!tpu.dma_semaphore, #tpu.memory_space<semaphore_mem>>)
    %add3A_32 = arith.constant 32 : i32
    %add3A_33 = arith.addi %mul3A_2, %add3A_32 : i32
    %dma_start3A_34 = tpu.memref_slice %arg4[%add3A_33] : memref<4096xi32, #tpu.memory_space<hbm>> -> memref<16xi32, #tpu.memory_space<hbm>>
    %dma_start3A_35 = tpu.memref_slice %arg4[%add3A_33] : memref<4096xi32, #tpu.memory_space<hbm>> -> memref<16xi32, #tpu.memory_space<hbm>>
    tpu.enqueue_dma source(%dma_start3A_35 : memref<16xi32, #tpu.memory_space<hbm>>) target(%arg12 : memref<16xi32, #tpu.memory_space<vmem>>) target_semaphore(%arg34 : memref<!tpu.dma_semaphore, #tpu.memory_space<semaphore_mem>>)
    %dma_start3A_36 = tpu.memref_slice %arg5[%add3A_33] : memref<4096xi32, #tpu.memory_space<hbm>> -> memref<16xi32, #tpu.memory_space<hbm>>
    %dma_start3A_37 = tpu.memref_slice %arg5[%add3A_33] : memref<4096xi32, #tpu.memory_space<hbm>> -> memref<16xi32, #tpu.memory_space<hbm>>
    tpu.enqueue_dma source(%dma_start3A_37 : memref<16xi32, #tpu.memory_space<hbm>>) target(%arg15 : memref<16xi32, #tpu.memory_space<vmem>>) target_semaphore(%arg35 : memref<!tpu.dma_semaphore, #tpu.memory_space<semaphore_mem>>)
    %dma_start3A_38 = tpu.memref_slice %arg6[%add3A_33] : memref<4096xi32, #tpu.memory_space<hbm>> -> memref<16xi32, #tpu.memory_space<hbm>>
    %dma_start3A_39 = tpu.memref_slice %arg6[%add3A_33] : memref<4096xi32, #tpu.memory_space<hbm>> -> memref<16xi32, #tpu.memory_space<hbm>>
    tpu.enqueue_dma source(%dma_start3A_39 : memref<16xi32, #tpu.memory_space<hbm>>) target(%arg18 : memref<16xi32, #tpu.memory_space<vmem>>) target_semaphore(%arg36 : memref<!tpu.dma_semaphore, #tpu.memory_space<semaphore_mem>>)
    %dma_wait3A_40 = tpu.memref_slice %arg4[%add3A_11] : memref<4096xi32, #tpu.memory_space<hbm>> -> memref<16xi32, #tpu.memory_space<hbm>>
    %dma_wait3A_41 = tpu.memref_slice %arg4[%add3A_11] : memref<4096xi32, #tpu.memory_space<hbm>> -> memref<16xi32, #tpu.memory_space<hbm>>
    tpu.wait_dma2 semaphore(%arg31 : memref<!tpu.dma_semaphore, #tpu.memory_space<semaphore_mem>>) src(%dma_wait3A_41 : memref<16xi32, #tpu.memory_space<hbm>>) dst(%arg11 : memref<16xi32, #tpu.memory_space<vmem>>)
    %dma_wait3A_42 = tpu.memref_slice %arg5[%add3A_11] : memref<4096xi32, #tpu.memory_space<hbm>> -> memref<16xi32, #tpu.memory_space<hbm>>
    %dma_wait3A_43 = tpu.memref_slice %arg5[%add3A_11] : memref<4096xi32, #tpu.memory_space<hbm>> -> memref<16xi32, #tpu.memory_space<hbm>>
    tpu.wait_dma2 semaphore(%arg32 : memref<!tpu.dma_semaphore, #tpu.memory_space<semaphore_mem>>) src(%dma_wait3A_43 : memref<16xi32, #tpu.memory_space<hbm>>) dst(%arg14 : memref<16xi32, #tpu.memory_space<vmem>>)
    %dma_wait3A_44 = tpu.memref_slice %arg6[%add3A_11] : memref<4096xi32, #tpu.memory_space<hbm>> -> memref<16xi32, #tpu.memory_space<hbm>>
    %dma_wait3A_45 = tpu.memref_slice %arg6[%add3A_11] : memref<4096xi32, #tpu.memory_space<hbm>> -> memref<16xi32, #tpu.memory_space<hbm>>
    tpu.wait_dma2 semaphore(%arg33 : memref<!tpu.dma_semaphore, #tpu.memory_space<semaphore_mem>>) src(%dma_wait3A_45 : memref<16xi32, #tpu.memory_space<hbm>>) dst(%arg17 : memref<16xi32, #tpu.memory_space<vmem>>)
    %dma_start3A_46 = arith.constant 0 : i32
    %dma_start3A_47 = arith.constant 0 : i32
    %dma_start3A_48 = tpu.memref_slice %arg2[%dma_start3A_46, %dma_start3A_47] : memref<8192x1024xf32, #tpu.memory_space<hbm>> -> memref<8192x1024xf32, #tpu.memory_space<hbm>>
    tpu.enqueue_indirect_dma source(%dma_start3A_48 : memref<8192x1024xf32, #tpu.memory_space<hbm>>) target(%arg20 : memref<16x1024xf32, #tpu.memory_space<vmem>>) offsets(%arg11 : memref<16xi32, #tpu.memory_space<vmem>>) semaphore(%arg40 : memref<!tpu.dma_semaphore, #tpu.memory_space<semaphore_mem>>)
    %dma_start3A_49 = arith.constant 0 : i32
    %dma_start3A_50 = arith.constant 0 : i32
    %dma_start3A_51 = tpu.memref_slice %arg2[%dma_start3A_49, %dma_start3A_50] : memref<8192x1024xf32, #tpu.memory_space<hbm>> -> memref<8192x1024xf32, #tpu.memory_space<hbm>>
    tpu.enqueue_indirect_dma source(%dma_start3A_51 : memref<8192x1024xf32, #tpu.memory_space<hbm>>) target(%arg23 : memref<16x1024xf32, #tpu.memory_space<vmem>>) offsets(%arg14 : memref<16xi32, #tpu.memory_space<vmem>>) semaphore(%arg41 : memref<!tpu.dma_semaphore, #tpu.memory_space<semaphore_mem>>)
    %dma_start3A_52 = arith.constant 0 : i32
    %dma_start3A_53 = arith.constant 0 : i32
    %dma_start3A_54 = tpu.memref_slice %arg3[%dma_start3A_52, %dma_start3A_53] : memref<2048x128xf32, #tpu.memory_space<hbm>> -> memref<2048x128xf32, #tpu.memory_space<hbm>>
    tpu.enqueue_indirect_dma source(%dma_start3A_54 : memref<2048x128xf32, #tpu.memory_space<hbm>>) target(%arg26 : memref<16x128xf32, #tpu.memory_space<vmem>>) offsets(%arg17 : memref<16xi32, #tpu.memory_space<vmem>>) semaphore(%arg42 : memref<!tpu.dma_semaphore, #tpu.memory_space<semaphore_mem>>)
    %add3A_55 = arith.constant 0 : i32
    %add3A_56 = arith.addi %mul3A_2, %add3A_55 : i32
    %dma_wait3A_57 = arith.constant 0 : i32
    %dma_wait3A_58 = arith.constant 0 : i32
    %dma_wait3A_59 = tpu.memref_slice %arg2[%dma_wait3A_57, %dma_wait3A_58] : memref<8192x1024xf32, #tpu.memory_space<hbm>> -> memref<8192x1024xf32, #tpu.memory_space<hbm>>
    tpu.wait_indirect_dma semaphore(%arg37 : memref<!tpu.dma_semaphore, #tpu.memory_space<semaphore_mem>>) src(%dma_wait3A_59 : memref<8192x1024xf32, #tpu.memory_space<hbm>>) dst(%arg19 : memref<16x1024xf32, #tpu.memory_space<vmem>>)
    %dma_wait3A_60 = arith.constant 0 : i32
    %dma_wait3A_61 = arith.constant 0 : i32
    %dma_wait3A_62 = tpu.memref_slice %arg2[%dma_wait3A_60, %dma_wait3A_61] : memref<8192x1024xf32, #tpu.memory_space<hbm>> -> memref<8192x1024xf32, #tpu.memory_space<hbm>>
    tpu.wait_indirect_dma semaphore(%arg38 : memref<!tpu.dma_semaphore, #tpu.memory_space<semaphore_mem>>) src(%dma_wait3A_62 : memref<8192x1024xf32, #tpu.memory_space<hbm>>) dst(%arg22 : memref<16x1024xf32, #tpu.memory_space<vmem>>)
    %dma_wait3A_63 = arith.constant 0 : i32
    %dma_wait3A_64 = arith.constant 0 : i32
    %dma_wait3A_65 = tpu.memref_slice %arg3[%dma_wait3A_63, %dma_wait3A_64] : memref<2048x128xf32, #tpu.memory_space<hbm>> -> memref<2048x128xf32, #tpu.memory_space<hbm>>
    tpu.wait_indirect_dma semaphore(%arg39 : memref<!tpu.dma_semaphore, #tpu.memory_space<semaphore_mem>>) src(%dma_wait3A_65 : memref<2048x128xf32, #tpu.memory_space<hbm>>) dst(%arg25 : memref<16x128xf32, #tpu.memory_space<vmem>>)
    %dma_start3A_66 = arith.constant 0 : i32
    %dma_start3A_67 = tpu.memref_slice %arg7[%add3A_56, %dma_start3A_66] : memref<4096x1024xf32, #tpu.memory_space<hbm>> -> memref<16x1024xf32, #tpu.memory_space<hbm>>
    %dma_start3A_68 = arith.constant 0 : i32
    %dma_start3A_69 = tpu.memref_slice %arg7[%add3A_56, %dma_start3A_68] : memref<4096x1024xf32, #tpu.memory_space<hbm>> -> memref<16x1024xf32, #tpu.memory_space<hbm>>
    tpu.enqueue_dma source(%arg19 : memref<16x1024xf32, #tpu.memory_space<vmem>>) target(%dma_start3A_69 : memref<16x1024xf32, #tpu.memory_space<hbm>>) target_semaphore(%arg46 : memref<!tpu.dma_semaphore, #tpu.memory_space<semaphore_mem>>)
    %dma_start3A_70 = arith.constant 0 : i32
    %dma_start3A_71 = tpu.memref_slice %arg8[%add3A_56, %dma_start3A_70] : memref<4096x1024xf32, #tpu.memory_space<hbm>> -> memref<16x1024xf32, #tpu.memory_space<hbm>>
    %dma_start3A_72 = arith.constant 0 : i32
    %dma_start3A_73 = tpu.memref_slice %arg8[%add3A_56, %dma_start3A_72] : memref<4096x1024xf32, #tpu.memory_space<hbm>> -> memref<16x1024xf32, #tpu.memory_space<hbm>>
    tpu.enqueue_dma source(%arg22 : memref<16x1024xf32, #tpu.memory_space<vmem>>) target(%dma_start3A_73 : memref<16x1024xf32, #tpu.memory_space<hbm>>) target_semaphore(%arg47 : memref<!tpu.dma_semaphore, #tpu.memory_space<semaphore_mem>>)
    %dma_start3A_74 = arith.constant 0 : i32
    %dma_start3A_75 = tpu.memref_slice %arg9[%add3A_56, %dma_start3A_74] : memref<4096x128xf32, #tpu.memory_space<hbm>> -> memref<16x128xf32, #tpu.memory_space<hbm>>
    %dma_start3A_76 = arith.constant 0 : i32
    %dma_start3A_77 = tpu.memref_slice %arg9[%add3A_56, %dma_start3A_76] : memref<4096x128xf32, #tpu.memory_space<hbm>> -> memref<16x128xf32, #tpu.memory_space<hbm>>
    tpu.enqueue_dma source(%arg25 : memref<16x128xf32, #tpu.memory_space<vmem>>) target(%dma_start3A_77 : memref<16x128xf32, #tpu.memory_space<hbm>>) target_semaphore(%arg48 : memref<!tpu.dma_semaphore, #tpu.memory_space<semaphore_mem>>)
    %add3A_78 = arith.constant 48 : i32
    %add3A_79 = arith.addi %mul3A_2, %add3A_78 : i32
    %dma_start3A_80 = tpu.memref_slice %arg4[%add3A_79] : memref<4096xi32, #tpu.memory_space<hbm>> -> memref<16xi32, #tpu.memory_space<hbm>>
    %dma_start3A_81 = tpu.memref_slice %arg4[%add3A_79] : memref<4096xi32, #tpu.memory_space<hbm>> -> memref<16xi32, #tpu.memory_space<hbm>>
    tpu.enqueue_dma source(%dma_start3A_81 : memref<16xi32, #tpu.memory_space<hbm>>) target(%arg10 : memref<16xi32, #tpu.memory_space<vmem>>) target_semaphore(%arg28 : memref<!tpu.dma_semaphore, #tpu.memory_space<semaphore_mem>>)
    %dma_start3A_82 = tpu.memref_slice %arg5[%add3A_79] : memref<4096xi32, #tpu.memory_space<hbm>> -> memref<16xi32, #tpu.memory_space<hbm>>
    %dma_start3A_83 = tpu.memref_slice %arg5[%add3A_79] : memref<4096xi32, #tpu.memory_space<hbm>> -> memref<16xi32, #tpu.memory_space<hbm>>
    tpu.enqueue_dma source(%dma_start3A_83 : memref<16xi32, #tpu.memory_space<hbm>>) target(%arg13 : memref<16xi32, #tpu.memory_space<vmem>>) target_semaphore(%arg29 : memref<!tpu.dma_semaphore, #tpu.memory_space<semaphore_mem>>)
    %dma_start3A_84 = tpu.memref_slice %arg6[%add3A_79] : memref<4096xi32, #tpu.memory_space<hbm>> -> memref<16xi32, #tpu.memory_space<hbm>>
    %dma_start3A_85 = tpu.memref_slice %arg6[%add3A_79] : memref<4096xi32, #tpu.memory_space<hbm>> -> memref<16xi32, #tpu.memory_space<hbm>>
    tpu.enqueue_dma source(%dma_start3A_85 : memref<16xi32, #tpu.memory_space<hbm>>) target(%arg16 : memref<16xi32, #tpu.memory_space<vmem>>) target_semaphore(%arg30 : memref<!tpu.dma_semaphore, #tpu.memory_space<semaphore_mem>>)
    %dma_wait3A_86 = tpu.memref_slice %arg4[%add3A_33] : memref<4096xi32, #tpu.memory_space<hbm>> -> memref<16xi32, #tpu.memory_space<hbm>>
    %dma_wait3A_87 = tpu.memref_slice %arg4[%add3A_33] : memref<4096xi32, #tpu.memory_space<hbm>> -> memref<16xi32, #tpu.memory_space<hbm>>
    tpu.wait_dma2 semaphore(%arg34 : memref<!tpu.dma_semaphore, #tpu.memory_space<semaphore_mem>>) src(%dma_wait3A_87 : memref<16xi32, #tpu.memory_space<hbm>>) dst(%arg12 : memref<16xi32, #tpu.memory_space<vmem>>)
    %dma_wait3A_88 = tpu.memref_slice %arg5[%add3A_33] : memref<4096xi32, #tpu.memory_space<hbm>> -> memref<16xi32, #tpu.memory_space<hbm>>
    %dma_wait3A_89 = tpu.memref_slice %arg5[%add3A_33] : memref<4096xi32, #tpu.memory_space<hbm>> -> memref<16xi32, #tpu.memory_space<hbm>>
    tpu.wait_dma2 semaphore(%arg35 : memref<!tpu.dma_semaphore, #tpu.memory_space<semaphore_mem>>) src(%dma_wait3A_89 : memref<16xi32, #tpu.memory_space<hbm>>) dst(%arg15 : memref<16xi32, #tpu.memory_space<vmem>>)
    %dma_wait3A_90 = tpu.memref_slice %arg6[%add3A_33] : memref<4096xi32, #tpu.memory_space<hbm>> -> memref<16xi32, #tpu.memory_space<hbm>>
    %dma_wait3A_91 = tpu.memref_slice %arg6[%add3A_33] : memref<4096xi32, #tpu.memory_space<hbm>> -> memref<16xi32, #tpu.memory_space<hbm>>
    tpu.wait_dma2 semaphore(%arg36 : memref<!tpu.dma_semaphore, #tpu.memory_space<semaphore_mem>>) src(%dma_wait3A_91 : memref<16xi32, #tpu.memory_space<hbm>>) dst(%arg18 : memref<16xi32, #tpu.memory_space<vmem>>)
    %dma_start3A_92 = arith.constant 0 : i32
    %dma_start3A_93 = arith.constant 0 : i32
    %dma_start3A_94 = tpu.memref_slice %arg2[%dma_start3A_92, %dma_start3A_93] : memref<8192x1024xf32, #tpu.memory_space<hbm>> -> memref<8192x1024xf32, #tpu.memory_space<hbm>>
    tpu.enqueue_indirect_dma source(%dma_start3A_94 : memref<8192x1024xf32, #tpu.memory_space<hbm>>) target(%arg21 : memref<16x1024xf32, #tpu.memory_space<vmem>>) offsets(%arg12 : memref<16xi32, #tpu.memory_space<vmem>>) semaphore(%arg43 : memref<!tpu.dma_semaphore, #tpu.memory_space<semaphore_mem>>)
    %dma_start3A_95 = arith.constant 0 : i32
    %dma_start3A_96 = arith.constant 0 : i32
    %dma_start3A_97 = tpu.memref_slice %arg2[%dma_start3A_95, %dma_start3A_96] : memref<8192x1024xf32, #tpu.memory_space<hbm>> -> memref<8192x1024xf32, #tpu.memory_space<hbm>>
    tpu.enqueue_indirect_dma source(%dma_start3A_97 : memref<8192x1024xf32, #tpu.memory_space<hbm>>) target(%arg24 : memref<16x1024xf32, #tpu.memory_space<vmem>>) offsets(%arg15 : memref<16xi32, #tpu.memory_space<vmem>>) semaphore(%arg44 : memref<!tpu.dma_semaphore, #tpu.memory_space<semaphore_mem>>)
    %dma_start3A_98 = arith.constant 0 : i32
    %dma_start3A_99 = arith.constant 0 : i32
    %dma_start3A_100 = tpu.memref_slice %arg3[%dma_start3A_98, %dma_start3A_99] : memref<2048x128xf32, #tpu.memory_space<hbm>> -> memref<2048x128xf32, #tpu.memory_space<hbm>>
    tpu.enqueue_indirect_dma source(%dma_start3A_100 : memref<2048x128xf32, #tpu.memory_space<hbm>>) target(%arg27 : memref<16x128xf32, #tpu.memory_space<vmem>>) offsets(%arg18 : memref<16xi32, #tpu.memory_space<vmem>>) semaphore(%arg45 : memref<!tpu.dma_semaphore, #tpu.memory_space<semaphore_mem>>)
    %add3A_101 = arith.constant 16 : i32
    %add3A_102 = arith.addi %mul3A_2, %add3A_101 : i32
    %dma_wait3A_103 = arith.constant 0 : i32
    %dma_wait3A_104 = arith.constant 0 : i32
    %dma_wait3A_105 = tpu.memref_slice %arg2[%dma_wait3A_103, %dma_wait3A_104] : memref<8192x1024xf32, #tpu.memory_space<hbm>> -> memref<8192x1024xf32, #tpu.memory_space<hbm>>
    tpu.wait_indirect_dma semaphore(%arg40 : memref<!tpu.dma_semaphore, #tpu.memory_space<semaphore_mem>>) src(%dma_wait3A_105 : memref<8192x1024xf32, #tpu.memory_space<hbm>>) dst(%arg20 : memref<16x1024xf32, #tpu.memory_space<vmem>>)
    %dma_wait3A_106 = arith.constant 0 : i32
    %dma_wait3A_107 = arith.constant 0 : i32
    %dma_wait3A_108 = tpu.memref_slice %arg2[%dma_wait3A_106, %dma_wait3A_107] : memref<8192x1024xf32, #tpu.memory_space<hbm>> -> memref<8192x1024xf32, #tpu.memory_space<hbm>>
    tpu.wait_indirect_dma semaphore(%arg41 : memref<!tpu.dma_semaphore, #tpu.memory_space<semaphore_mem>>) src(%dma_wait3A_108 : memref<8192x1024xf32, #tpu.memory_space<hbm>>) dst(%arg23 : memref<16x1024xf32, #tpu.memory_space<vmem>>)
    %dma_wait3A_109 = arith.constant 0 : i32
    %dma_wait3A_110 = arith.constant 0 : i32
    %dma_wait3A_111 = tpu.memref_slice %arg3[%dma_wait3A_109, %dma_wait3A_110] : memref<2048x128xf32, #tpu.memory_space<hbm>> -> memref<2048x128xf32, #tpu.memory_space<hbm>>
    tpu.wait_indirect_dma semaphore(%arg42 : memref<!tpu.dma_semaphore, #tpu.memory_space<semaphore_mem>>) src(%dma_wait3A_111 : memref<2048x128xf32, #tpu.memory_space<hbm>>) dst(%arg26 : memref<16x128xf32, #tpu.memory_space<vmem>>)
    %dma_start3A_112 = arith.constant 0 : i32
    %dma_start3A_113 = tpu.memref_slice %arg7[%add3A_102, %dma_start3A_112] : memref<4096x1024xf32, #tpu.memory_space<hbm>> -> memref<16x1024xf32, #tpu.memory_space<hbm>>
    %dma_start3A_114 = arith.constant 0 : i32
    %dma_start3A_115 = tpu.memref_slice %arg7[%add3A_102, %dma_start3A_114] : memref<4096x1024xf32, #tpu.memory_space<hbm>> -> memref<16x1024xf32, #tpu.memory_space<hbm>>
    tpu.enqueue_dma source(%arg20 : memref<16x1024xf32, #tpu.memory_space<vmem>>) target(%dma_start3A_115 : memref<16x1024xf32, #tpu.memory_space<hbm>>) target_semaphore(%arg49 : memref<!tpu.dma_semaphore, #tpu.memory_space<semaphore_mem>>)
    %dma_start3A_116 = arith.constant 0 : i32
    %dma_start3A_117 = tpu.memref_slice %arg8[%add3A_102, %dma_start3A_116] : memref<4096x1024xf32, #tpu.memory_space<hbm>> -> memref<16x1024xf32, #tpu.memory_space<hbm>>
    %dma_start3A_118 = arith.constant 0 : i32
    %dma_start3A_119 = tpu.memref_slice %arg8[%add3A_102, %dma_start3A_118] : memref<4096x1024xf32, #tpu.memory_space<hbm>> -> memref<16x1024xf32, #tpu.memory_space<hbm>>
    tpu.enqueue_dma source(%arg23 : memref<16x1024xf32, #tpu.memory_space<vmem>>) target(%dma_start3A_119 : memref<16x1024xf32, #tpu.memory_space<hbm>>) target_semaphore(%arg50 : memref<!tpu.dma_semaphore, #tpu.memory_space<semaphore_mem>>)
    %dma_start3A_120 = arith.constant 0 : i32
    %dma_start3A_121 = tpu.memref_slice %arg9[%add3A_102, %dma_start3A_120] : memref<4096x128xf32, #tpu.memory_space<hbm>> -> memref<16x128xf32, #tpu.memory_space<hbm>>
    %dma_start3A_122 = arith.constant 0 : i32
    %dma_start3A_123 = tpu.memref_slice %arg9[%add3A_102, %dma_start3A_122] : memref<4096x128xf32, #tpu.memory_space<hbm>> -> memref<16x128xf32, #tpu.memory_space<hbm>>
    tpu.enqueue_dma source(%arg26 : memref<16x128xf32, #tpu.memory_space<vmem>>) target(%dma_start3A_123 : memref<16x128xf32, #tpu.memory_space<hbm>>) target_semaphore(%arg51 : memref<!tpu.dma_semaphore, #tpu.memory_space<semaphore_mem>>)
    %add3A_124 = arith.constant 64 : i32
    %add3A_125 = arith.addi %mul3A_2, %add3A_124 : i32
    %dma_start3A_126 = tpu.memref_slice %arg4[%add3A_125] : memref<4096xi32, #tpu.memory_space<hbm>> -> memref<16xi32, #tpu.memory_space<hbm>>
    %dma_start3A_127 = tpu.memref_slice %arg4[%add3A_125] : memref<4096xi32, #tpu.memory_space<hbm>> -> memref<16xi32, #tpu.memory_space<hbm>>
    tpu.enqueue_dma source(%dma_start3A_127 : memref<16xi32, #tpu.memory_space<hbm>>) target(%arg11 : memref<16xi32, #tpu.memory_space<vmem>>) target_semaphore(%arg31 : memref<!tpu.dma_semaphore, #tpu.memory_space<semaphore_mem>>)
    %dma_start3A_128 = tpu.memref_slice %arg5[%add3A_125] : memref<4096xi32, #tpu.memory_space<hbm>> -> memref<16xi32, #tpu.memory_space<hbm>>
    %dma_start3A_129 = tpu.memref_slice %arg5[%add3A_125] : memref<4096xi32, #tpu.memory_space<hbm>> -> memref<16xi32, #tpu.memory_space<hbm>>
    tpu.enqueue_dma source(%dma_start3A_129 : memref<16xi32, #tpu.memory_space<hbm>>) target(%arg14 : memref<16xi32, #tpu.memory_space<vmem>>) target_semaphore(%arg32 : memref<!tpu.dma_semaphore, #tpu.memory_space<semaphore_mem>>)
    %dma_start3A_130 = tpu.memref_slice %arg6[%add3A_125] : memref<4096xi32, #tpu.memory_space<hbm>> -> memref<16xi32, #tpu.memory_space<hbm>>
    %dma_start3A_131 = tpu.memref_slice %arg6[%add3A_125] : memref<4096xi32, #tpu.memory_space<hbm>> -> memref<16xi32, #tpu.memory_space<hbm>>
    tpu.enqueue_dma source(%dma_start3A_131 : memref<16xi32, #tpu.memory_space<hbm>>) target(%arg17 : memref<16xi32, #tpu.memory_space<vmem>>) target_semaphore(%arg33 : memref<!tpu.dma_semaphore, #tpu.memory_space<semaphore_mem>>)
    %dma_wait3A_132 = arith.constant 0 : i32
    %dma_wait3A_133 = tpu.memref_slice %arg7[%add3A_56, %dma_wait3A_132] : memref<4096x1024xf32, #tpu.memory_space<hbm>> -> memref<16x1024xf32, #tpu.memory_space<hbm>>
    %dma_wait3A_134 = arith.constant 0 : i32
    %dma_wait3A_135 = tpu.memref_slice %arg7[%add3A_56, %dma_wait3A_134] : memref<4096x1024xf32, #tpu.memory_space<hbm>> -> memref<16x1024xf32, #tpu.memory_space<hbm>>
    tpu.wait_dma2 semaphore(%arg46 : memref<!tpu.dma_semaphore, #tpu.memory_space<semaphore_mem>>) src(%arg19 : memref<16x1024xf32, #tpu.memory_space<vmem>>) dst(%dma_wait3A_135 : memref<16x1024xf32, #tpu.memory_space<hbm>>)
    %dma_wait3A_136 = arith.constant 0 : i32
    %dma_wait3A_137 = tpu.memref_slice %arg8[%add3A_56, %dma_wait3A_136] : memref<4096x1024xf32, #tpu.memory_space<hbm>> -> memref<16x1024xf32, #tpu.memory_space<hbm>>
    %dma_wait3A_138 = arith.constant 0 : i32
    %dma_wait3A_139 = tpu.memref_slice %arg8[%add3A_56, %dma_wait3A_138] : memref<4096x1024xf32, #tpu.memory_space<hbm>> -> memref<16x1024xf32, #tpu.memory_space<hbm>>
    tpu.wait_dma2 semaphore(%arg47 : memref<!tpu.dma_semaphore, #tpu.memory_space<semaphore_mem>>) src(%arg22 : memref<16x1024xf32, #tpu.memory_space<vmem>>) dst(%dma_wait3A_139 : memref<16x1024xf32, #tpu.memory_space<hbm>>)
    %dma_wait3A_140 = arith.constant 0 : i32
    %dma_wait3A_141 = tpu.memref_slice %arg9[%add3A_56, %dma_wait3A_140] : memref<4096x128xf32, #tpu.memory_space<hbm>> -> memref<16x128xf32, #tpu.memory_space<hbm>>
    %dma_wait3A_142 = arith.constant 0 : i32
    %dma_wait3A_143 = tpu.memref_slice %arg9[%add3A_56, %dma_wait3A_142] : memref<4096x128xf32, #tpu.memory_space<hbm>> -> memref<16x128xf32, #tpu.memory_space<hbm>>
    tpu.wait_dma2 semaphore(%arg48 : memref<!tpu.dma_semaphore, #tpu.memory_space<semaphore_mem>>) src(%arg25 : memref<16x128xf32, #tpu.memory_space<vmem>>) dst(%dma_wait3A_143 : memref<16x128xf32, #tpu.memory_space<hbm>>)
    %dma_wait3A_144 = tpu.memref_slice %arg4[%add3A_79] : memref<4096xi32, #tpu.memory_space<hbm>> -> memref<16xi32, #tpu.memory_space<hbm>>
    %dma_wait3A_145 = tpu.memref_slice %arg4[%add3A_79] : memref<4096xi32, #tpu.memory_space<hbm>> -> memref<16xi32, #tpu.memory_space<hbm>>
    tpu.wait_dma2 semaphore(%arg28 : memref<!tpu.dma_semaphore, #tpu.memory_space<semaphore_mem>>) src(%dma_wait3A_145 : memref<16xi32, #tpu.memory_space<hbm>>) dst(%arg10 : memref<16xi32, #tpu.memory_space<vmem>>)
    %dma_wait3A_146 = tpu.memref_slice %arg5[%add3A_79] : memref<4096xi32, #tpu.memory_space<hbm>> -> memref<16xi32, #tpu.memory_space<hbm>>
    %dma_wait3A_147 = tpu.memref_slice %arg5[%add3A_79] : memref<4096xi32, #tpu.memory_space<hbm>> -> memref<16xi32, #tpu.memory_space<hbm>>
    tpu.wait_dma2 semaphore(%arg29 : memref<!tpu.dma_semaphore, #tpu.memory_space<semaphore_mem>>) src(%dma_wait3A_147 : memref<16xi32, #tpu.memory_space<hbm>>) dst(%arg13 : memref<16xi32, #tpu.memory_space<vmem>>)
    %dma_wait3A_148 = tpu.memref_slice %arg6[%add3A_79] : memref<4096xi32, #tpu.memory_space<hbm>> -> memref<16xi32, #tpu.memory_space<hbm>>
    %dma_wait3A_149 = tpu.memref_slice %arg6[%add3A_79] : memref<4096xi32, #tpu.memory_space<hbm>> -> memref<16xi32, #tpu.memory_space<hbm>>
    tpu.wait_dma2 semaphore(%arg30 : memref<!tpu.dma_semaphore, #tpu.memory_space<semaphore_mem>>) src(%dma_wait3A_149 : memref<16xi32, #tpu.memory_space<hbm>>) dst(%arg16 : memref<16xi32, #tpu.memory_space<vmem>>)
    %dma_start3A_150 = arith.constant 0 : i32
    %dma_start3A_151 = arith.constant 0 : i32
    %dma_start3A_152 = tpu.memref_slice %arg2[%dma_start3A_150, %dma_start3A_151] : memref<8192x1024xf32, #tpu.memory_space<hbm>> -> memref<8192x1024xf32, #tpu.memory_space<hbm>>
    tpu.enqueue_indirect_dma source(%dma_start3A_152 : memref<8192x1024xf32, #tpu.memory_space<hbm>>) target(%arg19 : memref<16x1024xf32, #tpu.memory_space<vmem>>) offsets(%arg10 : memref<16xi32, #tpu.memory_space<vmem>>) semaphore(%arg37 : memref<!tpu.dma_semaphore, #tpu.memory_space<semaphore_mem>>)
    %dma_start3A_153 = arith.constant 0 : i32
    %dma_start3A_154 = arith.constant 0 : i32
    %dma_start3A_155 = tpu.memref_slice %arg2[%dma_start3A_153, %dma_start3A_154] : memref<8192x1024xf32, #tpu.memory_space<hbm>> -> memref<8192x1024xf32, #tpu.memory_space<hbm>>
    tpu.enqueue_indirect_dma source(%dma_start3A_155 : memref<8192x1024xf32, #tpu.memory_space<hbm>>) target(%arg22 : memref<16x1024xf32, #tpu.memory_space<vmem>>) offsets(%arg13 : memref<16xi32, #tpu.memory_space<vmem>>) semaphore(%arg38 : memref<!tpu.dma_semaphore, #tpu.memory_space<semaphore_mem>>)
    %dma_start3A_156 = arith.constant 0 : i32
    %dma_start3A_157 = arith.constant 0 : i32
    %dma_start3A_158 = tpu.memref_slice %arg3[%dma_start3A_156, %dma_start3A_157] : memref<2048x128xf32, #tpu.memory_space<hbm>> -> memref<2048x128xf32, #tpu.memory_space<hbm>>
    tpu.enqueue_indirect_dma source(%dma_start3A_158 : memref<2048x128xf32, #tpu.memory_space<hbm>>) target(%arg25 : memref<16x128xf32, #tpu.memory_space<vmem>>) offsets(%arg16 : memref<16xi32, #tpu.memory_space<vmem>>) semaphore(%arg39 : memref<!tpu.dma_semaphore, #tpu.memory_space<semaphore_mem>>)
    %add3A_159 = arith.constant 32 : i32
    %add3A_160 = arith.addi %mul3A_2, %add3A_159 : i32
    %dma_wait3A_161 = arith.constant 0 : i32
    %dma_wait3A_162 = arith.constant 0 : i32
    %dma_wait3A_163 = tpu.memref_slice %arg2[%dma_wait3A_161, %dma_wait3A_162] : memref<8192x1024xf32, #tpu.memory_space<hbm>> -> memref<8192x1024xf32, #tpu.memory_space<hbm>>
    tpu.wait_indirect_dma semaphore(%arg43 : memref<!tpu.dma_semaphore, #tpu.memory_space<semaphore_mem>>) src(%dma_wait3A_163 : memref<8192x1024xf32, #tpu.memory_space<hbm>>) dst(%arg21 : memref<16x1024xf32, #tpu.memory_space<vmem>>)
    %dma_wait3A_164 = arith.constant 0 : i32
    %dma_wait3A_165 = arith.constant 0 : i32
    %dma_wait3A_166 = tpu.memref_slice %arg2[%dma_wait3A_164, %dma_wait3A_165] : memref<8192x1024xf32, #tpu.memory_space<hbm>> -> memref<8192x1024xf32, #tpu.memory_space<hbm>>
    tpu.wait_indirect_dma semaphore(%arg44 : memref<!tpu.dma_semaphore, #tpu.memory_space<semaphore_mem>>) src(%dma_wait3A_166 : memref<8192x1024xf32, #tpu.memory_space<hbm>>) dst(%arg24 : memref<16x1024xf32, #tpu.memory_space<vmem>>)
    %dma_wait3A_167 = arith.constant 0 : i32
    %dma_wait3A_168 = arith.constant 0 : i32
    %dma_wait3A_169 = tpu.memref_slice %arg3[%dma_wait3A_167, %dma_wait3A_168] : memref<2048x128xf32, #tpu.memory_space<hbm>> -> memref<2048x128xf32, #tpu.memory_space<hbm>>
    tpu.wait_indirect_dma semaphore(%arg45 : memref<!tpu.dma_semaphore, #tpu.memory_space<semaphore_mem>>) src(%dma_wait3A_169 : memref<2048x128xf32, #tpu.memory_space<hbm>>) dst(%arg27 : memref<16x128xf32, #tpu.memory_space<vmem>>)
    %dma_start3A_170 = arith.constant 0 : i32
    %dma_start3A_171 = tpu.memref_slice %arg7[%add3A_160, %dma_start3A_170] : memref<4096x1024xf32, #tpu.memory_space<hbm>> -> memref<16x1024xf32, #tpu.memory_space<hbm>>
    %dma_start3A_172 = arith.constant 0 : i32
    %dma_start3A_173 = tpu.memref_slice %arg7[%add3A_160, %dma_start3A_172] : memref<4096x1024xf32, #tpu.memory_space<hbm>> -> memref<16x1024xf32, #tpu.memory_space<hbm>>
    tpu.enqueue_dma source(%arg21 : memref<16x1024xf32, #tpu.memory_space<vmem>>) target(%dma_start3A_173 : memref<16x1024xf32, #tpu.memory_space<hbm>>) target_semaphore(%arg52 : memref<!tpu.dma_semaphore, #tpu.memory_space<semaphore_mem>>)
    %dma_start3A_174 = arith.constant 0 : i32
    %dma_start3A_175 = tpu.memref_slice %arg8[%add3A_160, %dma_start3A_174] : memref<4096x1024xf32, #tpu.memory_space<hbm>> -> memref<16x1024xf32, #tpu.memory_space<hbm>>
    %dma_start3A_176 = arith.constant 0 : i32
    %dma_start3A_177 = tpu.memref_slice %arg8[%add3A_160, %dma_start3A_176] : memref<4096x1024xf32, #tpu.memory_space<hbm>> -> memref<16x1024xf32, #tpu.memory_space<hbm>>
    tpu.enqueue_dma source(%arg24 : memref<16x1024xf32, #tpu.memory_space<vmem>>) target(%dma_start3A_177 : memref<16x1024xf32, #tpu.memory_space<hbm>>) target_semaphore(%arg53 : memref<!tpu.dma_semaphore, #tpu.memory_space<semaphore_mem>>)
    %dma_start3A_178 = arith.constant 0 : i32
    %dma_start3A_179 = tpu.memref_slice %arg9[%add3A_160, %dma_start3A_178] : memref<4096x128xf32, #tpu.memory_space<hbm>> -> memref<16x128xf32, #tpu.memory_space<hbm>>
    %dma_start3A_180 = arith.constant 0 : i32
    %dma_start3A_181 = tpu.memref_slice %arg9[%add3A_160, %dma_start3A_180] : memref<4096x128xf32, #tpu.memory_space<hbm>> -> memref<16x128xf32, #tpu.memory_space<hbm>>
    tpu.enqueue_dma source(%arg27 : memref<16x128xf32, #tpu.memory_space<vmem>>) target(%dma_start3A_181 : memref<16x128xf32, #tpu.memory_space<hbm>>) target_semaphore(%arg54 : memref<!tpu.dma_semaphore, #tpu.memory_space<semaphore_mem>>)
    %add3A_182 = arith.constant 80 : i32
    %add3A_183 = arith.addi %mul3A_2, %add3A_182 : i32
    %dma_start3A_184 = tpu.memref_slice %arg4[%add3A_183] : memref<4096xi32, #tpu.memory_space<hbm>> -> memref<16xi32, #tpu.memory_space<hbm>>
    %dma_start3A_185 = tpu.memref_slice %arg4[%add3A_183] : memref<4096xi32, #tpu.memory_space<hbm>> -> memref<16xi32, #tpu.memory_space<hbm>>
    tpu.enqueue_dma source(%dma_start3A_185 : memref<16xi32, #tpu.memory_space<hbm>>) target(%arg12 : memref<16xi32, #tpu.memory_space<vmem>>) target_semaphore(%arg34 : memref<!tpu.dma_semaphore, #tpu.memory_space<semaphore_mem>>)
    %dma_start3A_186 = tpu.memref_slice %arg5[%add3A_183] : memref<4096xi32, #tpu.memory_space<hbm>> -> memref<16xi32, #tpu.memory_space<hbm>>
    %dma_start3A_187 = tpu.memref_slice %arg5[%add3A_183] : memref<4096xi32, #tpu.memory_space<hbm>> -> memref<16xi32, #tpu.memory_space<hbm>>
    tpu.enqueue_dma source(%dma_start3A_187 : memref<16xi32, #tpu.memory_space<hbm>>) target(%arg15 : memref<16xi32, #tpu.memory_space<vmem>>) target_semaphore(%arg35 : memref<!tpu.dma_semaphore, #tpu.memory_space<semaphore_mem>>)
    %dma_start3A_188 = tpu.memref_slice %arg6[%add3A_183] : memref<4096xi32, #tpu.memory_space<hbm>> -> memref<16xi32, #tpu.memory_space<hbm>>
    %dma_start3A_189 = tpu.memref_slice %arg6[%add3A_183] : memref<4096xi32, #tpu.memory_space<hbm>> -> memref<16xi32, #tpu.memory_space<hbm>>
    tpu.enqueue_dma source(%dma_start3A_189 : memref<16xi32, #tpu.memory_space<hbm>>) target(%arg18 : memref<16xi32, #tpu.memory_space<vmem>>) target_semaphore(%arg36 : memref<!tpu.dma_semaphore, #tpu.memory_space<semaphore_mem>>)
    %dma_wait3A_190 = arith.constant 0 : i32
    %dma_wait3A_191 = tpu.memref_slice %arg7[%add3A_102, %dma_wait3A_190] : memref<4096x1024xf32, #tpu.memory_space<hbm>> -> memref<16x1024xf32, #tpu.memory_space<hbm>>
    %dma_wait3A_192 = arith.constant 0 : i32
    %dma_wait3A_193 = tpu.memref_slice %arg7[%add3A_102, %dma_wait3A_192] : memref<4096x1024xf32, #tpu.memory_space<hbm>> -> memref<16x1024xf32, #tpu.memory_space<hbm>>
    tpu.wait_dma2 semaphore(%arg49 : memref<!tpu.dma_semaphore, #tpu.memory_space<semaphore_mem>>) src(%arg20 : memref<16x1024xf32, #tpu.memory_space<vmem>>) dst(%dma_wait3A_193 : memref<16x1024xf32, #tpu.memory_space<hbm>>)
    %dma_wait3A_194 = arith.constant 0 : i32
    %dma_wait3A_195 = tpu.memref_slice %arg8[%add3A_102, %dma_wait3A_194] : memref<4096x1024xf32, #tpu.memory_space<hbm>> -> memref<16x1024xf32, #tpu.memory_space<hbm>>
    %dma_wait3A_196 = arith.constant 0 : i32
    %dma_wait3A_197 = tpu.memref_slice %arg8[%add3A_102, %dma_wait3A_196] : memref<4096x1024xf32, #tpu.memory_space<hbm>> -> memref<16x1024xf32, #tpu.memory_space<hbm>>
    tpu.wait_dma2 semaphore(%arg50 : memref<!tpu.dma_semaphore, #tpu.memory_space<semaphore_mem>>) src(%arg23 : memref<16x1024xf32, #tpu.memory_space<vmem>>) dst(%dma_wait3A_197 : memref<16x1024xf32, #tpu.memory_space<hbm>>)
    %dma_wait3A_198 = arith.constant 0 : i32
    %dma_wait3A_199 = tpu.memref_slice %arg9[%add3A_102, %dma_wait3A_198] : memref<4096x128xf32, #tpu.memory_space<hbm>> -> memref<16x128xf32, #tpu.memory_space<hbm>>
    %dma_wait3A_200 = arith.constant 0 : i32
    %dma_wait3A_201 = tpu.memref_slice %arg9[%add3A_102, %dma_wait3A_200] : memref<4096x128xf32, #tpu.memory_space<hbm>> -> memref<16x128xf32, #tpu.memory_space<hbm>>
    tpu.wait_dma2 semaphore(%arg51 : memref<!tpu.dma_semaphore, #tpu.memory_space<semaphore_mem>>) src(%arg26 : memref<16x128xf32, #tpu.memory_space<vmem>>) dst(%dma_wait3A_201 : memref<16x128xf32, #tpu.memory_space<hbm>>)
    %dma_wait3A_202 = tpu.memref_slice %arg4[%add3A_125] : memref<4096xi32, #tpu.memory_space<hbm>> -> memref<16xi32, #tpu.memory_space<hbm>>
    %dma_wait3A_203 = tpu.memref_slice %arg4[%add3A_125] : memref<4096xi32, #tpu.memory_space<hbm>> -> memref<16xi32, #tpu.memory_space<hbm>>
    tpu.wait_dma2 semaphore(%arg31 : memref<!tpu.dma_semaphore, #tpu.memory_space<semaphore_mem>>) src(%dma_wait3A_203 : memref<16xi32, #tpu.memory_space<hbm>>) dst(%arg11 : memref<16xi32, #tpu.memory_space<vmem>>)
    %dma_wait3A_204 = tpu.memref_slice %arg5[%add3A_125] : memref<4096xi32, #tpu.memory_space<hbm>> -> memref<16xi32, #tpu.memory_space<hbm>>
    %dma_wait3A_205 = tpu.memref_slice %arg5[%add3A_125] : memref<4096xi32, #tpu.memory_space<hbm>> -> memref<16xi32, #tpu.memory_space<hbm>>
    tpu.wait_dma2 semaphore(%arg32 : memref<!tpu.dma_semaphore, #tpu.memory_space<semaphore_mem>>) src(%dma_wait3A_205 : memref<16xi32, #tpu.memory_space<hbm>>) dst(%arg14 : memref<16xi32, #tpu.memory_space<vmem>>)
    %dma_wait3A_206 = tpu.memref_slice %arg6[%add3A_125] : memref<4096xi32, #tpu.memory_space<hbm>> -> memref<16xi32, #tpu.memory_space<hbm>>
    %dma_wait3A_207 = tpu.memref_slice %arg6[%add3A_125] : memref<4096xi32, #tpu.memory_space<hbm>> -> memref<16xi32, #tpu.memory_space<hbm>>
    tpu.wait_dma2 semaphore(%arg33 : memref<!tpu.dma_semaphore, #tpu.memory_space<semaphore_mem>>) src(%dma_wait3A_207 : memref<16xi32, #tpu.memory_space<hbm>>) dst(%arg17 : memref<16xi32, #tpu.memory_space<vmem>>)
    %dma_start3A_208 = arith.constant 0 : i32
    %dma_start3A_209 = arith.constant 0 : i32
    %dma_start3A_210 = tpu.memref_slice %arg2[%dma_start3A_208, %dma_start3A_209] : memref<8192x1024xf32, #tpu.memory_space<hbm>> -> memref<8192x1024xf32, #tpu.memory_space<hbm>>
    tpu.enqueue_indirect_dma source(%dma_start3A_210 : memref<8192x1024xf32, #tpu.memory_space<hbm>>) target(%arg20 : memref<16x1024xf32, #tpu.memory_space<vmem>>) offsets(%arg11 : memref<16xi32, #tpu.memory_space<vmem>>) semaphore(%arg40 : memref<!tpu.dma_semaphore, #tpu.memory_space<semaphore_mem>>)
    %dma_start3A_211 = arith.constant 0 : i32
    %dma_start3A_212 = arith.constant 0 : i32
    %dma_start3A_213 = tpu.memref_slice %arg2[%dma_start3A_211, %dma_start3A_212] : memref<8192x1024xf32, #tpu.memory_space<hbm>> -> memref<8192x1024xf32, #tpu.memory_space<hbm>>
    tpu.enqueue_indirect_dma source(%dma_start3A_213 : memref<8192x1024xf32, #tpu.memory_space<hbm>>) target(%arg23 : memref<16x1024xf32, #tpu.memory_space<vmem>>) offsets(%arg14 : memref<16xi32, #tpu.memory_space<vmem>>) semaphore(%arg41 : memref<!tpu.dma_semaphore, #tpu.memory_space<semaphore_mem>>)
    %dma_start3A_214 = arith.constant 0 : i32
    %dma_start3A_215 = arith.constant 0 : i32
    %dma_start3A_216 = tpu.memref_slice %arg3[%dma_start3A_214, %dma_start3A_215] : memref<2048x128xf32, #tpu.memory_space<hbm>> -> memref<2048x128xf32, #tpu.memory_space<hbm>>
    tpu.enqueue_indirect_dma source(%dma_start3A_216 : memref<2048x128xf32, #tpu.memory_space<hbm>>) target(%arg26 : memref<16x128xf32, #tpu.memory_space<vmem>>) offsets(%arg17 : memref<16xi32, #tpu.memory_space<vmem>>) semaphore(%arg42 : memref<!tpu.dma_semaphore, #tpu.memory_space<semaphore_mem>>)
    %add3A_217 = arith.constant 48 : i32
    %add3A_218 = arith.addi %mul3A_2, %add3A_217 : i32
    %dma_wait3A_219 = arith.constant 0 : i32
    %dma_wait3A_220 = arith.constant 0 : i32
    %dma_wait3A_221 = tpu.memref_slice %arg2[%dma_wait3A_219, %dma_wait3A_220] : memref<8192x1024xf32, #tpu.memory_space<hbm>> -> memref<8192x1024xf32, #tpu.memory_space<hbm>>
    tpu.wait_indirect_dma semaphore(%arg37 : memref<!tpu.dma_semaphore, #tpu.memory_space<semaphore_mem>>) src(%dma_wait3A_221 : memref<8192x1024xf32, #tpu.memory_space<hbm>>) dst(%arg19 : memref<16x1024xf32, #tpu.memory_space<vmem>>)
    %dma_wait3A_222 = arith.constant 0 : i32
    %dma_wait3A_223 = arith.constant 0 : i32
    %dma_wait3A_224 = tpu.memref_slice %arg2[%dma_wait3A_222, %dma_wait3A_223] : memref<8192x1024xf32, #tpu.memory_space<hbm>> -> memref<8192x1024xf32, #tpu.memory_space<hbm>>
    tpu.wait_indirect_dma semaphore(%arg38 : memref<!tpu.dma_semaphore, #tpu.memory_space<semaphore_mem>>) src(%dma_wait3A_224 : memref<8192x1024xf32, #tpu.memory_space<hbm>>) dst(%arg22 : memref<16x1024xf32, #tpu.memory_space<vmem>>)
    %dma_wait3A_225 = arith.constant 0 : i32
    %dma_wait3A_226 = arith.constant 0 : i32
    %dma_wait3A_227 = tpu.memref_slice %arg3[%dma_wait3A_225, %dma_wait3A_226] : memref<2048x128xf32, #tpu.memory_space<hbm>> -> memref<2048x128xf32, #tpu.memory_space<hbm>>
    tpu.wait_indirect_dma semaphore(%arg39 : memref<!tpu.dma_semaphore, #tpu.memory_space<semaphore_mem>>) src(%dma_wait3A_227 : memref<2048x128xf32, #tpu.memory_space<hbm>>) dst(%arg25 : memref<16x128xf32, #tpu.memory_space<vmem>>)
    %dma_start3A_228 = arith.constant 0 : i32
    %dma_start3A_229 = tpu.memref_slice %arg7[%add3A_218, %dma_start3A_228] : memref<4096x1024xf32, #tpu.memory_space<hbm>> -> memref<16x1024xf32, #tpu.memory_space<hbm>>
    %dma_start3A_230 = arith.constant 0 : i32
    %dma_start3A_231 = tpu.memref_slice %arg7[%add3A_218, %dma_start3A_230] : memref<4096x1024xf32, #tpu.memory_space<hbm>> -> memref<16x1024xf32, #tpu.memory_space<hbm>>
    tpu.enqueue_dma source(%arg19 : memref<16x1024xf32, #tpu.memory_space<vmem>>) target(%dma_start3A_231 : memref<16x1024xf32, #tpu.memory_space<hbm>>) target_semaphore(%arg46 : memref<!tpu.dma_semaphore, #tpu.memory_space<semaphore_mem>>)
    %dma_start3A_232 = arith.constant 0 : i32
    %dma_start3A_233 = tpu.memref_slice %arg8[%add3A_218, %dma_start3A_232] : memref<4096x1024xf32, #tpu.memory_space<hbm>> -> memref<16x1024xf32, #tpu.memory_space<hbm>>
    %dma_start3A_234 = arith.constant 0 : i32
    %dma_start3A_235 = tpu.memref_slice %arg8[%add3A_218, %dma_start3A_234] : memref<4096x1024xf32, #tpu.memory_space<hbm>> -> memref<16x1024xf32, #tpu.memory_space<hbm>>
    tpu.enqueue_dma source(%arg22 : memref<16x1024xf32, #tpu.memory_space<vmem>>) target(%dma_start3A_235 : memref<16x1024xf32, #tpu.memory_space<hbm>>) target_semaphore(%arg47 : memref<!tpu.dma_semaphore, #tpu.memory_space<semaphore_mem>>)
    %dma_start3A_236 = arith.constant 0 : i32
    %dma_start3A_237 = tpu.memref_slice %arg9[%add3A_218, %dma_start3A_236] : memref<4096x128xf32, #tpu.memory_space<hbm>> -> memref<16x128xf32, #tpu.memory_space<hbm>>
    %dma_start3A_238 = arith.constant 0 : i32
    %dma_start3A_239 = tpu.memref_slice %arg9[%add3A_218, %dma_start3A_238] : memref<4096x128xf32, #tpu.memory_space<hbm>> -> memref<16x128xf32, #tpu.memory_space<hbm>>
    tpu.enqueue_dma source(%arg25 : memref<16x128xf32, #tpu.memory_space<vmem>>) target(%dma_start3A_239 : memref<16x128xf32, #tpu.memory_space<hbm>>) target_semaphore(%arg48 : memref<!tpu.dma_semaphore, #tpu.memory_space<semaphore_mem>>)
    %add3A_240 = arith.constant 96 : i32
    %add3A_241 = arith.addi %mul3A_2, %add3A_240 : i32
    %dma_start3A_242 = tpu.memref_slice %arg4[%add3A_241] : memref<4096xi32, #tpu.memory_space<hbm>> -> memref<16xi32, #tpu.memory_space<hbm>>
    %dma_start3A_243 = tpu.memref_slice %arg4[%add3A_241] : memref<4096xi32, #tpu.memory_space<hbm>> -> memref<16xi32, #tpu.memory_space<hbm>>
    tpu.enqueue_dma source(%dma_start3A_243 : memref<16xi32, #tpu.memory_space<hbm>>) target(%arg10 : memref<16xi32, #tpu.memory_space<vmem>>) target_semaphore(%arg28 : memref<!tpu.dma_semaphore, #tpu.memory_space<semaphore_mem>>)
    %dma_start3A_244 = tpu.memref_slice %arg5[%add3A_241] : memref<4096xi32, #tpu.memory_space<hbm>> -> memref<16xi32, #tpu.memory_space<hbm>>
    %dma_start3A_245 = tpu.memref_slice %arg5[%add3A_241] : memref<4096xi32, #tpu.memory_space<hbm>> -> memref<16xi32, #tpu.memory_space<hbm>>
    tpu.enqueue_dma source(%dma_start3A_245 : memref<16xi32, #tpu.memory_space<hbm>>) target(%arg13 : memref<16xi32, #tpu.memory_space<vmem>>) target_semaphore(%arg29 : memref<!tpu.dma_semaphore, #tpu.memory_space<semaphore_mem>>)
    %dma_start3A_246 = tpu.memref_slice %arg6[%add3A_241] : memref<4096xi32, #tpu.memory_space<hbm>> -> memref<16xi32, #tpu.memory_space<hbm>>
    %dma_start3A_247 = tpu.memref_slice %arg6[%add3A_241] : memref<4096xi32, #tpu.memory_space<hbm>> -> memref<16xi32, #tpu.memory_space<hbm>>
    tpu.enqueue_dma source(%dma_start3A_247 : memref<16xi32, #tpu.memory_space<hbm>>) target(%arg16 : memref<16xi32, #tpu.memory_space<vmem>>) target_semaphore(%arg30 : memref<!tpu.dma_semaphore, #tpu.memory_space<semaphore_mem>>)
    %dma_wait3A_248 = arith.constant 0 : i32
    %dma_wait3A_249 = tpu.memref_slice %arg7[%add3A_160, %dma_wait3A_248] : memref<4096x1024xf32, #tpu.memory_space<hbm>> -> memref<16x1024xf32, #tpu.memory_space<hbm>>
    %dma_wait3A_250 = arith.constant 0 : i32
    %dma_wait3A_251 = tpu.memref_slice %arg7[%add3A_160, %dma_wait3A_250] : memref<4096x1024xf32, #tpu.memory_space<hbm>> -> memref<16x1024xf32, #tpu.memory_space<hbm>>
    tpu.wait_dma2 semaphore(%arg52 : memref<!tpu.dma_semaphore, #tpu.memory_space<semaphore_mem>>) src(%arg21 : memref<16x1024xf32, #tpu.memory_space<vmem>>) dst(%dma_wait3A_251 : memref<16x1024xf32, #tpu.memory_space<hbm>>)
    %dma_wait3A_252 = arith.constant 0 : i32
    %dma_wait3A_253 = tpu.memref_slice %arg8[%add3A_160, %dma_wait3A_252] : memref<4096x1024xf32, #tpu.memory_space<hbm>> -> memref<16x1024xf32, #tpu.memory_space<hbm>>
    %dma_wait3A_254 = arith.constant 0 : i32
    %dma_wait3A_255 = tpu.memref_slice %arg8[%add3A_160, %dma_wait3A_254] : memref<4096x1024xf32, #tpu.memory_space<hbm>> -> memref<16x1024xf32, #tpu.memory_space<hbm>>
    tpu.wait_dma2 semaphore(%arg53 : memref<!tpu.dma_semaphore, #tpu.memory_space<semaphore_mem>>) src(%arg24 : memref<16x1024xf32, #tpu.memory_space<vmem>>) dst(%dma_wait3A_255 : memref<16x1024xf32, #tpu.memory_space<hbm>>)
    %dma_wait3A_256 = arith.constant 0 : i32
    %dma_wait3A_257 = tpu.memref_slice %arg9[%add3A_160, %dma_wait3A_256] : memref<4096x128xf32, #tpu.memory_space<hbm>> -> memref<16x128xf32, #tpu.memory_space<hbm>>
    %dma_wait3A_258 = arith.constant 0 : i32
    %dma_wait3A_259 = tpu.memref_slice %arg9[%add3A_160, %dma_wait3A_258] : memref<4096x128xf32, #tpu.memory_space<hbm>> -> memref<16x128xf32, #tpu.memory_space<hbm>>
    tpu.wait_dma2 semaphore(%arg54 : memref<!tpu.dma_semaphore, #tpu.memory_space<semaphore_mem>>) src(%arg27 : memref<16x128xf32, #tpu.memory_space<vmem>>) dst(%dma_wait3A_259 : memref<16x128xf32, #tpu.memory_space<hbm>>)
    %dma_wait3A_260 = tpu.memref_slice %arg4[%add3A_183] : memref<4096xi32, #tpu.memory_space<hbm>> -> memref<16xi32, #tpu.memory_space<hbm>>
    %dma_wait3A_261 = tpu.memref_slice %arg4[%add3A_183] : memref<4096xi32, #tpu.memory_space<hbm>> -> memref<16xi32, #tpu.memory_space<hbm>>
    tpu.wait_dma2 semaphore(%arg34 : memref<!tpu.dma_semaphore, #tpu.memory_space<semaphore_mem>>) src(%dma_wait3A_261 : memref<16xi32, #tpu.memory_space<hbm>>) dst(%arg12 : memref<16xi32, #tpu.memory_space<vmem>>)
    %dma_wait3A_262 = tpu.memref_slice %arg5[%add3A_183] : memref<4096xi32, #tpu.memory_space<hbm>> -> memref<16xi32, #tpu.memory_space<hbm>>
    %dma_wait3A_263 = tpu.memref_slice %arg5[%add3A_183] : memref<4096xi32, #tpu.memory_space<hbm>> -> memref<16xi32, #tpu.memory_space<hbm>>
    tpu.wait_dma2 semaphore(%arg35 : memref<!tpu.dma_semaphore, #tpu.memory_space<semaphore_mem>>) src(%dma_wait3A_263 : memref<16xi32, #tpu.memory_space<hbm>>) dst(%arg15 : memref<16xi32, #tpu.memory_space<vmem>>)
    %dma_wait3A_264 = tpu.memref_slice %arg6[%add3A_183] : memref<4096xi32, #tpu.memory_space<hbm>> -> memref<16xi32, #tpu.memory_space<hbm>>
    %dma_wait3A_265 = tpu.memref_slice %arg6[%add3A_183] : memref<4096xi32, #tpu.memory_space<hbm>> -> memref<16xi32, #tpu.memory_space<hbm>>
    tpu.wait_dma2 semaphore(%arg36 : memref<!tpu.dma_semaphore, #tpu.memory_space<semaphore_mem>>) src(%dma_wait3A_265 : memref<16xi32, #tpu.memory_space<hbm>>) dst(%arg18 : memref<16xi32, #tpu.memory_space<vmem>>)
    %dma_start3A_266 = arith.constant 0 : i32
    %dma_start3A_267 = arith.constant 0 : i32
    %dma_start3A_268 = tpu.memref_slice %arg2[%dma_start3A_266, %dma_start3A_267] : memref<8192x1024xf32, #tpu.memory_space<hbm>> -> memref<8192x1024xf32, #tpu.memory_space<hbm>>
    tpu.enqueue_indirect_dma source(%dma_start3A_268 : memref<8192x1024xf32, #tpu.memory_space<hbm>>) target(%arg21 : memref<16x1024xf32, #tpu.memory_space<vmem>>) offsets(%arg12 : memref<16xi32, #tpu.memory_space<vmem>>) semaphore(%arg43 : memref<!tpu.dma_semaphore, #tpu.memory_space<semaphore_mem>>)
    %dma_start3A_269 = arith.constant 0 : i32
    %dma_start3A_270 = arith.constant 0 : i32
    %dma_start3A_271 = tpu.memref_slice %arg2[%dma_start3A_269, %dma_start3A_270] : memref<8192x1024xf32, #tpu.memory_space<hbm>> -> memref<8192x1024xf32, #tpu.memory_space<hbm>>
    tpu.enqueue_indirect_dma source(%dma_start3A_271 : memref<8192x1024xf32, #tpu.memory_space<hbm>>) target(%arg24 : memref<16x1024xf32, #tpu.memory_space<vmem>>) offsets(%arg15 : memref<16xi32, #tpu.memory_space<vmem>>) semaphore(%arg44 : memref<!tpu.dma_semaphore, #tpu.memory_space<semaphore_mem>>)
    %dma_start3A_272 = arith.constant 0 : i32
    %dma_start3A_273 = arith.constant 0 : i32
    %dma_start3A_274 = tpu.memref_slice %arg3[%dma_start3A_272, %dma_start3A_273] : memref<2048x128xf32, #tpu.memory_space<hbm>> -> memref<2048x128xf32, #tpu.memory_space<hbm>>
    tpu.enqueue_indirect_dma source(%dma_start3A_274 : memref<2048x128xf32, #tpu.memory_space<hbm>>) target(%arg27 : memref<16x128xf32, #tpu.memory_space<vmem>>) offsets(%arg18 : memref<16xi32, #tpu.memory_space<vmem>>) semaphore(%arg45 : memref<!tpu.dma_semaphore, #tpu.memory_space<semaphore_mem>>)
    %add3A_275 = arith.constant 64 : i32
    %add3A_276 = arith.addi %mul3A_2, %add3A_275 : i32
    %dma_wait3A_277 = arith.constant 0 : i32
    %dma_wait3A_278 = arith.constant 0 : i32
    %dma_wait3A_279 = tpu.memref_slice %arg2[%dma_wait3A_277, %dma_wait3A_278] : memref<8192x1024xf32, #tpu.memory_space<hbm>> -> memref<8192x1024xf32, #tpu.memory_space<hbm>>
    tpu.wait_indirect_dma semaphore(%arg40 : memref<!tpu.dma_semaphore, #tpu.memory_space<semaphore_mem>>) src(%dma_wait3A_279 : memref<8192x1024xf32, #tpu.memory_space<hbm>>) dst(%arg20 : memref<16x1024xf32, #tpu.memory_space<vmem>>)
    %dma_wait3A_280 = arith.constant 0 : i32
    %dma_wait3A_281 = arith.constant 0 : i32
    %dma_wait3A_282 = tpu.memref_slice %arg2[%dma_wait3A_280, %dma_wait3A_281] : memref<8192x1024xf32, #tpu.memory_space<hbm>> -> memref<8192x1024xf32, #tpu.memory_space<hbm>>
    tpu.wait_indirect_dma semaphore(%arg41 : memref<!tpu.dma_semaphore, #tpu.memory_space<semaphore_mem>>) src(%dma_wait3A_282 : memref<8192x1024xf32, #tpu.memory_space<hbm>>) dst(%arg23 : memref<16x1024xf32, #tpu.memory_space<vmem>>)
    %dma_wait3A_283 = arith.constant 0 : i32
    %dma_wait3A_284 = arith.constant 0 : i32
    %dma_wait3A_285 = tpu.memref_slice %arg3[%dma_wait3A_283, %dma_wait3A_284] : memref<2048x128xf32, #tpu.memory_space<hbm>> -> memref<2048x128xf32, #tpu.memory_space<hbm>>
    tpu.wait_indirect_dma semaphore(%arg42 : memref<!tpu.dma_semaphore, #tpu.memory_space<semaphore_mem>>) src(%dma_wait3A_285 : memref<2048x128xf32, #tpu.memory_space<hbm>>) dst(%arg26 : memref<16x128xf32, #tpu.memory_space<vmem>>)
    %dma_start3A_286 = arith.constant 0 : i32
    %dma_start3A_287 = tpu.memref_slice %arg7[%add3A_276, %dma_start3A_286] : memref<4096x1024xf32, #tpu.memory_space<hbm>> -> memref<16x1024xf32, #tpu.memory_space<hbm>>
    %dma_start3A_288 = arith.constant 0 : i32
    %dma_start3A_289 = tpu.memref_slice %arg7[%add3A_276, %dma_start3A_288] : memref<4096x1024xf32, #tpu.memory_space<hbm>> -> memref<16x1024xf32, #tpu.memory_space<hbm>>
    tpu.enqueue_dma source(%arg20 : memref<16x1024xf32, #tpu.memory_space<vmem>>) target(%dma_start3A_289 : memref<16x1024xf32, #tpu.memory_space<hbm>>) target_semaphore(%arg49 : memref<!tpu.dma_semaphore, #tpu.memory_space<semaphore_mem>>)
    %dma_start3A_290 = arith.constant 0 : i32
    %dma_start3A_291 = tpu.memref_slice %arg8[%add3A_276, %dma_start3A_290] : memref<4096x1024xf32, #tpu.memory_space<hbm>> -> memref<16x1024xf32, #tpu.memory_space<hbm>>
    %dma_start3A_292 = arith.constant 0 : i32
    %dma_start3A_293 = tpu.memref_slice %arg8[%add3A_276, %dma_start3A_292] : memref<4096x1024xf32, #tpu.memory_space<hbm>> -> memref<16x1024xf32, #tpu.memory_space<hbm>>
    tpu.enqueue_dma source(%arg23 : memref<16x1024xf32, #tpu.memory_space<vmem>>) target(%dma_start3A_293 : memref<16x1024xf32, #tpu.memory_space<hbm>>) target_semaphore(%arg50 : memref<!tpu.dma_semaphore, #tpu.memory_space<semaphore_mem>>)
    %dma_start3A_294 = arith.constant 0 : i32
    %dma_start3A_295 = tpu.memref_slice %arg9[%add3A_276, %dma_start3A_294] : memref<4096x128xf32, #tpu.memory_space<hbm>> -> memref<16x128xf32, #tpu.memory_space<hbm>>
    %dma_start3A_296 = arith.constant 0 : i32
    %dma_start3A_297 = tpu.memref_slice %arg9[%add3A_276, %dma_start3A_296] : memref<4096x128xf32, #tpu.memory_space<hbm>> -> memref<16x128xf32, #tpu.memory_space<hbm>>
    tpu.enqueue_dma source(%arg26 : memref<16x128xf32, #tpu.memory_space<vmem>>) target(%dma_start3A_297 : memref<16x128xf32, #tpu.memory_space<hbm>>) target_semaphore(%arg51 : memref<!tpu.dma_semaphore, #tpu.memory_space<semaphore_mem>>)
    %add3A_298 = arith.constant 112 : i32
    %add3A_299 = arith.addi %mul3A_2, %add3A_298 : i32
    %dma_start3A_300 = tpu.memref_slice %arg4[%add3A_299] : memref<4096xi32, #tpu.memory_space<hbm>> -> memref<16xi32, #tpu.memory_space<hbm>>
    %dma_start3A_301 = tpu.memref_slice %arg4[%add3A_299] : memref<4096xi32, #tpu.memory_space<hbm>> -> memref<16xi32, #tpu.memory_space<hbm>>
    tpu.enqueue_dma source(%dma_start3A_301 : memref<16xi32, #tpu.memory_space<hbm>>) target(%arg11 : memref<16xi32, #tpu.memory_space<vmem>>) target_semaphore(%arg31 : memref<!tpu.dma_semaphore, #tpu.memory_space<semaphore_mem>>)
    %dma_start3A_302 = tpu.memref_slice %arg5[%add3A_299] : memref<4096xi32, #tpu.memory_space<hbm>> -> memref<16xi32, #tpu.memory_space<hbm>>
    %dma_start3A_303 = tpu.memref_slice %arg5[%add3A_299] : memref<4096xi32, #tpu.memory_space<hbm>> -> memref<16xi32, #tpu.memory_space<hbm>>
    tpu.enqueue_dma source(%dma_start3A_303 : memref<16xi32, #tpu.memory_space<hbm>>) target(%arg14 : memref<16xi32, #tpu.memory_space<vmem>>) target_semaphore(%arg32 : memref<!tpu.dma_semaphore, #tpu.memory_space<semaphore_mem>>)
    %dma_start3A_304 = tpu.memref_slice %arg6[%add3A_299] : memref<4096xi32, #tpu.memory_space<hbm>> -> memref<16xi32, #tpu.memory_space<hbm>>
    %dma_start3A_305 = tpu.memref_slice %arg6[%add3A_299] : memref<4096xi32, #tpu.memory_space<hbm>> -> memref<16xi32, #tpu.memory_space<hbm>>
    tpu.enqueue_dma source(%dma_start3A_305 : memref<16xi32, #tpu.memory_space<hbm>>) target(%arg17 : memref<16xi32, #tpu.memory_space<vmem>>) target_semaphore(%arg33 : memref<!tpu.dma_semaphore, #tpu.memory_space<semaphore_mem>>)
    %dma_wait3A_306 = arith.constant 0 : i32
    %dma_wait3A_307 = tpu.memref_slice %arg7[%add3A_218, %dma_wait3A_306] : memref<4096x1024xf32, #tpu.memory_space<hbm>> -> memref<16x1024xf32, #tpu.memory_space<hbm>>
    %dma_wait3A_308 = arith.constant 0 : i32
    %dma_wait3A_309 = tpu.memref_slice %arg7[%add3A_218, %dma_wait3A_308] : memref<4096x1024xf32, #tpu.memory_space<hbm>> -> memref<16x1024xf32, #tpu.memory_space<hbm>>
    tpu.wait_dma2 semaphore(%arg46 : memref<!tpu.dma_semaphore, #tpu.memory_space<semaphore_mem>>) src(%arg19 : memref<16x1024xf32, #tpu.memory_space<vmem>>) dst(%dma_wait3A_309 : memref<16x1024xf32, #tpu.memory_space<hbm>>)
    %dma_wait3A_310 = arith.constant 0 : i32
    %dma_wait3A_311 = tpu.memref_slice %arg8[%add3A_218, %dma_wait3A_310] : memref<4096x1024xf32, #tpu.memory_space<hbm>> -> memref<16x1024xf32, #tpu.memory_space<hbm>>
    %dma_wait3A_312 = arith.constant 0 : i32
    %dma_wait3A_313 = tpu.memref_slice %arg8[%add3A_218, %dma_wait3A_312] : memref<4096x1024xf32, #tpu.memory_space<hbm>> -> memref<16x1024xf32, #tpu.memory_space<hbm>>
    tpu.wait_dma2 semaphore(%arg47 : memref<!tpu.dma_semaphore, #tpu.memory_space<semaphore_mem>>) src(%arg22 : memref<16x1024xf32, #tpu.memory_space<vmem>>) dst(%dma_wait3A_313 : memref<16x1024xf32, #tpu.memory_space<hbm>>)
    %dma_wait3A_314 = arith.constant 0 : i32
    %dma_wait3A_315 = tpu.memref_slice %arg9[%add3A_218, %dma_wait3A_314] : memref<4096x128xf32, #tpu.memory_space<hbm>> -> memref<16x128xf32, #tpu.memory_space<hbm>>
    %dma_wait3A_316 = arith.constant 0 : i32
    %dma_wait3A_317 = tpu.memref_slice %arg9[%add3A_218, %dma_wait3A_316] : memref<4096x128xf32, #tpu.memory_space<hbm>> -> memref<16x128xf32, #tpu.memory_space<hbm>>
    tpu.wait_dma2 semaphore(%arg48 : memref<!tpu.dma_semaphore, #tpu.memory_space<semaphore_mem>>) src(%arg25 : memref<16x128xf32, #tpu.memory_space<vmem>>) dst(%dma_wait3A_317 : memref<16x128xf32, #tpu.memory_space<hbm>>)
    %dma_wait3A_318 = tpu.memref_slice %arg4[%add3A_241] : memref<4096xi32, #tpu.memory_space<hbm>> -> memref<16xi32, #tpu.memory_space<hbm>>
    %dma_wait3A_319 = tpu.memref_slice %arg4[%add3A_241] : memref<4096xi32, #tpu.memory_space<hbm>> -> memref<16xi32, #tpu.memory_space<hbm>>
    tpu.wait_dma2 semaphore(%arg28 : memref<!tpu.dma_semaphore, #tpu.memory_space<semaphore_mem>>) src(%dma_wait3A_319 : memref<16xi32, #tpu.memory_space<hbm>>) dst(%arg10 : memref<16xi32, #tpu.memory_space<vmem>>)
    %dma_wait3A_320 = tpu.memref_slice %arg5[%add3A_241] : memref<4096xi32, #tpu.memory_space<hbm>> -> memref<16xi32, #tpu.memory_space<hbm>>
    %dma_wait3A_321 = tpu.memref_slice %arg5[%add3A_241] : memref<4096xi32, #tpu.memory_space<hbm>> -> memref<16xi32, #tpu.memory_space<hbm>>
    tpu.wait_dma2 semaphore(%arg29 : memref<!tpu.dma_semaphore, #tpu.memory_space<semaphore_mem>>) src(%dma_wait3A_321 : memref<16xi32, #tpu.memory_space<hbm>>) dst(%arg13 : memref<16xi32, #tpu.memory_space<vmem>>)
    %dma_wait3A_322 = tpu.memref_slice %arg6[%add3A_241] : memref<4096xi32, #tpu.memory_space<hbm>> -> memref<16xi32, #tpu.memory_space<hbm>>
    %dma_wait3A_323 = tpu.memref_slice %arg6[%add3A_241] : memref<4096xi32, #tpu.memory_space<hbm>> -> memref<16xi32, #tpu.memory_space<hbm>>
    tpu.wait_dma2 semaphore(%arg30 : memref<!tpu.dma_semaphore, #tpu.memory_space<semaphore_mem>>) src(%dma_wait3A_323 : memref<16xi32, #tpu.memory_space<hbm>>) dst(%arg16 : memref<16xi32, #tpu.memory_space<vmem>>)
    %dma_start3A_324 = arith.constant 0 : i32
    %dma_start3A_325 = arith.constant 0 : i32
    %dma_start3A_326 = tpu.memref_slice %arg2[%dma_start3A_324, %dma_start3A_325] : memref<8192x1024xf32, #tpu.memory_space<hbm>> -> memref<8192x1024xf32, #tpu.memory_space<hbm>>
    tpu.enqueue_indirect_dma source(%dma_start3A_326 : memref<8192x1024xf32, #tpu.memory_space<hbm>>) target(%arg19 : memref<16x1024xf32, #tpu.memory_space<vmem>>) offsets(%arg10 : memref<16xi32, #tpu.memory_space<vmem>>) semaphore(%arg37 : memref<!tpu.dma_semaphore, #tpu.memory_space<semaphore_mem>>)
    %dma_start3A_327 = arith.constant 0 : i32
    %dma_start3A_328 = arith.constant 0 : i32
    %dma_start3A_329 = tpu.memref_slice %arg2[%dma_start3A_327, %dma_start3A_328] : memref<8192x1024xf32, #tpu.memory_space<hbm>> -> memref<8192x1024xf32, #tpu.memory_space<hbm>>
    tpu.enqueue_indirect_dma source(%dma_start3A_329 : memref<8192x1024xf32, #tpu.memory_space<hbm>>) target(%arg22 : memref<16x1024xf32, #tpu.memory_space<vmem>>) offsets(%arg13 : memref<16xi32, #tpu.memory_space<vmem>>) semaphore(%arg38 : memref<!tpu.dma_semaphore, #tpu.memory_space<semaphore_mem>>)
    %dma_start3A_330 = arith.constant 0 : i32
    %dma_start3A_331 = arith.constant 0 : i32
    %dma_start3A_332 = tpu.memref_slice %arg3[%dma_start3A_330, %dma_start3A_331] : memref<2048x128xf32, #tpu.memory_space<hbm>> -> memref<2048x128xf32, #tpu.memory_space<hbm>>
    tpu.enqueue_indirect_dma source(%dma_start3A_332 : memref<2048x128xf32, #tpu.memory_space<hbm>>) target(%arg25 : memref<16x128xf32, #tpu.memory_space<vmem>>) offsets(%arg16 : memref<16xi32, #tpu.memory_space<vmem>>) semaphore(%arg39 : memref<!tpu.dma_semaphore, #tpu.memory_space<semaphore_mem>>)
    %add3A_333 = arith.constant 80 : i32
    %add3A_334 = arith.addi %mul3A_2, %add3A_333 : i32
    %dma_wait3A_335 = arith.constant 0 : i32
    %dma_wait3A_336 = arith.constant 0 : i32
    %dma_wait3A_337 = tpu.memref_slice %arg2[%dma_wait3A_335, %dma_wait3A_336] : memref<8192x1024xf32, #tpu.memory_space<hbm>> -> memref<8192x1024xf32, #tpu.memory_space<hbm>>
    tpu.wait_indirect_dma semaphore(%arg43 : memref<!tpu.dma_semaphore, #tpu.memory_space<semaphore_mem>>) src(%dma_wait3A_337 : memref<8192x1024xf32, #tpu.memory_space<hbm>>) dst(%arg21 : memref<16x1024xf32, #tpu.memory_space<vmem>>)
    %dma_wait3A_338 = arith.constant 0 : i32
    %dma_wait3A_339 = arith.constant 0 : i32
    %dma_wait3A_340 = tpu.memref_slice %arg2[%dma_wait3A_338, %dma_wait3A_339] : memref<8192x1024xf32, #tpu.memory_space<hbm>> -> memref<8192x1024xf32, #tpu.memory_space<hbm>>
    tpu.wait_indirect_dma semaphore(%arg44 : memref<!tpu.dma_semaphore, #tpu.memory_space<semaphore_mem>>) src(%dma_wait3A_340 : memref<8192x1024xf32, #tpu.memory_space<hbm>>) dst(%arg24 : memref<16x1024xf32, #tpu.memory_space<vmem>>)
    %dma_wait3A_341 = arith.constant 0 : i32
    %dma_wait3A_342 = arith.constant 0 : i32
    %dma_wait3A_343 = tpu.memref_slice %arg3[%dma_wait3A_341, %dma_wait3A_342] : memref<2048x128xf32, #tpu.memory_space<hbm>> -> memref<2048x128xf32, #tpu.memory_space<hbm>>
    tpu.wait_indirect_dma semaphore(%arg45 : memref<!tpu.dma_semaphore, #tpu.memory_space<semaphore_mem>>) src(%dma_wait3A_343 : memref<2048x128xf32, #tpu.memory_space<hbm>>) dst(%arg27 : memref<16x128xf32, #tpu.memory_space<vmem>>)
    %dma_start3A_344 = arith.constant 0 : i32
    %dma_start3A_345 = tpu.memref_slice %arg7[%add3A_334, %dma_start3A_344] : memref<4096x1024xf32, #tpu.memory_space<hbm>> -> memref<16x1024xf32, #tpu.memory_space<hbm>>
    %dma_start3A_346 = arith.constant 0 : i32
    %dma_start3A_347 = tpu.memref_slice %arg7[%add3A_334, %dma_start3A_346] : memref<4096x1024xf32, #tpu.memory_space<hbm>> -> memref<16x1024xf32, #tpu.memory_space<hbm>>
    tpu.enqueue_dma source(%arg21 : memref<16x1024xf32, #tpu.memory_space<vmem>>) target(%dma_start3A_347 : memref<16x1024xf32, #tpu.memory_space<hbm>>) target_semaphore(%arg52 : memref<!tpu.dma_semaphore, #tpu.memory_space<semaphore_mem>>)
    %dma_start3A_348 = arith.constant 0 : i32
    %dma_start3A_349 = tpu.memref_slice %arg8[%add3A_334, %dma_start3A_348] : memref<4096x1024xf32, #tpu.memory_space<hbm>> -> memref<16x1024xf32, #tpu.memory_space<hbm>>
    %dma_start3A_350 = arith.constant 0 : i32
    %dma_start3A_351 = tpu.memref_slice %arg8[%add3A_334, %dma_start3A_350] : memref<4096x1024xf32, #tpu.memory_space<hbm>> -> memref<16x1024xf32, #tpu.memory_space<hbm>>
    tpu.enqueue_dma source(%arg24 : memref<16x1024xf32, #tpu.memory_space<vmem>>) target(%dma_start3A_351 : memref<16x1024xf32, #tpu.memory_space<hbm>>) target_semaphore(%arg53 : memref<!tpu.dma_semaphore, #tpu.memory_space<semaphore_mem>>)
    %dma_start3A_352 = arith.constant 0 : i32
    %dma_start3A_353 = tpu.memref_slice %arg9[%add3A_334, %dma_start3A_352] : memref<4096x128xf32, #tpu.memory_space<hbm>> -> memref<16x128xf32, #tpu.memory_space<hbm>>
    %dma_start3A_354 = arith.constant 0 : i32
    %dma_start3A_355 = tpu.memref_slice %arg9[%add3A_334, %dma_start3A_354] : memref<4096x128xf32, #tpu.memory_space<hbm>> -> memref<16x128xf32, #tpu.memory_space<hbm>>
    tpu.enqueue_dma source(%arg27 : memref<16x128xf32, #tpu.memory_space<vmem>>) target(%dma_start3A_355 : memref<16x128xf32, #tpu.memory_space<hbm>>) target_semaphore(%arg54 : memref<!tpu.dma_semaphore, #tpu.memory_space<semaphore_mem>>)
    %dma_wait3A_356 = arith.constant 0 : i32
    %dma_wait3A_357 = tpu.memref_slice %arg7[%add3A_276, %dma_wait3A_356] : memref<4096x1024xf32, #tpu.memory_space<hbm>> -> memref<16x1024xf32, #tpu.memory_space<hbm>>
    %dma_wait3A_358 = arith.constant 0 : i32
    %dma_wait3A_359 = tpu.memref_slice %arg7[%add3A_276, %dma_wait3A_358] : memref<4096x1024xf32, #tpu.memory_space<hbm>> -> memref<16x1024xf32, #tpu.memory_space<hbm>>
    tpu.wait_dma2 semaphore(%arg49 : memref<!tpu.dma_semaphore, #tpu.memory_space<semaphore_mem>>) src(%arg20 : memref<16x1024xf32, #tpu.memory_space<vmem>>) dst(%dma_wait3A_359 : memref<16x1024xf32, #tpu.memory_space<hbm>>)
    %dma_wait3A_360 = arith.constant 0 : i32
    %dma_wait3A_361 = tpu.memref_slice %arg8[%add3A_276, %dma_wait3A_360] : memref<4096x1024xf32, #tpu.memory_space<hbm>> -> memref<16x1024xf32, #tpu.memory_space<hbm>>
    %dma_wait3A_362 = arith.constant 0 : i32
    %dma_wait3A_363 = tpu.memref_slice %arg8[%add3A_276, %dma_wait3A_362] : memref<4096x1024xf32, #tpu.memory_space<hbm>> -> memref<16x1024xf32, #tpu.memory_space<hbm>>
    tpu.wait_dma2 semaphore(%arg50 : memref<!tpu.dma_semaphore, #tpu.memory_space<semaphore_mem>>) src(%arg23 : memref<16x1024xf32, #tpu.memory_space<vmem>>) dst(%dma_wait3A_363 : memref<16x1024xf32, #tpu.memory_space<hbm>>)
    %dma_wait3A_364 = arith.constant 0 : i32
    %dma_wait3A_365 = tpu.memref_slice %arg9[%add3A_276, %dma_wait3A_364] : memref<4096x128xf32, #tpu.memory_space<hbm>> -> memref<16x128xf32, #tpu.memory_space<hbm>>
    %dma_wait3A_366 = arith.constant 0 : i32
    %dma_wait3A_367 = tpu.memref_slice %arg9[%add3A_276, %dma_wait3A_366] : memref<4096x128xf32, #tpu.memory_space<hbm>> -> memref<16x128xf32, #tpu.memory_space<hbm>>
    tpu.wait_dma2 semaphore(%arg51 : memref<!tpu.dma_semaphore, #tpu.memory_space<semaphore_mem>>) src(%arg26 : memref<16x128xf32, #tpu.memory_space<vmem>>) dst(%dma_wait3A_367 : memref<16x128xf32, #tpu.memory_space<hbm>>)
    %dma_wait3A_368 = tpu.memref_slice %arg4[%add3A_299] : memref<4096xi32, #tpu.memory_space<hbm>> -> memref<16xi32, #tpu.memory_space<hbm>>
    %dma_wait3A_369 = tpu.memref_slice %arg4[%add3A_299] : memref<4096xi32, #tpu.memory_space<hbm>> -> memref<16xi32, #tpu.memory_space<hbm>>
    tpu.wait_dma2 semaphore(%arg31 : memref<!tpu.dma_semaphore, #tpu.memory_space<semaphore_mem>>) src(%dma_wait3A_369 : memref<16xi32, #tpu.memory_space<hbm>>) dst(%arg11 : memref<16xi32, #tpu.memory_space<vmem>>)
    %dma_wait3A_370 = tpu.memref_slice %arg5[%add3A_299] : memref<4096xi32, #tpu.memory_space<hbm>> -> memref<16xi32, #tpu.memory_space<hbm>>
    %dma_wait3A_371 = tpu.memref_slice %arg5[%add3A_299] : memref<4096xi32, #tpu.memory_space<hbm>> -> memref<16xi32, #tpu.memory_space<hbm>>
    tpu.wait_dma2 semaphore(%arg32 : memref<!tpu.dma_semaphore, #tpu.memory_space<semaphore_mem>>) src(%dma_wait3A_371 : memref<16xi32, #tpu.memory_space<hbm>>) dst(%arg14 : memref<16xi32, #tpu.memory_space<vmem>>)
    %dma_wait3A_372 = tpu.memref_slice %arg6[%add3A_299] : memref<4096xi32, #tpu.memory_space<hbm>> -> memref<16xi32, #tpu.memory_space<hbm>>
    %dma_wait3A_373 = tpu.memref_slice %arg6[%add3A_299] : memref<4096xi32, #tpu.memory_space<hbm>> -> memref<16xi32, #tpu.memory_space<hbm>>
    tpu.wait_dma2 semaphore(%arg33 : memref<!tpu.dma_semaphore, #tpu.memory_space<semaphore_mem>>) src(%dma_wait3A_373 : memref<16xi32, #tpu.memory_space<hbm>>) dst(%arg17 : memref<16xi32, #tpu.memory_space<vmem>>)
    %dma_start3A_374 = arith.constant 0 : i32
    %dma_start3A_375 = arith.constant 0 : i32
    %dma_start3A_376 = tpu.memref_slice %arg2[%dma_start3A_374, %dma_start3A_375] : memref<8192x1024xf32, #tpu.memory_space<hbm>> -> memref<8192x1024xf32, #tpu.memory_space<hbm>>
    tpu.enqueue_indirect_dma source(%dma_start3A_376 : memref<8192x1024xf32, #tpu.memory_space<hbm>>) target(%arg20 : memref<16x1024xf32, #tpu.memory_space<vmem>>) offsets(%arg11 : memref<16xi32, #tpu.memory_space<vmem>>) semaphore(%arg40 : memref<!tpu.dma_semaphore, #tpu.memory_space<semaphore_mem>>)
    %dma_start3A_377 = arith.constant 0 : i32
    %dma_start3A_378 = arith.constant 0 : i32
    %dma_start3A_379 = tpu.memref_slice %arg2[%dma_start3A_377, %dma_start3A_378] : memref<8192x1024xf32, #tpu.memory_space<hbm>> -> memref<8192x1024xf32, #tpu.memory_space<hbm>>
    tpu.enqueue_indirect_dma source(%dma_start3A_379 : memref<8192x1024xf32, #tpu.memory_space<hbm>>) target(%arg23 : memref<16x1024xf32, #tpu.memory_space<vmem>>) offsets(%arg14 : memref<16xi32, #tpu.memory_space<vmem>>) semaphore(%arg41 : memref<!tpu.dma_semaphore, #tpu.memory_space<semaphore_mem>>)
    %dma_start3A_380 = arith.constant 0 : i32
    %dma_start3A_381 = arith.constant 0 : i32
    %dma_start3A_382 = tpu.memref_slice %arg3[%dma_start3A_380, %dma_start3A_381] : memref<2048x128xf32, #tpu.memory_space<hbm>> -> memref<2048x128xf32, #tpu.memory_space<hbm>>
    tpu.enqueue_indirect_dma source(%dma_start3A_382 : memref<2048x128xf32, #tpu.memory_space<hbm>>) target(%arg26 : memref<16x128xf32, #tpu.memory_space<vmem>>) offsets(%arg17 : memref<16xi32, #tpu.memory_space<vmem>>) semaphore(%arg42 : memref<!tpu.dma_semaphore, #tpu.memory_space<semaphore_mem>>)
    %add3A_383 = arith.constant 96 : i32
    %add3A_384 = arith.addi %mul3A_2, %add3A_383 : i32
    %dma_wait3A_385 = arith.constant 0 : i32
    %dma_wait3A_386 = arith.constant 0 : i32
    %dma_wait3A_387 = tpu.memref_slice %arg2[%dma_wait3A_385, %dma_wait3A_386] : memref<8192x1024xf32, #tpu.memory_space<hbm>> -> memref<8192x1024xf32, #tpu.memory_space<hbm>>
    tpu.wait_indirect_dma semaphore(%arg37 : memref<!tpu.dma_semaphore, #tpu.memory_space<semaphore_mem>>) src(%dma_wait3A_387 : memref<8192x1024xf32, #tpu.memory_space<hbm>>) dst(%arg19 : memref<16x1024xf32, #tpu.memory_space<vmem>>)
    %dma_wait3A_388 = arith.constant 0 : i32
    %dma_wait3A_389 = arith.constant 0 : i32
    %dma_wait3A_390 = tpu.memref_slice %arg2[%dma_wait3A_388, %dma_wait3A_389] : memref<8192x1024xf32, #tpu.memory_space<hbm>> -> memref<8192x1024xf32, #tpu.memory_space<hbm>>
    tpu.wait_indirect_dma semaphore(%arg38 : memref<!tpu.dma_semaphore, #tpu.memory_space<semaphore_mem>>) src(%dma_wait3A_390 : memref<8192x1024xf32, #tpu.memory_space<hbm>>) dst(%arg22 : memref<16x1024xf32, #tpu.memory_space<vmem>>)
    %dma_wait3A_391 = arith.constant 0 : i32
    %dma_wait3A_392 = arith.constant 0 : i32
    %dma_wait3A_393 = tpu.memref_slice %arg3[%dma_wait3A_391, %dma_wait3A_392] : memref<2048x128xf32, #tpu.memory_space<hbm>> -> memref<2048x128xf32, #tpu.memory_space<hbm>>
    tpu.wait_indirect_dma semaphore(%arg39 : memref<!tpu.dma_semaphore, #tpu.memory_space<semaphore_mem>>) src(%dma_wait3A_393 : memref<2048x128xf32, #tpu.memory_space<hbm>>) dst(%arg25 : memref<16x128xf32, #tpu.memory_space<vmem>>)
    %dma_start3A_394 = arith.constant 0 : i32
    %dma_start3A_395 = tpu.memref_slice %arg7[%add3A_384, %dma_start3A_394] : memref<4096x1024xf32, #tpu.memory_space<hbm>> -> memref<16x1024xf32, #tpu.memory_space<hbm>>
    %dma_start3A_396 = arith.constant 0 : i32
    %dma_start3A_397 = tpu.memref_slice %arg7[%add3A_384, %dma_start3A_396] : memref<4096x1024xf32, #tpu.memory_space<hbm>> -> memref<16x1024xf32, #tpu.memory_space<hbm>>
    tpu.enqueue_dma source(%arg19 : memref<16x1024xf32, #tpu.memory_space<vmem>>) target(%dma_start3A_397 : memref<16x1024xf32, #tpu.memory_space<hbm>>) target_semaphore(%arg46 : memref<!tpu.dma_semaphore, #tpu.memory_space<semaphore_mem>>)
    %dma_start3A_398 = arith.constant 0 : i32
    %dma_start3A_399 = tpu.memref_slice %arg8[%add3A_384, %dma_start3A_398] : memref<4096x1024xf32, #tpu.memory_space<hbm>> -> memref<16x1024xf32, #tpu.memory_space<hbm>>
    %dma_start3A_400 = arith.constant 0 : i32
    %dma_start3A_401 = tpu.memref_slice %arg8[%add3A_384, %dma_start3A_400] : memref<4096x1024xf32, #tpu.memory_space<hbm>> -> memref<16x1024xf32, #tpu.memory_space<hbm>>
    tpu.enqueue_dma source(%arg22 : memref<16x1024xf32, #tpu.memory_space<vmem>>) target(%dma_start3A_401 : memref<16x1024xf32, #tpu.memory_space<hbm>>) target_semaphore(%arg47 : memref<!tpu.dma_semaphore, #tpu.memory_space<semaphore_mem>>)
    %dma_start3A_402 = arith.constant 0 : i32
    %dma_start3A_403 = tpu.memref_slice %arg9[%add3A_384, %dma_start3A_402] : memref<4096x128xf32, #tpu.memory_space<hbm>> -> memref<16x128xf32, #tpu.memory_space<hbm>>
    %dma_start3A_404 = arith.constant 0 : i32
    %dma_start3A_405 = tpu.memref_slice %arg9[%add3A_384, %dma_start3A_404] : memref<4096x128xf32, #tpu.memory_space<hbm>> -> memref<16x128xf32, #tpu.memory_space<hbm>>
    tpu.enqueue_dma source(%arg25 : memref<16x128xf32, #tpu.memory_space<vmem>>) target(%dma_start3A_405 : memref<16x128xf32, #tpu.memory_space<hbm>>) target_semaphore(%arg48 : memref<!tpu.dma_semaphore, #tpu.memory_space<semaphore_mem>>)
    %add3A_406 = arith.constant 112 : i32
    %add3A_407 = arith.addi %mul3A_2, %add3A_406 : i32
    %dma_wait3A_408 = arith.constant 0 : i32
    %dma_wait3A_409 = arith.constant 0 : i32
    %dma_wait3A_410 = tpu.memref_slice %arg2[%dma_wait3A_408, %dma_wait3A_409] : memref<8192x1024xf32, #tpu.memory_space<hbm>> -> memref<8192x1024xf32, #tpu.memory_space<hbm>>
    tpu.wait_indirect_dma semaphore(%arg40 : memref<!tpu.dma_semaphore, #tpu.memory_space<semaphore_mem>>) src(%dma_wait3A_410 : memref<8192x1024xf32, #tpu.memory_space<hbm>>) dst(%arg20 : memref<16x1024xf32, #tpu.memory_space<vmem>>)
    %dma_wait3A_411 = arith.constant 0 : i32
    %dma_wait3A_412 = arith.constant 0 : i32
    %dma_wait3A_413 = tpu.memref_slice %arg2[%dma_wait3A_411, %dma_wait3A_412] : memref<8192x1024xf32, #tpu.memory_space<hbm>> -> memref<8192x1024xf32, #tpu.memory_space<hbm>>
    tpu.wait_indirect_dma semaphore(%arg41 : memref<!tpu.dma_semaphore, #tpu.memory_space<semaphore_mem>>) src(%dma_wait3A_413 : memref<8192x1024xf32, #tpu.memory_space<hbm>>) dst(%arg23 : memref<16x1024xf32, #tpu.memory_space<vmem>>)
    %dma_wait3A_414 = arith.constant 0 : i32
    %dma_wait3A_415 = arith.constant 0 : i32
    %dma_wait3A_416 = tpu.memref_slice %arg3[%dma_wait3A_414, %dma_wait3A_415] : memref<2048x128xf32, #tpu.memory_space<hbm>> -> memref<2048x128xf32, #tpu.memory_space<hbm>>
    tpu.wait_indirect_dma semaphore(%arg42 : memref<!tpu.dma_semaphore, #tpu.memory_space<semaphore_mem>>) src(%dma_wait3A_416 : memref<2048x128xf32, #tpu.memory_space<hbm>>) dst(%arg26 : memref<16x128xf32, #tpu.memory_space<vmem>>)
    %dma_start3A_417 = arith.constant 0 : i32
    %dma_start3A_418 = tpu.memref_slice %arg7[%add3A_407, %dma_start3A_417] : memref<4096x1024xf32, #tpu.memory_space<hbm>> -> memref<16x1024xf32, #tpu.memory_space<hbm>>
    %dma_start3A_419 = arith.constant 0 : i32
    %dma_start3A_420 = tpu.memref_slice %arg7[%add3A_407, %dma_start3A_419] : memref<4096x1024xf32, #tpu.memory_space<hbm>> -> memref<16x1024xf32, #tpu.memory_space<hbm>>
    tpu.enqueue_dma source(%arg20 : memref<16x1024xf32, #tpu.memory_space<vmem>>) target(%dma_start3A_420 : memref<16x1024xf32, #tpu.memory_space<hbm>>) target_semaphore(%arg49 : memref<!tpu.dma_semaphore, #tpu.memory_space<semaphore_mem>>)
    %dma_start3A_421 = arith.constant 0 : i32
    %dma_start3A_422 = tpu.memref_slice %arg8[%add3A_407, %dma_start3A_421] : memref<4096x1024xf32, #tpu.memory_space<hbm>> -> memref<16x1024xf32, #tpu.memory_space<hbm>>
    %dma_start3A_423 = arith.constant 0 : i32
    %dma_start3A_424 = tpu.memref_slice %arg8[%add3A_407, %dma_start3A_423] : memref<4096x1024xf32, #tpu.memory_space<hbm>> -> memref<16x1024xf32, #tpu.memory_space<hbm>>
    tpu.enqueue_dma source(%arg23 : memref<16x1024xf32, #tpu.memory_space<vmem>>) target(%dma_start3A_424 : memref<16x1024xf32, #tpu.memory_space<hbm>>) target_semaphore(%arg50 : memref<!tpu.dma_semaphore, #tpu.memory_space<semaphore_mem>>)
    %dma_start3A_425 = arith.constant 0 : i32
    %dma_start3A_426 = tpu.memref_slice %arg9[%add3A_407, %dma_start3A_425] : memref<4096x128xf32, #tpu.memory_space<hbm>> -> memref<16x128xf32, #tpu.memory_space<hbm>>
    %dma_start3A_427 = arith.constant 0 : i32
    %dma_start3A_428 = tpu.memref_slice %arg9[%add3A_407, %dma_start3A_427] : memref<4096x128xf32, #tpu.memory_space<hbm>> -> memref<16x128xf32, #tpu.memory_space<hbm>>
    tpu.enqueue_dma source(%arg26 : memref<16x128xf32, #tpu.memory_space<vmem>>) target(%dma_start3A_428 : memref<16x128xf32, #tpu.memory_space<hbm>>) target_semaphore(%arg51 : memref<!tpu.dma_semaphore, #tpu.memory_space<semaphore_mem>>)
    %dma_wait3A_429 = arith.constant 0 : i32
    %dma_wait3A_430 = tpu.memref_slice %arg7[%add3A_334, %dma_wait3A_429] : memref<4096x1024xf32, #tpu.memory_space<hbm>> -> memref<16x1024xf32, #tpu.memory_space<hbm>>
    %dma_wait3A_431 = arith.constant 0 : i32
    %dma_wait3A_432 = tpu.memref_slice %arg7[%add3A_334, %dma_wait3A_431] : memref<4096x1024xf32, #tpu.memory_space<hbm>> -> memref<16x1024xf32, #tpu.memory_space<hbm>>
    tpu.wait_dma2 semaphore(%arg52 : memref<!tpu.dma_semaphore, #tpu.memory_space<semaphore_mem>>) src(%arg21 : memref<16x1024xf32, #tpu.memory_space<vmem>>) dst(%dma_wait3A_432 : memref<16x1024xf32, #tpu.memory_space<hbm>>)
    %dma_wait3A_433 = arith.constant 0 : i32
    %dma_wait3A_434 = tpu.memref_slice %arg8[%add3A_334, %dma_wait3A_433] : memref<4096x1024xf32, #tpu.memory_space<hbm>> -> memref<16x1024xf32, #tpu.memory_space<hbm>>
    %dma_wait3A_435 = arith.constant 0 : i32
    %dma_wait3A_436 = tpu.memref_slice %arg8[%add3A_334, %dma_wait3A_435] : memref<4096x1024xf32, #tpu.memory_space<hbm>> -> memref<16x1024xf32, #tpu.memory_space<hbm>>
    tpu.wait_dma2 semaphore(%arg53 : memref<!tpu.dma_semaphore, #tpu.memory_space<semaphore_mem>>) src(%arg24 : memref<16x1024xf32, #tpu.memory_space<vmem>>) dst(%dma_wait3A_436 : memref<16x1024xf32, #tpu.memory_space<hbm>>)
    %dma_wait3A_437 = arith.constant 0 : i32
    %dma_wait3A_438 = tpu.memref_slice %arg9[%add3A_334, %dma_wait3A_437] : memref<4096x128xf32, #tpu.memory_space<hbm>> -> memref<16x128xf32, #tpu.memory_space<hbm>>
    %dma_wait3A_439 = arith.constant 0 : i32
    %dma_wait3A_440 = tpu.memref_slice %arg9[%add3A_334, %dma_wait3A_439] : memref<4096x128xf32, #tpu.memory_space<hbm>> -> memref<16x128xf32, #tpu.memory_space<hbm>>
    tpu.wait_dma2 semaphore(%arg54 : memref<!tpu.dma_semaphore, #tpu.memory_space<semaphore_mem>>) src(%arg27 : memref<16x128xf32, #tpu.memory_space<vmem>>) dst(%dma_wait3A_440 : memref<16x128xf32, #tpu.memory_space<hbm>>)
    %dma_wait3A_441 = arith.constant 0 : i32
    %dma_wait3A_442 = tpu.memref_slice %arg7[%add3A_384, %dma_wait3A_441] : memref<4096x1024xf32, #tpu.memory_space<hbm>> -> memref<16x1024xf32, #tpu.memory_space<hbm>>
    %dma_wait3A_443 = arith.constant 0 : i32
    %dma_wait3A_444 = tpu.memref_slice %arg7[%add3A_384, %dma_wait3A_443] : memref<4096x1024xf32, #tpu.memory_space<hbm>> -> memref<16x1024xf32, #tpu.memory_space<hbm>>
    tpu.wait_dma2 semaphore(%arg46 : memref<!tpu.dma_semaphore, #tpu.memory_space<semaphore_mem>>) src(%arg19 : memref<16x1024xf32, #tpu.memory_space<vmem>>) dst(%dma_wait3A_444 : memref<16x1024xf32, #tpu.memory_space<hbm>>)
    %dma_wait3A_445 = arith.constant 0 : i32
    %dma_wait3A_446 = tpu.memref_slice %arg8[%add3A_384, %dma_wait3A_445] : memref<4096x1024xf32, #tpu.memory_space<hbm>> -> memref<16x1024xf32, #tpu.memory_space<hbm>>
    %dma_wait3A_447 = arith.constant 0 : i32
    %dma_wait3A_448 = tpu.memref_slice %arg8[%add3A_384, %dma_wait3A_447] : memref<4096x1024xf32, #tpu.memory_space<hbm>> -> memref<16x1024xf32, #tpu.memory_space<hbm>>
    tpu.wait_dma2 semaphore(%arg47 : memref<!tpu.dma_semaphore, #tpu.memory_space<semaphore_mem>>) src(%arg22 : memref<16x1024xf32, #tpu.memory_space<vmem>>) dst(%dma_wait3A_448 : memref<16x1024xf32, #tpu.memory_space<hbm>>)
    %dma_wait3A_449 = arith.constant 0 : i32
    %dma_wait3A_450 = tpu.memref_slice %arg9[%add3A_384, %dma_wait3A_449] : memref<4096x128xf32, #tpu.memory_space<hbm>> -> memref<16x128xf32, #tpu.memory_space<hbm>>
    %dma_wait3A_451 = arith.constant 0 : i32
    %dma_wait3A_452 = tpu.memref_slice %arg9[%add3A_384, %dma_wait3A_451] : memref<4096x128xf32, #tpu.memory_space<hbm>> -> memref<16x128xf32, #tpu.memory_space<hbm>>
    tpu.wait_dma2 semaphore(%arg48 : memref<!tpu.dma_semaphore, #tpu.memory_space<semaphore_mem>>) src(%arg25 : memref<16x128xf32, #tpu.memory_space<vmem>>) dst(%dma_wait3A_452 : memref<16x128xf32, #tpu.memory_space<hbm>>)
    %dma_wait3A_453 = arith.constant 0 : i32
    %dma_wait3A_454 = tpu.memref_slice %arg7[%add3A_407, %dma_wait3A_453] : memref<4096x1024xf32, #tpu.memory_space<hbm>> -> memref<16x1024xf32, #tpu.memory_space<hbm>>
    %dma_wait3A_455 = arith.constant 0 : i32
    %dma_wait3A_456 = tpu.memref_slice %arg7[%add3A_407, %dma_wait3A_455] : memref<4096x1024xf32, #tpu.memory_space<hbm>> -> memref<16x1024xf32, #tpu.memory_space<hbm>>
    tpu.wait_dma2 semaphore(%arg49 : memref<!tpu.dma_semaphore, #tpu.memory_space<semaphore_mem>>) src(%arg20 : memref<16x1024xf32, #tpu.memory_space<vmem>>) dst(%dma_wait3A_456 : memref<16x1024xf32, #tpu.memory_space<hbm>>)
    %dma_wait3A_457 = arith.constant 0 : i32
    %dma_wait3A_458 = tpu.memref_slice %arg8[%add3A_407, %dma_wait3A_457] : memref<4096x1024xf32, #tpu.memory_space<hbm>> -> memref<16x1024xf32, #tpu.memory_space<hbm>>
    %dma_wait3A_459 = arith.constant 0 : i32
    %dma_wait3A_460 = tpu.memref_slice %arg8[%add3A_407, %dma_wait3A_459] : memref<4096x1024xf32, #tpu.memory_space<hbm>> -> memref<16x1024xf32, #tpu.memory_space<hbm>>
    tpu.wait_dma2 semaphore(%arg50 : memref<!tpu.dma_semaphore, #tpu.memory_space<semaphore_mem>>) src(%arg23 : memref<16x1024xf32, #tpu.memory_space<vmem>>) dst(%dma_wait3A_460 : memref<16x1024xf32, #tpu.memory_space<hbm>>)
    %dma_wait3A_461 = arith.constant 0 : i32
    %dma_wait3A_462 = tpu.memref_slice %arg9[%add3A_407, %dma_wait3A_461] : memref<4096x128xf32, #tpu.memory_space<hbm>> -> memref<16x128xf32, #tpu.memory_space<hbm>>
    %dma_wait3A_463 = arith.constant 0 : i32
    %dma_wait3A_464 = tpu.memref_slice %arg9[%add3A_407, %dma_wait3A_463] : memref<4096x128xf32, #tpu.memory_space<hbm>> -> memref<16x128xf32, #tpu.memory_space<hbm>>
    tpu.wait_dma2 semaphore(%arg51 : memref<!tpu.dma_semaphore, #tpu.memory_space<semaphore_mem>>) src(%arg26 : memref<16x128xf32, #tpu.memory_space<vmem>>) dst(%dma_wait3A_464 : memref<16x128xf32, #tpu.memory_space<hbm>>)
    return
  }
}

module attributes {stable_mosaic.version = 14 : i64} {
  func.func @_mlp_block(%arg0: i32, %arg1: memref<1024x1024xf32, #tpu.memory_space<vmem>>, %arg2: memref<1024x1024xf32, #tpu.memory_space<vmem>>, %arg3: memref<1024x128xf32, #tpu.memory_space<vmem>>, %arg4: memref<1024x1024xbf16, #tpu.memory_space<vmem>>, %arg5: memref<1024x1024xbf16, #tpu.memory_space<vmem>>, %arg6: memref<128x1024xbf16, #tpu.memory_space<vmem>>, %arg7: memref<1x1024xf32, #tpu.memory_space<vmem>>, %arg8: memref<1024x16xbf16, #tpu.memory_space<vmem>>, %arg9: memref<1x16xf32, #tpu.memory_space<vmem>>, %arg10: memref<1024x16xf32, #tpu.memory_space<vmem>>) attributes {dimension_semantics = [#tpu.dimension_semantics<parallel>], iteration_bounds = array<i64: 4>, scalar_prefetch = 0 : i64, scratch_operands = 0 : i64, tpu.core_type = #tpu.core_type<tc>, window_params = [{transform_indices = @transform_0, window_bounds = array<i64: 1024, 1024>}, {transform_indices = @transform_1, window_bounds = array<i64: 1024, 1024>}, {transform_indices = @transform_2, window_bounds = array<i64: 1024, 128>}, {pipeline_mode = #tpu.pipeline_mode<synchronous>, transform_indices = @transform_3, window_bounds = array<i64: 1024, 1024>}, {pipeline_mode = #tpu.pipeline_mode<synchronous>, transform_indices = @transform_4, window_bounds = array<i64: 1024, 1024>}, {pipeline_mode = #tpu.pipeline_mode<synchronous>, transform_indices = @transform_5, window_bounds = array<i64: 128, 1024>}, {pipeline_mode = #tpu.pipeline_mode<synchronous>, transform_indices = @transform_6, window_bounds = array<i64: 1, 1024>}, {pipeline_mode = #tpu.pipeline_mode<synchronous>, transform_indices = @transform_7, window_bounds = array<i64: 1024, 16>}, {pipeline_mode = #tpu.pipeline_mode<synchronous>, transform_indices = @transform_8, window_bounds = array<i64: 1, 16>}, {transform_indices = @transform_9, window_bounds = array<i64: 1024, 16>}]} {
    %get3A = arith.constant 0 : index
    %get3A_0 = arith.constant 0 : index
    %get3A_1 = vector.load %arg1[%get3A, %get3A_0] : memref<1024x1024xf32, #tpu.memory_space<vmem>>, vector<1024x1024xf32>
    %convert_element_type3A = arith.truncf %get3A_1 : vector<1024x1024xf32> to vector<1024x1024xbf16>
    %get3A_2 = arith.constant 0 : index
    %get3A_3 = arith.constant 0 : index
    %get3A_4 = vector.load %arg4[%get3A_2, %get3A_3] : memref<1024x1024xbf16, #tpu.memory_space<vmem>>, vector<1024x1024xbf16>
    %dot_general3A = arith.constant dense<0.000000e+00> : vector<1024x1024xf32>
    %dot_general3A_5 = tpu.matmul %convert_element_type3A, %get3A_4, %dot_general3A {dimension_numbers = #tpu.dot_dimension_numbers<[1], [0], [0], [1], [0, 0, 1, 1], [], []>, transpose_lhs_hint = false} : vector<1024x1024xbf16>, vector<1024x1024xbf16>, vector<1024x1024xf32> -> vector<1024x1024xf32>
    %get3A_6 = arith.constant 0 : index
    %get3A_7 = arith.constant 0 : index
    %get3A_8 = vector.load %arg2[%get3A_6, %get3A_7] : memref<1024x1024xf32, #tpu.memory_space<vmem>>, vector<1024x1024xf32>
    %convert_element_type3A_9 = arith.truncf %get3A_8 : vector<1024x1024xf32> to vector<1024x1024xbf16>
    %get3A_10 = arith.constant 0 : index
    %get3A_11 = arith.constant 0 : index
    %get3A_12 = vector.load %arg5[%get3A_10, %get3A_11] : memref<1024x1024xbf16, #tpu.memory_space<vmem>>, vector<1024x1024xbf16>
    %dot_general3A_13 = arith.constant dense<0.000000e+00> : vector<1024x1024xf32>
    %dot_general3A_14 = tpu.matmul %convert_element_type3A_9, %get3A_12, %dot_general3A_13 {dimension_numbers = #tpu.dot_dimension_numbers<[1], [0], [0], [1], [0, 0, 1, 1], [], []>, transpose_lhs_hint = false} : vector<1024x1024xbf16>, vector<1024x1024xbf16>, vector<1024x1024xf32> -> vector<1024x1024xf32>
    %add3A = arith.addf %dot_general3A_5, %dot_general3A_14 : vector<1024x1024xf32>
    %get3A_15 = arith.constant 0 : index
    %get3A_16 = arith.constant 0 : index
    %get3A_17 = vector.load %arg3[%get3A_15, %get3A_16] : memref<1024x128xf32, #tpu.memory_space<vmem>>, vector<1024x128xf32>
    %convert_element_type3A_18 = arith.truncf %get3A_17 : vector<1024x128xf32> to vector<1024x128xbf16>
    %get3A_19 = arith.constant 0 : index
    %get3A_20 = arith.constant 0 : index
    %get3A_21 = vector.load %arg6[%get3A_19, %get3A_20] : memref<128x1024xbf16, #tpu.memory_space<vmem>>, vector<128x1024xbf16>
    %dot_general3A_22 = arith.constant dense<0.000000e+00> : vector<1024x1024xf32>
    %dot_general3A_23 = tpu.matmul %convert_element_type3A_18, %get3A_21, %dot_general3A_22 {dimension_numbers = #tpu.dot_dimension_numbers<[1], [0], [0], [1], [0, 0, 1, 1], [], []>, transpose_lhs_hint = false} : vector<1024x128xbf16>, vector<128x1024xbf16>, vector<1024x1024xf32> -> vector<1024x1024xf32>
    %add3A_24 = arith.addf %add3A, %dot_general3A_23 : vector<1024x1024xf32>
    %get3A_25 = arith.constant 0 : index
    %get3A_26 = arith.constant 0 : index
    %get3A_27 = vector.load %arg7[%get3A_25, %get3A_26] : memref<1x1024xf32, #tpu.memory_space<vmem>>, vector<1x1024xf32>
    %add3A_28 = vector.broadcast %get3A_27 : vector<1x1024xf32> to vector<1024x1024xf32>
    %add3A_29 = arith.addf %add3A_24, %add3A_28 : vector<1024x1024xf32>
    %max3A = arith.constant 0.000000e+00 : f32
    %max3A_30 = vector.broadcast %max3A : f32 to vector<1024x1024xf32>
    %max3A_31 = arith.maximumf %add3A_29, %max3A_30 : vector<1024x1024xf32>
    %convert_element_type3A_32 = arith.truncf %max3A_31 : vector<1024x1024xf32> to vector<1024x1024xbf16>
    %get3A_33 = arith.constant 0 : index
    %get3A_34 = arith.constant 0 : index
    %get3A_35 = vector.load %arg8[%get3A_33, %get3A_34] : memref<1024x16xbf16, #tpu.memory_space<vmem>>, vector<1024x16xbf16>
    %dot_general3A_36 = arith.constant dense<0.000000e+00> : vector<1024x16xf32>
    %dot_general3A_37 = tpu.matmul %convert_element_type3A_32, %get3A_35, %dot_general3A_36 {dimension_numbers = #tpu.dot_dimension_numbers<[1], [0], [0], [1], [0, 0, 1, 1], [], []>, transpose_lhs_hint = false} : vector<1024x1024xbf16>, vector<1024x16xbf16>, vector<1024x16xf32> -> vector<1024x16xf32>
    %get3A_38 = arith.constant 0 : index
    %get3A_39 = arith.constant 0 : index
    %get3A_40 = vector.load %arg9[%get3A_38, %get3A_39] : memref<1x16xf32, #tpu.memory_space<vmem>>, vector<1x16xf32>
    %add3A_41 = vector.broadcast %get3A_40 : vector<1x16xf32> to vector<1024x16xf32>
    %add3A_42 = arith.addf %dot_general3A_37, %add3A_41 : vector<1024x16xf32>
    %swap3A = arith.constant 0 : index
    %swap3A_43 = arith.constant 0 : index
    %swap3A_44 = vector.load %arg10[%swap3A, %swap3A_43] : memref<1024x16xf32, #tpu.memory_space<vmem>>, vector<1024x16xf32>
    tpu.vector_store %arg10[%swap3A, %swap3A_43], %add3A_42 {strides = array<i32>} : memref<1024x16xf32, #tpu.memory_space<vmem>>, vector<1024x16xf32>,
    return
  }
  func.func @transform_0(%arg0: i32) -> (i32, i32) {
    %c0_i32 = arith.constant 0 : i32
    %c0_i32_0 = arith.constant 0 : i32
    return %arg0, %c0_i32 : i32, i32
  }
  func.func @transform_1(%arg0: i32) -> (i32, i32) {
    %c0_i32 = arith.constant 0 : i32
    %c0_i32_0 = arith.constant 0 : i32
    return %arg0, %c0_i32 : i32, i32
  }
  func.func @transform_2(%arg0: i32) -> (i32, i32) {
    %c0_i32 = arith.constant 0 : i32
    %c0_i32_0 = arith.constant 0 : i32
    return %arg0, %c0_i32 : i32, i32
  }
  func.func @transform_3(%arg0: i32) -> (i32, i32) {
    %c0_i32 = arith.constant 0 : i32
    %c0_i32_0 = arith.constant 0 : i32
    %c0_i32_1 = arith.constant 0 : i32
    return %c0_i32, %c0_i32_0 : i32, i32
  }
  func.func @transform_4(%arg0: i32) -> (i32, i32) {
    %c0_i32 = arith.constant 0 : i32
    %c0_i32_0 = arith.constant 0 : i32
    %c0_i32_1 = arith.constant 0 : i32
    return %c0_i32, %c0_i32_0 : i32, i32
  }
  func.func @transform_5(%arg0: i32) -> (i32, i32) {
    %c0_i32 = arith.constant 0 : i32
    %c0_i32_0 = arith.constant 0 : i32
    %c0_i32_1 = arith.constant 0 : i32
    return %c0_i32, %c0_i32_0 : i32, i32
  }
  func.func @transform_6(%arg0: i32) -> (i32, i32) {
    %c0_i32 = arith.constant 0 : i32
    %c0_i32_0 = arith.constant 0 : i32
    %c0_i32_1 = arith.constant 0 : i32
    return %c0_i32, %c0_i32_0 : i32, i32
  }
  func.func @transform_7(%arg0: i32) -> (i32, i32) {
    %c0_i32 = arith.constant 0 : i32
    %c0_i32_0 = arith.constant 0 : i32
    %c0_i32_1 = arith.constant 0 : i32
    return %c0_i32, %c0_i32_0 : i32, i32
  }
  func.func @transform_8(%arg0: i32) -> (i32, i32) {
    %c0_i32 = arith.constant 0 : i32
    %c0_i32_0 = arith.constant 0 : i32
    %c0_i32_1 = arith.constant 0 : i32
    return %c0_i32, %c0_i32_0 : i32, i32
  }
  func.func @transform_9(%arg0: i32) -> (i32, i32) {
    %c0_i32 = arith.constant 0 : i32
    %c0_i32_0 = arith.constant 0 : i32
    return %arg0, %c0_i32 : i32, i32
  }
}

</mosaic_0001>

<sc_bundles>
// kernel: kernel.6.cloned.1.call-start
scs
__scs_entry_jumppad:
0x0: {  	(pc) =	sbr.rel $0x88, $3  }
0x1: {  	(tag) =	ssettag $0x0;
	lr =	simm.s32 $0x1  }
0x2: {  	[smem:$0x3F9A] =	sst lr;
	_ =	strace $0xD0000000  }
0x3: {  	_ = 	snop  }
0x4: {  	_ = 	snop  }
0x5: {  	_ = 	snop  }
0x6: {  	_ = 	snop  }
0x7: {  	_ = 	snop  }
__scs_overlays_trampoline_lowered:
0x8: {  	[smem:$0x3FA9] =	sst s0  }
0x9: {  	[smem:$0x3FAA] =	sst s1  }
0xa: {  	[smem:$0x3FAB] =	sst s2  }
0xb: {  	[smem:$0x3FAC] =	sst s3  }
0xc: {  	[smem:$0x3FAD] =	sst s4  }
0xd: {  	[smem:$0x3FAE] =	sst s5  }
0xe: {  	[smem:$0x3FAF] =	sst s6  }
0xf: {  	[smem:$0x3FB0] =	sst s7  }
0x10: {  	[smem:$0x3FB1] =	sst s8  }
0x11: {  	[smem:$0x3FB2] =	sst s9;
	s0 =	simm.s32 @!p0 $0x0  }
0x12: {  	s1 =	sld [smem:$0x3F98];
	s0 =	simm.s32 @p0 $0x1  }
0x13: {  	[smem:$0x3FB3] =	sst s0;
	s0 =	simm.s32 @!p1 $0x0  }
0x14: {  	s2 =	sld [smem:$0x3F97];
	s0 =	simm.s32 @p1 $0x1  }
0x15: {  	[smem:$0x3FB4] =	sst s0;
	s0 =	simm.s32 @!p2 $0x0  }
0x16: {  	s3 =	sld [smem:$0x3FDB];
	s0 =	simm.s32 @p2 $0x1  }
0x17: {  	s4 =	simm.s32 $0x1BF5;
	[smem:$0x3FB6] =	sst s0  }
0x18: {  	s0 =	sld [smem:$0x3F99];
	_ =	swait.ge [sflag:s4], $0x0  }
0x19: {  	s7 =	sld [smem:$0x3F9A]  }
0x1a: {  	s8 =	sadd.s32 $0xFFFFE003, lr  }
0x1b: {  	s9 =	sadd.s32 $0xFFFFFEF7, lr;
	s5 =	simm.s32 $0xFFFFFFFF;
	p2 =	slt.u32 s8, $0xFFFFF086  }
0x1c: {  	p1 =	slt.u32 s9, $0xF7A;
	s5 =	simm.s32 @!p2 $0x0  }
0x1d: {  	s5 =	simm.s32 @p1 $0x1;
	p0 =	seq.s32 s7, s2  }
0x1e: {  	s7 =	smul.u32 @!p0 $0xF7A, s2;
	p2 =	seq.s32 @!p0 s5, $0x0  }
0x1f: {  	s9 =	smul.u32 $0xF7A, s1;
	s8 =	simm.s32 @!p0 $0x1BF5;
	p2 =	por !p2, p0  }
0x20: {  	[sflag:s8] =	ssyncset.s32 @!p0 $0xFFFFF086;
	s6 =	sadd.s32 @!p0 s3, s7;
	s7 =	simm.s32 @!p0 $0x108  }
0x21: {  	s3 =	sadd.s32 s3, s9;
	s6 =	sadd.s32 @!p0 $0x88, s6;
	s7 =	simm.s32 @p2 $0x1082  }
0x22: {  	[simem:s7], [sflag:s8] =	dma.local @!p0 [hbm:s6], $0xF7A  }
0x23: {  	s9 =	sor.u32 $0xD0000000, s2;
	s6 =	simm.s32 $0x108;
	_ =	swait.ge @!p0 [sflag:s8], $0x0  }
0x24: {  	s3 =	sadd.s32 $0x88, s3;
	s6 =	simm.s32 @!p1 $0x1082;
	[sflag:s4] =	ssyncset.s32 $0xFFFFF086  }
0x25: {  	[simem:s6], [sflag:s4] =	dma.local [hbm:s3], $0xF7A  }
0x26: {  	[smem:$0x3F9A] =	sst s1;
	(tag) =	ssettag s2;
	_ =	strace s9  }
0x27: {  	s1 =	sld [smem:$0x3FAA]  }
0x28: {  	s2 =	sld [smem:$0x3FAB]  }
0x29: {  	s4 =	sld [smem:$0x3FAD]  }
0x2a: {  	p0 =	seq.s32 s5, $0x0;
	s5 =	sld [smem:$0x3FAE]  }
0x2b: {  	s6 =	sld [smem:$0x3FAF]  }
0x2c: {  	s7 =	sld [smem:$0x3FB0]  }
0x2d: {  	s3 =	simm.s32 $0x108;
	s8 =	sld [smem:$0x3FB1]  }
0x2e: {  	s3 =	simm.s32 @!p0 $0x1082;
	s9 =	sld [smem:$0x3FB2]  }
0x2f: {  	lr =	sadd.s32 s0, s3;
	s0 =	sld [smem:$0x3FA9]  }
0x30: {  	s3 =	sld [smem:$0x3FAC]  }
0x31: {  	[smem:$0x3FB5] =	sst s10  }
0x32: {  	s10 =	sld [smem:$0x3FB3];
	_ =	sdelay $0x3  }
0x33: {  	p0 =	seq.s32 s10, $0x1;
	s10 =	sld [smem:$0x3FB5];
	_ =	sdelay $0x3  }
0x34: {  	[smem:$0x3FB5] =	sst s10  }
0x35: {  	s10 =	sld [smem:$0x3FB4];
	_ =	sdelay $0x3  }
0x36: {  	p1 =	seq.s32 s10, $0x1;
	s10 =	sld [smem:$0x3FB5];
	_ =	sdelay $0x3  }
0x37: {  	[smem:$0x3FB5] =	sst s10  }
0x38: {  	s10 =	sld [smem:$0x3FB6]  }
0x39: {  	_ = 	snop;
	(pc) =	sbr.ind lr, $3  }
0x3a: {  	_ = 	snop  }
0x3b: {  	_ = 	snop  }
0x3c: {  	p2 =	seq.s32 s10, $0x1;
	s10 =	sld [smem:$0x3FB5]  }
0x3d: {  	_ =	shalt  }
0x3e: {  	_ =	shalt  }
0x3f: {  	_ =	shalt  }
0x40: {  	_ =	shalt  }
0x41: {  	_ =	shalt  }
0x42: {  	_ =	shalt  }
0x43: {  	_ =	shalt  }
0x44: {  	_ =	shalt  }
0x45: {  	_ =	shalt  }
0x46: {  	_ =	shalt  }
0x47: {  	_ =	shalt  }
0x48: {  	_ =	shalt  }
0x49: {  	_ =	shalt  }
0x4a: {  	_ =	shalt  }
0x4b: {  	_ =	shalt  }
0x4c: {  	_ =	shalt  }
0x4d: {  	_ =	shalt  }
0x4e: {  	_ =	shalt  }
0x4f: {  	_ =	shalt  }
0x50: {  	_ =	shalt  }
0x51: {  	_ =	shalt  }
0x52: {  	_ =	shalt  }
0x53: {  	_ =	shalt  }
0x54: {  	_ =	shalt  }
0x55: {  	_ =	shalt  }
0x56: {  	_ =	shalt  }
0x57: {  	_ =	shalt  }
0x58: {  	_ =	shalt  }
0x59: {  	_ =	shalt  }
0x5a: {  	_ =	shalt  }
0x5b: {  	_ =	shalt  }
0x5c: {  	_ =	shalt  }
0x5d: {  	_ =	shalt  }
0x5e: {  	_ =	shalt  }
0x5f: {  	_ =	shalt  }
0x60: {  	_ =	shalt  }
0x61: {  	_ =	shalt  }
0x62: {  	_ =	shalt  }
0x63: {  	_ =	shalt  }
0x64: {  	_ =	shalt  }
0x65: {  	_ =	shalt  }
0x66: {  	_ =	shalt  }
0x67: {  	_ =	shalt  }
0x68: {  	_ =	shalt  }
0x69: {  	_ =	shalt  }
0x6a: {  	_ =	shalt  }
0x6b: {  	_ =	shalt  }
0x6c: {  	_ =	shalt  }
0x6d: {  	_ =	shalt  }
0x6e: {  	_ =	shalt  }
0x6f: {  	_ =	shalt  }
0x70: {  	_ =	shalt  }
0x71: {  	_ =	shalt  }
0x72: {  	_ =	shalt  }
0x73: {  	_ =	shalt  }
0x74: {  	_ =	shalt  }
0x75: {  	_ =	shalt  }
0x76: {  	_ =	shalt  }
0x77: {  	_ =	shalt  }
0x78: {  	_ =	shalt  }
0x79: {  	_ =	shalt  }
0x7a: {  	_ =	shalt  }
0x7b: {  	_ =	shalt  }
0x7c: {  	_ =	shalt  }
0x7d: {  	_ =	shalt  }
0x7e: {  	_ =	shalt  }
0x7f: {  	_ =	shalt  }
0x80: {  	_ =	shalt  }
0x81: {  	_ =	shalt  }
0x82: {  	_ =	shalt  }
0x83: {  	_ =	shalt  }
0x84: {  	_ =	shalt  }
0x85: {  	_ =	shalt  }
0x86: {  	_ =	shalt  }
0x87: {  	_ =	shalt  }
.Lfunc_end0:
.L_simem_size_0:
called_computation_lowered:
.L_overlay_start_0:
0x88: {  	s2 =	sld [smem:$0x3FD9]  }
0x89: {  	s3 =	sld [smem:$0x3FFE];
	_ =	sdelay $0x1  }
0x8a: {  	s1 =	srdreg.scid  }
0x8b: {  	s0 =	sand.u32 $0x1, s1  }
0x8c: {  	s17 =	sshll.u32 s0, $0xA;
	s2 =	sadd.s32 s3, s2  }
0x8d: {  	s2 =	sadd.s32 s2, s17  }
0x8e: {  	[smem:$0x3FC1] =	sst s2  }
0x8f: {  	_ = 	snop  }
0x90: {  	s18 =	sld [smem:$0x3FC9]  }
0x91: {  	s4 =	sld [smem:$0x3FC7];
	(tm) =	ssettm $0x1  }
0x92: {  	s19 =	sld [smem:$0x3FFB];
	_ =	sdelay $0x3  }
0x93: {  	_ =	strace s19  }
0x94: {  	s2 =	sld [smem:$0x3FFC];
	_ =	sdelay $0x3  }
0x95: {  	_ =	strace s2  }
0x96: {  	s2 =	sld [smem:$0x3FFD];
	_ =	sdelay $0x3  }
0x97: {  	_ =	strace s2  }
0x98: {  	_ =	strace $0x8FFFFFFF  }
0x99: {  	s20 =	sld [smem:$0x3FDB];
	_ =	sdelay $0x1  }
0x9a: {  	s5 =	simm.s32 $_scs_section_size  }
0x9b: {  	s6 =	simm.s32 $_size__tile_overlayer_lowered;
	s7 =	simm.s32 $_tile_overlayer_lowered  }
0x9c: {  	s8 =	simm.s32 $0x1BFF;
	s21 =	sshll.u32 s7, $0x1;
	s5 =	sadd.s32 s5, s20  }
0x9d: {  	s22 =	simm.s32 $0x0;
	s6 =	sshll.u32 s6, $0x1;
	s7 =	sadd.s32 s21, s5  }
0x9e: {  	[timem:s22], [sflag:s8] =	dma.local [hbm:s7], s6  }
0x9f: {  	_ =	swait.ge [sflag:s8], s6  }
0xa0: {  	s6 =	ssub.s32 $0x0, s6;
	[sflag:s8] =	ssyncset.done $0x0  }
0xa1: {  	[sflag:s8] =	ssyncadd.s32 s6;
	_ =	sdelay $0x1  }
0xa2: {  	s23 =	simm.s32 $0x1B8B  }
0xa3: {  	_ =	swait.ge [sflag:s23], $0x1  }
0xa4: {  	[sflag:s23] =	ssyncset.done $0x0  }
0xa5: {  	[sflag:s23] =	ssyncadd.s32 $0xFFFFFFFF  }
0xa6: {  	s6 =	sld [smem:$0x0]  }
0xa7: {  	s7 =	sand.u32 $0xFFFFFFFE, s1  }
0xa8: {  	p0 =	sne.s32 s1, s7  }
0xa9: {  	s7 =	sshll.u32 @p0 s7, $0xE  }
0xaa: {  	s7 =	sadd.s32 @p0 $0x11B8D, s7;
	s8 =	sshll.u32 @p0 s6, $0x11  }
0xab: {  	s7 =	sor.u32 @p0 s8, s7  }
0xac: {  	[sflag:s7] =	ssyncadd.remote.s32 @p0 $0x1;
	_ =	sdelay $0x1  }
0xad: {  	s7 =	simm.s32 @p0 $0x1B8D  }
0xae: {  	_ =	swait.eq @p0 [sflag:s7], $0x1  }
0xaf: {  	[sflag:s7] =	ssyncadd.s32 @p0 $0xFFFFFFFF  }
0xb0: {  	s8 =	sshll.u32 @!p0 s1, $0xE  }
0xb1: {  	s8 =	sor.u32 @!p0 $0x4000, s8;
	s7 =	simm.s32 @!p0 $0x1B8D  }
0xb2: {  	s6 =	sshll.u32 @!p0 s6, $0x11;
	s8 =	sadd.s32 @!p0 $0x11B8D, s8;
	_ =	swait.eq @!p0 [sflag:s7], $0x1  }
0xb3: {  	s6 =	sor.u32 @!p0 s6, s8;
	[sflag:s7] =	ssyncadd.s32 @!p0 $0xFFFFFFFF  }
0xb4: {  	s25 =	simm.s32 $0x1B8E;
	s24 =	sld [smem:$0x3FFE];
	[sflag:s6] =	ssyncadd.remote.s32 @!p0 $0x1  }
0xb5: {  	s26 =	simm.s32 $execute0_lowered;
	[smem:$0x3FD2] =	sst s25  }
0xb6: {  	s7 =	sshll.u32 s26, $0x1;
	_ =	strace $0x80000049;
	[dreg:$0x1] =	wrdreg $0xFFFFFFFF  }
0xb7: {  	s28 =	simm.s32 $_size_execute0_lowered;
	s5 =	sadd.s32 s5, s7;
	[dreg:$0x0] =	wrdreg $0x0  }
0xb8: {  	s7 =	sshll.u32 s28, $0x1;
	[dreg:$0x2] =	wrdreg s5  }
0xb9: {  	[dreg:$0x3] =	wrdreg s7  }
0xba: {  	[dreg:$0x4] =	wrdreg $0xC0  }
0xbb: {  	_ =	task [dreg:s22], $0x5FFFF  }
0xbc: {  	[dreg:$0x1] =	wrdreg $0xFFFFFFFF  }
0xbd: {  	[dreg:$0x0] =	wrdreg $0x60  }
0xbe: {  	[dreg:$0x2] =	wrdreg s18  }
0xbf: {  	[dreg:$0x3] =	wrdreg s4  }
0xc0: {  	[dreg:$0x4] =	wrdreg s24  }
0xc1: {  	[dreg:$0x5] =	wrdreg $0x9  }
0xc2: {  	_ =	task.clear_ibuf [dreg:s22], $0x6FFFF;
	_ =	strace $0x90000049  }
0xc3: {  	s29 =	simm.s32 $0x9;
	_ =	strace $0x8000004B  }
0xc4: {  	_ =	swait.ge [sflag:s29], $0x1  }
0xc5: {  	[sflag:s29] =	ssyncadd.s32 $0xFFFFFFFF  }
0xc6: {  	_ =	strace $0x9000004B  }
0xc7: {  	_ =	sfence  }
0xc8: {  	s30 =	sld [smem:$0x0];
	_ =	sdelay $0x2  }
0xc9: {  	s31 =	sshll.u32 s1, $0xD;
	s1 =	sshrl.u32 s1, $0x2  }
0xca: {  	s4 =	sand.u32 $0x4000, s31;
	s1 =	sadd.s32 s1, s30  }
0xcb: {  	s0 =	sor.u32 s4, s0;
	s1 =	sshll.u32 s1, $0x11  }
0xcc: {  	s0 =	sor.u32 s1, s0  }
0xcd: {  	s0 =	sadd.s32 $0x8F2B, s0  }
0xce: {  	[sflag:s0] =	ssyncadd.remote.s32 $0x1  }
0xcf: {  	_ =	sfence.sel $0xFFFF  }
0xd0: {  	[dreg:$0x0] =	wrdreg $0xFFFFFFFF;
	(pc) =	sbr.abs _section_cstart, $3  }
0xd1: {  	[dreg:$0x1] =	wrdreg $0xFFFFFFFF  }
0xd2: {  	_ =	task.clear_ibuf [dreg:s22], $0x2FFFF;
	_ =	strace $0x9FFFFFFF  }
0xd3: {  	(tm) =	ssettm $0x7FFFFFFF  }
tec
execute0_lowered:
.L_overlay_start_1:
0x0: {  	(tag) =	ssettag $0x1  }
0x1: {  	s1 =	rddreg [dreg:$0x0];
	s0 =	srdreg.scid  }
0x2: {  	s6 =	rddreg [dreg:$0x2];
	s2 =	stileid.u32;
	s0 =	sand.u32 $0x1, s0  }
0x3: {  	s4 =	simm.s32 $0x0;
	s2 =	sshll.u32 s2, $0x8;
	s5 =	sshll.u32 s0, $0x7  }
0x4: {  	[smem:$0x7FF] =	sst s4;
	s10 =	sor.u32 s5, s2  }
0x5: {  	s7 =	sadd.s32 $0x113600, s6;
	s8 =	sadd.s32 $0x113400, s6;
	s2 =	sshrl.u32 s10, $0x3  }
0x6: {  	_ =	strace $0x8000004A;
	s5 =	sadd.s32 $0x113200, s6;
	s9 =	sadd.s32 s7, s2  }
0x7: {  	s11 =	sor.u32 $0x10, s10;
	s18 =	sadd.s32 s8, s2;
	[dreg:$0x4] =	wrdreg s9  }
0x8: {  	s2 =	sadd.s32 s5, s2;
	s19 =	sshrl.u32 s11, $0x3;
	[dreg:$0x5] =	wrdreg s18  }
0x9: {  	[dreg:$0x6] =	wrdreg s2;
	s20 =	sadd.s32 s7, s19  }
0xa: {  	s12 =	sor.u32 $0x20, s10;
	s21 =	sadd.s32 s8, s19;
	[dreg:$0x7] =	wrdreg s20  }
0xb: {  	s23 =	sshrl.u32 s12, $0x3;
	s22 =	sadd.s32 s5, s19;
	[dreg:$0x8] =	wrdreg s21  }
0xc: {  	s13 =	sadd.s32 s7, s23;
	[dreg:$0x9] =	wrdreg s22  }
0xd: {  	s15 =	sor.u32 $0x30, s10;
	s24 =	sadd.s32 s8, s23;
	[dreg:$0xa] =	wrdreg s13  }
0xe: {  	s29 =	sshrl.u32 s15, $0x3;
	s9 =	sadd.s32 s5, s23;
	[dreg:$0xb] =	wrdreg s24  }
0xf: {  	s25 =	sshll.u32 s10, $0x7;
	s31 =	sadd.s32 s7, s29;
	[dreg:$0xc] =	wrdreg s9  }
0x10: {  	s26 =	sshll.u32 s10, $0x4;
	s3 =	sadd.s32 s8, s29;
	[dreg:$0x10] =	wrdreg s31  }
0x11: {  	s2 =	sadd.s32 $0x123800, s6;
	s16 =	sadd.s32 s5, s29;
	[dreg:$0x11] =	wrdreg s3  }
0x12: {  	s17 =	sshll.u32 s11, $0x7;
	s14 =	sadd.s32 s2, s25;
	[dreg:$0x12] =	wrdreg s16  }
0x13: {  	s9 =	sadd.s32 $0x1A3800, s6;
	s18 =	sadd.s32 s2, s17;
	[dreg:$0xd] =	wrdreg s14  }
0x14: {  	s6 =	sadd.s32 $0x113800, s6;
	s13 =	sadd.s32 s9, s25;
	[dreg:$0x13] =	wrdreg s18  }
0x15: {  	s28 =	sadd.s32 s6, s26;
	[dreg:$0xe] =	wrdreg s13  }
0x16: {  	s11 =	sshll.u32 s11, $0x4;
	s19 =	sadd.s32 s9, s17;
	[dreg:$0xf] =	wrdreg s28  }
0x17: {  	s24 =	sshll.u32 s12, $0x7;
	s11 =	sadd.s32 s6, s11;
	[dreg:$0x14] =	wrdreg s19  }
0x18: {  	s25 =	sadd.s32 s2, s24;
	[dreg:$0x15] =	wrdreg s11  }
0x19: {  	s16 =	sshll.u32 s15, $0x7;
	s26 =	sadd.s32 s9, s24;
	[dreg:$0x19] =	wrdreg s25  }
0x1a: {  	s12 =	sshll.u32 s12, $0x4;
	s17 =	sadd.s32 s2, s16;
	[dreg:$0x1a] =	wrdreg s26  }
0x1b: {  	s14 =	sor.u32 $0x40, s10;
	s18 =	sadd.s32 s9, s16;
	[dreg:$0x1f] =	wrdreg s17  }
0x1c: {  	s20 =	sshrl.u32 s14, $0x3;
	s28 =	sadd.s32 s6, s12;
	[smem:$0x7EA] =	sst s18  }
0x1d: {  	s21 =	sadd.s32 s7, s20;
	[dreg:$0x1b] =	wrdreg s28  }
0x1e: {  	s30 =	simm.s32 $0x1;
	s22 =	sadd.s32 s8, s20;
	[dreg:$0x16] =	wrdreg s21  }
0x1f: {  	s19 =	sshll.u32 s15, $0x4;
	s23 =	sadd.s32 s5, s20;
	[dreg:$0x17] =	wrdreg s22  }
0x20: {  	s25 =	sshll.u32 s14, $0x7;
	s20 =	sadd.s32 s6, s19;
	[dreg:$0x18] =	wrdreg s23  }
0x21: {  	s13 =	sor.u32 $0x50, s10;
	s26 =	sadd.s32 s2, s25;
	[smem:$0x7EB] =	sst s20  }
0x22: {  	s29 =	sshrl.u32 s13, $0x3;
	s28 =	sadd.s32 s9, s25;
	[smem:$0x7EF] =	sst s26  }
0x23: {  	s0 =	ssub.s32 $0x2, s0;
	s31 =	sadd.s32 s7, s29;
	[smem:$0x7F0] =	sst s28  }
0x24: {  	s15 =	sor.u32 $0x60, s10;
	s3 =	sadd.s32 s8, s29;
	[dreg:$0x1c] =	wrdreg s31  }
0x25: {  	s18 =	sshll.u32 s13, $0x4;
	s12 =	sadd.s32 s5, s29;
	[dreg:$0x1d] =	wrdreg s3  }
0x26: {  	s21 =	sshrl.u32 s15, $0x3;
	s19 =	sadd.s32 s6, s18;
	[dreg:$0x1e] =	wrdreg s12  }
0x27: {  	s10 =	sor.u32 $0x70, s10;
	s22 =	sadd.s32 s7, s21;
	[smem:$0x7F7] =	sst s19  }
0x28: {  	s29 =	sshll.u32 s14, $0x4;
	s23 =	sadd.s32 s8, s21;
	[smem:$0x7EC] =	sst s22  }
0x29: {  	s14 =	sshll.u32 s13, $0x7;
	s24 =	sadd.s32 s5, s21;
	[smem:$0x7ED] =	sst s23  }
0x2a: {  	s20 =	sshll.u32 s15, $0x7;
	s31 =	sadd.s32 s6, s29;
	[smem:$0x7EE] =	sst s24  }
0x2b: {  	s26 =	sshll.u32 s10, $0x7;
	s16 =	sadd.s32 s2, s14;
	[smem:$0x7F1] =	sst s31  }
0x2c: {  	s18 =	simm.s32 $0x15;
	s17 =	sadd.s32 s9, s14;
	[smem:$0x7F5] =	sst s16  }
0x2d: {  	s3 =	sshrl.u32 s10, $0x3;
	s28 =	sadd.s32 s9, s26;
	[smem:$0x7F6] =	sst s17  }
0x2e: {  	s21 =	sshrl.u32 s0, $0x1;
	s7 =	sadd.s32 s7, s3;
	[smem:$0x7FC] =	sst s28  }
0x2f: {  	s29 =	sshll.u32 s10, $0x4;
	s11 =	sadd.s32 s8, s3;
	[smem:$0x7F2] =	sst s7  }
0x30: {  	s5 =	sadd.s32 s5, s3;
	s22 =	sadd.s32 s2, s20;
	[smem:$0x7F3] =	sst s11  }
0x31: {  	s23 =	sadd.s32 s9, s20;
	s24 =	sshll.u32 s15, $0x4;
	[smem:$0x7F4] =	sst s5  }
0x32: {  	s0 =	ssub.s32 s0, s21;
	s2 =	sadd.s32 s2, s26;
	[smem:$0x7F8] =	sst s22  }
0x33: {  	s31 =	sadd.s32 s6, s29;
	s21 =	simm.s32 $0xF;
	[smem:$0x7F9] =	sst s23  }
0x34: {  	v2 =	vlaneseq.u32;
	s25 =	sadd.s32 s6, s24;
	[smem:$0x7FB] =	sst s2;
	s5 =	sadd.s32 $0x100, s1  }
0x35: {  	vm0 =	vmmov $0xffff;
	v1 =	vshrl.u32 v2, $0x3;
	s6 =	sadd.s32 $0x200, s1;
	s7 =	sadd.s32 $0x300, s1;
	[smem:$0x7FD] =	sst s31  }
0x36: {  	v0 =	vand.u32 $0x7, v2;
	v2 =	vor.u32 $0x8, v2;
	v1 =	vmul.u32 $0x8, v1;
	s0 =	smax.u32 s0, $0x1;
	s24 =	simm.s32 $0xE;
	[smem:$0x7FA] =	sst s25  }
.LBB2_1:
0x37: {  	[smem:$0x7E9] =	sst s0  }
0x38: {  	s3 =	rddreg [dreg:$0x4]  }
0x39: {  	[tilespmem:s4], [sflag:$0x1] =	stream.linear.gather [hbm4b:s3+s4], $0x10, $0x38;
	[tilespmem:$0x19C80] =	vst v63  }
0x3a: {  	s25 =	rddreg [dreg:$0x5];
	s9 =	simm.s32 $0x180  }
0x3b: {  	[tilespmem:s9], [sflag:$0x2] =	stream.linear.gather [hbm4b:s25+s4], $0x10, $0x38;
	[tilespmem:$0x19C80] =	vst v63  }
0x3c: {  	s8 =	rddreg [dreg:$0x6];
	s11 =	simm.s32 $0x300  }
0x3d: {  	[tilespmem:s11], [sflag:$0x3] =	stream.linear.gather [hbm4b:s8+s4], $0x10, $0x38;
	[tilespmem:$0x19C80] =	vst v63  }
0x3e: {  	s10 =	rddreg [dreg:$0x7];
	s13 =	simm.s32 $0x80  }
0x3f: {  	[tilespmem:s13], [sflag:$0x4] =	stream.linear.gather [hbm4b:s10+s4], $0x10, $0x38;
	[tilespmem:$0x19C80] =	vst v63  }
0x40: {  	s12 =	rddreg [dreg:$0x8];
	s16 =	simm.s32 $0x200  }
0x41: {  	[tilespmem:s16], [sflag:$0x5] =	stream.linear.gather [hbm4b:s12+s4], $0x10, $0x38;
	[tilespmem:$0x19C80] =	vst v63  }
0x42: {  	s15 =	rddreg [dreg:$0x9];
	s17 =	simm.s32 $0x380  }
0x43: {  	[tilespmem:s17], [sflag:$0x6] =	stream.linear.gather [hbm4b:s15+s4], $0x10, $0x38;
	[tilespmem:$0x19C80] =	vst v63  }
0x44: {  	_ =	swait.ge [sflag:s30], $0x10  }
0x45: {  	[sflag:s30] =	ssyncset.done $0x0  }
0x46: {  	s20 =	simm.s32 $0x2;
	[sflag:s30] =	ssyncadd.s32 $0xFFFFFFF0  }
0x47: {  	_ =	swait.ge [sflag:s20], $0x10  }
0x48: {  	[sflag:s20] =	ssyncset.done $0x0  }
0x49: {  	s22 =	simm.s32 $0x3;
	[sflag:s20] =	ssyncadd.s32 $0xFFFFFFF0  }
0x4a: {  	_ =	swait.ge [sflag:s22], $0x10  }
0x4b: {  	[sflag:s22] =	ssyncset.done $0x0  }
0x4c: {  	[sflag:s22] =	ssyncadd.s32 $0xFFFFFFF0  }
0x4d: {  	v3 =	vld [tilespmem:$0x0];
	_ =	sdelay $0x4  }
0x4e: {  	v4 =	vshll.u32 v3, $0x3  }
0x4f: {  	v3 =	vand.u32 $0x7, v3;
	v4 =	vand.u32 $0xFFFFFFC0, v4  }
0x50: {  	v3 =	vor.u32 v3, v4  }
0x51: {  	v4 =	vperm.xlane v3, v0;
	_ =	sdelay $0x1  }
0x52: {  	v4 =	vadd.s32 v1, v4;
	_ =	sdelay $0x3  }
0x53: {  	s19 =	simm.s32 $0x480  }
0x54: {  	[tilespmem:s19], [sflag:$0xA] =	stream.indirect_vreg.gather [hbm4b:s1+s4], $0x80, v4, vm0, $0xb8;
	[tilespmem:$0x19C80] =	vst v63  }
0x55: {  	s23 =	simm.s32 $0xC80;
	v3 =	vperm.xlane v3, v2  }
0x56: {  	[tilespmem:s23], [sflag:$0xA] =	stream.indirect_vreg.gather [hbm4b:s5+s4], $0x80, v4, vm0, $0xb8;
	[tilespmem:$0x19C80] =	vst v63  }
0x57: {  	s25 =	simm.s32 $0x1480;
	v3 =	vadd.s32 v1, v3  }
0x58: {  	[tilespmem:s25], [sflag:$0xA] =	stream.indirect_vreg.gather [hbm4b:s6+s4], $0x80, v4, vm0, $0xb8;
	[tilespmem:$0x19C80] =	vst v63  }
0x59: {  	s26 =	simm.s32 $0x1C80  }
0x5a: {  	[tilespmem:s26], [sflag:$0xA] =	stream.indirect_vreg.gather [hbm4b:s7+s4], $0x80, v4, vm0, $0xb8;
	[tilespmem:$0x19C80] =	vst v63  }
0x5b: {  	s28 =	simm.s32 $0x2480  }
0x5c: {  	[tilespmem:s28], [sflag:$0xA] =	stream.indirect_vreg.gather [hbm4b:s1+s4], $0x80, v3, vm0, $0xb8;
	[tilespmem:$0x19C80] =	vst v63  }
0x5d: {  	s2 =	simm.s32 $0x2C80  }
0x5e: {  	[tilespmem:s2], [sflag:$0xA] =	stream.indirect_vreg.gather [hbm4b:s5+s4], $0x80, v3, vm0, $0xb8;
	[tilespmem:$0x19C80] =	vst v63  }
0x5f: {  	s3 =	simm.s32 $0x3480  }
0x60: {  	[tilespmem:s3], [sflag:$0xA] =	stream.indirect_vreg.gather [hbm4b:s6+s4], $0x80, v3, vm0, $0xb8;
	[tilespmem:$0x19C80] =	vst v63  }
0x61: {  	s9 =	simm.s32 $0x3C80  }
0x62: {  	[tilespmem:s9], [sflag:$0xA] =	stream.indirect_vreg.gather [hbm4b:s7+s4], $0x80, v3, vm0, $0xb8;
	[tilespmem:$0x19C80] =	vst v63  }
0x63: {  	v3 =	vld [tilespmem:$0x180];
	_ =	sdelay $0x4  }
0x64: {  	v49 =	vshll.u32 v3, $0x3  }
0x65: {  	v3 =	vand.u32 $0x7, v3;
	v4 =	vand.u32 $0xFFFFFFC0, v49  }
0x66: {  	v3 =	vor.u32 v3, v4  }
0x67: {  	v4 =	vperm.xlane v3, v0;
	_ =	sdelay $0x1  }
0x68: {  	v4 =	vadd.s32 v1, v4;
	_ =	sdelay $0x3  }
0x69: {  	s10 =	simm.s32 $0xC480  }
0x6a: {  	[tilespmem:s10], [sflag:$0xB] =	stream.indirect_vreg.gather [hbm4b:s1+s4], $0x80, v4, vm0, $0xb8;
	[tilespmem:$0x19C80] =	vst v63  }
0x6b: {  	s11 =	simm.s32 $0xCC80;
	v3 =	vperm.xlane v3, v2  }
0x6c: {  	[tilespmem:s11], [sflag:$0xB] =	stream.indirect_vreg.gather [hbm4b:s5+s4], $0x80, v4, vm0, $0xb8;
	[tilespmem:$0x19C80] =	vst v63  }
0x6d: {  	s12 =	simm.s32 $0xD480;
	v3 =	vadd.s32 v1, v3  }
0x6e: {  	[tilespmem:s12], [sflag:$0xB] =	stream.indirect_vreg.gather [hbm4b:s6+s4], $0x80, v4, vm0, $0xb8;
	[tilespmem:$0x19C80] =	vst v63  }
0x6f: {  	s13 =	simm.s32 $0xDC80  }
0x70: {  	[tilespmem:s13], [sflag:$0xB] =	stream.indirect_vreg.gather [hbm4b:s7+s4], $0x80, v4, vm0, $0xb8;
	[tilespmem:$0x19C80] =	vst v63  }
0x71: {  	s15 =	simm.s32 $0xE480  }
0x72: {  	[tilespmem:s15], [sflag:$0xB] =	stream.indirect_vreg.gather [hbm4b:s1+s4], $0x80, v3, vm0, $0xb8;
	[tilespmem:$0x19C80] =	vst v63  }
0x73: {  	s16 =	simm.s32 $0xEC80  }
0x74: {  	[tilespmem:s16], [sflag:$0xB] =	stream.indirect_vreg.gather [hbm4b:s5+s4], $0x80, v3, vm0, $0xb8;
	[tilespmem:$0x19C80] =	vst v63  }
0x75: {  	s17 =	simm.s32 $0xF480  }
0x76: {  	[tilespmem:s17], [sflag:$0xB] =	stream.indirect_vreg.gather [hbm4b:s6+s4], $0x80, v3, vm0, $0xb8;
	[tilespmem:$0x19C80] =	vst v63  }
0x77: {  	s0 =	simm.s32 $0x10;
	s19 =	simm.s32 $0xFC80  }
0x78: {  	[tilespmem:s19], [sflag:$0xB] =	stream.indirect_vreg.gather [hbm4b:s7+s4], $0x80, v3, vm0, $0xb8;
	[tilespmem:$0x19C80] =	vst v63  }
0x79: {  	s8 =	simm.s32 $0x300;
	s2 =	simm.s32 $0x18480;
	s11 =	rddreg [dreg:$0x1]  }
0x7a: {  	[tilespmem:s2], [sflag:$0xC] =	stream.indirect.gather [hbm4b:s11+s0], $0x80, s8, s0, $0xb8;
	[tilespmem:$0x19C80] =	vst v63  }
0x7b: {  	s25 =	rddreg [dreg:$0xa];
	s28 =	simm.s32 $0x100  }
0x7c: {  	[tilespmem:s28], [sflag:$0x7] =	stream.linear.gather [hbm4b:s25+s4], $0x10, $0x38;
	[tilespmem:$0x19C80] =	vst v63  }
0x7d: {  	s26 =	rddreg [dreg:$0xb];
	s13 =	simm.s32 $0x280;
	s15 =	simm.s32 $0x400  }
0x7e: {  	[tilespmem:s13], [sflag:$0x8] =	stream.linear.gather [hbm4b:s26+s4], $0x10, $0x38;
	[tilespmem:$0x19C80] =	vst v63  }
0x7f: {  	s16 =	simm.s32 $0x4;
	s8 =	smov.u32 s11;
	s11 =	rddreg [dreg:$0xc]  }
0x80: {  	[tilespmem:s15], [sflag:$0x9] =	stream.linear.gather [hbm4b:s11+s4], $0x10, $0x38;
	[tilespmem:$0x19C80] =	vst v63  }
0x81: {  	_ =	swait.ge [sflag:s16], $0x10  }
0x82: {  	[sflag:s16] =	ssyncset.done $0x0  }
0x83: {  	s19 =	simm.s32 $0x5;
	[sflag:s16] =	ssyncadd.s32 $0xFFFFFFF0  }
0x84: {  	_ =	swait.ge [sflag:s19], $0x10  }
0x85: {  	[sflag:s19] =	ssyncset.done $0x0  }
0x86: {  	s25 =	simm.s32 $0x6;
	[sflag:s19] =	ssyncadd.s32 $0xFFFFFFF0  }
0x87: {  	_ =	swait.ge [sflag:s25], $0x10  }
0x88: {  	[sflag:s25] =	ssyncset.done $0x0  }
0x89: {  	[sflag:s25] =	ssyncadd.s32 $0xFFFFFFF0  }
0x8a: {  	v3 =	vld [tilespmem:$0x80];
	_ =	sdelay $0x4  }
0x8b: {  	v50 =	vshll.u32 v3, $0x3  }
0x8c: {  	v3 =	vand.u32 $0x7, v3;
	v4 =	vand.u32 $0xFFFFFFC0, v50  }
0x8d: {  	v3 =	vor.u32 v3, v4  }
0x8e: {  	v4 =	vperm.xlane v3, v0;
	_ =	sdelay $0x1  }
0x8f: {  	v4 =	vadd.s32 v1, v4;
	_ =	sdelay $0x3  }
0x90: {  	s26 =	simm.s32 $0x4480  }
0x91: {  	[tilespmem:s26], [sflag:$0xD] =	stream.indirect_vreg.gather [hbm4b:s1+s4], $0x80, v4, vm0, $0xb8;
	[tilespmem:$0x19C80] =	vst v63  }
0x92: {  	s28 =	simm.s32 $0x4C80;
	v3 =	vperm.xlane v3, v2  }
0x93: {  	[tilespmem:s28], [sflag:$0xD] =	stream.indirect_vreg.gather [hbm4b:s5+s4], $0x80, v4, vm0, $0xb8;
	[tilespmem:$0x19C80] =	vst v63  }
0x94: {  	s3 =	simm.s32 $0x5480;
	v3 =	vadd.s32 v1, v3  }
0x95: {  	[tilespmem:s3], [sflag:$0xD] =	stream.indirect_vreg.gather [hbm4b:s6+s4], $0x80, v4, vm0, $0xb8;
	[tilespmem:$0x19C80] =	vst v63  }
0x96: {  	s13 =	simm.s32 $0x5C80  }
0x97: {  	[tilespmem:s13], [sflag:$0xD] =	stream.indirect_vreg.gather [hbm4b:s7+s4], $0x80, v4, vm0, $0xb8;
	[tilespmem:$0x19C80] =	vst v63  }
0x98: {  	s15 =	simm.s32 $0x6480  }
0x99: {  	[tilespmem:s15], [sflag:$0xD] =	stream.indirect_vreg.gather [hbm4b:s1+s4], $0x80, v3, vm0, $0xb8;
	[tilespmem:$0x19C80] =	vst v63  }
0x9a: {  	s16 =	simm.s32 $0x6C80  }
0x9b: {  	[tilespmem:s16], [sflag:$0xD] =	stream.indirect_vreg.gather [hbm4b:s5+s4], $0x80, v3, vm0, $0xb8;
	[tilespmem:$0x19C80] =	vst v63  }
0x9c: {  	s19 =	simm.s32 $0x7480  }
0x9d: {  	[tilespmem:s19], [sflag:$0xD] =	stream.indirect_vreg.gather [hbm4b:s6+s4], $0x80, v3, vm0, $0xb8;
	[tilespmem:$0x19C80] =	vst v63  }
0x9e: {  	s25 =	simm.s32 $0x7C80  }
0x9f: {  	[tilespmem:s25], [sflag:$0xD] =	stream.indirect_vreg.gather [hbm4b:s7+s4], $0x80, v3, vm0, $0xb8;
	[tilespmem:$0x19C80] =	vst v63  }
0xa0: {  	v3 =	vld [tilespmem:$0x200];
	_ =	sdelay $0x4  }
0xa1: {  	v51 =	vshll.u32 v3, $0x3  }
0xa2: {  	v3 =	vand.u32 $0x7, v3;
	v4 =	vand.u32 $0xFFFFFFC0, v51  }
0xa3: {  	v3 =	vor.u32 v3, v4  }
0xa4: {  	v4 =	vperm.xlane v3, v0;
	_ =	sdelay $0x1  }
0xa5: {  	v4 =	vadd.s32 v1, v4;
	_ =	sdelay $0x3  }
0xa6: {  	s26 =	simm.s32 $0x10480  }
0xa7: {  	[tilespmem:s26], [sflag:$0xE] =	stream.indirect_vreg.gather [hbm4b:s1+s4], $0x80, v4, vm0, $0xb8;
	[tilespmem:$0x19C80] =	vst v63  }
0xa8: {  	s28 =	simm.s32 $0x10C80;
	v3 =	vperm.xlane v3, v2  }
0xa9: {  	[tilespmem:s28], [sflag:$0xE] =	stream.indirect_vreg.gather [hbm4b:s5+s4], $0x80, v4, vm0, $0xb8;
	[tilespmem:$0x19C80] =	vst v63  }
0xaa: {  	s3 =	simm.s32 $0x11480;
	v3 =	vadd.s32 v1, v3  }
0xab: {  	[tilespmem:s3], [sflag:$0xE] =	stream.indirect_vreg.gather [hbm4b:s6+s4], $0x80, v4, vm0, $0xb8;
	[tilespmem:$0x19C80] =	vst v63  }
0xac: {  	s15 =	simm.s32 $0x11C80  }
0xad: {  	[tilespmem:s15], [sflag:$0xE] =	stream.indirect_vreg.gather [hbm4b:s7+s4], $0x80, v4, vm0, $0xb8;
	[tilespmem:$0x19C80] =	vst v63  }
0xae: {  	s16 =	simm.s32 $0x12480  }
0xaf: {  	[tilespmem:s16], [sflag:$0xE] =	stream.indirect_vreg.gather [hbm4b:s1+s4], $0x80, v3, vm0, $0xb8;
	[tilespmem:$0x19C80] =	vst v63  }
0xb0: {  	s19 =	simm.s32 $0x12C80  }
0xb1: {  	[tilespmem:s19], [sflag:$0xE] =	stream.indirect_vreg.gather [hbm4b:s5+s4], $0x80, v3, vm0, $0xb8;
	[tilespmem:$0x19C80] =	vst v63  }
0xb2: {  	s25 =	simm.s32 $0x13480  }
0xb3: {  	[tilespmem:s25], [sflag:$0xE] =	stream.indirect_vreg.gather [hbm4b:s6+s4], $0x80, v3, vm0, $0xb8;
	[tilespmem:$0x19C80] =	vst v63  }
0xb4: {  	s26 =	simm.s32 $0x13C80  }
0xb5: {  	[tilespmem:s26], [sflag:$0xE] =	stream.indirect_vreg.gather [hbm4b:s7+s4], $0x80, v3, vm0, $0xb8;
	[tilespmem:$0x19C80] =	vst v63  }
0xb6: {  	s2 =	simm.s32 $0x380;
	s28 =	simm.s32 $0x18C80  }
0xb7: {  	[tilespmem:s28], [sflag:$0xF] =	stream.indirect.gather [hbm4b:s8+s0], $0x80, s2, s0, $0xb8;
	[tilespmem:$0x19C80] =	vst v63  }
0xb8: {  	s16 =	smov.u32 s8;
	s8 =	simm.s32 $0xA  }
0xb9: {  	_ =	swait.ge [sflag:s8], $0x4000  }
0xba: {  	[sflag:s8] =	ssyncset.done $0x0  }
0xbb: {  	s19 =	simm.s32 $0xB;
	[sflag:s8] =	ssyncadd.s32 $0xFFFFC000  }
0xbc: {  	_ =	swait.ge [sflag:s19], $0x4000  }
0xbd: {  	[sflag:s19] =	ssyncset.done $0x0  }
0xbe: {  	s25 =	simm.s32 $0xC;
	[sflag:s19] =	ssyncadd.s32 $0xFFFFC000  }
0xbf: {  	_ =	swait.ge [sflag:s25], $0x800  }
0xc0: {  	[sflag:s25] =	ssyncset.done $0x0  }
0xc1: {  	s8 =	simm.s32 $0x480;
	s26 =	rddreg [dreg:$0xd];
	[sflag:s25] =	ssyncadd.s32 $0xFFFFF800  }
0xc2: {  	[hbm4b:s26+s4] =	stream.linear.scatter [tilespmem:s8], [sflag:$0x13], $0x4000, $0x38;
	[tilespmem:$0x19C80] =	vst v63  }
0xc3: {  	s9 =	simm.s32 $0xC480;
	s28 =	rddreg [dreg:$0xe]  }
0xc4: {  	[hbm4b:s28+s4] =	stream.linear.scatter [tilespmem:s9], [sflag:$0x14], $0x4000, $0x38;
	[tilespmem:$0x19C80] =	vst v63  }
0xc5: {  	s10 =	simm.s32 $0x18480;
	s19 =	rddreg [dreg:$0xf]  }
0xc6: {  	[hbm4b:s19+s4] =	stream.linear.scatter [tilespmem:s10], [sflag:$0x15], $0x800, $0x38;
	[tilespmem:$0x19C80] =	vst v63  }
0xc7: {  	s28 =	rddreg [dreg:$0x10]  }
0xc8: {  	[tilespmem:s4], [sflag:$0x1] =	stream.linear.gather [hbm4b:s28+s4], $0x10, $0x38;
	[tilespmem:$0x19C80] =	vst v63  }
0xc9: {  	s14 =	simm.s32 $0x180;
	s9 =	rddreg [dreg:$0x11]  }
0xca: {  	[tilespmem:s14], [sflag:$0x2] =	stream.linear.gather [hbm4b:s9+s4], $0x10, $0x38;
	[tilespmem:$0x19C80] =	vst v63  }
0xcb: {  	s12 =	simm.s32 $0x300;
	s10 =	rddreg [dreg:$0x12];
	s14 =	simm.s32 $0x7  }
0xcc: {  	[tilespmem:s12], [sflag:$0x3] =	stream.linear.gather [hbm4b:s10+s4], $0x10, $0x38;
	[tilespmem:$0x19C80] =	vst v63  }
0xcd: {  	_ =	swait.ge [sflag:s14], $0x10  }
0xce: {  	[sflag:s14] =	ssyncset.done $0x0  }
0xcf: {  	s28 =	simm.s32 $0x8;
	[sflag:s14] =	ssyncadd.s32 $0xFFFFFFF0  }
0xd0: {  	_ =	swait.ge [sflag:s28], $0x10  }
0xd1: {  	[sflag:s28] =	ssyncset.done $0x0  }
0xd2: {  	s12 =	simm.s32 $0x9;
	[sflag:s28] =	ssyncadd.s32 $0xFFFFFFF0  }
0xd3: {  	_ =	swait.ge [sflag:s12], $0x10  }
0xd4: {  	[sflag:s12] =	ssyncset.done $0x0  }
0xd5: {  	[sflag:s12] =	ssyncadd.s32 $0xFFFFFFF0  }
0xd6: {  	v3 =	vld [tilespmem:$0x100];
	_ =	sdelay $0x4  }
0xd7: {  	v52 =	vshll.u32 v3, $0x3  }
0xd8: {  	v3 =	vand.u32 $0x7, v3;
	v4 =	vand.u32 $0xFFFFFFC0, v52  }
0xd9: {  	v3 =	vor.u32 v3, v4  }
0xda: {  	v4 =	vperm.xlane v3, v0;
	_ =	sdelay $0x1  }
0xdb: {  	v4 =	vadd.s32 v1, v4;
	_ =	sdelay $0x3  }
0xdc: {  	s19 =	simm.s32 $0x8480  }
0xdd: {  	[tilespmem:s19], [sflag:$0x10] =	stream.indirect_vreg.gather [hbm4b:s1+s4], $0x80, v4, vm0, $0xb8;
	[tilespmem:$0x19C80] =	vst v63  }
0xde: {  	s25 =	simm.s32 $0x8C80;
	v3 =	vperm.xlane v3, v2  }
0xdf: {  	[tilespmem:s25], [sflag:$0x10] =	stream.indirect_vreg.gather [hbm4b:s5+s4], $0x80, v4, vm0, $0xb8;
	[tilespmem:$0x19C80] =	vst v63  }
0xe0: {  	s9 =	simm.s32 $0x9480;
	v3 =	vadd.s32 v1, v3  }
0xe1: {  	[tilespmem:s9], [sflag:$0x10] =	stream.indirect_vreg.gather [hbm4b:s6+s4], $0x80, v4, vm0, $0xb8;
	[tilespmem:$0x19C80] =	vst v63  }
0xe2: {  	s10 =	simm.s32 $0x9C80  }
0xe3: {  	[tilespmem:s10], [sflag:$0x10] =	stream.indirect_vreg.gather [hbm4b:s7+s4], $0x80, v4, vm0, $0xb8;
	[tilespmem:$0x19C80] =	vst v63  }
0xe4: {  	s19 =	simm.s32 $0xA480  }
0xe5: {  	[tilespmem:s19], [sflag:$0x10] =	stream.indirect_vreg.gather [hbm4b:s1+s4], $0x80, v3, vm0, $0xb8;
	[tilespmem:$0x19C80] =	vst v63  }
0xe6: {  	s25 =	simm.s32 $0xAC80  }
0xe7: {  	[tilespmem:s25], [sflag:$0x10] =	stream.indirect_vreg.gather [hbm4b:s5+s4], $0x80, v3, vm0, $0xb8;
	[tilespmem:$0x19C80] =	vst v63  }
0xe8: {  	s9 =	simm.s32 $0xB480  }
0xe9: {  	[tilespmem:s9], [sflag:$0x10] =	stream.indirect_vreg.gather [hbm4b:s6+s4], $0x80, v3, vm0, $0xb8;
	[tilespmem:$0x19C80] =	vst v63  }
0xea: {  	s10 =	simm.s32 $0xBC80  }
0xeb: {  	[tilespmem:s10], [sflag:$0x10] =	stream.indirect_vreg.gather [hbm4b:s7+s4], $0x80, v3, vm0, $0xb8;
	[tilespmem:$0x19C80] =	vst v63  }
0xec: {  	v3 =	vld [tilespmem:$0x280];
	_ =	sdelay $0x4  }
0xed: {  	v53 =	vshll.u32 v3, $0x3  }
0xee: {  	v3 =	vand.u32 $0x7, v3;
	v4 =	vand.u32 $0xFFFFFFC0, v53  }
0xef: {  	v3 =	vor.u32 v3, v4  }
0xf0: {  	v4 =	vperm.xlane v3, v0;
	_ =	sdelay $0x1  }
0xf1: {  	v4 =	vadd.s32 v1, v4;
	_ =	sdelay $0x3  }
0xf2: {  	s19 =	simm.s32 $0x14480  }
0xf3: {  	[tilespmem:s19], [sflag:$0x11] =	stream.indirect_vreg.gather [hbm4b:s1+s4], $0x80, v4, vm0, $0xb8;
	[tilespmem:$0x19C80] =	vst v63  }
0xf4: {  	s25 =	simm.s32 $0x14C80;
	v3 =	vperm.xlane v3, v2  }
0xf5: {  	[tilespmem:s25], [sflag:$0x11] =	stream.indirect_vreg.gather [hbm4b:s5+s4], $0x80, v4, vm0, $0xb8;
	[tilespmem:$0x19C80] =	vst v63  }
0xf6: {  	s9 =	simm.s32 $0x15480;
	v3 =	vadd.s32 v1, v3  }
0xf7: {  	[tilespmem:s9], [sflag:$0x11] =	stream.indirect_vreg.gather [hbm4b:s6+s4], $0x80, v4, vm0, $0xb8;
	[tilespmem:$0x19C80] =	vst v63  }
0xf8: {  	s10 =	simm.s32 $0x15C80  }
0xf9: {  	[tilespmem:s10], [sflag:$0x11] =	stream.indirect_vreg.gather [hbm4b:s7+s4], $0x80, v4, vm0, $0xb8;
	[tilespmem:$0x19C80] =	vst v63  }
0xfa: {  	s19 =	simm.s32 $0x16480  }
0xfb: {  	[tilespmem:s19], [sflag:$0x11] =	stream.indirect_vreg.gather [hbm4b:s1+s4], $0x80, v3, vm0, $0xb8;
	[tilespmem:$0x19C80] =	vst v63  }
0xfc: {  	s25 =	simm.s32 $0x16C80  }
0xfd: {  	[tilespmem:s25], [sflag:$0x11] =	stream.indirect_vreg.gather [hbm4b:s5+s4], $0x80, v3, vm0, $0xb8;
	[tilespmem:$0x19C80] =	vst v63  }
0xfe: {  	s9 =	simm.s32 $0x17480  }
0xff: {  	[tilespmem:s9], [sflag:$0x11] =	stream.indirect_vreg.gather [hbm4b:s6+s4], $0x80, v3, vm0, $0xb8;
	[tilespmem:$0x19C80] =	vst v63  }
0x100: {  	s10 =	simm.s32 $0x17C80  }
0x101: {  	[tilespmem:s10], [sflag:$0x11] =	stream.indirect_vreg.gather [hbm4b:s7+s4], $0x80, v3, vm0, $0xb8;
	[tilespmem:$0x19C80] =	vst v63  }
0x102: {  	s17 =	simm.s32 $0x400;
	s19 =	simm.s32 $0x19480  }
0x103: {  	[tilespmem:s19], [sflag:$0x12] =	stream.indirect.gather [hbm4b:s16+s0], $0x80, s17, s0, $0xb8;
	[tilespmem:$0x19C80] =	vst v63  }
0x104: {  	s17 =	simm.s32 $0xD  }
0x105: {  	_ =	swait.ge [sflag:s17], $0x4000  }
0x106: {  	[sflag:s17] =	ssyncset.done $0x0  }
0x107: {  	[sflag:s17] =	ssyncadd.s32 $0xFFFFC000  }
0x108: {  	_ =	swait.ge [sflag:s24], $0x4000  }
0x109: {  	[sflag:s24] =	ssyncset.done $0x0  }
0x10a: {  	[sflag:s24] =	ssyncadd.s32 $0xFFFFC000  }
0x10b: {  	_ =	swait.ge [sflag:s21], $0x800  }
0x10c: {  	[sflag:s21] =	ssyncset.done $0x0  }
0x10d: {  	s11 =	simm.s32 $0x4480;
	s25 =	rddreg [dreg:$0x13];
	[sflag:s21] =	ssyncadd.s32 $0xFFFFF800  }
0x10e: {  	[hbm4b:s25+s4] =	stream.linear.scatter [tilespmem:s11], [sflag:$0x16], $0x4000, $0x38;
	[tilespmem:$0x19C80] =	vst v63  }
0x10f: {  	s13 =	simm.s32 $0x10480;
	s10 =	smov.u32 s16;
	s16 =	rddreg [dreg:$0x14]  }
0x110: {  	[hbm4b:s16+s4] =	stream.linear.scatter [tilespmem:s13], [sflag:$0x17], $0x4000, $0x38;
	[tilespmem:$0x19C80] =	vst v63  }
0x111: {  	s15 =	simm.s32 $0x18C80;
	s11 =	rddreg [dreg:$0x15]  }
0x112: {  	[hbm4b:s11+s4] =	stream.linear.scatter [tilespmem:s15], [sflag:$0x18], $0x800, $0x38;
	[tilespmem:$0x19C80] =	vst v63  }
0x113: {  	s31 =	simm.s32 $0x80;
	s13 =	rddreg [dreg:$0x16]  }
0x114: {  	[tilespmem:s31], [sflag:$0x4] =	stream.linear.gather [hbm4b:s13+s4], $0x10, $0x38;
	[tilespmem:$0x19C80] =	vst v63  }
0x115: {  	s29 =	simm.s32 $0x200;
	s15 =	rddreg [dreg:$0x17]  }
0x116: {  	[tilespmem:s29], [sflag:$0x5] =	stream.linear.gather [hbm4b:s15+s4], $0x10, $0x38;
	[tilespmem:$0x19C80] =	vst v63  }
0x117: {  	s31 =	rddreg [dreg:$0x18]  }
0x118: {  	[tilespmem:s2], [sflag:$0x6] =	stream.linear.gather [hbm4b:s31+s4], $0x10, $0x38;
	[tilespmem:$0x19C80] =	vst v63  }
0x119: {  	s31 =	simm.s32 $0x13  }
0x11a: {  	_ =	swait.ge [sflag:s31], $0x4000  }
0x11b: {  	[sflag:s31] =	ssyncset.done $0x0  }
0x11c: {  	s29 =	simm.s32 $0x14;
	[sflag:s31] =	ssyncadd.s32 $0xFFFFC000  }
0x11d: {  	_ =	swait.ge [sflag:s29], $0x4000  }
0x11e: {  	[sflag:s29] =	ssyncset.done $0x0  }
0x11f: {  	[sflag:s29] =	ssyncadd.s32 $0xFFFFC000  }
0x120: {  	_ =	swait.ge [sflag:s18], $0x800  }
0x121: {  	[sflag:s18] =	ssyncset.done $0x0  }
0x122: {  	[sflag:s18] =	ssyncadd.s32 $0xFFFFF800  }
0x123: {  	_ =	swait.ge [sflag:s30], $0x10  }
0x124: {  	[sflag:s30] =	ssyncset.done $0x0  }
0x125: {  	[sflag:s30] =	ssyncadd.s32 $0xFFFFFFF0  }
0x126: {  	_ =	swait.ge [sflag:s20], $0x10  }
0x127: {  	[sflag:s20] =	ssyncset.done $0x0  }
0x128: {  	[sflag:s20] =	ssyncadd.s32 $0xFFFFFFF0  }
0x129: {  	_ =	swait.ge [sflag:s22], $0x10  }
0x12a: {  	[sflag:s22] =	ssyncset.done $0x0  }
0x12b: {  	[sflag:s22] =	ssyncadd.s32 $0xFFFFFFF0  }
0x12c: {  	v3 =	vld [tilespmem:$0x0];
	_ =	sdelay $0x4  }
0x12d: {  	v54 =	vshll.u32 v3, $0x3  }
0x12e: {  	v3 =	vand.u32 $0x7, v3;
	v4 =	vand.u32 $0xFFFFFFC0, v54  }
0x12f: {  	v3 =	vor.u32 v3, v4  }
0x130: {  	v4 =	vperm.xlane v3, v0;
	_ =	sdelay $0x1  }
0x131: {  	v4 =	vadd.s32 v1, v4;
	_ =	sdelay $0x4  }
0x132: {  	[tilespmem:s8], [sflag:$0xA] =	stream.indirect_vreg.gather [hbm4b:s1+s4], $0x80, v4, vm0, $0xb8;
	[tilespmem:$0x19C80] =	vst v63  }
0x133: {  	s23 =	simm.s32 $0xC80;
	v3 =	vperm.xlane v3, v2  }
0x134: {  	[tilespmem:s23], [sflag:$0xA] =	stream.indirect_vreg.gather [hbm4b:s5+s4], $0x80, v4, vm0, $0xb8;
	[tilespmem:$0x19C80] =	vst v63  }
0x135: {  	v3 =	vadd.s32 v1, v3;
	s8 =	simm.s32 $0x1480  }
0x136: {  	[tilespmem:s8], [sflag:$0xA] =	stream.indirect_vreg.gather [hbm4b:s6+s4], $0x80, v4, vm0, $0xb8;
	[tilespmem:$0x19C80] =	vst v63  }
0x137: {  	s11 =	simm.s32 $0x1C80  }
0x138: {  	[tilespmem:s11], [sflag:$0xA] =	stream.indirect_vreg.gather [hbm4b:s7+s4], $0x80, v4, vm0, $0xb8;
	[tilespmem:$0x19C80] =	vst v63  }
0x139: {  	s13 =	simm.s32 $0x2480  }
0x13a: {  	[tilespmem:s13], [sflag:$0xA] =	stream.indirect_vreg.gather [hbm4b:s1+s4], $0x80, v3, vm0, $0xb8;
	[tilespmem:$0x19C80] =	vst v63  }
0x13b: {  	s15 =	simm.s32 $0x2C80  }
0x13c: {  	[tilespmem:s15], [sflag:$0xA] =	stream.indirect_vreg.gather [hbm4b:s5+s4], $0x80, v3, vm0, $0xb8;
	[tilespmem:$0x19C80] =	vst v63  }
0x13d: {  	s23 =	simm.s32 $0x3480  }
0x13e: {  	[tilespmem:s23], [sflag:$0xA] =	stream.indirect_vreg.gather [hbm4b:s6+s4], $0x80, v3, vm0, $0xb8;
	[tilespmem:$0x19C80] =	vst v63  }
0x13f: {  	s25 =	simm.s32 $0x3C80  }
0x140: {  	[tilespmem:s25], [sflag:$0xA] =	stream.indirect_vreg.gather [hbm4b:s7+s4], $0x80, v3, vm0, $0xb8;
	[tilespmem:$0x19C80] =	vst v63  }
0x141: {  	v3 =	vld [tilespmem:$0x180];
	_ =	sdelay $0x4  }
0x142: {  	v55 =	vshll.u32 v3, $0x3  }
0x143: {  	v3 =	vand.u32 $0x7, v3;
	v4 =	vand.u32 $0xFFFFFFC0, v55  }
0x144: {  	v3 =	vor.u32 v3, v4  }
0x145: {  	v4 =	vperm.xlane v3, v0;
	_ =	sdelay $0x1  }
0x146: {  	v4 =	vadd.s32 v1, v4;
	_ =	sdelay $0x3  }
0x147: {  	s26 =	simm.s32 $0xC480  }
0x148: {  	[tilespmem:s26], [sflag:$0xB] =	stream.indirect_vreg.gather [hbm4b:s1+s4], $0x80, v4, vm0, $0xb8;
	[tilespmem:$0x19C80] =	vst v63  }
0x149: {  	v3 =	vperm.xlane v3, v2;
	s26 =	simm.s32 $0xCC80  }
0x14a: {  	[tilespmem:s26], [sflag:$0xB] =	stream.indirect_vreg.gather [hbm4b:s5+s4], $0x80, v4, vm0, $0xb8;
	[tilespmem:$0x19C80] =	vst v63  }
0x14b: {  	s3 =	simm.s32 $0xD480;
	v3 =	vadd.s32 v1, v3  }
0x14c: {  	[tilespmem:s3], [sflag:$0xB] =	stream.indirect_vreg.gather [hbm4b:s6+s4], $0x80, v4, vm0, $0xb8;
	[tilespmem:$0x19C80] =	vst v63  }
0x14d: {  	s8 =	simm.s32 $0xDC80  }
0x14e: {  	[tilespmem:s8], [sflag:$0xB] =	stream.indirect_vreg.gather [hbm4b:s7+s4], $0x80, v4, vm0, $0xb8;
	[tilespmem:$0x19C80] =	vst v63  }
0x14f: {  	s11 =	simm.s32 $0xE480  }
0x150: {  	[tilespmem:s11], [sflag:$0xB] =	stream.indirect_vreg.gather [hbm4b:s1+s4], $0x80, v3, vm0, $0xb8;
	[tilespmem:$0x19C80] =	vst v63  }
0x151: {  	s13 =	simm.s32 $0xEC80  }
0x152: {  	[tilespmem:s13], [sflag:$0xB] =	stream.indirect_vreg.gather [hbm4b:s5+s4], $0x80, v3, vm0, $0xb8;
	[tilespmem:$0x19C80] =	vst v63  }
0x153: {  	s15 =	simm.s32 $0xF480  }
0x154: {  	[tilespmem:s15], [sflag:$0xB] =	stream.indirect_vreg.gather [hbm4b:s6+s4], $0x80, v3, vm0, $0xb8;
	[tilespmem:$0x19C80] =	vst v63  }
0x155: {  	s23 =	simm.s32 $0xFC80  }
0x156: {  	[tilespmem:s23], [sflag:$0xB] =	stream.indirect_vreg.gather [hbm4b:s7+s4], $0x80, v3, vm0, $0xb8;
	[tilespmem:$0x19C80] =	vst v63  }
0x157: {  	s11 =	simm.s32 $0x18480;
	s15 =	simm.s32 $0x300  }
0x158: {  	[tilespmem:s11], [sflag:$0xC] =	stream.indirect.gather [hbm4b:s10+s0], $0x80, s15, s0, $0xb8;
	[tilespmem:$0x19C80] =	vst v63  }
0x159: {  	_ =	swait.ge [sflag:s0], $0x4000  }
0x15a: {  	[sflag:s0] =	ssyncset.done $0x0  }
0x15b: {  	s8 =	simm.s32 $0x11;
	[sflag:s0] =	ssyncadd.s32 $0xFFFFC000  }
0x15c: {  	_ =	swait.ge [sflag:s8], $0x4000  }
0x15d: {  	[sflag:s8] =	ssyncset.done $0x0  }
0x15e: {  	s23 =	simm.s32 $0x12;
	[sflag:s8] =	ssyncadd.s32 $0xFFFFC000  }
0x15f: {  	_ =	swait.ge [sflag:s23], $0x800  }
0x160: {  	[sflag:s23] =	ssyncset.done $0x0  }
0x161: {  	s26 =	simm.s32 $0x8480;
	s25 =	rddreg [dreg:$0x19];
	[sflag:s23] =	ssyncadd.s32 $0xFFFFF800  }
0x162: {  	[hbm4b:s25+s4] =	stream.linear.scatter [tilespmem:s26], [sflag:$0x19], $0x4000, $0x38;
	[tilespmem:$0x19C80] =	vst v63  }
0x163: {  	s13 =	simm.s32 $0x14480;
	s2 =	rddreg [dreg:$0x1a]  }
0x164: {  	[hbm4b:s2+s4] =	stream.linear.scatter [tilespmem:s13], [sflag:$0x1A], $0x4000, $0x38;
	[tilespmem:$0x19C80] =	vst v63  }
0x165: {  	s9 =	simm.s32 $0x19480;
	s3 =	rddreg [dreg:$0x1b]  }
0x166: {  	[hbm4b:s3+s4] =	stream.linear.scatter [tilespmem:s9], [sflag:$0x1B], $0x800, $0x38;
	[tilespmem:$0x19C80] =	vst v63  }
0x167: {  	s2 =	rddreg [dreg:$0x1c];
	s13 =	simm.s32 $0x100  }
0x168: {  	[tilespmem:s13], [sflag:$0x7] =	stream.linear.gather [hbm4b:s2+s4], $0x10, $0x38;
	[tilespmem:$0x19C80] =	vst v63  }
0x169: {  	s3 =	rddreg [dreg:$0x1d];
	s13 =	simm.s32 $0x280  }
0x16a: {  	[tilespmem:s13], [sflag:$0x8] =	stream.linear.gather [hbm4b:s3+s4], $0x10, $0x38;
	[tilespmem:$0x19C80] =	vst v63  }
0x16b: {  	s19 =	simm.s32 $0x400;
	s9 =	rddreg [dreg:$0x1e]  }
0x16c: {  	[tilespmem:s19], [sflag:$0x9] =	stream.linear.gather [hbm4b:s9+s4], $0x10, $0x38;
	[tilespmem:$0x19C80] =	vst v63  }
0x16d: {  	s19 =	simm.s32 $0x16  }
0x16e: {  	_ =	swait.ge [sflag:s19], $0x4000  }
0x16f: {  	[sflag:s19] =	ssyncset.done $0x0  }
0x170: {  	s13 =	simm.s32 $0x17;
	[sflag:s19] =	ssyncadd.s32 $0xFFFFC000  }
0x171: {  	_ =	swait.ge [sflag:s13], $0x4000  }
0x172: {  	[sflag:s13] =	ssyncset.done $0x0  }
0x173: {  	s9 =	simm.s32 $0x18;
	[sflag:s13] =	ssyncadd.s32 $0xFFFFC000  }
0x174: {  	_ =	swait.ge [sflag:s9], $0x800  }
0x175: {  	[sflag:s9] =	ssyncset.done $0x0  }
0x176: {  	s3 =	simm.s32 $0x4;
	[sflag:s9] =	ssyncadd.s32 $0xFFFFF800  }
0x177: {  	_ =	swait.ge [sflag:s3], $0x10  }
0x178: {  	[sflag:s3] =	ssyncset.done $0x0  }
0x179: {  	s25 =	simm.s32 $0x5;
	[sflag:s3] =	ssyncadd.s32 $0xFFFFFFF0  }
0x17a: {  	_ =	swait.ge [sflag:s25], $0x10  }
0x17b: {  	[sflag:s25] =	ssyncset.done $0x0  }
0x17c: {  	s3 =	simm.s32 $0x6;
	[sflag:s25] =	ssyncadd.s32 $0xFFFFFFF0  }
0x17d: {  	_ =	swait.ge [sflag:s3], $0x10  }
0x17e: {  	[sflag:s3] =	ssyncset.done $0x0  }
0x17f: {  	[sflag:s3] =	ssyncadd.s32 $0xFFFFFFF0  }
0x180: {  	v3 =	vld [tilespmem:$0x80];
	_ =	sdelay $0x4  }
0x181: {  	v56 =	vshll.u32 v3, $0x3  }
0x182: {  	v3 =	vand.u32 $0x7, v3;
	v4 =	vand.u32 $0xFFFFFFC0, v56  }
0x183: {  	v3 =	vor.u32 v3, v4  }
0x184: {  	v4 =	vperm.xlane v3, v0;
	_ =	sdelay $0x1  }
0x185: {  	v4 =	vadd.s32 v1, v4;
	_ =	sdelay $0x3  }
0x186: {  	s25 =	simm.s32 $0x4480  }
0x187: {  	[tilespmem:s25], [sflag:$0xD] =	stream.indirect_vreg.gather [hbm4b:s1+s4], $0x80, v4, vm0, $0xb8;
	[tilespmem:$0x19C80] =	vst v63  }
0x188: {  	s3 =	simm.s32 $0x4C80;
	v3 =	vperm.xlane v3, v2  }
0x189: {  	[tilespmem:s3], [sflag:$0xD] =	stream.indirect_vreg.gather [hbm4b:s5+s4], $0x80, v4, vm0, $0xb8;
	[tilespmem:$0x19C80] =	vst v63  }
0x18a: {  	v3 =	vadd.s32 v1, v3;
	s25 =	simm.s32 $0x5480  }
0x18b: {  	[tilespmem:s25], [sflag:$0xD] =	stream.indirect_vreg.gather [hbm4b:s6+s4], $0x80, v4, vm0, $0xb8;
	[tilespmem:$0x19C80] =	vst v63  }
0x18c: {  	s3 =	simm.s32 $0x5C80  }
0x18d: {  	[tilespmem:s3], [sflag:$0xD] =	stream.indirect_vreg.gather [hbm4b:s7+s4], $0x80, v4, vm0, $0xb8;
	[tilespmem:$0x19C80] =	vst v63  }
0x18e: {  	s25 =	simm.s32 $0x6480  }
0x18f: {  	[tilespmem:s25], [sflag:$0xD] =	stream.indirect_vreg.gather [hbm4b:s1+s4], $0x80, v3, vm0, $0xb8;
	[tilespmem:$0x19C80] =	vst v63  }
0x190: {  	s3 =	simm.s32 $0x6C80  }
0x191: {  	[tilespmem:s3], [sflag:$0xD] =	stream.indirect_vreg.gather [hbm4b:s5+s4], $0x80, v3, vm0, $0xb8;
	[tilespmem:$0x19C80] =	vst v63  }
0x192: {  	s25 =	simm.s32 $0x7480  }
0x193: {  	[tilespmem:s25], [sflag:$0xD] =	stream.indirect_vreg.gather [hbm4b:s6+s4], $0x80, v3, vm0, $0xb8;
	[tilespmem:$0x19C80] =	vst v63  }
0x194: {  	s3 =	simm.s32 $0x7C80  }
0x195: {  	[tilespmem:s3], [sflag:$0xD] =	stream.indirect_vreg.gather [hbm4b:s7+s4], $0x80, v3, vm0, $0xb8;
	[tilespmem:$0x19C80] =	vst v63  }
0x196: {  	v3 =	vld [tilespmem:$0x200];
	_ =	sdelay $0x4  }
0x197: {  	v57 =	vshll.u32 v3, $0x3  }
0x198: {  	v3 =	vand.u32 $0x7, v3;
	v4 =	vand.u32 $0xFFFFFFC0, v57  }
0x199: {  	v3 =	vor.u32 v3, v4  }
0x19a: {  	v4 =	vperm.xlane v3, v0;
	_ =	sdelay $0x1  }
0x19b: {  	v4 =	vadd.s32 v1, v4;
	_ =	sdelay $0x3  }
0x19c: {  	s16 =	simm.s32 $0x10480  }
0x19d: {  	[tilespmem:s16], [sflag:$0xE] =	stream.indirect_vreg.gather [hbm4b:s1+s4], $0x80, v4, vm0, $0xb8;
	[tilespmem:$0x19C80] =	vst v63  }
0x19e: {  	s25 =	simm.s32 $0x10C80;
	v3 =	vperm.xlane v3, v2  }
0x19f: {  	[tilespmem:s25], [sflag:$0xE] =	stream.indirect_vreg.gather [hbm4b:s5+s4], $0x80, v4, vm0, $0xb8;
	[tilespmem:$0x19C80] =	vst v63  }
0x1a0: {  	s3 =	simm.s32 $0x11480;
	v3 =	vadd.s32 v1, v3  }
0x1a1: {  	[tilespmem:s3], [sflag:$0xE] =	stream.indirect_vreg.gather [hbm4b:s6+s4], $0x80, v4, vm0, $0xb8;
	[tilespmem:$0x19C80] =	vst v63  }
0x1a2: {  	s16 =	simm.s32 $0x11C80  }
0x1a3: {  	[tilespmem:s16], [sflag:$0xE] =	stream.indirect_vreg.gather [hbm4b:s7+s4], $0x80, v4, vm0, $0xb8;
	[tilespmem:$0x19C80] =	vst v63  }
0x1a4: {  	s25 =	simm.s32 $0x12480  }
0x1a5: {  	[tilespmem:s25], [sflag:$0xE] =	stream.indirect_vreg.gather [hbm4b:s1+s4], $0x80, v3, vm0, $0xb8;
	[tilespmem:$0x19C80] =	vst v63  }
0x1a6: {  	s3 =	simm.s32 $0x12C80  }
0x1a7: {  	[tilespmem:s3], [sflag:$0xE] =	stream.indirect_vreg.gather [hbm4b:s5+s4], $0x80, v3, vm0, $0xb8;
	[tilespmem:$0x19C80] =	vst v63  }
0x1a8: {  	s16 =	simm.s32 $0x13480  }
0x1a9: {  	[tilespmem:s16], [sflag:$0xE] =	stream.indirect_vreg.gather [hbm4b:s6+s4], $0x80, v3, vm0, $0xb8;
	[tilespmem:$0x19C80] =	vst v63  }
0x1aa: {  	s25 =	simm.s32 $0x13C80  }
0x1ab: {  	[tilespmem:s25], [sflag:$0xE] =	stream.indirect_vreg.gather [hbm4b:s7+s4], $0x80, v3, vm0, $0xb8;
	[tilespmem:$0x19C80] =	vst v63  }
0x1ac: {  	s3 =	simm.s32 $0x18C80;
	s16 =	simm.s32 $0x380;
	s25 =	simm.s32 $0xA  }
0x1ad: {  	[tilespmem:s3], [sflag:$0xF] =	stream.indirect.gather [hbm4b:s10+s0], $0x80, s16, s0, $0xb8;
	[tilespmem:$0x19C80] =	vst v63  }
0x1ae: {  	_ =	swait.ge [sflag:s25], $0x4000  }
0x1af: {  	[sflag:s25] =	ssyncset.done $0x0  }
0x1b0: {  	s3 =	simm.s32 $0xB;
	[sflag:s25] =	ssyncadd.s32 $0xFFFFC000  }
0x1b1: {  	_ =	swait.ge [sflag:s3], $0x4000  }
0x1b2: {  	[sflag:s3] =	ssyncset.done $0x0  }
0x1b3: {  	s25 =	simm.s32 $0xC;
	[sflag:s3] =	ssyncadd.s32 $0xFFFFC000  }
0x1b4: {  	_ =	swait.ge [sflag:s25], $0x800  }
0x1b5: {  	s3 =	rddreg [dreg:$0x1f];
	[sflag:s25] =	ssyncset.done $0x0  }
0x1b6: {  	s2 =	simm.s32 $0x480;
	[sflag:s25] =	ssyncadd.s32 $0xFFFFF800;
	s25 =	sld [smem:$0x7EA]  }
0x1b7: {  	[hbm4b:s3+s4] =	stream.linear.scatter [tilespmem:s2], [sflag:$0x13], $0x4000, $0x38;
	[tilespmem:$0x19C80] =	vst v63  }
0x1b8: {  	s3 =	sld [smem:$0x7EB];
	s2 =	simm.s32 $0xC480  }
0x1b9: {  	[hbm4b:s25+s4] =	stream.linear.scatter [tilespmem:s2], [sflag:$0x14], $0x4000, $0x38;
	[tilespmem:$0x19C80] =	vst v63  }
0x1ba: {  	s25 =	sld [smem:$0x7EC]  }
0x1bb: {  	[hbm4b:s3+s4] =	stream.linear.scatter [tilespmem:s11], [sflag:$0x15], $0x800, $0x38;
	[tilespmem:$0x19C80] =	vst v63  }
0x1bc: {  	s2 =	sld [smem:$0x7ED]  }
0x1bd: {  	[tilespmem:s4], [sflag:$0x1] =	stream.linear.gather [hbm4b:s25+s4], $0x10, $0x38;
	[tilespmem:$0x19C80] =	vst v63  }
0x1be: {  	s11 =	simm.s32 $0x180;
	s25 =	sld [smem:$0x7EE]  }
0x1bf: {  	[tilespmem:s11], [sflag:$0x2] =	stream.linear.gather [hbm4b:s2+s4], $0x10, $0x38;
	[tilespmem:$0x19C80] =	vst v63  }
0x1c0: {  	s2 =	simm.s32 $0x19  }
0x1c1: {  	[tilespmem:s15], [sflag:$0x3] =	stream.linear.gather [hbm4b:s25+s4], $0x10, $0x38;
	[tilespmem:$0x19C80] =	vst v63  }
0x1c2: {  	_ =	swait.ge [sflag:s2], $0x4000  }
0x1c3: {  	[sflag:s2] =	ssyncset.done $0x0  }
0x1c4: {  	s11 =	simm.s32 $0x1A;
	[sflag:s2] =	ssyncadd.s32 $0xFFFFC000  }
0x1c5: {  	_ =	swait.ge [sflag:s11], $0x4000  }
0x1c6: {  	[sflag:s11] =	ssyncset.done $0x0  }
0x1c7: {  	s15 =	simm.s32 $0x1B;
	[sflag:s11] =	ssyncadd.s32 $0xFFFFC000  }
0x1c8: {  	_ =	swait.ge [sflag:s15], $0x800  }
0x1c9: {  	[sflag:s15] =	ssyncset.done $0x0  }
0x1ca: {  	[sflag:s15] =	ssyncadd.s32 $0xFFFFF800  }
0x1cb: {  	_ =	swait.ge [sflag:s14], $0x10  }
0x1cc: {  	[sflag:s14] =	ssyncset.done $0x0  }
0x1cd: {  	[sflag:s14] =	ssyncadd.s32 $0xFFFFFFF0  }
0x1ce: {  	_ =	swait.ge [sflag:s28], $0x10  }
0x1cf: {  	[sflag:s28] =	ssyncset.done $0x0  }
0x1d0: {  	[sflag:s28] =	ssyncadd.s32 $0xFFFFFFF0  }
0x1d1: {  	_ =	swait.ge [sflag:s12], $0x10  }
0x1d2: {  	[sflag:s12] =	ssyncset.done $0x0  }
0x1d3: {  	[sflag:s12] =	ssyncadd.s32 $0xFFFFFFF0  }
0x1d4: {  	v3 =	vld [tilespmem:$0x100];
	_ =	sdelay $0x4  }
0x1d5: {  	v58 =	vshll.u32 v3, $0x3  }
0x1d6: {  	v3 =	vand.u32 $0x7, v3;
	v4 =	vand.u32 $0xFFFFFFC0, v58  }
0x1d7: {  	v3 =	vor.u32 v3, v4  }
0x1d8: {  	v4 =	vperm.xlane v3, v0;
	_ =	sdelay $0x1  }
0x1d9: {  	v4 =	vadd.s32 v1, v4;
	_ =	sdelay $0x4  }
0x1da: {  	[tilespmem:s26], [sflag:$0x10] =	stream.indirect_vreg.gather [hbm4b:s1+s4], $0x80, v4, vm0, $0xb8;
	[tilespmem:$0x19C80] =	vst v63  }
0x1db: {  	s14 =	simm.s32 $0x8C80;
	v3 =	vperm.xlane v3, v2  }
0x1dc: {  	[tilespmem:s14], [sflag:$0x10] =	stream.indirect_vreg.gather [hbm4b:s5+s4], $0x80, v4, vm0, $0xb8;
	[tilespmem:$0x19C80] =	vst v63  }
0x1dd: {  	s25 =	simm.s32 $0x9480;
	v3 =	vadd.s32 v1, v3  }
0x1de: {  	[tilespmem:s25], [sflag:$0x10] =	stream.indirect_vreg.gather [hbm4b:s6+s4], $0x80, v4, vm0, $0xb8;
	[tilespmem:$0x19C80] =	vst v63  }
0x1df: {  	s26 =	simm.s32 $0x9C80  }
0x1e0: {  	[tilespmem:s26], [sflag:$0x10] =	stream.indirect_vreg.gather [hbm4b:s7+s4], $0x80, v4, vm0, $0xb8;
	[tilespmem:$0x19C80] =	vst v63  }
0x1e1: {  	s28 =	simm.s32 $0xA480  }
0x1e2: {  	[tilespmem:s28], [sflag:$0x10] =	stream.indirect_vreg.gather [hbm4b:s1+s4], $0x80, v3, vm0, $0xb8;
	[tilespmem:$0x19C80] =	vst v63  }
0x1e3: {  	s12 =	simm.s32 $0xAC80  }
0x1e4: {  	[tilespmem:s12], [sflag:$0x10] =	stream.indirect_vreg.gather [hbm4b:s5+s4], $0x80, v3, vm0, $0xb8;
	[tilespmem:$0x19C80] =	vst v63  }
0x1e5: {  	s14 =	simm.s32 $0xB480  }
0x1e6: {  	[tilespmem:s14], [sflag:$0x10] =	stream.indirect_vreg.gather [hbm4b:s6+s4], $0x80, v3, vm0, $0xb8;
	[tilespmem:$0x19C80] =	vst v63  }
0x1e7: {  	s25 =	simm.s32 $0xBC80  }
0x1e8: {  	[tilespmem:s25], [sflag:$0x10] =	stream.indirect_vreg.gather [hbm4b:s7+s4], $0x80, v3, vm0, $0xb8;
	[tilespmem:$0x19C80] =	vst v63  }
0x1e9: {  	v3 =	vld [tilespmem:$0x280];
	_ =	sdelay $0x4  }
0x1ea: {  	v59 =	vshll.u32 v3, $0x3  }
0x1eb: {  	v3 =	vand.u32 $0x7, v3;
	v4 =	vand.u32 $0xFFFFFFC0, v59  }
0x1ec: {  	v3 =	vor.u32 v3, v4  }
0x1ed: {  	v4 =	vperm.xlane v3, v0;
	_ =	sdelay $0x1  }
0x1ee: {  	v4 =	vadd.s32 v1, v4;
	_ =	sdelay $0x3  }
0x1ef: {  	s14 =	simm.s32 $0x14480  }
0x1f0: {  	[tilespmem:s14], [sflag:$0x11] =	stream.indirect_vreg.gather [hbm4b:s1+s4], $0x80, v4, vm0, $0xb8;
	[tilespmem:$0x19C80] =	vst v63  }
0x1f1: {  	s26 =	simm.s32 $0x14C80;
	v3 =	vperm.xlane v3, v2  }
0x1f2: {  	[tilespmem:s26], [sflag:$0x11] =	stream.indirect_vreg.gather [hbm4b:s5+s4], $0x80, v4, vm0, $0xb8;
	[tilespmem:$0x19C80] =	vst v63  }
0x1f3: {  	s28 =	simm.s32 $0x15480;
	v3 =	vadd.s32 v1, v3  }
0x1f4: {  	[tilespmem:s28], [sflag:$0x11] =	stream.indirect_vreg.gather [hbm4b:s6+s4], $0x80, v4, vm0, $0xb8;
	[tilespmem:$0x19C80] =	vst v63  }
0x1f5: {  	s12 =	simm.s32 $0x15C80  }
0x1f6: {  	[tilespmem:s12], [sflag:$0x11] =	stream.indirect_vreg.gather [hbm4b:s7+s4], $0x80, v4, vm0, $0xb8;
	[tilespmem:$0x19C80] =	vst v63  }
0x1f7: {  	s25 =	simm.s32 $0x16480  }
0x1f8: {  	[tilespmem:s25], [sflag:$0x11] =	stream.indirect_vreg.gather [hbm4b:s1+s4], $0x80, v3, vm0, $0xb8;
	[tilespmem:$0x19C80] =	vst v63  }
0x1f9: {  	s26 =	simm.s32 $0x16C80  }
0x1fa: {  	[tilespmem:s26], [sflag:$0x11] =	stream.indirect_vreg.gather [hbm4b:s5+s4], $0x80, v3, vm0, $0xb8;
	[tilespmem:$0x19C80] =	vst v63  }
0x1fb: {  	s28 =	simm.s32 $0x17480  }
0x1fc: {  	[tilespmem:s28], [sflag:$0x11] =	stream.indirect_vreg.gather [hbm4b:s6+s4], $0x80, v3, vm0, $0xb8;
	[tilespmem:$0x19C80] =	vst v63  }
0x1fd: {  	s12 =	simm.s32 $0x17C80  }
0x1fe: {  	[tilespmem:s12], [sflag:$0x11] =	stream.indirect_vreg.gather [hbm4b:s7+s4], $0x80, v3, vm0, $0xb8;
	[tilespmem:$0x19C80] =	vst v63  }
0x1ff: {  	s25 =	simm.s32 $0x400;
	s12 =	simm.s32 $0x19480  }
0x200: {  	[tilespmem:s12], [sflag:$0x12] =	stream.indirect.gather [hbm4b:s10+s0], $0x80, s25, s0, $0xb8;
	[tilespmem:$0x19C80] =	vst v63  }
0x201: {  	_ =	swait.ge [sflag:s17], $0x4000  }
0x202: {  	[sflag:s17] =	ssyncset.done $0x0  }
0x203: {  	[sflag:s17] =	ssyncadd.s32 $0xFFFFC000  }
0x204: {  	_ =	swait.ge [sflag:s24], $0x4000  }
0x205: {  	[sflag:s24] =	ssyncset.done $0x0  }
0x206: {  	[sflag:s24] =	ssyncadd.s32 $0xFFFFC000  }
0x207: {  	_ =	swait.ge [sflag:s21], $0x800  }
0x208: {  	s28 =	sld [smem:$0x7EF]  }
0x209: {  	s26 =	smov.u32 s10;
	[sflag:s21] =	ssyncset.done $0x0  }
0x20a: {  	s10 =	simm.s32 $0x4480;
	s25 =	sld [smem:$0x7F0];
	[sflag:s21] =	ssyncadd.s32 $0xFFFFF800  }
0x20b: {  	[hbm4b:s28+s4] =	stream.linear.scatter [tilespmem:s10], [sflag:$0x16], $0x4000, $0x38;
	[tilespmem:$0x19C80] =	vst v63  }
0x20c: {  	s3 =	sld [smem:$0x7F1];
	s28 =	simm.s32 $0x10480  }
0x20d: {  	[hbm4b:s25+s4] =	stream.linear.scatter [tilespmem:s28], [sflag:$0x17], $0x4000, $0x38;
	[tilespmem:$0x19C80] =	vst v63  }
0x20e: {  	s25 =	sld [smem:$0x7F2];
	s28 =	simm.s32 $0x18C80  }
0x20f: {  	[hbm4b:s3+s4] =	stream.linear.scatter [tilespmem:s28], [sflag:$0x18], $0x800, $0x38;
	[tilespmem:$0x19C80] =	vst v63  }
0x210: {  	s3 =	sld [smem:$0x7F3];
	s28 =	simm.s32 $0x80  }
0x211: {  	[tilespmem:s28], [sflag:$0x4] =	stream.linear.gather [hbm4b:s25+s4], $0x10, $0x38;
	[tilespmem:$0x19C80] =	vst v63  }
0x212: {  	s25 =	sld [smem:$0x7F4];
	s28 =	simm.s32 $0x200  }
0x213: {  	[tilespmem:s28], [sflag:$0x5] =	stream.linear.gather [hbm4b:s3+s4], $0x10, $0x38;
	[tilespmem:$0x19C80] =	vst v63  }
0x214: {  	_ = 	snop  }
0x215: {  	[tilespmem:s16], [sflag:$0x6] =	stream.linear.gather [hbm4b:s25+s4], $0x10, $0x38;
	[tilespmem:$0x19C80] =	vst v63  }
0x216: {  	_ =	swait.ge [sflag:s31], $0x4000  }
0x217: {  	[sflag:s31] =	ssyncset.done $0x0  }
0x218: {  	[sflag:s31] =	ssyncadd.s32 $0xFFFFC000  }
0x219: {  	_ =	swait.ge [sflag:s29], $0x4000  }
0x21a: {  	[sflag:s29] =	ssyncset.done $0x0  }
0x21b: {  	[sflag:s29] =	ssyncadd.s32 $0xFFFFC000  }
0x21c: {  	_ =	swait.ge [sflag:s18], $0x800  }
0x21d: {  	[sflag:s18] =	ssyncset.done $0x0  }
0x21e: {  	[sflag:s18] =	ssyncadd.s32 $0xFFFFF800  }
0x21f: {  	_ =	swait.ge [sflag:s30], $0x10  }
0x220: {  	[sflag:s30] =	ssyncset.done $0x0  }
0x221: {  	[sflag:s30] =	ssyncadd.s32 $0xFFFFFFF0  }
0x222: {  	_ =	swait.ge [sflag:s20], $0x10  }
0x223: {  	[sflag:s20] =	ssyncset.done $0x0  }
0x224: {  	[sflag:s20] =	ssyncadd.s32 $0xFFFFFFF0  }
0x225: {  	_ =	swait.ge [sflag:s22], $0x10  }
0x226: {  	[sflag:s22] =	ssyncset.done $0x0  }
0x227: {  	[sflag:s22] =	ssyncadd.s32 $0xFFFFFFF0  }
0x228: {  	v3 =	vld [tilespmem:$0x0];
	_ =	sdelay $0x4  }
0x229: {  	v60 =	vshll.u32 v3, $0x3  }
0x22a: {  	v3 =	vand.u32 $0x7, v3;
	v4 =	vand.u32 $0xFFFFFFC0, v60  }
0x22b: {  	v3 =	vor.u32 v3, v4  }
0x22c: {  	v4 =	vperm.xlane v3, v0;
	_ =	sdelay $0x1  }
0x22d: {  	v4 =	vadd.s32 v1, v4;
	_ =	sdelay $0x3  }
0x22e: {  	s22 =	simm.s32 $0x480  }
0x22f: {  	[tilespmem:s22], [sflag:$0xA] =	stream.indirect_vreg.gather [hbm4b:s1+s4], $0x80, v4, vm0, $0xb8;
	[tilespmem:$0x19C80] =	vst v63  }
0x230: {  	s25 =	simm.s32 $0xC80;
	v3 =	vperm.xlane v3, v2  }
0x231: {  	[tilespmem:s25], [sflag:$0xA] =	stream.indirect_vreg.gather [hbm4b:s5+s4], $0x80, v4, vm0, $0xb8;
	[tilespmem:$0x19C80] =	vst v63  }
0x232: {  	s28 =	simm.s32 $0x1480;
	v3 =	vadd.s32 v1, v3  }
0x233: {  	[tilespmem:s28], [sflag:$0xA] =	stream.indirect_vreg.gather [hbm4b:s6+s4], $0x80, v4, vm0, $0xb8;
	[tilespmem:$0x19C80] =	vst v63  }
0x234: {  	s22 =	simm.s32 $0x1C80  }
0x235: {  	[tilespmem:s22], [sflag:$0xA] =	stream.indirect_vreg.gather [hbm4b:s7+s4], $0x80, v4, vm0, $0xb8;
	[tilespmem:$0x19C80] =	vst v63  }
0x236: {  	s25 =	simm.s32 $0x2480  }
0x237: {  	[tilespmem:s25], [sflag:$0xA] =	stream.indirect_vreg.gather [hbm4b:s1+s4], $0x80, v3, vm0, $0xb8;
	[tilespmem:$0x19C80] =	vst v63  }
0x238: {  	s28 =	simm.s32 $0x2C80  }
0x239: {  	[tilespmem:s28], [sflag:$0xA] =	stream.indirect_vreg.gather [hbm4b:s5+s4], $0x80, v3, vm0, $0xb8;
	[tilespmem:$0x19C80] =	vst v63  }
0x23a: {  	s22 =	simm.s32 $0x3480  }
0x23b: {  	[tilespmem:s22], [sflag:$0xA] =	stream.indirect_vreg.gather [hbm4b:s6+s4], $0x80, v3, vm0, $0xb8;
	[tilespmem:$0x19C80] =	vst v63  }
0x23c: {  	s25 =	simm.s32 $0x3C80  }
0x23d: {  	[tilespmem:s25], [sflag:$0xA] =	stream.indirect_vreg.gather [hbm4b:s7+s4], $0x80, v3, vm0, $0xb8;
	[tilespmem:$0x19C80] =	vst v63  }
0x23e: {  	v3 =	vld [tilespmem:$0x180];
	_ =	sdelay $0x4  }
0x23f: {  	v61 =	vshll.u32 v3, $0x3  }
0x240: {  	v3 =	vand.u32 $0x7, v3;
	v4 =	vand.u32 $0xFFFFFFC0, v61  }
0x241: {  	v3 =	vor.u32 v3, v4  }
0x242: {  	v4 =	vperm.xlane v3, v0;
	_ =	sdelay $0x1  }
0x243: {  	v4 =	vadd.s32 v1, v4;
	_ =	sdelay $0x3  }
0x244: {  	s22 =	simm.s32 $0xC480  }
0x245: {  	[tilespmem:s22], [sflag:$0xB] =	stream.indirect_vreg.gather [hbm4b:s1+s4], $0x80, v4, vm0, $0xb8;
	[tilespmem:$0x19C80] =	vst v63  }
0x246: {  	s28 =	simm.s32 $0xCC80;
	v3 =	vperm.xlane v3, v2  }
0x247: {  	[tilespmem:s28], [sflag:$0xB] =	stream.indirect_vreg.gather [hbm4b:s5+s4], $0x80, v4, vm0, $0xb8;
	[tilespmem:$0x19C80] =	vst v63  }
0x248: {  	s25 =	simm.s32 $0xD480;
	v3 =	vadd.s32 v1, v3  }
0x249: {  	[tilespmem:s25], [sflag:$0xB] =	stream.indirect_vreg.gather [hbm4b:s6+s4], $0x80, v4, vm0, $0xb8;
	[tilespmem:$0x19C80] =	vst v63  }
0x24a: {  	s28 =	simm.s32 $0xDC80  }
0x24b: {  	[tilespmem:s28], [sflag:$0xB] =	stream.indirect_vreg.gather [hbm4b:s7+s4], $0x80, v4, vm0, $0xb8;
	[tilespmem:$0x19C80] =	vst v63  }
0x24c: {  	s25 =	simm.s32 $0xE480  }
0x24d: {  	[tilespmem:s25], [sflag:$0xB] =	stream.indirect_vreg.gather [hbm4b:s1+s4], $0x80, v3, vm0, $0xb8;
	[tilespmem:$0x19C80] =	vst v63  }
0x24e: {  	s28 =	simm.s32 $0xEC80  }
0x24f: {  	[tilespmem:s28], [sflag:$0xB] =	stream.indirect_vreg.gather [hbm4b:s5+s4], $0x80, v3, vm0, $0xb8;
	[tilespmem:$0x19C80] =	vst v63  }
0x250: {  	s25 =	simm.s32 $0xF480  }
0x251: {  	[tilespmem:s25], [sflag:$0xB] =	stream.indirect_vreg.gather [hbm4b:s6+s4], $0x80, v3, vm0, $0xb8;
	[tilespmem:$0x19C80] =	vst v63  }
0x252: {  	s28 =	simm.s32 $0xFC80  }
0x253: {  	[tilespmem:s28], [sflag:$0xB] =	stream.indirect_vreg.gather [hbm4b:s7+s4], $0x80, v3, vm0, $0xb8;
	[tilespmem:$0x19C80] =	vst v63  }
0x254: {  	s25 =	simm.s32 $0x300;
	s28 =	simm.s32 $0x18480  }
0x255: {  	[tilespmem:s28], [sflag:$0xC] =	stream.indirect.gather [hbm4b:s26+s0], $0x80, s25, s0, $0xb8;
	[tilespmem:$0x19C80] =	vst v63  }
0x256: {  	_ =	swait.ge [sflag:s0], $0x4000  }
0x257: {  	[sflag:s0] =	ssyncset.done $0x0  }
0x258: {  	[sflag:s0] =	ssyncadd.s32 $0xFFFFC000  }
0x259: {  	_ =	swait.ge [sflag:s8], $0x4000  }
0x25a: {  	[sflag:s8] =	ssyncset.done $0x0  }
0x25b: {  	[sflag:s8] =	ssyncadd.s32 $0xFFFFC000  }
0x25c: {  	_ =	swait.ge [sflag:s23], $0x800  }
0x25d: {  	s8 =	sld [smem:$0x7F5]  }
0x25e: {  	[sflag:s23] =	ssyncset.done $0x0  }
0x25f: {  	s25 =	sld [smem:$0x7F6];
	[sflag:s23] =	ssyncadd.s32 $0xFFFFF800;
	s23 =	simm.s32 $0x8480  }
0x260: {  	[hbm4b:s8+s4] =	stream.linear.scatter [tilespmem:s23], [sflag:$0x19], $0x4000, $0x38;
	[tilespmem:$0x19C80] =	vst v63  }
0x261: {  	s23 =	sld [smem:$0x7F7]  }
0x262: {  	[hbm4b:s25+s4] =	stream.linear.scatter [tilespmem:s14], [sflag:$0x1A], $0x4000, $0x38;
	[tilespmem:$0x19C80] =	vst v63  }
0x263: {  	_ = 	snop  }
0x264: {  	[hbm4b:s23+s4] =	stream.linear.scatter [tilespmem:s12], [sflag:$0x1B], $0x800, $0x38;
	[tilespmem:$0x19C80] =	vst v63  }
0x265: {  	_ =	swait.ge [sflag:s19], $0x4000  }
0x266: {  	[sflag:s19] =	ssyncset.done $0x0  }
0x267: {  	[sflag:s19] =	ssyncadd.s32 $0xFFFFC000  }
0x268: {  	_ =	swait.ge [sflag:s13], $0x4000  }
0x269: {  	[sflag:s13] =	ssyncset.done $0x0  }
0x26a: {  	[sflag:s13] =	ssyncadd.s32 $0xFFFFC000  }
0x26b: {  	_ =	swait.ge [sflag:s9], $0x800  }
0x26c: {  	[sflag:s9] =	ssyncset.done $0x0  }
0x26d: {  	s25 =	simm.s32 $0x4;
	[sflag:s9] =	ssyncadd.s32 $0xFFFFF800  }
0x26e: {  	_ =	swait.ge [sflag:s25], $0x10  }
0x26f: {  	[sflag:s25] =	ssyncset.done $0x0  }
0x270: {  	s8 =	simm.s32 $0x5;
	[sflag:s25] =	ssyncadd.s32 $0xFFFFFFF0  }
0x271: {  	_ =	swait.ge [sflag:s8], $0x10  }
0x272: {  	[sflag:s8] =	ssyncset.done $0x0  }
0x273: {  	s12 =	simm.s32 $0x6;
	[sflag:s8] =	ssyncadd.s32 $0xFFFFFFF0  }
0x274: {  	_ =	swait.ge [sflag:s12], $0x10  }
0x275: {  	[sflag:s12] =	ssyncset.done $0x0  }
0x276: {  	[sflag:s12] =	ssyncadd.s32 $0xFFFFFFF0  }
0x277: {  	v3 =	vld [tilespmem:$0x80];
	_ =	sdelay $0x4  }
0x278: {  	v62 =	vshll.u32 v3, $0x3  }
0x279: {  	v3 =	vand.u32 $0x7, v3;
	v4 =	vand.u32 $0xFFFFFFC0, v62  }
0x27a: {  	v3 =	vor.u32 v3, v4  }
0x27b: {  	v4 =	vperm.xlane v3, v0;
	_ =	sdelay $0x1  }
0x27c: {  	v4 =	vadd.s32 v1, v4;
	_ =	sdelay $0x4  }
0x27d: {  	[tilespmem:s10], [sflag:$0xD] =	stream.indirect_vreg.gather [hbm4b:s1+s4], $0x80, v4, vm0, $0xb8;
	[tilespmem:$0x19C80] =	vst v63  }
0x27e: {  	s14 =	simm.s32 $0x4C80;
	v3 =	vperm.xlane v3, v2  }
0x27f: {  	[tilespmem:s14], [sflag:$0xD] =	stream.indirect_vreg.gather [hbm4b:s5+s4], $0x80, v4, vm0, $0xb8;
	[tilespmem:$0x19C80] =	vst v63  }
0x280: {  	s23 =	simm.s32 $0x5480;
	v3 =	vadd.s32 v1, v3  }
0x281: {  	[tilespmem:s23], [sflag:$0xD] =	stream.indirect_vreg.gather [hbm4b:s6+s4], $0x80, v4, vm0, $0xb8;
	[tilespmem:$0x19C80] =	vst v63  }
0x282: {  	s25 =	simm.s32 $0x5C80  }
0x283: {  	[tilespmem:s25], [sflag:$0xD] =	stream.indirect_vreg.gather [hbm4b:s7+s4], $0x80, v4, vm0, $0xb8;
	[tilespmem:$0x19C80] =	vst v63  }
0x284: {  	s10 =	simm.s32 $0x6480  }
0x285: {  	[tilespmem:s10], [sflag:$0xD] =	stream.indirect_vreg.gather [hbm4b:s1+s4], $0x80, v3, vm0, $0xb8;
	[tilespmem:$0x19C80] =	vst v63  }
0x286: {  	s12 =	simm.s32 $0x6C80  }
0x287: {  	[tilespmem:s12], [sflag:$0xD] =	stream.indirect_vreg.gather [hbm4b:s5+s4], $0x80, v3, vm0, $0xb8;
	[tilespmem:$0x19C80] =	vst v63  }
0x288: {  	s14 =	simm.s32 $0x7480  }
0x289: {  	[tilespmem:s14], [sflag:$0xD] =	stream.indirect_vreg.gather [hbm4b:s6+s4], $0x80, v3, vm0, $0xb8;
	[tilespmem:$0x19C80] =	vst v63  }
0x28a: {  	s23 =	simm.s32 $0x7C80  }
0x28b: {  	[tilespmem:s23], [sflag:$0xD] =	stream.indirect_vreg.gather [hbm4b:s7+s4], $0x80, v3, vm0, $0xb8;
	[tilespmem:$0x19C80] =	vst v63  }
0x28c: {  	v3 =	vld [tilespmem:$0x200];
	_ =	sdelay $0x4  }
0x28d: {  	v63 =	vshll.u32 v3, $0x3  }
0x28e: {  	v3 =	vand.u32 $0x7, v3;
	v4 =	vand.u32 $0xFFFFFFC0, v63  }
0x28f: {  	v3 =	vor.u32 v3, v4  }
0x290: {  	v4 =	vperm.xlane v3, v0;
	_ =	sdelay $0x1  }
0x291: {  	v4 =	vadd.s32 v1, v4;
	_ =	sdelay $0x3  }
0x292: {  	s25 =	simm.s32 $0x10480  }
0x293: {  	[tilespmem:s25], [sflag:$0xE] =	stream.indirect_vreg.gather [hbm4b:s1+s4], $0x80, v4, vm0, $0xb8;
	[tilespmem:$0x19C80] =	vst v63  }
0x294: {  	s10 =	simm.s32 $0x10C80;
	v3 =	vperm.xlane v3, v2  }
0x295: {  	[tilespmem:s10], [sflag:$0xE] =	stream.indirect_vreg.gather [hbm4b:s5+s4], $0x80, v4, vm0, $0xb8;
	[tilespmem:$0x19C80] =	vst v63  }
0x296: {  	s14 =	simm.s32 $0x11480;
	v3 =	vadd.s32 v1, v3  }
0x297: {  	[tilespmem:s14], [sflag:$0xE] =	stream.indirect_vreg.gather [hbm4b:s6+s4], $0x80, v4, vm0, $0xb8;
	[tilespmem:$0x19C80] =	vst v63  }
0x298: {  	s23 =	simm.s32 $0x11C80  }
0x299: {  	[tilespmem:s23], [sflag:$0xE] =	stream.indirect_vreg.gather [hbm4b:s7+s4], $0x80, v4, vm0, $0xb8;
	[tilespmem:$0x19C80] =	vst v63  }
0x29a: {  	s25 =	simm.s32 $0x12480  }
0x29b: {  	[tilespmem:s25], [sflag:$0xE] =	stream.indirect_vreg.gather [hbm4b:s1+s4], $0x80, v3, vm0, $0xb8;
	[tilespmem:$0x19C80] =	vst v63  }
0x29c: {  	s10 =	simm.s32 $0x12C80  }
0x29d: {  	[tilespmem:s10], [sflag:$0xE] =	stream.indirect_vreg.gather [hbm4b:s5+s4], $0x80, v3, vm0, $0xb8;
	[tilespmem:$0x19C80] =	vst v63  }
0x29e: {  	s14 =	simm.s32 $0x13480  }
0x29f: {  	[tilespmem:s14], [sflag:$0xE] =	stream.indirect_vreg.gather [hbm4b:s6+s4], $0x80, v3, vm0, $0xb8;
	[tilespmem:$0x19C80] =	vst v63  }
0x2a0: {  	s23 =	simm.s32 $0x13C80  }
0x2a1: {  	[tilespmem:s23], [sflag:$0xE] =	stream.indirect_vreg.gather [hbm4b:s7+s4], $0x80, v3, vm0, $0xb8;
	[tilespmem:$0x19C80] =	vst v63  }
0x2a2: {  	s16 =	simm.s32 $0x380;
	s25 =	simm.s32 $0xA;
	s14 =	simm.s32 $0x18C80  }
0x2a3: {  	[tilespmem:s14], [sflag:$0xF] =	stream.indirect.gather [hbm4b:s26+s0], $0x80, s16, s0, $0xb8;
	[tilespmem:$0x19C80] =	vst v63  }
0x2a4: {  	_ =	swait.ge [sflag:s25], $0x4000  }
0x2a5: {  	[sflag:s25] =	ssyncset.done $0x0  }
0x2a6: {  	s26 =	simm.s32 $0xB;
	[sflag:s25] =	ssyncadd.s32 $0xFFFFC000  }
0x2a7: {  	_ =	swait.ge [sflag:s26], $0x4000  }
0x2a8: {  	[sflag:s26] =	ssyncset.done $0x0  }
0x2a9: {  	s3 =	simm.s32 $0xC;
	[sflag:s26] =	ssyncadd.s32 $0xFFFFC000  }
0x2aa: {  	_ =	swait.ge [sflag:s3], $0x800  }
0x2ab: {  	s10 =	sld [smem:$0x7F8]  }
0x2ac: {  	[sflag:s3] =	ssyncset.done $0x0  }
0x2ad: {  	s20 =	simm.s32 $0x480;
	s16 =	sld [smem:$0x7F9];
	[sflag:s3] =	ssyncadd.s32 $0xFFFFF800  }
0x2ae: {  	[hbm4b:s10+s4] =	stream.linear.scatter [tilespmem:s20], [sflag:$0x13], $0x4000, $0x38;
	[tilespmem:$0x19C80] =	vst v63  }
0x2af: {  	s23 =	sld [smem:$0x7FA]  }
0x2b0: {  	[hbm4b:s16+s4] =	stream.linear.scatter [tilespmem:s22], [sflag:$0x14], $0x4000, $0x38;
	[tilespmem:$0x19C80] =	vst v63  }
0x2b1: {  	_ = 	snop  }
0x2b2: {  	[hbm4b:s23+s4] =	stream.linear.scatter [tilespmem:s28], [sflag:$0x15], $0x800, $0x38;
	[tilespmem:$0x19C80] =	vst v63  }
0x2b3: {  	_ =	swait.ge [sflag:s17], $0x4000  }
0x2b4: {  	[sflag:s17] =	ssyncset.done $0x0  }
0x2b5: {  	[sflag:s17] =	ssyncadd.s32 $0xFFFFC000  }
0x2b6: {  	_ =	swait.ge [sflag:s24], $0x4000  }
0x2b7: {  	[sflag:s24] =	ssyncset.done $0x0  }
0x2b8: {  	[sflag:s24] =	ssyncadd.s32 $0xFFFFC000  }
0x2b9: {  	_ =	swait.ge [sflag:s21], $0x800  }
0x2ba: {  	s25 =	sld [smem:$0x7FB]  }
0x2bb: {  	[sflag:s21] =	ssyncset.done $0x0  }
0x2bc: {  	s8 =	simm.s32 $0x4480;
	s26 =	sld [smem:$0x7FC];
	[sflag:s21] =	ssyncadd.s32 $0xFFFFF800  }
0x2bd: {  	[hbm4b:s25+s4] =	stream.linear.scatter [tilespmem:s8], [sflag:$0x16], $0x4000, $0x38;
	[tilespmem:$0x19C80] =	vst v63  }
0x2be: {  	s12 =	simm.s32 $0x10480;
	s28 =	sld [smem:$0x7FD]  }
0x2bf: {  	[hbm4b:s26+s4] =	stream.linear.scatter [tilespmem:s12], [sflag:$0x17], $0x4000, $0x38;
	[tilespmem:$0x19C80] =	vst v63  }
0x2c0: {  	_ = 	snop  }
0x2c1: {  	[hbm4b:s28+s4] =	stream.linear.scatter [tilespmem:s14], [sflag:$0x18], $0x800, $0x38;
	[tilespmem:$0x19C80] =	vst v63  }
0x2c2: {  	_ =	swait.ge [sflag:s2], $0x4000  }
0x2c3: {  	[sflag:s2] =	ssyncset.done $0x0  }
0x2c4: {  	[sflag:s2] =	ssyncadd.s32 $0xFFFFC000  }
0x2c5: {  	_ =	swait.ge [sflag:s11], $0x4000  }
0x2c6: {  	[sflag:s11] =	ssyncset.done $0x0  }
0x2c7: {  	[sflag:s11] =	ssyncadd.s32 $0xFFFFC000  }
0x2c8: {  	_ =	swait.ge [sflag:s15], $0x800  }
0x2c9: {  	[sflag:s15] =	ssyncset.done $0x0  }
0x2ca: {  	[sflag:s15] =	ssyncadd.s32 $0xFFFFF800  }
0x2cb: {  	_ =	swait.ge [sflag:s31], $0x4000  }
0x2cc: {  	[sflag:s31] =	ssyncset.done $0x0  }
0x2cd: {  	[sflag:s31] =	ssyncadd.s32 $0xFFFFC000  }
0x2ce: {  	_ =	swait.ge [sflag:s29], $0x4000  }
0x2cf: {  	[sflag:s29] =	ssyncset.done $0x0  }
0x2d0: {  	[sflag:s29] =	ssyncadd.s32 $0xFFFFC000  }
0x2d1: {  	_ =	swait.ge [sflag:s18], $0x800  }
0x2d2: {  	[sflag:s18] =	ssyncset.done $0x0  }
0x2d3: {  	[sflag:s18] =	ssyncadd.s32 $0xFFFFF800  }
0x2d4: {  	s31 =	sld [smem:$0x7E9];
	_ =	swait.ge [sflag:s19], $0x4000  }
0x2d5: {  	[sflag:s19] =	ssyncset.done $0x0  }
0x2d6: {  	[sflag:s19] =	ssyncadd.s32 $0xFFFFC000  }
0x2d7: {  	p0 =	sne.s32 s31, $0x1;
	_ =	swait.ge [sflag:s13], $0x4000  }
.Ltmp0:
0x2d8: {  	[sflag:s13] =	ssyncset.done $0x0;
	(pc) =	sbr.rel @p0 .LBB2_1-.Ltmp0, $4  }
0x2d9: {  	[sflag:s13] =	ssyncadd.s32 $0xFFFFC000  }
0x2da: {  	_ =	swait.ge [sflag:s9], $0x800  }
0x2db: {  	[sflag:s9] =	ssyncset.done $0x0  }
0x2dc: {  	s0 =	sadd.s32 $0xFFFFFFFF, s31;
	[sflag:s9] =	ssyncadd.s32 $0xFFFFF800  }
0x2dd: {  	_ =	sfence.sel $0x180000  }
0x2de: {  	[bflag:$0x0] =	sbarrier.arrive $0xFFFF  }
0x2df: {  	_ =	strace $0x9000004A  }
0x2e0: {  	s0 =	stileid.u32;
	[bflag:$0x2] =	sbarrier.arrive $0xFFFF  }
0x2e1: {  	p0 =	sne.s32 s0, $0x0;
	s0 =	rddreg [dreg:$0x3]  }
0x2e2: {  	s0 =	sadd.s32 @!p0 $0x100000, s0  }
0x2e3: {  	[sflag:s0] =	ssyncadd.tile.s32 @!p0 $0x1;
	_ =	shalt  }
.Lfunc_end2:
_tile_overlayer_lowered:
.L_overlay_start_2:
0x2e4: {  	(tag) =	ssettag $0x2  }
0x2e5: {  	s0 =	rddreg [dreg:$0x0];
	s2 =	stileid.u32  }
0x2e6: {  	s1 =	rddreg [dreg:$0x1];
	p0 =	sne.s32 s2, $0x0  }
0x2e7: {  	s3 =	rddreg [dreg:$0x2];
	[bflag:$0x3] =	sbarrier.arrive $0xFFFF;
	s2 =	simm.s32 @!p0 $0x1C1C  }
0x2e8: {  	[timem:s3], [sflag:s2] =	dma.local @!p0 [hbm:s0], s1  }
0x2e9: {  	s0 =	simm.s32 @!p0 $0x1C  }
0x2ea: {  	_ =	swait.ge @!p0 [sflag:s0], s1  }
0x2eb: {  	s1 =	ssub.s32 @!p0 $0x0, s1;
	[sflag:s0] =	ssyncset.done @!p0 $0x0  }
0x2ec: {  	[sflag:s0] =	ssyncadd.s32 @!p0 s1  }
0x2ed: {  	[bflag:$0x3] =	sbarrier.arrive $0xFFFF  }
0x2ee: {  	_ =	shalt  }

// kernel: kernel.9.cloned.1.call-start
scs
__scs_entry_jumppad:
0x0: {  	(pc) =	sbr.rel $0x88, $3  }
0x1: {  	(tag) =	ssettag $0x0;
	lr =	simm.s32 $0x1  }
0x2: {  	[smem:$0x3F9A] =	sst lr;
	_ =	strace $0xD0000000  }
0x3: {  	_ = 	snop  }
0x4: {  	_ = 	snop  }
0x5: {  	_ = 	snop  }
0x6: {  	_ = 	snop  }
0x7: {  	_ = 	snop  }
__scs_overlays_trampoline_lowered:
0x8: {  	[smem:$0x3FA9] =	sst s0  }
0x9: {  	[smem:$0x3FAA] =	sst s1  }
0xa: {  	[smem:$0x3FAB] =	sst s2  }
0xb: {  	[smem:$0x3FAC] =	sst s3  }
0xc: {  	[smem:$0x3FAD] =	sst s4  }
0xd: {  	[smem:$0x3FAE] =	sst s5  }
0xe: {  	[smem:$0x3FAF] =	sst s6  }
0xf: {  	[smem:$0x3FB0] =	sst s7  }
0x10: {  	[smem:$0x3FB1] =	sst s8  }
0x11: {  	[smem:$0x3FB2] =	sst s9;
	s0 =	simm.s32 @!p0 $0x0  }
0x12: {  	s1 =	sld [smem:$0x3F98];
	s0 =	simm.s32 @p0 $0x1  }
0x13: {  	[smem:$0x3FB3] =	sst s0;
	s0 =	simm.s32 @!p1 $0x0  }
0x14: {  	s2 =	sld [smem:$0x3F97];
	s0 =	simm.s32 @p1 $0x1  }
0x15: {  	[smem:$0x3FB4] =	sst s0;
	s0 =	simm.s32 @!p2 $0x0  }
0x16: {  	s3 =	sld [smem:$0x3FDB];
	s0 =	simm.s32 @p2 $0x1  }
0x17: {  	s4 =	simm.s32 $0x1BF5;
	[smem:$0x3FB6] =	sst s0  }
0x18: {  	s0 =	sld [smem:$0x3F99];
	_ =	swait.ge [sflag:s4], $0x0  }
0x19: {  	s7 =	sld [smem:$0x3F9A]  }
0x1a: {  	s8 =	sadd.s32 $0xFFFFE003, lr  }
0x1b: {  	s9 =	sadd.s32 $0xFFFFFEF7, lr;
	s5 =	simm.s32 $0xFFFFFFFF;
	p2 =	slt.u32 s8, $0xFFFFF086  }
0x1c: {  	p1 =	slt.u32 s9, $0xF7A;
	s5 =	simm.s32 @!p2 $0x0  }
0x1d: {  	s5 =	simm.s32 @p1 $0x1;
	p0 =	seq.s32 s7, s2  }
0x1e: {  	s7 =	smul.u32 @!p0 $0xF7A, s2;
	p2 =	seq.s32 @!p0 s5, $0x0  }
0x1f: {  	s9 =	smul.u32 $0xF7A, s1;
	s8 =	simm.s32 @!p0 $0x1BF5;
	p2 =	por !p2, p0  }
0x20: {  	[sflag:s8] =	ssyncset.s32 @!p0 $0xFFFFF086;
	s6 =	sadd.s32 @!p0 s3, s7;
	s7 =	simm.s32 @!p0 $0x108  }
0x21: {  	s3 =	sadd.s32 s3, s9;
	s6 =	sadd.s32 @!p0 $0x88, s6;
	s7 =	simm.s32 @p2 $0x1082  }
0x22: {  	[simem:s7], [sflag:s8] =	dma.local @!p0 [hbm:s6], $0xF7A  }
0x23: {  	s9 =	sor.u32 $0xD0000000, s2;
	s6 =	simm.s32 $0x108;
	_ =	swait.ge @!p0 [sflag:s8], $0x0  }
0x24: {  	s3 =	sadd.s32 $0x88, s3;
	s6 =	simm.s32 @!p1 $0x1082;
	[sflag:s4] =	ssyncset.s32 $0xFFFFF086  }
0x25: {  	[simem:s6], [sflag:s4] =	dma.local [hbm:s3], $0xF7A  }
0x26: {  	[smem:$0x3F9A] =	sst s1;
	(tag) =	ssettag s2;
	_ =	strace s9  }
0x27: {  	s1 =	sld [smem:$0x3FAA]  }
0x28: {  	s2 =	sld [smem:$0x3FAB]  }
0x29: {  	s4 =	sld [smem:$0x3FAD]  }
0x2a: {  	p0 =	seq.s32 s5, $0x0;
	s5 =	sld [smem:$0x3FAE]  }
0x2b: {  	s6 =	sld [smem:$0x3FAF]  }
0x2c: {  	s7 =	sld [smem:$0x3FB0]  }
0x2d: {  	s3 =	simm.s32 $0x108;
	s8 =	sld [smem:$0x3FB1]  }
0x2e: {  	s3 =	simm.s32 @!p0 $0x1082;
	s9 =	sld [smem:$0x3FB2]  }
0x2f: {  	lr =	sadd.s32 s0, s3;
	s0 =	sld [smem:$0x3FA9]  }
0x30: {  	s3 =	sld [smem:$0x3FAC]  }
0x31: {  	[smem:$0x3FB5] =	sst s10  }
0x32: {  	s10 =	sld [smem:$0x3FB3];
	_ =	sdelay $0x3  }
0x33: {  	p0 =	seq.s32 s10, $0x1;
	s10 =	sld [smem:$0x3FB5];
	_ =	sdelay $0x3  }
0x34: {  	[smem:$0x3FB5] =	sst s10  }
0x35: {  	s10 =	sld [smem:$0x3FB4];
	_ =	sdelay $0x3  }
0x36: {  	p1 =	seq.s32 s10, $0x1;
	s10 =	sld [smem:$0x3FB5];
	_ =	sdelay $0x3  }
0x37: {  	[smem:$0x3FB5] =	sst s10  }
0x38: {  	s10 =	sld [smem:$0x3FB6]  }
0x39: {  	_ = 	snop;
	(pc) =	sbr.ind lr, $3  }
0x3a: {  	_ = 	snop  }
0x3b: {  	_ = 	snop  }
0x3c: {  	p2 =	seq.s32 s10, $0x1;
	s10 =	sld [smem:$0x3FB5]  }
0x3d: {  	_ =	shalt  }
0x3e: {  	_ =	shalt  }
0x3f: {  	_ =	shalt  }
0x40: {  	_ =	shalt  }
0x41: {  	_ =	shalt  }
0x42: {  	_ =	shalt  }
0x43: {  	_ =	shalt  }
0x44: {  	_ =	shalt  }
0x45: {  	_ =	shalt  }
0x46: {  	_ =	shalt  }
0x47: {  	_ =	shalt  }
0x48: {  	_ =	shalt  }
0x49: {  	_ =	shalt  }
0x4a: {  	_ =	shalt  }
0x4b: {  	_ =	shalt  }
0x4c: {  	_ =	shalt  }
0x4d: {  	_ =	shalt  }
0x4e: {  	_ =	shalt  }
0x4f: {  	_ =	shalt  }
0x50: {  	_ =	shalt  }
0x51: {  	_ =	shalt  }
0x52: {  	_ =	shalt  }
0x53: {  	_ =	shalt  }
0x54: {  	_ =	shalt  }
0x55: {  	_ =	shalt  }
0x56: {  	_ =	shalt  }
0x57: {  	_ =	shalt  }
0x58: {  	_ =	shalt  }
0x59: {  	_ =	shalt  }
0x5a: {  	_ =	shalt  }
0x5b: {  	_ =	shalt  }
0x5c: {  	_ =	shalt  }
0x5d: {  	_ =	shalt  }
0x5e: {  	_ =	shalt  }
0x5f: {  	_ =	shalt  }
0x60: {  	_ =	shalt  }
0x61: {  	_ =	shalt  }
0x62: {  	_ =	shalt  }
0x63: {  	_ =	shalt  }
0x64: {  	_ =	shalt  }
0x65: {  	_ =	shalt  }
0x66: {  	_ =	shalt  }
0x67: {  	_ =	shalt  }
0x68: {  	_ =	shalt  }
0x69: {  	_ =	shalt  }
0x6a: {  	_ =	shalt  }
0x6b: {  	_ =	shalt  }
0x6c: {  	_ =	shalt  }
0x6d: {  	_ =	shalt  }
0x6e: {  	_ =	shalt  }
0x6f: {  	_ =	shalt  }
0x70: {  	_ =	shalt  }
0x71: {  	_ =	shalt  }
0x72: {  	_ =	shalt  }
0x73: {  	_ =	shalt  }
0x74: {  	_ =	shalt  }
0x75: {  	_ =	shalt  }
0x76: {  	_ =	shalt  }
0x77: {  	_ =	shalt  }
0x78: {  	_ =	shalt  }
0x79: {  	_ =	shalt  }
0x7a: {  	_ =	shalt  }
0x7b: {  	_ =	shalt  }
0x7c: {  	_ =	shalt  }
0x7d: {  	_ =	shalt  }
0x7e: {  	_ =	shalt  }
0x7f: {  	_ =	shalt  }
0x80: {  	_ =	shalt  }
0x81: {  	_ =	shalt  }
0x82: {  	_ =	shalt  }
0x83: {  	_ =	shalt  }
0x84: {  	_ =	shalt  }
0x85: {  	_ =	shalt  }
0x86: {  	_ =	shalt  }
0x87: {  	_ =	shalt  }
.Lfunc_end0:
.L_simem_size_0:
called_computation.1_lowered:
.L_overlay_start_0:
0x88: {  	s2 =	sld [smem:$0x3FD9]  }
0x89: {  	s3 =	sld [smem:$0x3FFE];
	_ =	sdelay $0x1  }
0x8a: {  	s1 =	srdreg.scid  }
0x8b: {  	s0 =	sand.u32 $0x1, s1  }
0x8c: {  	s17 =	sshll.u32 s0, $0xA;
	s2 =	sadd.s32 s3, s2  }
0x8d: {  	s2 =	sadd.s32 s2, s17  }
0x8e: {  	[smem:$0x3FC1] =	sst s2  }
0x8f: {  	_ = 	snop  }
0x90: {  	s2 =	sld [smem:$0x3FC9]  }
0x91: {  	s18 =	sld [smem:$0x3FC7]  }
0x92: {  	s4 =	sld [smem:$0x3FD0];
	(tm) =	ssettm $0x1  }
0x93: {  	s5 =	sld [smem:$0x3FFB];
	_ =	sdelay $0x3  }
0x94: {  	_ =	strace s5  }
0x95: {  	s5 =	sld [smem:$0x3FFC];
	_ =	sdelay $0x3  }
0x96: {  	_ =	strace s5  }
0x97: {  	s5 =	sld [smem:$0x3FFD];
	_ =	sdelay $0x3  }
0x98: {  	_ =	strace s5  }
0x99: {  	_ =	strace $0x8FFFFFFF  }
0x9a: {  	s19 =	sld [smem:$0x3FDB];
	_ =	sdelay $0x1  }
0x9b: {  	s6 =	simm.s32 $_scs_section_size  }
0x9c: {  	s7 =	simm.s32 $_size__tile_overlayer_lowered;
	s8 =	simm.s32 $_tile_overlayer_lowered  }
0x9d: {  	s22 =	simm.s32 $0x1BFF;
	s21 =	sshll.u32 s8, $0x1;
	s5 =	sadd.s32 s6, s19  }
0x9e: {  	s9 =	simm.s32 $0x0;
	s20 =	sshll.u32 s7, $0x1;
	s7 =	sadd.s32 s21, s5  }
0x9f: {  	[timem:s9], [sflag:s22] =	dma.local [hbm:s7], s20  }
0xa0: {  	_ =	swait.ge [sflag:s22], s20  }
0xa1: {  	s6 =	ssub.s32 $0x0, s20;
	[sflag:s22] =	ssyncset.done $0x0  }
0xa2: {  	[sflag:s22] =	ssyncadd.s32 s6;
	_ =	sdelay $0x1  }
0xa3: {  	s23 =	simm.s32 $0x1B8B  }
0xa4: {  	_ =	swait.ge [sflag:s23], $0x1  }
0xa5: {  	[sflag:s23] =	ssyncset.done $0x0  }
0xa6: {  	s25 =	simm.s32 $0x1B8E;
	s24 =	sld [smem:$0x3FFE];
	[sflag:s23] =	ssyncadd.s32 $0xFFFFFFFF  }
0xa7: {  	s26 =	simm.s32 $execute0_lowered;
	[smem:$0x3FD2] =	sst s25  }
0xa8: {  	s7 =	sshll.u32 s26, $0x1;
	_ =	strace $0x80000046;
	[dreg:$0x1] =	wrdreg $0xFFFFFFFF  }
0xa9: {  	s28 =	simm.s32 $_size_execute0_lowered;
	s5 =	sadd.s32 s5, s7;
	[dreg:$0x0] =	wrdreg $0x0  }
0xaa: {  	s7 =	sshll.u32 s28, $0x1;
	[dreg:$0x2] =	wrdreg s5  }
0xab: {  	[dreg:$0x3] =	wrdreg s7  }
0xac: {  	[dreg:$0x4] =	wrdreg $0xC0  }
0xad: {  	_ =	task [dreg:s9], $0x5FFFF  }
0xae: {  	[dreg:$0x1] =	wrdreg $0xFFFFFFFF  }
0xaf: {  	[dreg:$0x0] =	wrdreg $0x60  }
0xb0: {  	[dreg:$0x2] =	wrdreg s2  }
0xb1: {  	[dreg:$0x3] =	wrdreg s18  }
0xb2: {  	[dreg:$0x4] =	wrdreg s24  }
0xb3: {  	[dreg:$0x5] =	wrdreg s4  }
0xb4: {  	[dreg:$0x6] =	wrdreg $0xA  }
0xb5: {  	_ =	task.clear_ibuf [dreg:s9], $0x7FFFF;
	_ =	strace $0x90000046  }
0xb6: {  	s29 =	simm.s32 $0xA;
	_ =	strace $0x80000048  }
0xb7: {  	_ =	swait.ge [sflag:s29], $0x1  }
0xb8: {  	[sflag:s29] =	ssyncadd.s32 $0xFFFFFFFF  }
0xb9: {  	_ =	strace $0x90000048  }
0xba: {  	_ =	sfence  }
0xbb: {  	s30 =	sld [smem:$0x0];
	_ =	sdelay $0x2  }
0xbc: {  	s31 =	sshll.u32 s1, $0xD;
	s1 =	sshrl.u32 s1, $0x2  }
0xbd: {  	s3 =	sand.u32 $0x4000, s31;
	s1 =	sadd.s32 s1, s30  }
0xbe: {  	s0 =	sor.u32 s3, s0;
	s1 =	sshll.u32 s1, $0x11  }
0xbf: {  	s0 =	sor.u32 s1, s0  }
0xc0: {  	s0 =	sadd.s32 $0x8F2B, s0  }
0xc1: {  	[sflag:s0] =	ssyncadd.remote.s32 $0x1  }
0xc2: {  	_ =	sfence.sel $0xFFFF  }
0xc3: {  	[dreg:$0x0] =	wrdreg $0xFFFFFFFF;
	(pc) =	sbr.abs _section_cstart, $3  }
0xc4: {  	[dreg:$0x1] =	wrdreg $0xFFFFFFFF  }
0xc5: {  	_ =	task.clear_ibuf [dreg:s9], $0x2FFFF;
	_ =	strace $0x9FFFFFFF  }
0xc6: {  	(tm) =	ssettm $0x7FFFFFFF  }
0xc7: {  	_ =	shalt  }
tec
execute0_lowered:
.L_overlay_start_1:
0x0: {  	(tag) =	ssettag $0x1  }
0x1: {  	s0 =	srdreg.scid  }
0x2: {  	s1 =	rddreg [dreg:$0x0];
	s2 =	stileid.u32;
	s0 =	sand.u32 $0x1, s0  }
0x3: {  	s6 =	rddreg [dreg:$0x2];
	s5 =	sshll.u32 s2, $0x8;
	s7 =	sshll.u32 s0, $0x7  }
0x4: {  	s3 =	rddreg [dreg:$0x3];
	s4 =	simm.s32 $0x0;
	s10 =	sor.u32 s7, s5  }
0x5: {  	[smem:$0x7FF] =	sst s4;
	s8 =	sadd.s32 $0x3000, s6;
	s5 =	sshrl.u32 s10, $0x3  }
0x6: {  	_ =	strace $0x80000047;
	s7 =	sadd.s32 $0x2E00, s6;
	s9 =	sadd.s32 s8, s5  }
0x7: {  	s11 =	sor.u32 $0x10, s10;
	s18 =	sadd.s32 s3, s5;
	[dreg:$0x5] =	wrdreg s9  }
0x8: {  	s5 =	sadd.s32 s7, s5;
	s19 =	sshrl.u32 s11, $0x3;
	[dreg:$0x6] =	wrdreg s18  }
0x9: {  	[dreg:$0x7] =	wrdreg s5;
	s20 =	sadd.s32 s8, s19  }
0xa: {  	s12 =	sor.u32 $0x20, s10;
	s21 =	sadd.s32 s3, s19;
	[dreg:$0x8] =	wrdreg s20  }
0xb: {  	s23 =	sshrl.u32 s12, $0x3;
	s22 =	sadd.s32 s7, s19;
	[dreg:$0x9] =	wrdreg s21  }
0xc: {  	s13 =	sadd.s32 s8, s23;
	[dreg:$0xa] =	wrdreg s22  }
0xd: {  	s15 =	sor.u32 $0x30, s10;
	s24 =	sadd.s32 s3, s23;
	[dreg:$0xb] =	wrdreg s13  }
0xe: {  	s29 =	sshrl.u32 s15, $0x3;
	s9 =	sadd.s32 s7, s23;
	[dreg:$0xc] =	wrdreg s24  }
0xf: {  	s25 =	sshll.u32 s10, $0x7;
	s31 =	sadd.s32 s8, s29;
	[dreg:$0xd] =	wrdreg s9  }
0x10: {  	s26 =	sshll.u32 s10, $0x4;
	s2 =	sadd.s32 s3, s29;
	[dreg:$0x11] =	wrdreg s31  }
0x11: {  	s5 =	sadd.s32 $0x13200, s6;
	s16 =	sadd.s32 s7, s29;
	[dreg:$0x12] =	wrdreg s2  }
0x12: {  	s17 =	sshll.u32 s11, $0x7;
	s14 =	sadd.s32 s5, s25;
	[dreg:$0x13] =	wrdreg s16  }
0x13: {  	s9 =	sadd.s32 $0x93200, s6;
	s18 =	sadd.s32 s5, s17;
	[dreg:$0xe] =	wrdreg s14  }
0x14: {  	s6 =	sadd.s32 $0x3200, s6;
	s13 =	sadd.s32 s9, s25;
	[dreg:$0x14] =	wrdreg s18  }
0x15: {  	s28 =	sadd.s32 s6, s26;
	[dreg:$0xf] =	wrdreg s13  }
0x16: {  	s11 =	sshll.u32 s11, $0x4;
	s19 =	sadd.s32 s9, s17;
	[dreg:$0x10] =	wrdreg s28  }
0x17: {  	s24 =	sshll.u32 s12, $0x7;
	s11 =	sadd.s32 s6, s11;
	[dreg:$0x15] =	wrdreg s19  }
0x18: {  	s25 =	sadd.s32 s5, s24;
	[dreg:$0x16] =	wrdreg s11  }
0x19: {  	s16 =	sshll.u32 s15, $0x7;
	s26 =	sadd.s32 s9, s24;
	[dreg:$0x1a] =	wrdreg s25  }
0x1a: {  	s12 =	sshll.u32 s12, $0x4;
	s17 =	sadd.s32 s5, s16;
	[dreg:$0x1b] =	wrdreg s26  }
0x1b: {  	s14 =	sor.u32 $0x40, s10;
	s18 =	sadd.s32 s9, s16;
	[smem:$0x7E9] =	sst s17  }
0x1c: {  	s20 =	sshrl.u32 s14, $0x3;
	s28 =	sadd.s32 s6, s12;
	[smem:$0x7EA] =	sst s18  }
0x1d: {  	s30 =	simm.s32 $0x2;
	s21 =	sadd.s32 s8, s20;
	[dreg:$0x1c] =	wrdreg s28  }
0x1e: {  	s0 =	ssub.s32 $0x2, s0;
	s22 =	sadd.s32 s3, s20;
	[dreg:$0x17] =	wrdreg s21  }
0x1f: {  	s19 =	sshll.u32 s15, $0x4;
	s23 =	sadd.s32 s7, s20;
	[dreg:$0x18] =	wrdreg s22  }
0x20: {  	s25 =	sshll.u32 s14, $0x7;
	s20 =	sadd.s32 s6, s19;
	[dreg:$0x19] =	wrdreg s23  }
0x21: {  	s13 =	sor.u32 $0x50, s10;
	s26 =	sadd.s32 s5, s25;
	[smem:$0x7EB] =	sst s20  }
0x22: {  	s29 =	sshrl.u32 s13, $0x3;
	s28 =	sadd.s32 s9, s25;
	[smem:$0x7EF] =	sst s26  }
0x23: {  	s15 =	sor.u32 $0x60, s10;
	s31 =	sadd.s32 s8, s29;
	[smem:$0x7F0] =	sst s28  }
0x24: {  	s10 =	sor.u32 $0x70, s10;
	s2 =	sadd.s32 s3, s29;
	[dreg:$0x1d] =	wrdreg s31  }
0x25: {  	s17 =	sshll.u32 s13, $0x4;
	s12 =	sadd.s32 s7, s29;
	[dreg:$0x1e] =	wrdreg s2  }
0x26: {  	s25 =	sshll.u32 s10, $0x7;
	s18 =	sadd.s32 s6, s17;
	[dreg:$0x1f] =	wrdreg s12  }
0x27: {  	s19 =	sshll.u32 s15, $0x7;
	s26 =	sadd.s32 s5, s25;
	[smem:$0x7F7] =	sst s18  }
0x28: {  	s21 =	sshrl.u32 s15, $0x3;
	s28 =	sadd.s32 s9, s25;
	[smem:$0x7FB] =	sst s26  }
0x29: {  	s29 =	sshll.u32 s14, $0x4;
	s22 =	sadd.s32 s8, s21;
	[smem:$0x7FC] =	sst s28  }
0x2a: {  	s20 =	sshrl.u32 s0, $0x1;
	s23 =	sadd.s32 s3, s21;
	[smem:$0x7EC] =	sst s22  }
0x2b: {  	s24 =	sadd.s32 s7, s21;
	s31 =	sadd.s32 s6, s29;
	[smem:$0x7ED] =	sst s23  }
0x2c: {  	s2 =	sshrl.u32 s10, $0x3;
	s12 =	sshll.u32 s13, $0x7;
	[smem:$0x7EE] =	sst s24  }
0x2d: {  	s21 =	sadd.s32 s5, s19;
	s0 =	ssub.s32 s0, s20;
	[smem:$0x7F1] =	sst s31  }
0x2e: {  	s29 =	sshll.u32 s10, $0x4;
	s8 =	sadd.s32 s8, s2;
	[smem:$0x7F8] =	sst s21  }
0x2f: {  	s13 =	simm.s32 $0x10;
	s3 =	sadd.s32 s3, s2;
	[smem:$0x7F2] =	sst s8  }
0x30: {  	s18 =	simm.s32 $0xD;
	s11 =	sadd.s32 s7, s2;
	[smem:$0x7F3] =	sst s3  }
0x31: {  	s14 =	sadd.s32 s5, s12;
	s16 =	sadd.s32 s9, s12;
	[smem:$0x7F4] =	sst s11  }
0x32: {  	s22 =	sadd.s32 s9, s19;
	s23 =	sshll.u32 s15, $0x4;
	[smem:$0x7F5] =	sst s14  }
0x33: {  	s5 =	sadd.s32 $0x100, s1;
	s31 =	sadd.s32 s6, s29;
	[smem:$0x7F6] =	sst s16  }
0x34: {  	v2 =	vlaneseq.u32;
	s7 =	sadd.s32 $0x300, s1;
	s0 =	smax.u32 s0, $0x1;
	[smem:$0x7F9] =	sst s22  }
0x35: {  	vm0 =	vmmov $0xffff;
	v1 =	vshrl.u32 v2, $0x3;
	s21 =	simm.s32 $0xF;
	s24 =	sadd.s32 s6, s23;
	[smem:$0x7FD] =	sst s31  }
0x36: {  	v0 =	vand.u32 $0x7, v2;
	v2 =	vor.u32 $0x8, v2;
	v1 =	vmul.u32 $0x8, v1;
	s6 =	sadd.s32 $0x200, s1;
	[smem:$0x7FA] =	sst s24;
	s24 =	simm.s32 $0xE  }
.LBB2_1:
0x37: {  	[smem:$0x7E8] =	sst s0  }
0x38: {  	s2 =	rddreg [dreg:$0x5]  }
0x39: {  	[tilespmem:s4], [sflag:$0x1] =	stream.linear.gather [hbm4b:s2+s4], $0x10, $0x38;
	[tilespmem:$0x19C80] =	vst v63  }
0x3a: {  	s25 =	rddreg [dreg:$0x6];
	s23 =	simm.s32 $0x180  }
0x3b: {  	[tilespmem:s23], [sflag:$0x2] =	stream.linear.gather [hbm4b:s25+s4], $0x10, $0x38;
	[tilespmem:$0x19C80] =	vst v63  }
0x3c: {  	s22 =	rddreg [dreg:$0x7];
	s28 =	simm.s32 $0x300  }
0x3d: {  	[tilespmem:s28], [sflag:$0x3] =	stream.linear.gather [hbm4b:s22+s4], $0x10, $0x38;
	[tilespmem:$0x19C80] =	vst v63  }
0x3e: {  	s26 =	rddreg [dreg:$0x8];
	s3 =	simm.s32 $0x80  }
0x3f: {  	[tilespmem:s3], [sflag:$0x4] =	stream.linear.gather [hbm4b:s26+s4], $0x10, $0x38;
	[tilespmem:$0x19C80] =	vst v63  }
0x40: {  	s29 =	rddreg [dreg:$0x9];
	s10 =	simm.s32 $0x200  }
0x41: {  	[tilespmem:s10], [sflag:$0x5] =	stream.linear.gather [hbm4b:s29+s4], $0x10, $0x38;
	[tilespmem:$0x19C80] =	vst v63  }
0x42: {  	s9 =	rddreg [dreg:$0xa];
	s11 =	simm.s32 $0x380;
	s26 =	simm.s32 $0x1  }
0x43: {  	[tilespmem:s11], [sflag:$0x6] =	stream.linear.gather [hbm4b:s9+s4], $0x10, $0x38;
	[tilespmem:$0x19C80] =	vst v63  }
0x44: {  	_ =	swait.ge [sflag:s26], $0x10  }
0x45: {  	[sflag:s26] =	ssyncset.done $0x0  }
0x46: {  	[sflag:s26] =	ssyncadd.s32 $0xFFFFFFF0  }
0x47: {  	_ =	swait.ge [sflag:s30], $0x10  }
0x48: {  	[sflag:s30] =	ssyncset.done $0x0  }
0x49: {  	s22 =	simm.s32 $0x3;
	[sflag:s30] =	ssyncadd.s32 $0xFFFFFFF0  }
0x4a: {  	_ =	swait.ge [sflag:s22], $0x10  }
0x4b: {  	[sflag:s22] =	ssyncset.done $0x0  }
0x4c: {  	[sflag:s22] =	ssyncadd.s32 $0xFFFFFFF0  }
0x4d: {  	v3 =	vld [tilespmem:$0x0];
	_ =	sdelay $0x4  }
0x4e: {  	v4 =	vshll.u32 v3, $0x3  }
0x4f: {  	v3 =	vand.u32 $0x7, v3;
	v4 =	vand.u32 $0xFFFFFFC0, v4  }
0x50: {  	v3 =	vor.u32 v3, v4  }
0x51: {  	v4 =	vperm.xlane v3, v0;
	_ =	sdelay $0x1  }
0x52: {  	v4 =	vadd.s32 v1, v4;
	_ =	sdelay $0x3  }
0x53: {  	s12 =	simm.s32 $0x480  }
0x54: {  	[tilespmem:s12], [sflag:$0xA] =	stream.indirect_vreg.gather [hbm4b:s1+s4], $0x80, v4, vm0, $0xb8;
	[tilespmem:$0x19C80] =	vst v63  }
0x55: {  	s15 =	simm.s32 $0xC80;
	v3 =	vperm.xlane v3, v2  }
0x56: {  	[tilespmem:s15], [sflag:$0xA] =	stream.indirect_vreg.gather [hbm4b:s5+s4], $0x80, v4, vm0, $0xb8;
	[tilespmem:$0x19C80] =	vst v63  }
0x57: {  	s16 =	simm.s32 $0x1480;
	v3 =	vadd.s32 v1, v3  }
0x58: {  	[tilespmem:s16], [sflag:$0xA] =	stream.indirect_vreg.gather [hbm4b:s6+s4], $0x80, v4, vm0, $0xb8;
	[tilespmem:$0x19C80] =	vst v63  }
0x59: {  	s17 =	simm.s32 $0x1C80  }
0x5a: {  	[tilespmem:s17], [sflag:$0xA] =	stream.indirect_vreg.gather [hbm4b:s7+s4], $0x80, v4, vm0, $0xb8;
	[tilespmem:$0x19C80] =	vst v63  }
0x5b: {  	s19 =	simm.s32 $0x2480  }
0x5c: {  	[tilespmem:s19], [sflag:$0xA] =	stream.indirect_vreg.gather [hbm4b:s1+s4], $0x80, v3, vm0, $0xb8;
	[tilespmem:$0x19C80] =	vst v63  }
0x5d: {  	s20 =	simm.s32 $0x2C80  }
0x5e: {  	[tilespmem:s20], [sflag:$0xA] =	stream.indirect_vreg.gather [hbm4b:s5+s4], $0x80, v3, vm0, $0xb8;
	[tilespmem:$0x19C80] =	vst v63  }
0x5f: {  	s25 =	simm.s32 $0x3480  }
0x60: {  	[tilespmem:s25], [sflag:$0xA] =	stream.indirect_vreg.gather [hbm4b:s6+s4], $0x80, v3, vm0, $0xb8;
	[tilespmem:$0x19C80] =	vst v63  }
0x61: {  	s28 =	simm.s32 $0x3C80  }
0x62: {  	[tilespmem:s28], [sflag:$0xA] =	stream.indirect_vreg.gather [hbm4b:s7+s4], $0x80, v3, vm0, $0xb8;
	[tilespmem:$0x19C80] =	vst v63  }
0x63: {  	v3 =	vld [tilespmem:$0x180];
	_ =	sdelay $0x4  }
0x64: {  	v49 =	vshll.u32 v3, $0x3  }
0x65: {  	v3 =	vand.u32 $0x7, v3;
	v4 =	vand.u32 $0xFFFFFFC0, v49  }
0x66: {  	v3 =	vor.u32 v3, v4  }
0x67: {  	v4 =	vperm.xlane v3, v0;
	_ =	sdelay $0x1  }
0x68: {  	v4 =	vadd.s32 v1, v4;
	_ =	sdelay $0x3  }
0x69: {  	s2 =	simm.s32 $0xC480  }
0x6a: {  	[tilespmem:s2], [sflag:$0xB] =	stream.indirect_vreg.gather [hbm4b:s1+s4], $0x80, v4, vm0, $0xb8;
	[tilespmem:$0x19C80] =	vst v63  }
0x6b: {  	s3 =	simm.s32 $0xCC80;
	v3 =	vperm.xlane v3, v2  }
0x6c: {  	[tilespmem:s3], [sflag:$0xB] =	stream.indirect_vreg.gather [hbm4b:s5+s4], $0x80, v4, vm0, $0xb8;
	[tilespmem:$0x19C80] =	vst v63  }
0x6d: {  	s10 =	simm.s32 $0xD480;
	v3 =	vadd.s32 v1, v3  }
0x6e: {  	[tilespmem:s10], [sflag:$0xB] =	stream.indirect_vreg.gather [hbm4b:s6+s4], $0x80, v4, vm0, $0xb8;
	[tilespmem:$0x19C80] =	vst v63  }
0x6f: {  	s11 =	simm.s32 $0xDC80  }
0x70: {  	[tilespmem:s11], [sflag:$0xB] =	stream.indirect_vreg.gather [hbm4b:s7+s4], $0x80, v4, vm0, $0xb8;
	[tilespmem:$0x19C80] =	vst v63  }
0x71: {  	s12 =	simm.s32 $0xE480  }
0x72: {  	[tilespmem:s12], [sflag:$0xB] =	stream.indirect_vreg.gather [hbm4b:s1+s4], $0x80, v3, vm0, $0xb8;
	[tilespmem:$0x19C80] =	vst v63  }
0x73: {  	s15 =	simm.s32 $0xEC80  }
0x74: {  	[tilespmem:s15], [sflag:$0xB] =	stream.indirect_vreg.gather [hbm4b:s5+s4], $0x80, v3, vm0, $0xb8;
	[tilespmem:$0x19C80] =	vst v63  }
0x75: {  	s16 =	simm.s32 $0xF480  }
0x76: {  	[tilespmem:s16], [sflag:$0xB] =	stream.indirect_vreg.gather [hbm4b:s6+s4], $0x80, v3, vm0, $0xb8;
	[tilespmem:$0x19C80] =	vst v63  }
0x77: {  	s17 =	simm.s32 $0xFC80  }
0x78: {  	[tilespmem:s17], [sflag:$0xB] =	stream.indirect_vreg.gather [hbm4b:s7+s4], $0x80, v3, vm0, $0xb8;
	[tilespmem:$0x19C80] =	vst v63  }
0x79: {  	s8 =	simm.s32 $0x300;
	s3 =	simm.s32 $0x18480;
	s11 =	rddreg [dreg:$0x1]  }
0x7a: {  	[tilespmem:s3], [sflag:$0xC] =	stream.indirect.gather [hbm4b:s11+s13], $0x80, s8, s13, $0xb8;
	[tilespmem:$0x19C80] =	vst v63  }
0x7b: {  	s19 =	rddreg [dreg:$0xb];
	s28 =	simm.s32 $0x100  }
0x7c: {  	[tilespmem:s28], [sflag:$0x7] =	stream.linear.gather [hbm4b:s19+s4], $0x10, $0x38;
	[tilespmem:$0x19C80] =	vst v63  }
0x7d: {  	s20 =	rddreg [dreg:$0xc];
	s8 =	smov.u32 s11;
	s11 =	simm.s32 $0x280  }
0x7e: {  	[tilespmem:s11], [sflag:$0x8] =	stream.linear.gather [hbm4b:s20+s4], $0x10, $0x38;
	[tilespmem:$0x19C80] =	vst v63  }
0x7f: {  	s0 =	rddreg [dreg:$0xd];
	s15 =	simm.s32 $0x400;
	s16 =	simm.s32 $0x4  }
0x80: {  	[tilespmem:s15], [sflag:$0x9] =	stream.linear.gather [hbm4b:s0+s4], $0x10, $0x38;
	[tilespmem:$0x19C80] =	vst v63  }
0x81: {  	_ =	swait.ge [sflag:s16], $0x10  }
0x82: {  	[sflag:s16] =	ssyncset.done $0x0  }
0x83: {  	s19 =	simm.s32 $0x5;
	[sflag:s16] =	ssyncadd.s32 $0xFFFFFFF0  }
0x84: {  	_ =	swait.ge [sflag:s19], $0x10  }
0x85: {  	[sflag:s19] =	ssyncset.done $0x0  }
0x86: {  	s20 =	simm.s32 $0x6;
	[sflag:s19] =	ssyncadd.s32 $0xFFFFFFF0  }
0x87: {  	_ =	swait.ge [sflag:s20], $0x10  }
0x88: {  	[sflag:s20] =	ssyncset.done $0x0  }
0x89: {  	[sflag:s20] =	ssyncadd.s32 $0xFFFFFFF0  }
0x8a: {  	v3 =	vld [tilespmem:$0x80];
	_ =	sdelay $0x4  }
0x8b: {  	v50 =	vshll.u32 v3, $0x3  }
0x8c: {  	v3 =	vand.u32 $0x7, v3;
	v4 =	vand.u32 $0xFFFFFFC0, v50  }
0x8d: {  	v3 =	vor.u32 v3, v4  }
0x8e: {  	v4 =	vperm.xlane v3, v0;
	_ =	sdelay $0x1  }
0x8f: {  	v4 =	vadd.s32 v1, v4;
	_ =	sdelay $0x3  }
0x90: {  	s25 =	simm.s32 $0x4480  }
0x91: {  	[tilespmem:s25], [sflag:$0xD] =	stream.indirect_vreg.gather [hbm4b:s1+s4], $0x80, v4, vm0, $0xb8;
	[tilespmem:$0x19C80] =	vst v63  }
0x92: {  	s28 =	simm.s32 $0x4C80;
	v3 =	vperm.xlane v3, v2  }
0x93: {  	[tilespmem:s28], [sflag:$0xD] =	stream.indirect_vreg.gather [hbm4b:s5+s4], $0x80, v4, vm0, $0xb8;
	[tilespmem:$0x19C80] =	vst v63  }
0x94: {  	s0 =	simm.s32 $0x5480;
	v3 =	vadd.s32 v1, v3  }
0x95: {  	[tilespmem:s0], [sflag:$0xD] =	stream.indirect_vreg.gather [hbm4b:s6+s4], $0x80, v4, vm0, $0xb8;
	[tilespmem:$0x19C80] =	vst v63  }
0x96: {  	s3 =	simm.s32 $0x5C80  }
0x97: {  	[tilespmem:s3], [sflag:$0xD] =	stream.indirect_vreg.gather [hbm4b:s7+s4], $0x80, v4, vm0, $0xb8;
	[tilespmem:$0x19C80] =	vst v63  }
0x98: {  	s15 =	simm.s32 $0x6480  }
0x99: {  	[tilespmem:s15], [sflag:$0xD] =	stream.indirect_vreg.gather [hbm4b:s1+s4], $0x80, v3, vm0, $0xb8;
	[tilespmem:$0x19C80] =	vst v63  }
0x9a: {  	s16 =	simm.s32 $0x6C80  }
0x9b: {  	[tilespmem:s16], [sflag:$0xD] =	stream.indirect_vreg.gather [hbm4b:s5+s4], $0x80, v3, vm0, $0xb8;
	[tilespmem:$0x19C80] =	vst v63  }
0x9c: {  	s19 =	simm.s32 $0x7480  }
0x9d: {  	[tilespmem:s19], [sflag:$0xD] =	stream.indirect_vreg.gather [hbm4b:s6+s4], $0x80, v3, vm0, $0xb8;
	[tilespmem:$0x19C80] =	vst v63  }
0x9e: {  	s20 =	simm.s32 $0x7C80  }
0x9f: {  	[tilespmem:s20], [sflag:$0xD] =	stream.indirect_vreg.gather [hbm4b:s7+s4], $0x80, v3, vm0, $0xb8;
	[tilespmem:$0x19C80] =	vst v63  }
0xa0: {  	v3 =	vld [tilespmem:$0x200];
	_ =	sdelay $0x4  }
0xa1: {  	v51 =	vshll.u32 v3, $0x3  }
0xa2: {  	v3 =	vand.u32 $0x7, v3;
	v4 =	vand.u32 $0xFFFFFFC0, v51  }
0xa3: {  	v3 =	vor.u32 v3, v4  }
0xa4: {  	v4 =	vperm.xlane v3, v0;
	_ =	sdelay $0x1  }
0xa5: {  	v4 =	vadd.s32 v1, v4;
	_ =	sdelay $0x3  }
0xa6: {  	s25 =	simm.s32 $0x10480  }
0xa7: {  	[tilespmem:s25], [sflag:$0xE] =	stream.indirect_vreg.gather [hbm4b:s1+s4], $0x80, v4, vm0, $0xb8;
	[tilespmem:$0x19C80] =	vst v63  }
0xa8: {  	s28 =	simm.s32 $0x10C80;
	v3 =	vperm.xlane v3, v2  }
0xa9: {  	[tilespmem:s28], [sflag:$0xE] =	stream.indirect_vreg.gather [hbm4b:s5+s4], $0x80, v4, vm0, $0xb8;
	[tilespmem:$0x19C80] =	vst v63  }
0xaa: {  	s0 =	simm.s32 $0x11480;
	v3 =	vadd.s32 v1, v3  }
0xab: {  	[tilespmem:s0], [sflag:$0xE] =	stream.indirect_vreg.gather [hbm4b:s6+s4], $0x80, v4, vm0, $0xb8;
	[tilespmem:$0x19C80] =	vst v63  }
0xac: {  	s3 =	simm.s32 $0x11C80  }
0xad: {  	[tilespmem:s3], [sflag:$0xE] =	stream.indirect_vreg.gather [hbm4b:s7+s4], $0x80, v4, vm0, $0xb8;
	[tilespmem:$0x19C80] =	vst v63  }
0xae: {  	s15 =	simm.s32 $0x12480  }
0xaf: {  	[tilespmem:s15], [sflag:$0xE] =	stream.indirect_vreg.gather [hbm4b:s1+s4], $0x80, v3, vm0, $0xb8;
	[tilespmem:$0x19C80] =	vst v63  }
0xb0: {  	s16 =	simm.s32 $0x12C80  }
0xb1: {  	[tilespmem:s16], [sflag:$0xE] =	stream.indirect_vreg.gather [hbm4b:s5+s4], $0x80, v3, vm0, $0xb8;
	[tilespmem:$0x19C80] =	vst v63  }
0xb2: {  	s19 =	simm.s32 $0x13480  }
0xb3: {  	[tilespmem:s19], [sflag:$0xE] =	stream.indirect_vreg.gather [hbm4b:s6+s4], $0x80, v3, vm0, $0xb8;
	[tilespmem:$0x19C80] =	vst v63  }
0xb4: {  	s25 =	simm.s32 $0x13C80  }
0xb5: {  	[tilespmem:s25], [sflag:$0xE] =	stream.indirect_vreg.gather [hbm4b:s7+s4], $0x80, v3, vm0, $0xb8;
	[tilespmem:$0x19C80] =	vst v63  }
0xb6: {  	s28 =	simm.s32 $0x18C80;
	s0 =	simm.s32 $0xA;
	s3 =	simm.s32 $0x380  }
0xb7: {  	[tilespmem:s28], [sflag:$0xF] =	stream.indirect.gather [hbm4b:s8+s13], $0x80, s3, s13, $0xb8;
	[tilespmem:$0x19C80] =	vst v63  }
0xb8: {  	_ =	swait.ge [sflag:s0], $0x4000  }
0xb9: {  	[sflag:s0] =	ssyncset.done $0x0  }
0xba: {  	s16 =	smov.u32 s8;
	s8 =	simm.s32 $0xB;
	[sflag:s0] =	ssyncadd.s32 $0xFFFFC000  }
0xbb: {  	_ =	swait.ge [sflag:s8], $0x4000  }
0xbc: {  	[sflag:s8] =	ssyncset.done $0x0  }
0xbd: {  	s19 =	simm.s32 $0xC;
	[sflag:s8] =	ssyncadd.s32 $0xFFFFC000  }
0xbe: {  	_ =	swait.ge [sflag:s19], $0x800  }
0xbf: {  	[sflag:s19] =	ssyncset.done $0x0  }
0xc0: {  	s8 =	simm.s32 $0x480;
	s25 =	rddreg [dreg:$0xe];
	[sflag:s19] =	ssyncadd.s32 $0xFFFFF800  }
0xc1: {  	[hbm4b:s25+s4] =	stream.linear.scatter [tilespmem:s8], [sflag:$0x13], $0x4000, $0x38;
	[tilespmem:$0x19C80] =	vst v63  }
0xc2: {  	s9 =	simm.s32 $0xC480;
	s28 =	rddreg [dreg:$0xf]  }
0xc3: {  	[hbm4b:s28+s4] =	stream.linear.scatter [tilespmem:s9], [sflag:$0x14], $0x4000, $0x38;
	[tilespmem:$0x19C80] =	vst v63  }
0xc4: {  	s10 =	simm.s32 $0x18480;
	s0 =	rddreg [dreg:$0x10]  }
0xc5: {  	[hbm4b:s0+s4] =	stream.linear.scatter [tilespmem:s10], [sflag:$0x15], $0x800, $0x38;
	[tilespmem:$0x19C80] =	vst v63  }
0xc6: {  	s28 =	rddreg [dreg:$0x11]  }
0xc7: {  	[tilespmem:s4], [sflag:$0x1] =	stream.linear.gather [hbm4b:s28+s4], $0x10, $0x38;
	[tilespmem:$0x19C80] =	vst v63  }
0xc8: {  	s14 =	simm.s32 $0x180;
	s0 =	rddreg [dreg:$0x12]  }
0xc9: {  	[tilespmem:s14], [sflag:$0x2] =	stream.linear.gather [hbm4b:s0+s4], $0x10, $0x38;
	[tilespmem:$0x19C80] =	vst v63  }
0xca: {  	s12 =	simm.s32 $0x300;
	s9 =	rddreg [dreg:$0x13];
	s14 =	simm.s32 $0x7  }
0xcb: {  	[tilespmem:s12], [sflag:$0x3] =	stream.linear.gather [hbm4b:s9+s4], $0x10, $0x38;
	[tilespmem:$0x19C80] =	vst v63  }
0xcc: {  	_ =	swait.ge [sflag:s14], $0x10  }
0xcd: {  	[sflag:s14] =	ssyncset.done $0x0  }
0xce: {  	s28 =	simm.s32 $0x8;
	[sflag:s14] =	ssyncadd.s32 $0xFFFFFFF0  }
0xcf: {  	_ =	swait.ge [sflag:s28], $0x10  }
0xd0: {  	[sflag:s28] =	ssyncset.done $0x0  }
0xd1: {  	s12 =	simm.s32 $0x9;
	[sflag:s28] =	ssyncadd.s32 $0xFFFFFFF0  }
0xd2: {  	_ =	swait.ge [sflag:s12], $0x10  }
0xd3: {  	[sflag:s12] =	ssyncset.done $0x0  }
0xd4: {  	[sflag:s12] =	ssyncadd.s32 $0xFFFFFFF0  }
0xd5: {  	v3 =	vld [tilespmem:$0x100];
	_ =	sdelay $0x4  }
0xd6: {  	v52 =	vshll.u32 v3, $0x3  }
0xd7: {  	v3 =	vand.u32 $0x7, v3;
	v4 =	vand.u32 $0xFFFFFFC0, v52  }
0xd8: {  	v3 =	vor.u32 v3, v4  }
0xd9: {  	v4 =	vperm.xlane v3, v0;
	_ =	sdelay $0x1  }
0xda: {  	v4 =	vadd.s32 v1, v4;
	_ =	sdelay $0x3  }
0xdb: {  	s10 =	simm.s32 $0x8480  }
0xdc: {  	[tilespmem:s10], [sflag:$0x10] =	stream.indirect_vreg.gather [hbm4b:s1+s4], $0x80, v4, vm0, $0xb8;
	[tilespmem:$0x19C80] =	vst v63  }
0xdd: {  	s25 =	simm.s32 $0x8C80;
	v3 =	vperm.xlane v3, v2  }
0xde: {  	[tilespmem:s25], [sflag:$0x10] =	stream.indirect_vreg.gather [hbm4b:s5+s4], $0x80, v4, vm0, $0xb8;
	[tilespmem:$0x19C80] =	vst v63  }
0xdf: {  	s0 =	simm.s32 $0x9480;
	v3 =	vadd.s32 v1, v3  }
0xe0: {  	[tilespmem:s0], [sflag:$0x10] =	stream.indirect_vreg.gather [hbm4b:s6+s4], $0x80, v4, vm0, $0xb8;
	[tilespmem:$0x19C80] =	vst v63  }
0xe1: {  	s9 =	simm.s32 $0x9C80  }
0xe2: {  	[tilespmem:s9], [sflag:$0x10] =	stream.indirect_vreg.gather [hbm4b:s7+s4], $0x80, v4, vm0, $0xb8;
	[tilespmem:$0x19C80] =	vst v63  }
0xe3: {  	s10 =	simm.s32 $0xA480  }
0xe4: {  	[tilespmem:s10], [sflag:$0x10] =	stream.indirect_vreg.gather [hbm4b:s1+s4], $0x80, v3, vm0, $0xb8;
	[tilespmem:$0x19C80] =	vst v63  }
0xe5: {  	s25 =	simm.s32 $0xAC80  }
0xe6: {  	[tilespmem:s25], [sflag:$0x10] =	stream.indirect_vreg.gather [hbm4b:s5+s4], $0x80, v3, vm0, $0xb8;
	[tilespmem:$0x19C80] =	vst v63  }
0xe7: {  	s0 =	simm.s32 $0xB480  }
0xe8: {  	[tilespmem:s0], [sflag:$0x10] =	stream.indirect_vreg.gather [hbm4b:s6+s4], $0x80, v3, vm0, $0xb8;
	[tilespmem:$0x19C80] =	vst v63  }
0xe9: {  	s9 =	simm.s32 $0xBC80  }
0xea: {  	[tilespmem:s9], [sflag:$0x10] =	stream.indirect_vreg.gather [hbm4b:s7+s4], $0x80, v3, vm0, $0xb8;
	[tilespmem:$0x19C80] =	vst v63  }
0xeb: {  	v3 =	vld [tilespmem:$0x280];
	_ =	sdelay $0x4  }
0xec: {  	v53 =	vshll.u32 v3, $0x3  }
0xed: {  	v3 =	vand.u32 $0x7, v3;
	v4 =	vand.u32 $0xFFFFFFC0, v53  }
0xee: {  	v3 =	vor.u32 v3, v4  }
0xef: {  	v4 =	vperm.xlane v3, v0;
	_ =	sdelay $0x1  }
0xf0: {  	v4 =	vadd.s32 v1, v4;
	_ =	sdelay $0x3  }
0xf1: {  	s10 =	simm.s32 $0x14480  }
0xf2: {  	[tilespmem:s10], [sflag:$0x11] =	stream.indirect_vreg.gather [hbm4b:s1+s4], $0x80, v4, vm0, $0xb8;
	[tilespmem:$0x19C80] =	vst v63  }
0xf3: {  	s25 =	simm.s32 $0x14C80;
	v3 =	vperm.xlane v3, v2  }
0xf4: {  	[tilespmem:s25], [sflag:$0x11] =	stream.indirect_vreg.gather [hbm4b:s5+s4], $0x80, v4, vm0, $0xb8;
	[tilespmem:$0x19C80] =	vst v63  }
0xf5: {  	s0 =	simm.s32 $0x15480;
	v3 =	vadd.s32 v1, v3  }
0xf6: {  	[tilespmem:s0], [sflag:$0x11] =	stream.indirect_vreg.gather [hbm4b:s6+s4], $0x80, v4, vm0, $0xb8;
	[tilespmem:$0x19C80] =	vst v63  }
0xf7: {  	s9 =	simm.s32 $0x15C80  }
0xf8: {  	[tilespmem:s9], [sflag:$0x11] =	stream.indirect_vreg.gather [hbm4b:s7+s4], $0x80, v4, vm0, $0xb8;
	[tilespmem:$0x19C80] =	vst v63  }
0xf9: {  	s10 =	simm.s32 $0x16480  }
0xfa: {  	[tilespmem:s10], [sflag:$0x11] =	stream.indirect_vreg.gather [hbm4b:s1+s4], $0x80, v3, vm0, $0xb8;
	[tilespmem:$0x19C80] =	vst v63  }
0xfb: {  	s25 =	simm.s32 $0x16C80  }
0xfc: {  	[tilespmem:s25], [sflag:$0x11] =	stream.indirect_vreg.gather [hbm4b:s5+s4], $0x80, v3, vm0, $0xb8;
	[tilespmem:$0x19C80] =	vst v63  }
0xfd: {  	s0 =	simm.s32 $0x17480  }
0xfe: {  	[tilespmem:s0], [sflag:$0x11] =	stream.indirect_vreg.gather [hbm4b:s6+s4], $0x80, v3, vm0, $0xb8;
	[tilespmem:$0x19C80] =	vst v63  }
0xff: {  	s9 =	simm.s32 $0x17C80  }
0x100: {  	[tilespmem:s9], [sflag:$0x11] =	stream.indirect_vreg.gather [hbm4b:s7+s4], $0x80, v3, vm0, $0xb8;
	[tilespmem:$0x19C80] =	vst v63  }
0x101: {  	s17 =	simm.s32 $0x400;
	s10 =	simm.s32 $0x19480  }
0x102: {  	[tilespmem:s10], [sflag:$0x12] =	stream.indirect.gather [hbm4b:s16+s13], $0x80, s17, s13, $0xb8;
	[tilespmem:$0x19C80] =	vst v63  }
0x103: {  	_ =	swait.ge [sflag:s18], $0x4000  }
0x104: {  	[sflag:s18] =	ssyncset.done $0x0  }
0x105: {  	[sflag:s18] =	ssyncadd.s32 $0xFFFFC000  }
0x106: {  	_ =	swait.ge [sflag:s24], $0x4000  }
0x107: {  	[sflag:s24] =	ssyncset.done $0x0  }
0x108: {  	[sflag:s24] =	ssyncadd.s32 $0xFFFFC000  }
0x109: {  	_ =	swait.ge [sflag:s21], $0x800  }
0x10a: {  	s11 =	simm.s32 $0x4480;
	[sflag:s21] =	ssyncset.done $0x0  }
0x10b: {  	s10 =	smov.u32 s16;
	s16 =	rddreg [dreg:$0x14];
	[sflag:s21] =	ssyncadd.s32 $0xFFFFF800  }
0x10c: {  	[hbm4b:s16+s4] =	stream.linear.scatter [tilespmem:s11], [sflag:$0x16], $0x4000, $0x38;
	[tilespmem:$0x19C80] =	vst v63  }
0x10d: {  	s20 =	simm.s32 $0x10480;
	s17 =	rddreg [dreg:$0x15]  }
0x10e: {  	[hbm4b:s17+s4] =	stream.linear.scatter [tilespmem:s20], [sflag:$0x17], $0x4000, $0x38;
	[tilespmem:$0x19C80] =	vst v63  }
0x10f: {  	s15 =	simm.s32 $0x18C80;
	s11 =	rddreg [dreg:$0x16]  }
0x110: {  	[hbm4b:s11+s4] =	stream.linear.scatter [tilespmem:s15], [sflag:$0x18], $0x800, $0x38;
	[tilespmem:$0x19C80] =	vst v63  }
0x111: {  	s31 =	simm.s32 $0x80;
	s16 =	rddreg [dreg:$0x17]  }
0x112: {  	[tilespmem:s31], [sflag:$0x4] =	stream.linear.gather [hbm4b:s16+s4], $0x10, $0x38;
	[tilespmem:$0x19C80] =	vst v63  }
0x113: {  	s29 =	simm.s32 $0x200;
	s20 =	rddreg [dreg:$0x18]  }
0x114: {  	[tilespmem:s29], [sflag:$0x5] =	stream.linear.gather [hbm4b:s20+s4], $0x10, $0x38;
	[tilespmem:$0x19C80] =	vst v63  }
0x115: {  	s31 =	rddreg [dreg:$0x19]  }
0x116: {  	[tilespmem:s3], [sflag:$0x6] =	stream.linear.gather [hbm4b:s31+s4], $0x10, $0x38;
	[tilespmem:$0x19C80] =	vst v63  }
0x117: {  	s31 =	simm.s32 $0x13  }
0x118: {  	_ =	swait.ge [sflag:s31], $0x4000  }
0x119: {  	[sflag:s31] =	ssyncset.done $0x0  }
0x11a: {  	s29 =	simm.s32 $0x14;
	[sflag:s31] =	ssyncadd.s32 $0xFFFFC000  }
0x11b: {  	_ =	swait.ge [sflag:s29], $0x4000  }
0x11c: {  	[sflag:s29] =	ssyncset.done $0x0  }
0x11d: {  	s20 =	simm.s32 $0x15;
	[sflag:s29] =	ssyncadd.s32 $0xFFFFC000  }
0x11e: {  	_ =	swait.ge [sflag:s20], $0x800  }
0x11f: {  	[sflag:s20] =	ssyncset.done $0x0  }
0x120: {  	[sflag:s20] =	ssyncadd.s32 $0xFFFFF800  }
0x121: {  	_ =	swait.ge [sflag:s26], $0x10  }
0x122: {  	[sflag:s26] =	ssyncset.done $0x0  }
0x123: {  	[sflag:s26] =	ssyncadd.s32 $0xFFFFFFF0  }
0x124: {  	_ =	swait.ge [sflag:s30], $0x10  }
0x125: {  	[sflag:s30] =	ssyncset.done $0x0  }
0x126: {  	[sflag:s30] =	ssyncadd.s32 $0xFFFFFFF0  }
0x127: {  	_ =	swait.ge [sflag:s22], $0x10  }
0x128: {  	[sflag:s22] =	ssyncset.done $0x0  }
0x129: {  	[sflag:s22] =	ssyncadd.s32 $0xFFFFFFF0  }
0x12a: {  	v3 =	vld [tilespmem:$0x0];
	_ =	sdelay $0x4  }
0x12b: {  	v54 =	vshll.u32 v3, $0x3  }
0x12c: {  	v3 =	vand.u32 $0x7, v3;
	v4 =	vand.u32 $0xFFFFFFC0, v54  }
0x12d: {  	v3 =	vor.u32 v3, v4  }
0x12e: {  	v4 =	vperm.xlane v3, v0;
	_ =	sdelay $0x1  }
0x12f: {  	v4 =	vadd.s32 v1, v4;
	_ =	sdelay $0x4  }
0x130: {  	[tilespmem:s8], [sflag:$0xA] =	stream.indirect_vreg.gather [hbm4b:s1+s4], $0x80, v4, vm0, $0xb8;
	[tilespmem:$0x19C80] =	vst v63  }
0x131: {  	s23 =	simm.s32 $0xC80;
	v3 =	vperm.xlane v3, v2  }
0x132: {  	[tilespmem:s23], [sflag:$0xA] =	stream.indirect_vreg.gather [hbm4b:s5+s4], $0x80, v4, vm0, $0xb8;
	[tilespmem:$0x19C80] =	vst v63  }
0x133: {  	v3 =	vadd.s32 v1, v3;
	s8 =	simm.s32 $0x1480  }
0x134: {  	[tilespmem:s8], [sflag:$0xA] =	stream.indirect_vreg.gather [hbm4b:s6+s4], $0x80, v4, vm0, $0xb8;
	[tilespmem:$0x19C80] =	vst v63  }
0x135: {  	s11 =	simm.s32 $0x1C80  }
0x136: {  	[tilespmem:s11], [sflag:$0xA] =	stream.indirect_vreg.gather [hbm4b:s7+s4], $0x80, v4, vm0, $0xb8;
	[tilespmem:$0x19C80] =	vst v63  }
0x137: {  	s15 =	simm.s32 $0x2480  }
0x138: {  	[tilespmem:s15], [sflag:$0xA] =	stream.indirect_vreg.gather [hbm4b:s1+s4], $0x80, v3, vm0, $0xb8;
	[tilespmem:$0x19C80] =	vst v63  }
0x139: {  	s16 =	simm.s32 $0x2C80  }
0x13a: {  	[tilespmem:s16], [sflag:$0xA] =	stream.indirect_vreg.gather [hbm4b:s5+s4], $0x80, v3, vm0, $0xb8;
	[tilespmem:$0x19C80] =	vst v63  }
0x13b: {  	s23 =	simm.s32 $0x3480  }
0x13c: {  	[tilespmem:s23], [sflag:$0xA] =	stream.indirect_vreg.gather [hbm4b:s6+s4], $0x80, v3, vm0, $0xb8;
	[tilespmem:$0x19C80] =	vst v63  }
0x13d: {  	s25 =	simm.s32 $0x3C80  }
0x13e: {  	[tilespmem:s25], [sflag:$0xA] =	stream.indirect_vreg.gather [hbm4b:s7+s4], $0x80, v3, vm0, $0xb8;
	[tilespmem:$0x19C80] =	vst v63  }
0x13f: {  	v3 =	vld [tilespmem:$0x180];
	_ =	sdelay $0x4  }
0x140: {  	v55 =	vshll.u32 v3, $0x3  }
0x141: {  	v3 =	vand.u32 $0x7, v3;
	v4 =	vand.u32 $0xFFFFFFC0, v55  }
0x142: {  	v3 =	vor.u32 v3, v4  }
0x143: {  	v4 =	vperm.xlane v3, v0;
	_ =	sdelay $0x1  }
0x144: {  	v4 =	vadd.s32 v1, v4;
	_ =	sdelay $0x3  }
0x145: {  	s19 =	simm.s32 $0xC480  }
0x146: {  	[tilespmem:s19], [sflag:$0xB] =	stream.indirect_vreg.gather [hbm4b:s1+s4], $0x80, v4, vm0, $0xb8;
	[tilespmem:$0x19C80] =	vst v63  }
0x147: {  	s3 =	simm.s32 $0xCC80;
	v3 =	vperm.xlane v3, v2  }
0x148: {  	[tilespmem:s3], [sflag:$0xB] =	stream.indirect_vreg.gather [hbm4b:s5+s4], $0x80, v4, vm0, $0xb8;
	[tilespmem:$0x19C80] =	vst v63  }
0x149: {  	s8 =	simm.s32 $0xD480;
	v3 =	vadd.s32 v1, v3  }
0x14a: {  	[tilespmem:s8], [sflag:$0xB] =	stream.indirect_vreg.gather [hbm4b:s6+s4], $0x80, v4, vm0, $0xb8;
	[tilespmem:$0x19C80] =	vst v63  }
0x14b: {  	s11 =	simm.s32 $0xDC80  }
0x14c: {  	[tilespmem:s11], [sflag:$0xB] =	stream.indirect_vreg.gather [hbm4b:s7+s4], $0x80, v4, vm0, $0xb8;
	[tilespmem:$0x19C80] =	vst v63  }
0x14d: {  	s15 =	simm.s32 $0xE480  }
0x14e: {  	[tilespmem:s15], [sflag:$0xB] =	stream.indirect_vreg.gather [hbm4b:s1+s4], $0x80, v3, vm0, $0xb8;
	[tilespmem:$0x19C80] =	vst v63  }
0x14f: {  	s16 =	simm.s32 $0xEC80  }
0x150: {  	[tilespmem:s16], [sflag:$0xB] =	stream.indirect_vreg.gather [hbm4b:s5+s4], $0x80, v3, vm0, $0xb8;
	[tilespmem:$0x19C80] =	vst v63  }
0x151: {  	s19 =	simm.s32 $0xF480  }
0x152: {  	[tilespmem:s19], [sflag:$0xB] =	stream.indirect_vreg.gather [hbm4b:s6+s4], $0x80, v3, vm0, $0xb8;
	[tilespmem:$0x19C80] =	vst v63  }
0x153: {  	s23 =	simm.s32 $0xFC80  }
0x154: {  	[tilespmem:s23], [sflag:$0xB] =	stream.indirect_vreg.gather [hbm4b:s7+s4], $0x80, v3, vm0, $0xb8;
	[tilespmem:$0x19C80] =	vst v63  }
0x155: {  	s15 =	simm.s32 $0x300;
	s16 =	simm.s32 $0x18480  }
0x156: {  	[tilespmem:s16], [sflag:$0xC] =	stream.indirect.gather [hbm4b:s10+s13], $0x80, s15, s13, $0xb8;
	[tilespmem:$0x19C80] =	vst v63  }
0x157: {  	_ =	swait.ge [sflag:s13], $0x4000  }
0x158: {  	[sflag:s13] =	ssyncset.done $0x0  }
0x159: {  	s23 =	simm.s32 $0x11;
	[sflag:s13] =	ssyncadd.s32 $0xFFFFC000  }
0x15a: {  	_ =	swait.ge [sflag:s23], $0x4000  }
0x15b: {  	[sflag:s23] =	ssyncset.done $0x0  }
0x15c: {  	s11 =	simm.s32 $0x12;
	[sflag:s23] =	ssyncadd.s32 $0xFFFFC000  }
0x15d: {  	_ =	swait.ge [sflag:s11], $0x800  }
0x15e: {  	[sflag:s11] =	ssyncset.done $0x0  }
0x15f: {  	s19 =	simm.s32 $0x8480;
	s25 =	rddreg [dreg:$0x1a];
	[sflag:s11] =	ssyncadd.s32 $0xFFFFF800  }
0x160: {  	[hbm4b:s25+s4] =	stream.linear.scatter [tilespmem:s19], [sflag:$0x19], $0x4000, $0x38;
	[tilespmem:$0x19C80] =	vst v63  }
0x161: {  	s8 =	smov.u32 s10;
	s10 =	simm.s32 $0x14480;
	s3 =	rddreg [dreg:$0x1b]  }
0x162: {  	[hbm4b:s3+s4] =	stream.linear.scatter [tilespmem:s10], [sflag:$0x1A], $0x4000, $0x38;
	[tilespmem:$0x19C80] =	vst v63  }
0x163: {  	s9 =	simm.s32 $0x19480;
	s2 =	rddreg [dreg:$0x1c]  }
0x164: {  	[hbm4b:s2+s4] =	stream.linear.scatter [tilespmem:s9], [sflag:$0x1B], $0x800, $0x38;
	[tilespmem:$0x19C80] =	vst v63  }
0x165: {  	s3 =	rddreg [dreg:$0x1d];
	s10 =	simm.s32 $0x100  }
0x166: {  	[tilespmem:s10], [sflag:$0x7] =	stream.linear.gather [hbm4b:s3+s4], $0x10, $0x38;
	[tilespmem:$0x19C80] =	vst v63  }
0x167: {  	s2 =	rddreg [dreg:$0x1e];
	s10 =	simm.s32 $0x280  }
0x168: {  	[tilespmem:s10], [sflag:$0x8] =	stream.linear.gather [hbm4b:s2+s4], $0x10, $0x38;
	[tilespmem:$0x19C80] =	vst v63  }
0x169: {  	s0 =	simm.s32 $0x400;
	s3 =	rddreg [dreg:$0x1f];
	s10 =	simm.s32 $0x16  }
0x16a: {  	[tilespmem:s0], [sflag:$0x9] =	stream.linear.gather [hbm4b:s3+s4], $0x10, $0x38;
	[tilespmem:$0x19C80] =	vst v63  }
0x16b: {  	_ =	swait.ge [sflag:s10], $0x4000  }
0x16c: {  	[sflag:s10] =	ssyncset.done $0x0  }
0x16d: {  	s3 =	simm.s32 $0x17;
	[sflag:s10] =	ssyncadd.s32 $0xFFFFC000  }
0x16e: {  	_ =	swait.ge [sflag:s3], $0x4000  }
0x16f: {  	[sflag:s3] =	ssyncset.done $0x0  }
0x170: {  	s9 =	simm.s32 $0x18;
	[sflag:s3] =	ssyncadd.s32 $0xFFFFC000  }
0x171: {  	_ =	swait.ge [sflag:s9], $0x800  }
0x172: {  	[sflag:s9] =	ssyncset.done $0x0  }
0x173: {  	s0 =	simm.s32 $0x4;
	[sflag:s9] =	ssyncadd.s32 $0xFFFFF800  }
0x174: {  	_ =	swait.ge [sflag:s0], $0x10  }
0x175: {  	[sflag:s0] =	ssyncset.done $0x0  }
0x176: {  	s25 =	simm.s32 $0x5;
	[sflag:s0] =	ssyncadd.s32 $0xFFFFFFF0  }
0x177: {  	_ =	swait.ge [sflag:s25], $0x10  }
0x178: {  	[sflag:s25] =	ssyncset.done $0x0  }
0x179: {  	s0 =	simm.s32 $0x6;
	[sflag:s25] =	ssyncadd.s32 $0xFFFFFFF0  }
0x17a: {  	_ =	swait.ge [sflag:s0], $0x10  }
0x17b: {  	[sflag:s0] =	ssyncset.done $0x0  }
0x17c: {  	[sflag:s0] =	ssyncadd.s32 $0xFFFFFFF0  }
0x17d: {  	v3 =	vld [tilespmem:$0x80];
	_ =	sdelay $0x4  }
0x17e: {  	v56 =	vshll.u32 v3, $0x3  }
0x17f: {  	v3 =	vand.u32 $0x7, v3;
	v4 =	vand.u32 $0xFFFFFFC0, v56  }
0x180: {  	v3 =	vor.u32 v3, v4  }
0x181: {  	v4 =	vperm.xlane v3, v0;
	_ =	sdelay $0x1  }
0x182: {  	v4 =	vadd.s32 v1, v4;
	_ =	sdelay $0x3  }
0x183: {  	s2 =	simm.s32 $0x4480  }
0x184: {  	[tilespmem:s2], [sflag:$0xD] =	stream.indirect_vreg.gather [hbm4b:s1+s4], $0x80, v4, vm0, $0xb8;
	[tilespmem:$0x19C80] =	vst v63  }
0x185: {  	s25 =	simm.s32 $0x4C80;
	v3 =	vperm.xlane v3, v2  }
0x186: {  	[tilespmem:s25], [sflag:$0xD] =	stream.indirect_vreg.gather [hbm4b:s5+s4], $0x80, v4, vm0, $0xb8;
	[tilespmem:$0x19C80] =	vst v63  }
0x187: {  	s0 =	simm.s32 $0x5480;
	v3 =	vadd.s32 v1, v3  }
0x188: {  	[tilespmem:s0], [sflag:$0xD] =	stream.indirect_vreg.gather [hbm4b:s6+s4], $0x80, v4, vm0, $0xb8;
	[tilespmem:$0x19C80] =	vst v63  }
0x189: {  	s25 =	simm.s32 $0x5C80  }
0x18a: {  	[tilespmem:s25], [sflag:$0xD] =	stream.indirect_vreg.gather [hbm4b:s7+s4], $0x80, v4, vm0, $0xb8;
	[tilespmem:$0x19C80] =	vst v63  }
0x18b: {  	s0 =	simm.s32 $0x6480  }
0x18c: {  	[tilespmem:s0], [sflag:$0xD] =	stream.indirect_vreg.gather [hbm4b:s1+s4], $0x80, v3, vm0, $0xb8;
	[tilespmem:$0x19C80] =	vst v63  }
0x18d: {  	s25 =	simm.s32 $0x6C80  }
0x18e: {  	[tilespmem:s25], [sflag:$0xD] =	stream.indirect_vreg.gather [hbm4b:s5+s4], $0x80, v3, vm0, $0xb8;
	[tilespmem:$0x19C80] =	vst v63  }
0x18f: {  	s0 =	simm.s32 $0x7480  }
0x190: {  	[tilespmem:s0], [sflag:$0xD] =	stream.indirect_vreg.gather [hbm4b:s6+s4], $0x80, v3, vm0, $0xb8;
	[tilespmem:$0x19C80] =	vst v63  }
0x191: {  	s25 =	simm.s32 $0x7C80  }
0x192: {  	[tilespmem:s25], [sflag:$0xD] =	stream.indirect_vreg.gather [hbm4b:s7+s4], $0x80, v3, vm0, $0xb8;
	[tilespmem:$0x19C80] =	vst v63  }
0x193: {  	v3 =	vld [tilespmem:$0x200];
	_ =	sdelay $0x4  }
0x194: {  	v57 =	vshll.u32 v3, $0x3  }
0x195: {  	v3 =	vand.u32 $0x7, v3;
	v4 =	vand.u32 $0xFFFFFFC0, v57  }
0x196: {  	v3 =	vor.u32 v3, v4  }
0x197: {  	v4 =	vperm.xlane v3, v0;
	_ =	sdelay $0x1  }
0x198: {  	v4 =	vadd.s32 v1, v4;
	_ =	sdelay $0x3  }
0x199: {  	s17 =	simm.s32 $0x10480  }
0x19a: {  	[tilespmem:s17], [sflag:$0xE] =	stream.indirect_vreg.gather [hbm4b:s1+s4], $0x80, v4, vm0, $0xb8;
	[tilespmem:$0x19C80] =	vst v63  }
0x19b: {  	s0 =	simm.s32 $0x10C80;
	v3 =	vperm.xlane v3, v2  }
0x19c: {  	[tilespmem:s0], [sflag:$0xE] =	stream.indirect_vreg.gather [hbm4b:s5+s4], $0x80, v4, vm0, $0xb8;
	[tilespmem:$0x19C80] =	vst v63  }
0x19d: {  	v3 =	vadd.s32 v1, v3;
	s17 =	simm.s32 $0x11480  }
0x19e: {  	[tilespmem:s17], [sflag:$0xE] =	stream.indirect_vreg.gather [hbm4b:s6+s4], $0x80, v4, vm0, $0xb8;
	[tilespmem:$0x19C80] =	vst v63  }
0x19f: {  	s25 =	simm.s32 $0x11C80  }
0x1a0: {  	[tilespmem:s25], [sflag:$0xE] =	stream.indirect_vreg.gather [hbm4b:s7+s4], $0x80, v4, vm0, $0xb8;
	[tilespmem:$0x19C80] =	vst v63  }
0x1a1: {  	s0 =	simm.s32 $0x12480  }
0x1a2: {  	[tilespmem:s0], [sflag:$0xE] =	stream.indirect_vreg.gather [hbm4b:s1+s4], $0x80, v3, vm0, $0xb8;
	[tilespmem:$0x19C80] =	vst v63  }
0x1a3: {  	s17 =	simm.s32 $0x12C80  }
0x1a4: {  	[tilespmem:s17], [sflag:$0xE] =	stream.indirect_vreg.gather [hbm4b:s5+s4], $0x80, v3, vm0, $0xb8;
	[tilespmem:$0x19C80] =	vst v63  }
0x1a5: {  	s25 =	simm.s32 $0x13480  }
0x1a6: {  	[tilespmem:s25], [sflag:$0xE] =	stream.indirect_vreg.gather [hbm4b:s6+s4], $0x80, v3, vm0, $0xb8;
	[tilespmem:$0x19C80] =	vst v63  }
0x1a7: {  	s0 =	simm.s32 $0x13C80  }
0x1a8: {  	[tilespmem:s0], [sflag:$0xE] =	stream.indirect_vreg.gather [hbm4b:s7+s4], $0x80, v3, vm0, $0xb8;
	[tilespmem:$0x19C80] =	vst v63  }
0x1a9: {  	s2 =	simm.s32 $0x18C80;
	s17 =	simm.s32 $0x380;
	s25 =	simm.s32 $0xA  }
0x1aa: {  	[tilespmem:s2], [sflag:$0xF] =	stream.indirect.gather [hbm4b:s8+s13], $0x80, s17, s13, $0xb8;
	[tilespmem:$0x19C80] =	vst v63  }
0x1ab: {  	_ =	swait.ge [sflag:s25], $0x4000  }
0x1ac: {  	[sflag:s25] =	ssyncset.done $0x0  }
0x1ad: {  	s0 =	smov.u32 s8;
	s8 =	simm.s32 $0xB;
	[sflag:s25] =	ssyncadd.s32 $0xFFFFC000  }
0x1ae: {  	_ =	swait.ge [sflag:s8], $0x4000  }
0x1af: {  	[sflag:s8] =	ssyncset.done $0x0  }
0x1b0: {  	s25 =	simm.s32 $0xC;
	[sflag:s8] =	ssyncadd.s32 $0xFFFFC000  }
0x1b1: {  	_ =	swait.ge [sflag:s25], $0x800  }
0x1b2: {  	s2 =	sld [smem:$0x7E9]  }
0x1b3: {  	[sflag:s25] =	ssyncset.done $0x0  }
0x1b4: {  	s8 =	simm.s32 $0x480;
	[sflag:s25] =	ssyncadd.s32 $0xFFFFF800;
	s25 =	sld [smem:$0x7EA]  }
0x1b5: {  	[hbm4b:s2+s4] =	stream.linear.scatter [tilespmem:s8], [sflag:$0x13], $0x4000, $0x38;
	[tilespmem:$0x19C80] =	vst v63  }
0x1b6: {  	s2 =	sld [smem:$0x7EB];
	s8 =	simm.s32 $0xC480  }
0x1b7: {  	[hbm4b:s25+s4] =	stream.linear.scatter [tilespmem:s8], [sflag:$0x14], $0x4000, $0x38;
	[tilespmem:$0x19C80] =	vst v63  }
0x1b8: {  	s25 =	sld [smem:$0x7EC]  }
0x1b9: {  	[hbm4b:s2+s4] =	stream.linear.scatter [tilespmem:s16], [sflag:$0x15], $0x800, $0x38;
	[tilespmem:$0x19C80] =	vst v63  }
0x1ba: {  	s8 =	sld [smem:$0x7ED]  }
0x1bb: {  	[tilespmem:s4], [sflag:$0x1] =	stream.linear.gather [hbm4b:s25+s4], $0x10, $0x38;
	[tilespmem:$0x19C80] =	vst v63  }
0x1bc: {  	s16 =	simm.s32 $0x180;
	s25 =	sld [smem:$0x7EE]  }
0x1bd: {  	[tilespmem:s16], [sflag:$0x2] =	stream.linear.gather [hbm4b:s8+s4], $0x10, $0x38;
	[tilespmem:$0x19C80] =	vst v63  }
0x1be: {  	s8 =	simm.s32 $0x19  }
0x1bf: {  	[tilespmem:s15], [sflag:$0x3] =	stream.linear.gather [hbm4b:s25+s4], $0x10, $0x38;
	[tilespmem:$0x19C80] =	vst v63  }
0x1c0: {  	_ =	swait.ge [sflag:s8], $0x4000  }
0x1c1: {  	[sflag:s8] =	ssyncset.done $0x0  }
0x1c2: {  	s16 =	simm.s32 $0x1A;
	[sflag:s8] =	ssyncadd.s32 $0xFFFFC000  }
0x1c3: {  	_ =	swait.ge [sflag:s16], $0x4000  }
0x1c4: {  	[sflag:s16] =	ssyncset.done $0x0  }
0x1c5: {  	s15 =	simm.s32 $0x1B;
	[sflag:s16] =	ssyncadd.s32 $0xFFFFC000  }
0x1c6: {  	_ =	swait.ge [sflag:s15], $0x800  }
0x1c7: {  	[sflag:s15] =	ssyncset.done $0x0  }
0x1c8: {  	[sflag:s15] =	ssyncadd.s32 $0xFFFFF800  }
0x1c9: {  	_ =	swait.ge [sflag:s14], $0x10  }
0x1ca: {  	[sflag:s14] =	ssyncset.done $0x0  }
0x1cb: {  	[sflag:s14] =	ssyncadd.s32 $0xFFFFFFF0  }
0x1cc: {  	_ =	swait.ge [sflag:s28], $0x10  }
0x1cd: {  	[sflag:s28] =	ssyncset.done $0x0  }
0x1ce: {  	[sflag:s28] =	ssyncadd.s32 $0xFFFFFFF0  }
0x1cf: {  	_ =	swait.ge [sflag:s12], $0x10  }
0x1d0: {  	[sflag:s12] =	ssyncset.done $0x0  }
0x1d1: {  	[sflag:s12] =	ssyncadd.s32 $0xFFFFFFF0  }
0x1d2: {  	v3 =	vld [tilespmem:$0x100];
	_ =	sdelay $0x4  }
0x1d3: {  	v58 =	vshll.u32 v3, $0x3  }
0x1d4: {  	v3 =	vand.u32 $0x7, v3;
	v4 =	vand.u32 $0xFFFFFFC0, v58  }
0x1d5: {  	v3 =	vor.u32 v3, v4  }
0x1d6: {  	v4 =	vperm.xlane v3, v0;
	_ =	sdelay $0x1  }
0x1d7: {  	v4 =	vadd.s32 v1, v4;
	_ =	sdelay $0x4  }
0x1d8: {  	[tilespmem:s19], [sflag:$0x10] =	stream.indirect_vreg.gather [hbm4b:s1+s4], $0x80, v4, vm0, $0xb8;
	[tilespmem:$0x19C80] =	vst v63  }
0x1d9: {  	v3 =	vperm.xlane v3, v2;
	s19 =	simm.s32 $0x8C80  }
0x1da: {  	[tilespmem:s19], [sflag:$0x10] =	stream.indirect_vreg.gather [hbm4b:s5+s4], $0x80, v4, vm0, $0xb8;
	[tilespmem:$0x19C80] =	vst v63  }
0x1db: {  	s25 =	simm.s32 $0x9480;
	v3 =	vadd.s32 v1, v3  }
0x1dc: {  	[tilespmem:s25], [sflag:$0x10] =	stream.indirect_vreg.gather [hbm4b:s6+s4], $0x80, v4, vm0, $0xb8;
	[tilespmem:$0x19C80] =	vst v63  }
0x1dd: {  	s28 =	simm.s32 $0x9C80  }
0x1de: {  	[tilespmem:s28], [sflag:$0x10] =	stream.indirect_vreg.gather [hbm4b:s7+s4], $0x80, v4, vm0, $0xb8;
	[tilespmem:$0x19C80] =	vst v63  }
0x1df: {  	s12 =	simm.s32 $0xA480  }
0x1e0: {  	[tilespmem:s12], [sflag:$0x10] =	stream.indirect_vreg.gather [hbm4b:s1+s4], $0x80, v3, vm0, $0xb8;
	[tilespmem:$0x19C80] =	vst v63  }
0x1e1: {  	s14 =	simm.s32 $0xAC80  }
0x1e2: {  	[tilespmem:s14], [sflag:$0x10] =	stream.indirect_vreg.gather [hbm4b:s5+s4], $0x80, v3, vm0, $0xb8;
	[tilespmem:$0x19C80] =	vst v63  }
0x1e3: {  	s19 =	simm.s32 $0xB480  }
0x1e4: {  	[tilespmem:s19], [sflag:$0x10] =	stream.indirect_vreg.gather [hbm4b:s6+s4], $0x80, v3, vm0, $0xb8;
	[tilespmem:$0x19C80] =	vst v63  }
0x1e5: {  	s25 =	simm.s32 $0xBC80  }
0x1e6: {  	[tilespmem:s25], [sflag:$0x10] =	stream.indirect_vreg.gather [hbm4b:s7+s4], $0x80, v3, vm0, $0xb8;
	[tilespmem:$0x19C80] =	vst v63  }
0x1e7: {  	v3 =	vld [tilespmem:$0x280];
	_ =	sdelay $0x4  }
0x1e8: {  	v59 =	vshll.u32 v3, $0x3  }
0x1e9: {  	v3 =	vand.u32 $0x7, v3;
	v4 =	vand.u32 $0xFFFFFFC0, v59  }
0x1ea: {  	v3 =	vor.u32 v3, v4  }
0x1eb: {  	v4 =	vperm.xlane v3, v0;
	_ =	sdelay $0x1  }
0x1ec: {  	v4 =	vadd.s32 v1, v4;
	_ =	sdelay $0x3  }
0x1ed: {  	s14 =	simm.s32 $0x14480  }
0x1ee: {  	[tilespmem:s14], [sflag:$0x11] =	stream.indirect_vreg.gather [hbm4b:s1+s4], $0x80, v4, vm0, $0xb8;
	[tilespmem:$0x19C80] =	vst v63  }
0x1ef: {  	s28 =	simm.s32 $0x14C80;
	v3 =	vperm.xlane v3, v2  }
0x1f0: {  	[tilespmem:s28], [sflag:$0x11] =	stream.indirect_vreg.gather [hbm4b:s5+s4], $0x80, v4, vm0, $0xb8;
	[tilespmem:$0x19C80] =	vst v63  }
0x1f1: {  	s12 =	simm.s32 $0x15480;
	v3 =	vadd.s32 v1, v3  }
0x1f2: {  	[tilespmem:s12], [sflag:$0x11] =	stream.indirect_vreg.gather [hbm4b:s6+s4], $0x80, v4, vm0, $0xb8;
	[tilespmem:$0x19C80] =	vst v63  }
0x1f3: {  	s19 =	simm.s32 $0x15C80  }
0x1f4: {  	[tilespmem:s19], [sflag:$0x11] =	stream.indirect_vreg.gather [hbm4b:s7+s4], $0x80, v4, vm0, $0xb8;
	[tilespmem:$0x19C80] =	vst v63  }
0x1f5: {  	s25 =	simm.s32 $0x16480  }
0x1f6: {  	[tilespmem:s25], [sflag:$0x11] =	stream.indirect_vreg.gather [hbm4b:s1+s4], $0x80, v3, vm0, $0xb8;
	[tilespmem:$0x19C80] =	vst v63  }
0x1f7: {  	s28 =	simm.s32 $0x16C80  }
0x1f8: {  	[tilespmem:s28], [sflag:$0x11] =	stream.indirect_vreg.gather [hbm4b:s5+s4], $0x80, v3, vm0, $0xb8;
	[tilespmem:$0x19C80] =	vst v63  }
0x1f9: {  	s12 =	simm.s32 $0x17480  }
0x1fa: {  	[tilespmem:s12], [sflag:$0x11] =	stream.indirect_vreg.gather [hbm4b:s6+s4], $0x80, v3, vm0, $0xb8;
	[tilespmem:$0x19C80] =	vst v63  }
0x1fb: {  	s19 =	simm.s32 $0x17C80  }
0x1fc: {  	[tilespmem:s19], [sflag:$0x11] =	stream.indirect_vreg.gather [hbm4b:s7+s4], $0x80, v3, vm0, $0xb8;
	[tilespmem:$0x19C80] =	vst v63  }
0x1fd: {  	s25 =	simm.s32 $0x400;
	s12 =	simm.s32 $0x19480  }
0x1fe: {  	[tilespmem:s12], [sflag:$0x12] =	stream.indirect.gather [hbm4b:s0+s13], $0x80, s25, s13, $0xb8;
	[tilespmem:$0x19C80] =	vst v63  }
0x1ff: {  	_ =	swait.ge [sflag:s18], $0x4000  }
0x200: {  	[sflag:s18] =	ssyncset.done $0x0  }
0x201: {  	[sflag:s18] =	ssyncadd.s32 $0xFFFFC000  }
0x202: {  	_ =	swait.ge [sflag:s24], $0x4000  }
0x203: {  	[sflag:s24] =	ssyncset.done $0x0  }
0x204: {  	[sflag:s24] =	ssyncadd.s32 $0xFFFFC000  }
0x205: {  	_ =	swait.ge [sflag:s21], $0x800  }
0x206: {  	s28 =	sld [smem:$0x7EF]  }
0x207: {  	[sflag:s21] =	ssyncset.done $0x0  }
0x208: {  	s19 =	simm.s32 $0x4480;
	s25 =	sld [smem:$0x7F0];
	[sflag:s21] =	ssyncadd.s32 $0xFFFFF800  }
0x209: {  	[hbm4b:s28+s4] =	stream.linear.scatter [tilespmem:s19], [sflag:$0x16], $0x4000, $0x38;
	[tilespmem:$0x19C80] =	vst v63  }
0x20a: {  	s2 =	sld [smem:$0x7F1];
	s28 =	simm.s32 $0x10480  }
0x20b: {  	[hbm4b:s25+s4] =	stream.linear.scatter [tilespmem:s28], [sflag:$0x17], $0x4000, $0x38;
	[tilespmem:$0x19C80] =	vst v63  }
0x20c: {  	s25 =	sld [smem:$0x7F2];
	s28 =	simm.s32 $0x18C80  }
0x20d: {  	[hbm4b:s2+s4] =	stream.linear.scatter [tilespmem:s28], [sflag:$0x18], $0x800, $0x38;
	[tilespmem:$0x19C80] =	vst v63  }
0x20e: {  	s2 =	sld [smem:$0x7F3];
	s28 =	simm.s32 $0x80  }
0x20f: {  	[tilespmem:s28], [sflag:$0x4] =	stream.linear.gather [hbm4b:s25+s4], $0x10, $0x38;
	[tilespmem:$0x19C80] =	vst v63  }
0x210: {  	s25 =	sld [smem:$0x7F4];
	s28 =	simm.s32 $0x200  }
0x211: {  	[tilespmem:s28], [sflag:$0x5] =	stream.linear.gather [hbm4b:s2+s4], $0x10, $0x38;
	[tilespmem:$0x19C80] =	vst v63  }
0x212: {  	_ = 	snop  }
0x213: {  	[tilespmem:s17], [sflag:$0x6] =	stream.linear.gather [hbm4b:s25+s4], $0x10, $0x38;
	[tilespmem:$0x19C80] =	vst v63  }
0x214: {  	_ =	swait.ge [sflag:s31], $0x4000  }
0x215: {  	[sflag:s31] =	ssyncset.done $0x0  }
0x216: {  	[sflag:s31] =	ssyncadd.s32 $0xFFFFC000  }
0x217: {  	_ =	swait.ge [sflag:s29], $0x4000  }
0x218: {  	[sflag:s29] =	ssyncset.done $0x0  }
0x219: {  	[sflag:s29] =	ssyncadd.s32 $0xFFFFC000  }
0x21a: {  	_ =	swait.ge [sflag:s20], $0x800  }
0x21b: {  	[sflag:s20] =	ssyncset.done $0x0  }
0x21c: {  	[sflag:s20] =	ssyncadd.s32 $0xFFFFF800  }
0x21d: {  	_ =	swait.ge [sflag:s26], $0x10  }
0x21e: {  	[sflag:s26] =	ssyncset.done $0x0  }
0x21f: {  	[sflag:s26] =	ssyncadd.s32 $0xFFFFFFF0  }
0x220: {  	_ =	swait.ge [sflag:s30], $0x10  }
0x221: {  	[sflag:s30] =	ssyncset.done $0x0  }
0x222: {  	[sflag:s30] =	ssyncadd.s32 $0xFFFFFFF0  }
0x223: {  	_ =	swait.ge [sflag:s22], $0x10  }
0x224: {  	[sflag:s22] =	ssyncset.done $0x0  }
0x225: {  	[sflag:s22] =	ssyncadd.s32 $0xFFFFFFF0  }
0x226: {  	v3 =	vld [tilespmem:$0x0];
	_ =	sdelay $0x4  }
0x227: {  	v60 =	vshll.u32 v3, $0x3  }
0x228: {  	v3 =	vand.u32 $0x7, v3;
	v4 =	vand.u32 $0xFFFFFFC0, v60  }
0x229: {  	v3 =	vor.u32 v3, v4  }
0x22a: {  	v4 =	vperm.xlane v3, v0;
	_ =	sdelay $0x1  }
0x22b: {  	v4 =	vadd.s32 v1, v4;
	_ =	sdelay $0x3  }
0x22c: {  	s22 =	simm.s32 $0x480  }
0x22d: {  	[tilespmem:s22], [sflag:$0xA] =	stream.indirect_vreg.gather [hbm4b:s1+s4], $0x80, v4, vm0, $0xb8;
	[tilespmem:$0x19C80] =	vst v63  }
0x22e: {  	s25 =	simm.s32 $0xC80;
	v3 =	vperm.xlane v3, v2  }
0x22f: {  	[tilespmem:s25], [sflag:$0xA] =	stream.indirect_vreg.gather [hbm4b:s5+s4], $0x80, v4, vm0, $0xb8;
	[tilespmem:$0x19C80] =	vst v63  }
0x230: {  	s26 =	simm.s32 $0x1480;
	v3 =	vadd.s32 v1, v3  }
0x231: {  	[tilespmem:s26], [sflag:$0xA] =	stream.indirect_vreg.gather [hbm4b:s6+s4], $0x80, v4, vm0, $0xb8;
	[tilespmem:$0x19C80] =	vst v63  }
0x232: {  	s28 =	simm.s32 $0x1C80  }
0x233: {  	[tilespmem:s28], [sflag:$0xA] =	stream.indirect_vreg.gather [hbm4b:s7+s4], $0x80, v4, vm0, $0xb8;
	[tilespmem:$0x19C80] =	vst v63  }
0x234: {  	s22 =	simm.s32 $0x2480  }
0x235: {  	[tilespmem:s22], [sflag:$0xA] =	stream.indirect_vreg.gather [hbm4b:s1+s4], $0x80, v3, vm0, $0xb8;
	[tilespmem:$0x19C80] =	vst v63  }
0x236: {  	s25 =	simm.s32 $0x2C80  }
0x237: {  	[tilespmem:s25], [sflag:$0xA] =	stream.indirect_vreg.gather [hbm4b:s5+s4], $0x80, v3, vm0, $0xb8;
	[tilespmem:$0x19C80] =	vst v63  }
0x238: {  	s26 =	simm.s32 $0x3480  }
0x239: {  	[tilespmem:s26], [sflag:$0xA] =	stream.indirect_vreg.gather [hbm4b:s6+s4], $0x80, v3, vm0, $0xb8;
	[tilespmem:$0x19C80] =	vst v63  }
0x23a: {  	s28 =	simm.s32 $0x3C80  }
0x23b: {  	[tilespmem:s28], [sflag:$0xA] =	stream.indirect_vreg.gather [hbm4b:s7+s4], $0x80, v3, vm0, $0xb8;
	[tilespmem:$0x19C80] =	vst v63  }
0x23c: {  	v3 =	vld [tilespmem:$0x180];
	_ =	sdelay $0x4  }
0x23d: {  	v61 =	vshll.u32 v3, $0x3  }
0x23e: {  	v3 =	vand.u32 $0x7, v3;
	v4 =	vand.u32 $0xFFFFFFC0, v61  }
0x23f: {  	v3 =	vor.u32 v3, v4  }
0x240: {  	v4 =	vperm.xlane v3, v0;
	_ =	sdelay $0x1  }
0x241: {  	v4 =	vadd.s32 v1, v4;
	_ =	sdelay $0x3  }
0x242: {  	s26 =	simm.s32 $0xC480  }
0x243: {  	[tilespmem:s26], [sflag:$0xB] =	stream.indirect_vreg.gather [hbm4b:s1+s4], $0x80, v4, vm0, $0xb8;
	[tilespmem:$0x19C80] =	vst v63  }
0x244: {  	s22 =	simm.s32 $0xCC80;
	v3 =	vperm.xlane v3, v2  }
0x245: {  	[tilespmem:s22], [sflag:$0xB] =	stream.indirect_vreg.gather [hbm4b:s5+s4], $0x80, v4, vm0, $0xb8;
	[tilespmem:$0x19C80] =	vst v63  }
0x246: {  	s25 =	simm.s32 $0xD480;
	v3 =	vadd.s32 v1, v3  }
0x247: {  	[tilespmem:s25], [sflag:$0xB] =	stream.indirect_vreg.gather [hbm4b:s6+s4], $0x80, v4, vm0, $0xb8;
	[tilespmem:$0x19C80] =	vst v63  }
0x248: {  	s28 =	simm.s32 $0xDC80  }
0x249: {  	[tilespmem:s28], [sflag:$0xB] =	stream.indirect_vreg.gather [hbm4b:s7+s4], $0x80, v4, vm0, $0xb8;
	[tilespmem:$0x19C80] =	vst v63  }
0x24a: {  	s22 =	simm.s32 $0xE480  }
0x24b: {  	[tilespmem:s22], [sflag:$0xB] =	stream.indirect_vreg.gather [hbm4b:s1+s4], $0x80, v3, vm0, $0xb8;
	[tilespmem:$0x19C80] =	vst v63  }
0x24c: {  	s25 =	simm.s32 $0xEC80  }
0x24d: {  	[tilespmem:s25], [sflag:$0xB] =	stream.indirect_vreg.gather [hbm4b:s5+s4], $0x80, v3, vm0, $0xb8;
	[tilespmem:$0x19C80] =	vst v63  }
0x24e: {  	s28 =	simm.s32 $0xF480  }
0x24f: {  	[tilespmem:s28], [sflag:$0xB] =	stream.indirect_vreg.gather [hbm4b:s6+s4], $0x80, v3, vm0, $0xb8;
	[tilespmem:$0x19C80] =	vst v63  }
0x250: {  	s22 =	simm.s32 $0xFC80  }
0x251: {  	[tilespmem:s22], [sflag:$0xB] =	stream.indirect_vreg.gather [hbm4b:s7+s4], $0x80, v3, vm0, $0xb8;
	[tilespmem:$0x19C80] =	vst v63  }
0x252: {  	s25 =	simm.s32 $0x300;
	s28 =	simm.s32 $0x18480;
	s22 =	smov.u32 s0  }
0x253: {  	[tilespmem:s28], [sflag:$0xC] =	stream.indirect.gather [hbm4b:s22+s13], $0x80, s25, s13, $0xb8;
	[tilespmem:$0x19C80] =	vst v63  }
0x254: {  	_ =	swait.ge [sflag:s13], $0x4000  }
0x255: {  	[sflag:s13] =	ssyncset.done $0x0  }
0x256: {  	[sflag:s13] =	ssyncadd.s32 $0xFFFFC000  }
0x257: {  	_ =	swait.ge [sflag:s23], $0x4000  }
0x258: {  	[sflag:s23] =	ssyncset.done $0x0  }
0x259: {  	[sflag:s23] =	ssyncadd.s32 $0xFFFFC000  }
0x25a: {  	_ =	swait.ge [sflag:s11], $0x800  }
0x25b: {  	s0 =	sld [smem:$0x7F5]  }
0x25c: {  	[sflag:s11] =	ssyncset.done $0x0  }
0x25d: {  	s23 =	simm.s32 $0x8480;
	[sflag:s11] =	ssyncadd.s32 $0xFFFFF800;
	s11 =	sld [smem:$0x7F6]  }
0x25e: {  	[hbm4b:s0+s4] =	stream.linear.scatter [tilespmem:s23], [sflag:$0x19], $0x4000, $0x38;
	[tilespmem:$0x19C80] =	vst v63  }
0x25f: {  	s0 =	sld [smem:$0x7F7]  }
0x260: {  	[hbm4b:s11+s4] =	stream.linear.scatter [tilespmem:s14], [sflag:$0x1A], $0x4000, $0x38;
	[tilespmem:$0x19C80] =	vst v63  }
0x261: {  	_ = 	snop  }
0x262: {  	[hbm4b:s0+s4] =	stream.linear.scatter [tilespmem:s12], [sflag:$0x1B], $0x800, $0x38;
	[tilespmem:$0x19C80] =	vst v63  }
0x263: {  	_ =	swait.ge [sflag:s10], $0x4000  }
0x264: {  	[sflag:s10] =	ssyncset.done $0x0  }
0x265: {  	[sflag:s10] =	ssyncadd.s32 $0xFFFFC000  }
0x266: {  	_ =	swait.ge [sflag:s3], $0x4000  }
0x267: {  	[sflag:s3] =	ssyncset.done $0x0  }
0x268: {  	[sflag:s3] =	ssyncadd.s32 $0xFFFFC000  }
0x269: {  	_ =	swait.ge [sflag:s9], $0x800  }
0x26a: {  	[sflag:s9] =	ssyncset.done $0x0  }
0x26b: {  	s11 =	simm.s32 $0x4;
	[sflag:s9] =	ssyncadd.s32 $0xFFFFF800  }
0x26c: {  	_ =	swait.ge [sflag:s11], $0x10  }
0x26d: {  	[sflag:s11] =	ssyncset.done $0x0  }
0x26e: {  	s12 =	simm.s32 $0x5;
	[sflag:s11] =	ssyncadd.s32 $0xFFFFFFF0  }
0x26f: {  	_ =	swait.ge [sflag:s12], $0x10  }
0x270: {  	[sflag:s12] =	ssyncset.done $0x0  }
0x271: {  	s14 =	simm.s32 $0x6;
	[sflag:s12] =	ssyncadd.s32 $0xFFFFFFF0  }
0x272: {  	_ =	swait.ge [sflag:s14], $0x10  }
0x273: {  	[sflag:s14] =	ssyncset.done $0x0  }
0x274: {  	[sflag:s14] =	ssyncadd.s32 $0xFFFFFFF0  }
0x275: {  	v3 =	vld [tilespmem:$0x80];
	_ =	sdelay $0x4  }
0x276: {  	v62 =	vshll.u32 v3, $0x3  }
0x277: {  	v3 =	vand.u32 $0x7, v3;
	v4 =	vand.u32 $0xFFFFFFC0, v62  }
0x278: {  	v3 =	vor.u32 v3, v4  }
0x279: {  	v4 =	vperm.xlane v3, v0;
	_ =	sdelay $0x1  }
0x27a: {  	v4 =	vadd.s32 v1, v4;
	_ =	sdelay $0x4  }
0x27b: {  	[tilespmem:s19], [sflag:$0xD] =	stream.indirect_vreg.gather [hbm4b:s1+s4], $0x80, v4, vm0, $0xb8;
	[tilespmem:$0x19C80] =	vst v63  }
0x27c: {  	v3 =	vperm.xlane v3, v2;
	s19 =	simm.s32 $0x4C80  }
0x27d: {  	[tilespmem:s19], [sflag:$0xD] =	stream.indirect_vreg.gather [hbm4b:s5+s4], $0x80, v4, vm0, $0xb8;
	[tilespmem:$0x19C80] =	vst v63  }
0x27e: {  	s23 =	simm.s32 $0x5480;
	v3 =	vadd.s32 v1, v3  }
0x27f: {  	[tilespmem:s23], [sflag:$0xD] =	stream.indirect_vreg.gather [hbm4b:s6+s4], $0x80, v4, vm0, $0xb8;
	[tilespmem:$0x19C80] =	vst v63  }
0x280: {  	s25 =	simm.s32 $0x5C80  }
0x281: {  	[tilespmem:s25], [sflag:$0xD] =	stream.indirect_vreg.gather [hbm4b:s7+s4], $0x80, v4, vm0, $0xb8;
	[tilespmem:$0x19C80] =	vst v63  }
0x282: {  	s0 =	simm.s32 $0x6480  }
0x283: {  	[tilespmem:s0], [sflag:$0xD] =	stream.indirect_vreg.gather [hbm4b:s1+s4], $0x80, v3, vm0, $0xb8;
	[tilespmem:$0x19C80] =	vst v63  }
0x284: {  	s12 =	simm.s32 $0x6C80  }
0x285: {  	[tilespmem:s12], [sflag:$0xD] =	stream.indirect_vreg.gather [hbm4b:s5+s4], $0x80, v3, vm0, $0xb8;
	[tilespmem:$0x19C80] =	vst v63  }
0x286: {  	s14 =	simm.s32 $0x7480  }
0x287: {  	[tilespmem:s14], [sflag:$0xD] =	stream.indirect_vreg.gather [hbm4b:s6+s4], $0x80, v3, vm0, $0xb8;
	[tilespmem:$0x19C80] =	vst v63  }
0x288: {  	s19 =	simm.s32 $0x7C80  }
0x289: {  	[tilespmem:s19], [sflag:$0xD] =	stream.indirect_vreg.gather [hbm4b:s7+s4], $0x80, v3, vm0, $0xb8;
	[tilespmem:$0x19C80] =	vst v63  }
0x28a: {  	v3 =	vld [tilespmem:$0x200];
	_ =	sdelay $0x4  }
0x28b: {  	v63 =	vshll.u32 v3, $0x3  }
0x28c: {  	v3 =	vand.u32 $0x7, v3;
	v4 =	vand.u32 $0xFFFFFFC0, v63  }
0x28d: {  	v3 =	vor.u32 v3, v4  }
0x28e: {  	v4 =	vperm.xlane v3, v0;
	_ =	sdelay $0x1  }
0x28f: {  	v4 =	vadd.s32 v1, v4;
	_ =	sdelay $0x3  }
0x290: {  	s23 =	simm.s32 $0x10480  }
0x291: {  	[tilespmem:s23], [sflag:$0xE] =	stream.indirect_vreg.gather [hbm4b:s1+s4], $0x80, v4, vm0, $0xb8;
	[tilespmem:$0x19C80] =	vst v63  }
0x292: {  	s25 =	simm.s32 $0x10C80;
	v3 =	vperm.xlane v3, v2  }
0x293: {  	[tilespmem:s25], [sflag:$0xE] =	stream.indirect_vreg.gather [hbm4b:s5+s4], $0x80, v4, vm0, $0xb8;
	[tilespmem:$0x19C80] =	vst v63  }
0x294: {  	s0 =	simm.s32 $0x11480;
	v3 =	vadd.s32 v1, v3  }
0x295: {  	[tilespmem:s0], [sflag:$0xE] =	stream.indirect_vreg.gather [hbm4b:s6+s4], $0x80, v4, vm0, $0xb8;
	[tilespmem:$0x19C80] =	vst v63  }
0x296: {  	s14 =	simm.s32 $0x11C80  }
0x297: {  	[tilespmem:s14], [sflag:$0xE] =	stream.indirect_vreg.gather [hbm4b:s7+s4], $0x80, v4, vm0, $0xb8;
	[tilespmem:$0x19C80] =	vst v63  }
0x298: {  	s19 =	simm.s32 $0x12480  }
0x299: {  	[tilespmem:s19], [sflag:$0xE] =	stream.indirect_vreg.gather [hbm4b:s1+s4], $0x80, v3, vm0, $0xb8;
	[tilespmem:$0x19C80] =	vst v63  }
0x29a: {  	s23 =	simm.s32 $0x12C80  }
0x29b: {  	[tilespmem:s23], [sflag:$0xE] =	stream.indirect_vreg.gather [hbm4b:s5+s4], $0x80, v3, vm0, $0xb8;
	[tilespmem:$0x19C80] =	vst v63  }
0x29c: {  	s25 =	simm.s32 $0x13480  }
0x29d: {  	[tilespmem:s25], [sflag:$0xE] =	stream.indirect_vreg.gather [hbm4b:s6+s4], $0x80, v3, vm0, $0xb8;
	[tilespmem:$0x19C80] =	vst v63  }
0x29e: {  	s0 =	simm.s32 $0x13C80  }
0x29f: {  	[tilespmem:s0], [sflag:$0xE] =	stream.indirect_vreg.gather [hbm4b:s7+s4], $0x80, v3, vm0, $0xb8;
	[tilespmem:$0x19C80] =	vst v63  }
0x2a0: {  	s2 =	simm.s32 $0x380;
	s14 =	simm.s32 $0xA;
	s19 =	simm.s32 $0x18C80  }
0x2a1: {  	[tilespmem:s19], [sflag:$0xF] =	stream.indirect.gather [hbm4b:s22+s13], $0x80, s2, s13, $0xb8;
	[tilespmem:$0x19C80] =	vst v63  }
0x2a2: {  	_ =	swait.ge [sflag:s14], $0x4000  }
0x2a3: {  	[sflag:s14] =	ssyncset.done $0x0  }
0x2a4: {  	s22 =	simm.s32 $0xB;
	[sflag:s14] =	ssyncadd.s32 $0xFFFFC000  }
0x2a5: {  	s0 =	sld [smem:$0x7E8];
	_ =	swait.ge [sflag:s22], $0x4000  }
0x2a6: {  	[sflag:s22] =	ssyncset.done $0x0  }
0x2a7: {  	s23 =	simm.s32 $0xC;
	[sflag:s22] =	ssyncadd.s32 $0xFFFFC000  }
0x2a8: {  	_ =	swait.ge [sflag:s23], $0x800  }
0x2a9: {  	s25 =	sld [smem:$0x7F8]  }
0x2aa: {  	[sflag:s23] =	ssyncset.done $0x0  }
0x2ab: {  	s17 =	simm.s32 $0x480;
	s22 =	sld [smem:$0x7F9];
	[sflag:s23] =	ssyncadd.s32 $0xFFFFF800  }
0x2ac: {  	[hbm4b:s25+s4] =	stream.linear.scatter [tilespmem:s17], [sflag:$0x13], $0x4000, $0x38;
	[tilespmem:$0x19C80] =	vst v63  }
0x2ad: {  	s23 =	sld [smem:$0x7FA]  }
0x2ae: {  	[hbm4b:s22+s4] =	stream.linear.scatter [tilespmem:s26], [sflag:$0x14], $0x4000, $0x38;
	[tilespmem:$0x19C80] =	vst v63  }
0x2af: {  	_ = 	snop  }
0x2b0: {  	[hbm4b:s23+s4] =	stream.linear.scatter [tilespmem:s28], [sflag:$0x15], $0x800, $0x38;
	[tilespmem:$0x19C80] =	vst v63  }
0x2b1: {  	_ =	swait.ge [sflag:s18], $0x4000  }
0x2b2: {  	[sflag:s18] =	ssyncset.done $0x0  }
0x2b3: {  	[sflag:s18] =	ssyncadd.s32 $0xFFFFC000  }
0x2b4: {  	_ =	swait.ge [sflag:s24], $0x4000  }
0x2b5: {  	[sflag:s24] =	ssyncset.done $0x0  }
0x2b6: {  	[sflag:s24] =	ssyncadd.s32 $0xFFFFC000  }
0x2b7: {  	_ =	swait.ge [sflag:s21], $0x800  }
0x2b8: {  	s25 =	sld [smem:$0x7FB]  }
0x2b9: {  	[sflag:s21] =	ssyncset.done $0x0  }
0x2ba: {  	s11 =	simm.s32 $0x4480;
	s26 =	sld [smem:$0x7FC];
	[sflag:s21] =	ssyncadd.s32 $0xFFFFF800  }
0x2bb: {  	[hbm4b:s25+s4] =	stream.linear.scatter [tilespmem:s11], [sflag:$0x16], $0x4000, $0x38;
	[tilespmem:$0x19C80] =	vst v63  }
0x2bc: {  	s12 =	simm.s32 $0x10480;
	s28 =	sld [smem:$0x7FD]  }
0x2bd: {  	[hbm4b:s26+s4] =	stream.linear.scatter [tilespmem:s12], [sflag:$0x17], $0x4000, $0x38;
	[tilespmem:$0x19C80] =	vst v63  }
0x2be: {  	_ = 	snop  }
0x2bf: {  	[hbm4b:s28+s4] =	stream.linear.scatter [tilespmem:s19], [sflag:$0x18], $0x800, $0x38;
	[tilespmem:$0x19C80] =	vst v63  }
0x2c0: {  	_ =	swait.ge [sflag:s8], $0x4000  }
0x2c1: {  	[sflag:s8] =	ssyncset.done $0x0  }
0x2c2: {  	[sflag:s8] =	ssyncadd.s32 $0xFFFFC000  }
0x2c3: {  	_ =	swait.ge [sflag:s16], $0x4000  }
0x2c4: {  	[sflag:s16] =	ssyncset.done $0x0  }
0x2c5: {  	[sflag:s16] =	ssyncadd.s32 $0xFFFFC000  }
0x2c6: {  	_ =	swait.ge [sflag:s15], $0x800  }
0x2c7: {  	[sflag:s15] =	ssyncset.done $0x0  }
0x2c8: {  	[sflag:s15] =	ssyncadd.s32 $0xFFFFF800  }
0x2c9: {  	_ =	swait.ge [sflag:s31], $0x4000  }
0x2ca: {  	[sflag:s31] =	ssyncset.done $0x0  }
0x2cb: {  	[sflag:s31] =	ssyncadd.s32 $0xFFFFC000  }
0x2cc: {  	_ =	swait.ge [sflag:s29], $0x4000  }
0x2cd: {  	[sflag:s29] =	ssyncset.done $0x0  }
0x2ce: {  	[sflag:s29] =	ssyncadd.s32 $0xFFFFC000  }
0x2cf: {  	_ =	swait.ge [sflag:s20], $0x800  }
0x2d0: {  	[sflag:s20] =	ssyncset.done $0x0  }
0x2d1: {  	[sflag:s20] =	ssyncadd.s32 $0xFFFFF800  }
0x2d2: {  	_ =	swait.ge [sflag:s10], $0x4000  }
0x2d3: {  	[sflag:s10] =	ssyncset.done $0x0  }
0x2d4: {  	[sflag:s10] =	ssyncadd.s32 $0xFFFFC000  }
0x2d5: {  	p0 =	sne.s32 s0, $0x1;
	_ =	swait.ge [sflag:s3], $0x4000  }
.Ltmp0:
0x2d6: {  	[sflag:s3] =	ssyncset.done $0x0;
	(pc) =	sbr.rel @p0 .LBB2_1-.Ltmp0, $4  }
0x2d7: {  	[sflag:s3] =	ssyncadd.s32 $0xFFFFC000  }
0x2d8: {  	_ =	swait.ge [sflag:s9], $0x800  }
0x2d9: {  	[sflag:s9] =	ssyncset.done $0x0  }
0x2da: {  	s0 =	sadd.s32 $0xFFFFFFFF, s0;
	[sflag:s9] =	ssyncadd.s32 $0xFFFFF800  }
0x2db: {  	_ =	sfence.sel $0x180000  }
0x2dc: {  	[bflag:$0x0] =	sbarrier.arrive $0xFFFF  }
0x2dd: {  	_ =	strace $0x90000047  }
0x2de: {  	s0 =	stileid.u32;
	[bflag:$0x2] =	sbarrier.arrive $0xFFFF  }
0x2df: {  	p0 =	sne.s32 s0, $0x0;
	s0 =	rddreg [dreg:$0x4]  }
0x2e0: {  	s0 =	sadd.s32 @!p0 $0x100000, s0  }
0x2e1: {  	[sflag:s0] =	ssyncadd.tile.s32 @!p0 $0x1;
	_ =	shalt  }
.Lfunc_end2:
_tile_overlayer_lowered:
.L_overlay_start_2:
0x2e2: {  	(tag) =	ssettag $0x2  }
0x2e3: {  	s0 =	rddreg [dreg:$0x0];
	s2 =	stileid.u32  }
0x2e4: {  	s1 =	rddreg [dreg:$0x1];
	p0 =	sne.s32 s2, $0x0  }
0x2e5: {  	s3 =	rddreg [dreg:$0x2];
	[bflag:$0x3] =	sbarrier.arrive $0xFFFF;
	s2 =	simm.s32 @!p0 $0x1C1C  }
0x2e6: {  	[timem:s3], [sflag:s2] =	dma.local @!p0 [hbm:s0], s1  }
0x2e7: {  	s0 =	simm.s32 @!p0 $0x1C  }
0x2e8: {  	_ =	swait.ge @!p0 [sflag:s0], s1  }
0x2e9: {  	s1 =	ssub.s32 @!p0 $0x0, s1;
	[sflag:s0] =	ssyncset.done @!p0 $0x0  }
0x2ea: {  	[sflag:s0] =	ssyncadd.s32 @!p0 s1  }
0x2eb: {  	[bflag:$0x3] =	sbarrier.arrive $0xFFFF  }
0x2ec: {  	_ =	shalt  }

</sc_bundles>
